<compile_context>
chip_gen: v7x
topology: tpu7x:2x2x1
jax: 0.10.2.dev20260603
libtpu: 0.0.44.dev20260713+nightly
codegen_flags: <defaults>
</compile_context>

<pallas_src>
import functools

import jax
import jax.numpy as jnp
from jax import lax
from jax.experimental import pallas as pl
from jax.experimental.pallas import tpu as pltpu
from jax.experimental.pallas import tpu_sc as plsc

VOCAB = 100000
EMBED = 64
BATCH = 16384

NUM_CORES = 2
NUM_SUBCORES = 16
LANES = 16
NW = NUM_CORES * NUM_SUBCORES
DPW = EMBED // NW
NQ = 5
QSIZE = VOCAB // NQ
NVEC = BATCH // LANES
RSLICE = BATCH // NUM_SUBCORES


def _make_kernel():
  mesh = plsc.VectorSubcoreMesh(core_axis_name="c", subcore_axis_name="s")

  @functools.partial(
      pl.kernel,
      out_type=jax.ShapeDtypeStruct((NUM_CORES, BATCH), jnp.float32),
      mesh=mesh,
      compiler_params=pltpu.CompilerParams(
          needs_layout_passes=False, use_tc_tiling_on_sc=False),
      scratch_types=[
          pltpu.VMEM((1, QSIZE), jnp.float32),
          pltpu.VMEM((1, QSIZE), jnp.float32),
          pltpu.VMEM((BATCH,), jnp.float32),
          pltpu.VMEM((BATCH,), jnp.float32),
          pltpu.VMEM((BATCH,), jnp.int32),
          pltpu.VMEM((BATCH,), jnp.int32),
          pltpu.VMEM_SHARED((NUM_SUBCORES, BATCH), jnp.float32),
          pltpu.SemaphoreType.DMA,
          pltpu.SemaphoreType.DMA,
          pltpu.SemaphoreType.DMA,
      ],
  )
  def word2vec_dots(tgt_hbm, ctx_hbm, ttab_hbm, ctab_hbm, out_hbm,
                    col_a, col_b, tv_v, acc_v, tidx_v, cidx_v,
                    shared, csem_a, csem_b, isem):
    core = lax.axis_index("c")
    sub = lax.axis_index("s")
    lane = lax.iota(jnp.int32, LANES)
    zlane = jnp.zeros((LANES,), jnp.int32)
    zero16 = jnp.zeros((LANES,), jnp.float32)

    cols = (col_a, col_b)
    csems = (csem_a, csem_b)

    tasks = []
    for i in range(DPW):
      for tab in (0, 1):
        for q in range(NQ):
          tasks.append((i, tab, q))

    def start_col(t_id):
      i, tab, q = tasks[t_id]
      d = core * (EMBED // NUM_CORES) + sub * DPW + i
      ref = ttab_hbm if tab == 0 else ctab_hbm
      return pltpu.async_copy(
          ref.at[pl.ds(d, 1), pl.ds(q * QSIZE, QSIZE)],
          cols[t_id % 2], csems[t_id % 2])

    ic1 = pltpu.async_copy(tgt_hbm, tidx_v, isem)
    ic2 = pltpu.async_copy(ctx_hbm, cidx_v, isem)
    pending = start_col(0)

    @plsc.parallel_loop(0, NVEC, unroll=8)
    def _(k):
      plsc.store_scatter(acc_v, [k * LANES + lane], zero16)

    ic1.wait()
    ic2.wait()
    for t_id, (i, tab, q) in enumerate(tasks):
      pending.wait()
      if t_id + 1 < len(tasks):
        pending = start_col(t_id + 1)
      col = cols[t_id % 2]
      lo = jnp.int32(q * QSIZE)

      if tab == 0:
        @plsc.parallel_loop(0, NVEC, unroll=8)
        def _(k, col=col, lo=lo):
          iv = tidx_v[pl.ds(k * LANES, LANES)]
          adj = iv - lo
          m = (adj >= 0) & (adj < QSIZE)
          g = plsc.load_gather(col, [zlane, adj], mask=m)
          plsc.store_scatter(tv_v, [k * LANES + lane], g, mask=m)
      else:
        @plsc.parallel_loop(0, NVEC, unroll=8)
        def _(k, col=col, lo=lo):
          iv = cidx_v[pl.ds(k * LANES, LANES)]
          adj = iv - lo
          m = (adj >= 0) & (adj < QSIZE)
          g = plsc.load_gather(col, [zlane, adj], mask=m)
          tvv = tv_v[pl.ds(k * LANES, LANES)]
          plsc.addupdate_scatter(acc_v, [k * LANES + lane], g * tvv, mask=m)

    pltpu.sync_copy(acc_v, shared.at[sub])
    plsc.subcore_barrier()

    base = sub * RSLICE
    for r in range(NUM_SUBCORES):
      pltpu.sync_copy(shared.at[r, pl.ds(base, RSLICE)],
                      tv_v.at[pl.ds(r * RSLICE, RSLICE)])

    @plsc.parallel_loop(0, RSLICE // LANES, unroll=4)
    def _(k):
      s = tv_v[pl.ds(k * LANES, LANES)]
      for r in range(1, NUM_SUBCORES):
        s = s + tv_v[pl.ds(r * RSLICE + k * LANES, LANES)]
      plsc.store_scatter(acc_v, [k * LANES + lane], s)

    pltpu.sync_copy(acc_v.at[pl.ds(0, RSLICE)],
                    out_hbm.at[core, pl.ds(base, RSLICE)])

  return word2vec_dots


_word2vec_dots = _make_kernel()


@jax.jit
def kernel(target, context, target_table, context_table):
  partials = _word2vec_dots(
      target.astype(jnp.int32), context.astype(jnp.int32),
      target_table.T, context_table.T)
  return (partials[0] + partials[1]).reshape(BATCH, 1)

# --- scband reference (transcript-rebuilt; emitter-appended) ---
"""Pipeline reference for scband-word2-vec-6055903888217 (READ-ONLY COPY).

The authoritative reference and input builder live on the scoring server;
editing this copy changes nothing except your own understanding.
"""

import jax, jax.numpy as jnp
import numpy as np

VOCAB = 100000
EMBED = 64
BATCH = 16384

def setup_inputs(seed: int = 0) -> dict:
    key = jax.random.key(seed)
    k1, k2, k3, k4 = jax.random.split(key, 4)
    target = jax.random.randint(k1, (BATCH,), 0, VOCAB, dtype=jnp.int64 if jax.config.jax_enable_x64 else jnp.int32)
    context = jax.random.randint(k2, (BATCH,), 0, VOCAB, dtype=jnp.int64 if jax.config.jax_enable_x64 else jnp.int32)
    target_table = jax.random.normal(k3, (VOCAB, EMBED), dtype=jnp.float32) * 0.05
    context_table = jax.random.normal(k4, (VOCAB, EMBED), dtype=jnp.float32) * 0.05
    return {"target": target, "context": context, "target_table": target_table, "context_table": context_table}

def reference(target, context, target_table, context_table):
    # target_embedding lookup
    target_emb = jnp.take(target_table, target, axis=0)      # [B, D]
    # context_embedding lookup
    context_emb = jnp.take(context_table, context, axis=0)   # [B, D]
    # dots = expand_dims(reduce_sum(target_emb * context_emb, axis=1), axis=1)
    dots = jnp.expand_dims(jnp.sum(target_emb * context_emb, axis=1), axis=1)  # [B, 1]
    return dots

if __name__ == "__main__":
    import jax
    _d = setup_inputs()
    print(jax.jit(kernel)(*tuple(_d.values())))

</pallas_src>

<mosaic_0001>
#map = affine_map<(d0, d1) -> (0)>
#map1 = affine_map<(d0, d1) -> (0, 0)>
module attributes {stable_mosaic.version = 14 : i64} {
  func.func @word2vec_dots(%arg0: i32, %arg1: i32, %arg2: memref<16384xi32, #tpu.memory_space<hbm>>, %arg3: memref<16384xi32, #tpu.memory_space<hbm>>, %arg4: memref<64x100000xf32, #tpu.memory_space<hbm>>, %arg5: memref<64x100000xf32, #tpu.memory_space<hbm>>, %arg6: memref<2x16384xf32, #tpu.memory_space<hbm>>, %arg7: memref<1x20000xf32, #tpu.memory_space<vmem>>, %arg8: memref<1x20000xf32, #tpu.memory_space<vmem>>, %arg9: memref<16384xf32, #tpu.memory_space<vmem>>, %arg10: memref<16384xf32, #tpu.memory_space<vmem>>, %arg11: memref<16384xi32, #tpu.memory_space<vmem>>, %arg12: memref<16384xi32, #tpu.memory_space<vmem>>, %arg13: memref<16x16384xf32, #tpu.memory_space<vmem_shared>>, %arg14: memref<!tpu.dma_semaphore, #tpu.memory_space<semaphore_mem>>, %arg15: memref<!tpu.dma_semaphore, #tpu.memory_space<semaphore_mem>>, %arg16: memref<!tpu.dma_semaphore, #tpu.memory_space<semaphore_mem>>) attributes {dimension_semantics = [#tpu.dimension_semantics<core_parallel>, #tpu.dimension_semantics<subcore_parallel>], iteration_bounds = array<i64: 2, 16>, scalar_prefetch = 0 : i64, scratch_operands = 10 : i64, tpu.core_type = #tpu.core_type<sc_vector_subcore>, window_params = [{transform_indices = #map}, {transform_indices = #map}, {transform_indices = #map1}, {transform_indices = #map1}, {transform_indices = #map1}]} {
    %iota3A = tpu.iota {dimensions = array<i32: 0>} : vector<16xi32>
    %broadcast_in_dim3A = arith.constant 0 : i32
    %broadcast_in_dim3A_0 = vector.broadcast %broadcast_in_dim3A : i32 to vector<16xi32>
    %broadcast_in_dim3A_1 = arith.constant 0.000000e+00 : f32
    %broadcast_in_dim3A_2 = vector.broadcast %broadcast_in_dim3A_1 : f32 to vector<16xf32>
    tpu.enqueue_dma source(%arg2 : memref<16384xi32, #tpu.memory_space<hbm>>) target(%arg11 : memref<16384xi32, #tpu.memory_space<vmem>>) target_semaphore(%arg16 : memref<!tpu.dma_semaphore, #tpu.memory_space<semaphore_mem>>)
    tpu.enqueue_dma source(%arg3 : memref<16384xi32, #tpu.memory_space<hbm>>) target(%arg12 : memref<16384xi32, #tpu.memory_space<vmem>>) target_semaphore(%arg16 : memref<!tpu.dma_semaphore, #tpu.memory_space<semaphore_mem>>)
    %mul3A = arith.constant 32 : i32
    %mul3A_3 = arith.muli %arg0, %mul3A : i32
    %mul3A_4 = arith.constant 2 : i32
    %mul3A_5 = arith.muli %arg1, %mul3A_4 : i32
    %add3A = arith.addi %mul3A_3, %mul3A_5 : i32
    %add3A_6 = arith.constant 0 : i32
    %add3A_7 = arith.addi %add3A, %add3A_6 : i32
    %dma_start3A = arith.constant 0 : i32
    %dma_start3A_8 = tpu.memref_slice %arg4[%add3A_7, %dma_start3A] : memref<64x100000xf32, #tpu.memory_space<hbm>> -> memref<1x20000xf32, #tpu.memory_space<hbm>>
    %dma_start3A_9 = arith.constant 0 : i32
    %dma_start3A_10 = tpu.memref_slice %arg4[%add3A_7, %dma_start3A_9] : memref<64x100000xf32, #tpu.memory_space<hbm>> -> memref<1x20000xf32, #tpu.memory_space<hbm>>
    tpu.enqueue_dma source(%dma_start3A_10 : memref<1x20000xf32, #tpu.memory_space<hbm>>) target(%arg7 : memref<1x20000xf32, #tpu.memory_space<vmem>>) target_semaphore(%arg14 : memref<!tpu.dma_semaphore, #tpu.memory_space<semaphore_mem>>)
    %parallel_loop3A = arith.constant 0 : i32
    %parallel_loop3A_11 = arith.constant 1024 : i32
    %parallel_loop3A_12 = arith.constant 1 : i32
    scf.for %parallel_loop3A_401 = %parallel_loop3A to %parallel_loop3A_11 step %parallel_loop3A_12  : i32 {
      %parallel_loop3A_402 = arith.constant 16 : i32
      %parallel_loop3A_403 = arith.muli %parallel_loop3A_401, %parallel_loop3A_402 : i32
      %parallel_loop3A_404 = vector.broadcast %parallel_loop3A_403 : i32 to vector<16xi32>
      %parallel_loop3A_405 = arith.addi %parallel_loop3A_404, %iota3A : vector<16xi32>
      tpu.vector_store_idx %arg10[%parallel_loop3A_405], %broadcast_in_dim3A_2 : memref<16384xf32, #tpu.memory_space<vmem>>[vector<16xi32>], vector<16xf32>,
    } {sc.loop_unroll_factor = 8 : i64, sc.parallel_access}
    tpu.wait_dma2 semaphore(%arg16 : memref<!tpu.dma_semaphore, #tpu.memory_space<semaphore_mem>>) src(%arg2 : memref<16384xi32, #tpu.memory_space<hbm>>) dst(%arg11 : memref<16384xi32, #tpu.memory_space<vmem>>)
    tpu.wait_dma2 semaphore(%arg16 : memref<!tpu.dma_semaphore, #tpu.memory_space<semaphore_mem>>) src(%arg3 : memref<16384xi32, #tpu.memory_space<hbm>>) dst(%arg12 : memref<16384xi32, #tpu.memory_space<vmem>>)
    %dma_wait3A = arith.constant 0 : i32
    %dma_wait3A_13 = tpu.memref_slice %arg4[%add3A_7, %dma_wait3A] : memref<64x100000xf32, #tpu.memory_space<hbm>> -> memref<1x20000xf32, #tpu.memory_space<hbm>>
    %dma_wait3A_14 = arith.constant 0 : i32
    %dma_wait3A_15 = tpu.memref_slice %arg4[%add3A_7, %dma_wait3A_14] : memref<64x100000xf32, #tpu.memory_space<hbm>> -> memref<1x20000xf32, #tpu.memory_space<hbm>>
    tpu.wait_dma2 semaphore(%arg14 : memref<!tpu.dma_semaphore, #tpu.memory_space<semaphore_mem>>) src(%dma_wait3A_15 : memref<1x20000xf32, #tpu.memory_space<hbm>>) dst(%arg7 : memref<1x20000xf32, #tpu.memory_space<vmem>>)
    %mul3A_16 = arith.constant 32 : i32
    %mul3A_17 = arith.muli %arg0, %mul3A_16 : i32
    %mul3A_18 = arith.constant 2 : i32
    %mul3A_19 = arith.muli %arg1, %mul3A_18 : i32
    %add3A_20 = arith.addi %mul3A_17, %mul3A_19 : i32
    %add3A_21 = arith.constant 0 : i32
    %add3A_22 = arith.addi %add3A_20, %add3A_21 : i32
    %dma_start3A_23 = arith.constant 20000 : i32
    %dma_start3A_24 = tpu.memref_slice %arg4[%add3A_22, %dma_start3A_23] : memref<64x100000xf32, #tpu.memory_space<hbm>> -> memref<1x20000xf32, #tpu.memory_space<hbm>>
    %dma_start3A_25 = arith.constant 20000 : i32
    %dma_start3A_26 = tpu.memref_slice %arg4[%add3A_22, %dma_start3A_25] : memref<64x100000xf32, #tpu.memory_space<hbm>> -> memref<1x20000xf32, #tpu.memory_space<hbm>>
    tpu.enqueue_dma source(%dma_start3A_26 : memref<1x20000xf32, #tpu.memory_space<hbm>>) target(%arg8 : memref<1x20000xf32, #tpu.memory_space<vmem>>) target_semaphore(%arg15 : memref<!tpu.dma_semaphore, #tpu.memory_space<semaphore_mem>>)
    %parallel_loop3A_27 = arith.constant 0 : i32
    %parallel_loop3A_28 = arith.constant 1024 : i32
    %parallel_loop3A_29 = arith.constant 1 : i32
    %parallel_loop3A_30 = arith.constant 0 : i32
    scf.for %parallel_loop3A_401 = %parallel_loop3A_27 to %parallel_loop3A_28 step %parallel_loop3A_29  : i32 {
      %parallel_loop3A_402 = arith.constant 16 : i32
      %parallel_loop3A_403 = arith.muli %parallel_loop3A_401, %parallel_loop3A_402 : i32
      %parallel_loop3A_404 = arith.index_cast %parallel_loop3A_403 : i32 to index
      %parallel_loop3A_405 = tpu.vector_load %arg11[%parallel_loop3A_404] {strides = array<i32>} : memref<16384xi32, #tpu.memory_space<vmem>>, vector<16xi32>,
      %parallel_loop3A_406 = vector.broadcast %parallel_loop3A_30 : i32 to vector<16xi32>
      %parallel_loop3A_407 = arith.subi %parallel_loop3A_405, %parallel_loop3A_406 : vector<16xi32>
      %parallel_loop3A_408 = arith.constant 0 : i32
      %parallel_loop3A_409 = vector.broadcast %parallel_loop3A_408 : i32 to vector<16xi32>
      %parallel_loop3A_410 = arith.cmpi sge, %parallel_loop3A_407, %parallel_loop3A_409 : vector<16xi32>
      %parallel_loop3A_411 = arith.constant 20000 : i32
      %parallel_loop3A_412 = vector.broadcast %parallel_loop3A_411 : i32 to vector<16xi32>
      %parallel_loop3A_413 = arith.cmpi slt, %parallel_loop3A_407, %parallel_loop3A_412 : vector<16xi32>
      %parallel_loop3A_414 = arith.andi %parallel_loop3A_410, %parallel_loop3A_413 : vector<16xi1>
      %parallel_loop3A_415 = tpu.vector_load_idx %arg7[%broadcast_in_dim3A_0, %parallel_loop3A_407] masked %parallel_loop3A_414 : memref<1x20000xf32, #tpu.memory_space<vmem>>[vector<16xi32>, vector<16xi32>], vector<16xf32>, vector<16xi1>
      %parallel_loop3A_416 = arith.constant 16 : i32
      %parallel_loop3A_417 = arith.muli %parallel_loop3A_401, %parallel_loop3A_416 : i32
      %parallel_loop3A_418 = vector.broadcast %parallel_loop3A_417 : i32 to vector<16xi32>
      %parallel_loop3A_419 = arith.addi %parallel_loop3A_418, %iota3A : vector<16xi32>
      tpu.vector_store_idx %arg9[%parallel_loop3A_419], %parallel_loop3A_415 masked %parallel_loop3A_414 : memref<16384xf32, #tpu.memory_space<vmem>>[vector<16xi32>], vector<16xf32>, vector<16xi1>
    } {sc.loop_unroll_factor = 8 : i64, sc.parallel_access}
    %dma_wait3A_31 = arith.constant 20000 : i32
    %dma_wait3A_32 = tpu.memref_slice %arg4[%add3A_22, %dma_wait3A_31] : memref<64x100000xf32, #tpu.memory_space<hbm>> -> memref<1x20000xf32, #tpu.memory_space<hbm>>
    %dma_wait3A_33 = arith.constant 20000 : i32
    %dma_wait3A_34 = tpu.memref_slice %arg4[%add3A_22, %dma_wait3A_33] : memref<64x100000xf32, #tpu.memory_space<hbm>> -> memref<1x20000xf32, #tpu.memory_space<hbm>>
    tpu.wait_dma2 semaphore(%arg15 : memref<!tpu.dma_semaphore, #tpu.memory_space<semaphore_mem>>) src(%dma_wait3A_34 : memref<1x20000xf32, #tpu.memory_space<hbm>>) dst(%arg8 : memref<1x20000xf32, #tpu.memory_space<vmem>>)
    %mul3A_35 = arith.constant 32 : i32
    %mul3A_36 = arith.muli %arg0, %mul3A_35 : i32
    %mul3A_37 = arith.constant 2 : i32
    %mul3A_38 = arith.muli %arg1, %mul3A_37 : i32
    %add3A_39 = arith.addi %mul3A_36, %mul3A_38 : i32
    %add3A_40 = arith.constant 0 : i32
    %add3A_41 = arith.addi %add3A_39, %add3A_40 : i32
    %dma_start3A_42 = arith.constant 40000 : i32
    %dma_start3A_43 = tpu.memref_slice %arg4[%add3A_41, %dma_start3A_42] : memref<64x100000xf32, #tpu.memory_space<hbm>> -> memref<1x20000xf32, #tpu.memory_space<hbm>>
    %dma_start3A_44 = arith.constant 40000 : i32
    %dma_start3A_45 = tpu.memref_slice %arg4[%add3A_41, %dma_start3A_44] : memref<64x100000xf32, #tpu.memory_space<hbm>> -> memref<1x20000xf32, #tpu.memory_space<hbm>>
    tpu.enqueue_dma source(%dma_start3A_45 : memref<1x20000xf32, #tpu.memory_space<hbm>>) target(%arg7 : memref<1x20000xf32, #tpu.memory_space<vmem>>) target_semaphore(%arg14 : memref<!tpu.dma_semaphore, #tpu.memory_space<semaphore_mem>>)
    %parallel_loop3A_46 = arith.constant 0 : i32
    %parallel_loop3A_47 = arith.constant 1024 : i32
    %parallel_loop3A_48 = arith.constant 1 : i32
    %parallel_loop3A_49 = arith.constant 20000 : i32
    scf.for %parallel_loop3A_401 = %parallel_loop3A_46 to %parallel_loop3A_47 step %parallel_loop3A_48  : i32 {
      %parallel_loop3A_402 = arith.constant 16 : i32
      %parallel_loop3A_403 = arith.muli %parallel_loop3A_401, %parallel_loop3A_402 : i32
      %parallel_loop3A_404 = arith.index_cast %parallel_loop3A_403 : i32 to index
      %parallel_loop3A_405 = tpu.vector_load %arg11[%parallel_loop3A_404] {strides = array<i32>} : memref<16384xi32, #tpu.memory_space<vmem>>, vector<16xi32>,
      %parallel_loop3A_406 = vector.broadcast %parallel_loop3A_49 : i32 to vector<16xi32>
      %parallel_loop3A_407 = arith.subi %parallel_loop3A_405, %parallel_loop3A_406 : vector<16xi32>
      %parallel_loop3A_408 = arith.constant 0 : i32
      %parallel_loop3A_409 = vector.broadcast %parallel_loop3A_408 : i32 to vector<16xi32>
      %parallel_loop3A_410 = arith.cmpi sge, %parallel_loop3A_407, %parallel_loop3A_409 : vector<16xi32>
      %parallel_loop3A_411 = arith.constant 20000 : i32
      %parallel_loop3A_412 = vector.broadcast %parallel_loop3A_411 : i32 to vector<16xi32>
      %parallel_loop3A_413 = arith.cmpi slt, %parallel_loop3A_407, %parallel_loop3A_412 : vector<16xi32>
      %parallel_loop3A_414 = arith.andi %parallel_loop3A_410, %parallel_loop3A_413 : vector<16xi1>
      %parallel_loop3A_415 = tpu.vector_load_idx %arg8[%broadcast_in_dim3A_0, %parallel_loop3A_407] masked %parallel_loop3A_414 : memref<1x20000xf32, #tpu.memory_space<vmem>>[vector<16xi32>, vector<16xi32>], vector<16xf32>, vector<16xi1>
      %parallel_loop3A_416 = arith.constant 16 : i32
      %parallel_loop3A_417 = arith.muli %parallel_loop3A_401, %parallel_loop3A_416 : i32
      %parallel_loop3A_418 = vector.broadcast %parallel_loop3A_417 : i32 to vector<16xi32>
      %parallel_loop3A_419 = arith.addi %parallel_loop3A_418, %iota3A : vector<16xi32>
      tpu.vector_store_idx %arg9[%parallel_loop3A_419], %parallel_loop3A_415 masked %parallel_loop3A_414 : memref<16384xf32, #tpu.memory_space<vmem>>[vector<16xi32>], vector<16xf32>, vector<16xi1>
    } {sc.loop_unroll_factor = 8 : i64, sc.parallel_access}
    %dma_wait3A_50 = arith.constant 40000 : i32
    %dma_wait3A_51 = tpu.memref_slice %arg4[%add3A_41, %dma_wait3A_50] : memref<64x100000xf32, #tpu.memory_space<hbm>> -> memref<1x20000xf32, #tpu.memory_space<hbm>>
    %dma_wait3A_52 = arith.constant 40000 : i32
    %dma_wait3A_53 = tpu.memref_slice %arg4[%add3A_41, %dma_wait3A_52] : memref<64x100000xf32, #tpu.memory_space<hbm>> -> memref<1x20000xf32, #tpu.memory_space<hbm>>
    tpu.wait_dma2 semaphore(%arg14 : memref<!tpu.dma_semaphore, #tpu.memory_space<semaphore_mem>>) src(%dma_wait3A_53 : memref<1x20000xf32, #tpu.memory_space<hbm>>) dst(%arg7 : memref<1x20000xf32, #tpu.memory_space<vmem>>)
    %mul3A_54 = arith.constant 32 : i32
    %mul3A_55 = arith.muli %arg0, %mul3A_54 : i32
    %mul3A_56 = arith.constant 2 : i32
    %mul3A_57 = arith.muli %arg1, %mul3A_56 : i32
    %add3A_58 = arith.addi %mul3A_55, %mul3A_57 : i32
    %add3A_59 = arith.constant 0 : i32
    %add3A_60 = arith.addi %add3A_58, %add3A_59 : i32
    %dma_start3A_61 = arith.constant 60000 : i32
    %dma_start3A_62 = tpu.memref_slice %arg4[%add3A_60, %dma_start3A_61] : memref<64x100000xf32, #tpu.memory_space<hbm>> -> memref<1x20000xf32, #tpu.memory_space<hbm>>
    %dma_start3A_63 = arith.constant 60000 : i32
    %dma_start3A_64 = tpu.memref_slice %arg4[%add3A_60, %dma_start3A_63] : memref<64x100000xf32, #tpu.memory_space<hbm>> -> memref<1x20000xf32, #tpu.memory_space<hbm>>
    tpu.enqueue_dma source(%dma_start3A_64 : memref<1x20000xf32, #tpu.memory_space<hbm>>) target(%arg8 : memref<1x20000xf32, #tpu.memory_space<vmem>>) target_semaphore(%arg15 : memref<!tpu.dma_semaphore, #tpu.memory_space<semaphore_mem>>)
    %parallel_loop3A_65 = arith.constant 0 : i32
    %parallel_loop3A_66 = arith.constant 1024 : i32
    %parallel_loop3A_67 = arith.constant 1 : i32
    %parallel_loop3A_68 = arith.constant 40000 : i32
    scf.for %parallel_loop3A_401 = %parallel_loop3A_65 to %parallel_loop3A_66 step %parallel_loop3A_67  : i32 {
      %parallel_loop3A_402 = arith.constant 16 : i32
      %parallel_loop3A_403 = arith.muli %parallel_loop3A_401, %parallel_loop3A_402 : i32
      %parallel_loop3A_404 = arith.index_cast %parallel_loop3A_403 : i32 to index
      %parallel_loop3A_405 = tpu.vector_load %arg11[%parallel_loop3A_404] {strides = array<i32>} : memref<16384xi32, #tpu.memory_space<vmem>>, vector<16xi32>,
      %parallel_loop3A_406 = vector.broadcast %parallel_loop3A_68 : i32 to vector<16xi32>
      %parallel_loop3A_407 = arith.subi %parallel_loop3A_405, %parallel_loop3A_406 : vector<16xi32>
      %parallel_loop3A_408 = arith.constant 0 : i32
      %parallel_loop3A_409 = vector.broadcast %parallel_loop3A_408 : i32 to vector<16xi32>
      %parallel_loop3A_410 = arith.cmpi sge, %parallel_loop3A_407, %parallel_loop3A_409 : vector<16xi32>
      %parallel_loop3A_411 = arith.constant 20000 : i32
      %parallel_loop3A_412 = vector.broadcast %parallel_loop3A_411 : i32 to vector<16xi32>
      %parallel_loop3A_413 = arith.cmpi slt, %parallel_loop3A_407, %parallel_loop3A_412 : vector<16xi32>
      %parallel_loop3A_414 = arith.andi %parallel_loop3A_410, %parallel_loop3A_413 : vector<16xi1>
      %parallel_loop3A_415 = tpu.vector_load_idx %arg7[%broadcast_in_dim3A_0, %parallel_loop3A_407] masked %parallel_loop3A_414 : memref<1x20000xf32, #tpu.memory_space<vmem>>[vector<16xi32>, vector<16xi32>], vector<16xf32>, vector<16xi1>
      %parallel_loop3A_416 = arith.constant 16 : i32
      %parallel_loop3A_417 = arith.muli %parallel_loop3A_401, %parallel_loop3A_416 : i32
      %parallel_loop3A_418 = vector.broadcast %parallel_loop3A_417 : i32 to vector<16xi32>
      %parallel_loop3A_419 = arith.addi %parallel_loop3A_418, %iota3A : vector<16xi32>
      tpu.vector_store_idx %arg9[%parallel_loop3A_419], %parallel_loop3A_415 masked %parallel_loop3A_414 : memref<16384xf32, #tpu.memory_space<vmem>>[vector<16xi32>], vector<16xf32>, vector<16xi1>
    } {sc.loop_unroll_factor = 8 : i64, sc.parallel_access}
    %dma_wait3A_69 = arith.constant 60000 : i32
    %dma_wait3A_70 = tpu.memref_slice %arg4[%add3A_60, %dma_wait3A_69] : memref<64x100000xf32, #tpu.memory_space<hbm>> -> memref<1x20000xf32, #tpu.memory_space<hbm>>
    %dma_wait3A_71 = arith.constant 60000 : i32
    %dma_wait3A_72 = tpu.memref_slice %arg4[%add3A_60, %dma_wait3A_71] : memref<64x100000xf32, #tpu.memory_space<hbm>> -> memref<1x20000xf32, #tpu.memory_space<hbm>>
    tpu.wait_dma2 semaphore(%arg15 : memref<!tpu.dma_semaphore, #tpu.memory_space<semaphore_mem>>) src(%dma_wait3A_72 : memref<1x20000xf32, #tpu.memory_space<hbm>>) dst(%arg8 : memref<1x20000xf32, #tpu.memory_space<vmem>>)
    %mul3A_73 = arith.constant 32 : i32
    %mul3A_74 = arith.muli %arg0, %mul3A_73 : i32
    %mul3A_75 = arith.constant 2 : i32
    %mul3A_76 = arith.muli %arg1, %mul3A_75 : i32
    %add3A_77 = arith.addi %mul3A_74, %mul3A_76 : i32
    %add3A_78 = arith.constant 0 : i32
    %add3A_79 = arith.addi %add3A_77, %add3A_78 : i32
    %dma_start3A_80 = arith.constant 80000 : i32
    %dma_start3A_81 = tpu.memref_slice %arg4[%add3A_79, %dma_start3A_80] : memref<64x100000xf32, #tpu.memory_space<hbm>> -> memref<1x20000xf32, #tpu.memory_space<hbm>>
    %dma_start3A_82 = arith.constant 80000 : i32
    %dma_start3A_83 = tpu.memref_slice %arg4[%add3A_79, %dma_start3A_82] : memref<64x100000xf32, #tpu.memory_space<hbm>> -> memref<1x20000xf32, #tpu.memory_space<hbm>>
    tpu.enqueue_dma source(%dma_start3A_83 : memref<1x20000xf32, #tpu.memory_space<hbm>>) target(%arg7 : memref<1x20000xf32, #tpu.memory_space<vmem>>) target_semaphore(%arg14 : memref<!tpu.dma_semaphore, #tpu.memory_space<semaphore_mem>>)
    %parallel_loop3A_84 = arith.constant 0 : i32
    %parallel_loop3A_85 = arith.constant 1024 : i32
    %parallel_loop3A_86 = arith.constant 1 : i32
    %parallel_loop3A_87 = arith.constant 60000 : i32
    scf.for %parallel_loop3A_401 = %parallel_loop3A_84 to %parallel_loop3A_85 step %parallel_loop3A_86  : i32 {
      %parallel_loop3A_402 = arith.constant 16 : i32
      %parallel_loop3A_403 = arith.muli %parallel_loop3A_401, %parallel_loop3A_402 : i32
      %parallel_loop3A_404 = arith.index_cast %parallel_loop3A_403 : i32 to index
      %parallel_loop3A_405 = tpu.vector_load %arg11[%parallel_loop3A_404] {strides = array<i32>} : memref<16384xi32, #tpu.memory_space<vmem>>, vector<16xi32>,
      %parallel_loop3A_406 = vector.broadcast %parallel_loop3A_87 : i32 to vector<16xi32>
      %parallel_loop3A_407 = arith.subi %parallel_loop3A_405, %parallel_loop3A_406 : vector<16xi32>
      %parallel_loop3A_408 = arith.constant 0 : i32
      %parallel_loop3A_409 = vector.broadcast %parallel_loop3A_408 : i32 to vector<16xi32>
      %parallel_loop3A_410 = arith.cmpi sge, %parallel_loop3A_407, %parallel_loop3A_409 : vector<16xi32>
      %parallel_loop3A_411 = arith.constant 20000 : i32
      %parallel_loop3A_412 = vector.broadcast %parallel_loop3A_411 : i32 to vector<16xi32>
      %parallel_loop3A_413 = arith.cmpi slt, %parallel_loop3A_407, %parallel_loop3A_412 : vector<16xi32>
      %parallel_loop3A_414 = arith.andi %parallel_loop3A_410, %parallel_loop3A_413 : vector<16xi1>
      %parallel_loop3A_415 = tpu.vector_load_idx %arg8[%broadcast_in_dim3A_0, %parallel_loop3A_407] masked %parallel_loop3A_414 : memref<1x20000xf32, #tpu.memory_space<vmem>>[vector<16xi32>, vector<16xi32>], vector<16xf32>, vector<16xi1>
      %parallel_loop3A_416 = arith.constant 16 : i32
      %parallel_loop3A_417 = arith.muli %parallel_loop3A_401, %parallel_loop3A_416 : i32
      %parallel_loop3A_418 = vector.broadcast %parallel_loop3A_417 : i32 to vector<16xi32>
      %parallel_loop3A_419 = arith.addi %parallel_loop3A_418, %iota3A : vector<16xi32>
      tpu.vector_store_idx %arg9[%parallel_loop3A_419], %parallel_loop3A_415 masked %parallel_loop3A_414 : memref<16384xf32, #tpu.memory_space<vmem>>[vector<16xi32>], vector<16xf32>, vector<16xi1>
    } {sc.loop_unroll_factor = 8 : i64, sc.parallel_access}
    %dma_wait3A_88 = arith.constant 80000 : i32
    %dma_wait3A_89 = tpu.memref_slice %arg4[%add3A_79, %dma_wait3A_88] : memref<64x100000xf32, #tpu.memory_space<hbm>> -> memref<1x20000xf32, #tpu.memory_space<hbm>>
    %dma_wait3A_90 = arith.constant 80000 : i32
    %dma_wait3A_91 = tpu.memref_slice %arg4[%add3A_79, %dma_wait3A_90] : memref<64x100000xf32, #tpu.memory_space<hbm>> -> memref<1x20000xf32, #tpu.memory_space<hbm>>
    tpu.wait_dma2 semaphore(%arg14 : memref<!tpu.dma_semaphore, #tpu.memory_space<semaphore_mem>>) src(%dma_wait3A_91 : memref<1x20000xf32, #tpu.memory_space<hbm>>) dst(%arg7 : memref<1x20000xf32, #tpu.memory_space<vmem>>)
    %mul3A_92 = arith.constant 32 : i32
    %mul3A_93 = arith.muli %arg0, %mul3A_92 : i32
    %mul3A_94 = arith.constant 2 : i32
    %mul3A_95 = arith.muli %arg1, %mul3A_94 : i32
    %add3A_96 = arith.addi %mul3A_93, %mul3A_95 : i32
    %add3A_97 = arith.constant 0 : i32
    %add3A_98 = arith.addi %add3A_96, %add3A_97 : i32
    %dma_start3A_99 = arith.constant 0 : i32
    %dma_start3A_100 = tpu.memref_slice %arg5[%add3A_98, %dma_start3A_99] : memref<64x100000xf32, #tpu.memory_space<hbm>> -> memref<1x20000xf32, #tpu.memory_space<hbm>>
    %dma_start3A_101 = arith.constant 0 : i32
    %dma_start3A_102 = tpu.memref_slice %arg5[%add3A_98, %dma_start3A_101] : memref<64x100000xf32, #tpu.memory_space<hbm>> -> memref<1x20000xf32, #tpu.memory_space<hbm>>
    tpu.enqueue_dma source(%dma_start3A_102 : memref<1x20000xf32, #tpu.memory_space<hbm>>) target(%arg8 : memref<1x20000xf32, #tpu.memory_space<vmem>>) target_semaphore(%arg15 : memref<!tpu.dma_semaphore, #tpu.memory_space<semaphore_mem>>)
    %parallel_loop3A_103 = arith.constant 0 : i32
    %parallel_loop3A_104 = arith.constant 1024 : i32
    %parallel_loop3A_105 = arith.constant 1 : i32
    %parallel_loop3A_106 = arith.constant 80000 : i32
    scf.for %parallel_loop3A_401 = %parallel_loop3A_103 to %parallel_loop3A_104 step %parallel_loop3A_105  : i32 {
      %parallel_loop3A_402 = arith.constant 16 : i32
      %parallel_loop3A_403 = arith.muli %parallel_loop3A_401, %parallel_loop3A_402 : i32
      %parallel_loop3A_404 = arith.index_cast %parallel_loop3A_403 : i32 to index
      %parallel_loop3A_405 = tpu.vector_load %arg11[%parallel_loop3A_404] {strides = array<i32>} : memref<16384xi32, #tpu.memory_space<vmem>>, vector<16xi32>,
      %parallel_loop3A_406 = vector.broadcast %parallel_loop3A_106 : i32 to vector<16xi32>
      %parallel_loop3A_407 = arith.subi %parallel_loop3A_405, %parallel_loop3A_406 : vector<16xi32>
      %parallel_loop3A_408 = arith.constant 0 : i32
      %parallel_loop3A_409 = vector.broadcast %parallel_loop3A_408 : i32 to vector<16xi32>
      %parallel_loop3A_410 = arith.cmpi sge, %parallel_loop3A_407, %parallel_loop3A_409 : vector<16xi32>
      %parallel_loop3A_411 = arith.constant 20000 : i32
      %parallel_loop3A_412 = vector.broadcast %parallel_loop3A_411 : i32 to vector<16xi32>
      %parallel_loop3A_413 = arith.cmpi slt, %parallel_loop3A_407, %parallel_loop3A_412 : vector<16xi32>
      %parallel_loop3A_414 = arith.andi %parallel_loop3A_410, %parallel_loop3A_413 : vector<16xi1>
      %parallel_loop3A_415 = tpu.vector_load_idx %arg7[%broadcast_in_dim3A_0, %parallel_loop3A_407] masked %parallel_loop3A_414 : memref<1x20000xf32, #tpu.memory_space<vmem>>[vector<16xi32>, vector<16xi32>], vector<16xf32>, vector<16xi1>
      %parallel_loop3A_416 = arith.constant 16 : i32
      %parallel_loop3A_417 = arith.muli %parallel_loop3A_401, %parallel_loop3A_416 : i32
      %parallel_loop3A_418 = vector.broadcast %parallel_loop3A_417 : i32 to vector<16xi32>
      %parallel_loop3A_419 = arith.addi %parallel_loop3A_418, %iota3A : vector<16xi32>
      tpu.vector_store_idx %arg9[%parallel_loop3A_419], %parallel_loop3A_415 masked %parallel_loop3A_414 : memref<16384xf32, #tpu.memory_space<vmem>>[vector<16xi32>], vector<16xf32>, vector<16xi1>
    } {sc.loop_unroll_factor = 8 : i64, sc.parallel_access}
    %dma_wait3A_107 = arith.constant 0 : i32
    %dma_wait3A_108 = tpu.memref_slice %arg5[%add3A_98, %dma_wait3A_107] : memref<64x100000xf32, #tpu.memory_space<hbm>> -> memref<1x20000xf32, #tpu.memory_space<hbm>>
    %dma_wait3A_109 = arith.constant 0 : i32
    %dma_wait3A_110 = tpu.memref_slice %arg5[%add3A_98, %dma_wait3A_109] : memref<64x100000xf32, #tpu.memory_space<hbm>> -> memref<1x20000xf32, #tpu.memory_space<hbm>>
    tpu.wait_dma2 semaphore(%arg15 : memref<!tpu.dma_semaphore, #tpu.memory_space<semaphore_mem>>) src(%dma_wait3A_110 : memref<1x20000xf32, #tpu.memory_space<hbm>>) dst(%arg8 : memref<1x20000xf32, #tpu.memory_space<vmem>>)
    %mul3A_111 = arith.constant 32 : i32
    %mul3A_112 = arith.muli %arg0, %mul3A_111 : i32
    %mul3A_113 = arith.constant 2 : i32
    %mul3A_114 = arith.muli %arg1, %mul3A_113 : i32
    %add3A_115 = arith.addi %mul3A_112, %mul3A_114 : i32
    %add3A_116 = arith.constant 0 : i32
    %add3A_117 = arith.addi %add3A_115, %add3A_116 : i32
    %dma_start3A_118 = arith.constant 20000 : i32
    %dma_start3A_119 = tpu.memref_slice %arg5[%add3A_117, %dma_start3A_118] : memref<64x100000xf32, #tpu.memory_space<hbm>> -> memref<1x20000xf32, #tpu.memory_space<hbm>>
    %dma_start3A_120 = arith.constant 20000 : i32
    %dma_start3A_121 = tpu.memref_slice %arg5[%add3A_117, %dma_start3A_120] : memref<64x100000xf32, #tpu.memory_space<hbm>> -> memref<1x20000xf32, #tpu.memory_space<hbm>>
    tpu.enqueue_dma source(%dma_start3A_121 : memref<1x20000xf32, #tpu.memory_space<hbm>>) target(%arg7 : memref<1x20000xf32, #tpu.memory_space<vmem>>) target_semaphore(%arg14 : memref<!tpu.dma_semaphore, #tpu.memory_space<semaphore_mem>>)
    %parallel_loop3A_122 = arith.constant 0 : i32
    %parallel_loop3A_123 = arith.constant 1024 : i32
    %parallel_loop3A_124 = arith.constant 1 : i32
    %parallel_loop3A_125 = arith.constant 0 : i32
    scf.for %parallel_loop3A_401 = %parallel_loop3A_122 to %parallel_loop3A_123 step %parallel_loop3A_124  : i32 {
      %parallel_loop3A_402 = arith.constant 16 : i32
      %parallel_loop3A_403 = arith.muli %parallel_loop3A_401, %parallel_loop3A_402 : i32
      %parallel_loop3A_404 = arith.index_cast %parallel_loop3A_403 : i32 to index
      %parallel_loop3A_405 = tpu.vector_load %arg12[%parallel_loop3A_404] {strides = array<i32>} : memref<16384xi32, #tpu.memory_space<vmem>>, vector<16xi32>,
      %parallel_loop3A_406 = vector.broadcast %parallel_loop3A_125 : i32 to vector<16xi32>
      %parallel_loop3A_407 = arith.subi %parallel_loop3A_405, %parallel_loop3A_406 : vector<16xi32>
      %parallel_loop3A_408 = arith.constant 0 : i32
      %parallel_loop3A_409 = vector.broadcast %parallel_loop3A_408 : i32 to vector<16xi32>
      %parallel_loop3A_410 = arith.cmpi sge, %parallel_loop3A_407, %parallel_loop3A_409 : vector<16xi32>
      %parallel_loop3A_411 = arith.constant 20000 : i32
      %parallel_loop3A_412 = vector.broadcast %parallel_loop3A_411 : i32 to vector<16xi32>
      %parallel_loop3A_413 = arith.cmpi slt, %parallel_loop3A_407, %parallel_loop3A_412 : vector<16xi32>
      %parallel_loop3A_414 = arith.andi %parallel_loop3A_410, %parallel_loop3A_413 : vector<16xi1>
      %parallel_loop3A_415 = tpu.vector_load_idx %arg8[%broadcast_in_dim3A_0, %parallel_loop3A_407] masked %parallel_loop3A_414 : memref<1x20000xf32, #tpu.memory_space<vmem>>[vector<16xi32>, vector<16xi32>], vector<16xf32>, vector<16xi1>
      %parallel_loop3A_416 = arith.constant 16 : i32
      %parallel_loop3A_417 = arith.muli %parallel_loop3A_401, %parallel_loop3A_416 : i32
      %parallel_loop3A_418 = arith.index_cast %parallel_loop3A_417 : i32 to index
      %parallel_loop3A_419 = tpu.vector_load %arg9[%parallel_loop3A_418] {strides = array<i32>} : memref<16384xf32, #tpu.memory_space<vmem>>, vector<16xf32>,
      %parallel_loop3A_420 = arith.constant 16 : i32
      %parallel_loop3A_421 = arith.muli %parallel_loop3A_401, %parallel_loop3A_420 : i32
      %parallel_loop3A_422 = vector.broadcast %parallel_loop3A_421 : i32 to vector<16xi32>
      %parallel_loop3A_423 = arith.addi %parallel_loop3A_422, %iota3A : vector<16xi32>
      %parallel_loop3A_424 = arith.mulf %parallel_loop3A_415, %parallel_loop3A_419 : vector<16xf32>
      tpu.vector_store_idx %arg10[%parallel_loop3A_423], %parallel_loop3A_424 masked %parallel_loop3A_414 {add = true} : memref<16384xf32, #tpu.memory_space<vmem>>[vector<16xi32>], vector<16xf32>, vector<16xi1>
    } {sc.loop_unroll_factor = 8 : i64, sc.parallel_access}
    %dma_wait3A_126 = arith.constant 20000 : i32
    %dma_wait3A_127 = tpu.memref_slice %arg5[%add3A_117, %dma_wait3A_126] : memref<64x100000xf32, #tpu.memory_space<hbm>> -> memref<1x20000xf32, #tpu.memory_space<hbm>>
    %dma_wait3A_128 = arith.constant 20000 : i32
    %dma_wait3A_129 = tpu.memref_slice %arg5[%add3A_117, %dma_wait3A_128] : memref<64x100000xf32, #tpu.memory_space<hbm>> -> memref<1x20000xf32, #tpu.memory_space<hbm>>
    tpu.wait_dma2 semaphore(%arg14 : memref<!tpu.dma_semaphore, #tpu.memory_space<semaphore_mem>>) src(%dma_wait3A_129 : memref<1x20000xf32, #tpu.memory_space<hbm>>) dst(%arg7 : memref<1x20000xf32, #tpu.memory_space<vmem>>)
    %mul3A_130 = arith.constant 32 : i32
    %mul3A_131 = arith.muli %arg0, %mul3A_130 : i32
    %mul3A_132 = arith.constant 2 : i32
    %mul3A_133 = arith.muli %arg1, %mul3A_132 : i32
    %add3A_134 = arith.addi %mul3A_131, %mul3A_133 : i32
    %add3A_135 = arith.constant 0 : i32
    %add3A_136 = arith.addi %add3A_134, %add3A_135 : i32
    %dma_start3A_137 = arith.constant 40000 : i32
    %dma_start3A_138 = tpu.memref_slice %arg5[%add3A_136, %dma_start3A_137] : memref<64x100000xf32, #tpu.memory_space<hbm>> -> memref<1x20000xf32, #tpu.memory_space<hbm>>
    %dma_start3A_139 = arith.constant 40000 : i32
    %dma_start3A_140 = tpu.memref_slice %arg5[%add3A_136, %dma_start3A_139] : memref<64x100000xf32, #tpu.memory_space<hbm>> -> memref<1x20000xf32, #tpu.memory_space<hbm>>
    tpu.enqueue_dma source(%dma_start3A_140 : memref<1x20000xf32, #tpu.memory_space<hbm>>) target(%arg8 : memref<1x20000xf32, #tpu.memory_space<vmem>>) target_semaphore(%arg15 : memref<!tpu.dma_semaphore, #tpu.memory_space<semaphore_mem>>)
    %parallel_loop3A_141 = arith.constant 0 : i32
    %parallel_loop3A_142 = arith.constant 1024 : i32
    %parallel_loop3A_143 = arith.constant 1 : i32
    %parallel_loop3A_144 = arith.constant 20000 : i32
    scf.for %parallel_loop3A_401 = %parallel_loop3A_141 to %parallel_loop3A_142 step %parallel_loop3A_143  : i32 {
      %parallel_loop3A_402 = arith.constant 16 : i32
      %parallel_loop3A_403 = arith.muli %parallel_loop3A_401, %parallel_loop3A_402 : i32
      %parallel_loop3A_404 = arith.index_cast %parallel_loop3A_403 : i32 to index
      %parallel_loop3A_405 = tpu.vector_load %arg12[%parallel_loop3A_404] {strides = array<i32>} : memref<16384xi32, #tpu.memory_space<vmem>>, vector<16xi32>,
      %parallel_loop3A_406 = vector.broadcast %parallel_loop3A_144 : i32 to vector<16xi32>
      %parallel_loop3A_407 = arith.subi %parallel_loop3A_405, %parallel_loop3A_406 : vector<16xi32>
      %parallel_loop3A_408 = arith.constant 0 : i32
      %parallel_loop3A_409 = vector.broadcast %parallel_loop3A_408 : i32 to vector<16xi32>
      %parallel_loop3A_410 = arith.cmpi sge, %parallel_loop3A_407, %parallel_loop3A_409 : vector<16xi32>
      %parallel_loop3A_411 = arith.constant 20000 : i32
      %parallel_loop3A_412 = vector.broadcast %parallel_loop3A_411 : i32 to vector<16xi32>
      %parallel_loop3A_413 = arith.cmpi slt, %parallel_loop3A_407, %parallel_loop3A_412 : vector<16xi32>
      %parallel_loop3A_414 = arith.andi %parallel_loop3A_410, %parallel_loop3A_413 : vector<16xi1>
      %parallel_loop3A_415 = tpu.vector_load_idx %arg7[%broadcast_in_dim3A_0, %parallel_loop3A_407] masked %parallel_loop3A_414 : memref<1x20000xf32, #tpu.memory_space<vmem>>[vector<16xi32>, vector<16xi32>], vector<16xf32>, vector<16xi1>
      %parallel_loop3A_416 = arith.constant 16 : i32
      %parallel_loop3A_417 = arith.muli %parallel_loop3A_401, %parallel_loop3A_416 : i32
      %parallel_loop3A_418 = arith.index_cast %parallel_loop3A_417 : i32 to index
      %parallel_loop3A_419 = tpu.vector_load %arg9[%parallel_loop3A_418] {strides = array<i32>} : memref<16384xf32, #tpu.memory_space<vmem>>, vector<16xf32>,
      %parallel_loop3A_420 = arith.constant 16 : i32
      %parallel_loop3A_421 = arith.muli %parallel_loop3A_401, %parallel_loop3A_420 : i32
      %parallel_loop3A_422 = vector.broadcast %parallel_loop3A_421 : i32 to vector<16xi32>
      %parallel_loop3A_423 = arith.addi %parallel_loop3A_422, %iota3A : vector<16xi32>
      %parallel_loop3A_424 = arith.mulf %parallel_loop3A_415, %parallel_loop3A_419 : vector<16xf32>
      tpu.vector_store_idx %arg10[%parallel_loop3A_423], %parallel_loop3A_424 masked %parallel_loop3A_414 {add = true} : memref<16384xf32, #tpu.memory_space<vmem>>[vector<16xi32>], vector<16xf32>, vector<16xi1>
    } {sc.loop_unroll_factor = 8 : i64, sc.parallel_access}
    %dma_wait3A_145 = arith.constant 40000 : i32
    %dma_wait3A_146 = tpu.memref_slice %arg5[%add3A_136, %dma_wait3A_145] : memref<64x100000xf32, #tpu.memory_space<hbm>> -> memref<1x20000xf32, #tpu.memory_space<hbm>>
    %dma_wait3A_147 = arith.constant 40000 : i32
    %dma_wait3A_148 = tpu.memref_slice %arg5[%add3A_136, %dma_wait3A_147] : memref<64x100000xf32, #tpu.memory_space<hbm>> -> memref<1x20000xf32, #tpu.memory_space<hbm>>
    tpu.wait_dma2 semaphore(%arg15 : memref<!tpu.dma_semaphore, #tpu.memory_space<semaphore_mem>>) src(%dma_wait3A_148 : memref<1x20000xf32, #tpu.memory_space<hbm>>) dst(%arg8 : memref<1x20000xf32, #tpu.memory_space<vmem>>)
    %mul3A_149 = arith.constant 32 : i32
    %mul3A_150 = arith.muli %arg0, %mul3A_149 : i32
    %mul3A_151 = arith.constant 2 : i32
    %mul3A_152 = arith.muli %arg1, %mul3A_151 : i32
    %add3A_153 = arith.addi %mul3A_150, %mul3A_152 : i32
    %add3A_154 = arith.constant 0 : i32
    %add3A_155 = arith.addi %add3A_153, %add3A_154 : i32
    %dma_start3A_156 = arith.constant 60000 : i32
    %dma_start3A_157 = tpu.memref_slice %arg5[%add3A_155, %dma_start3A_156] : memref<64x100000xf32, #tpu.memory_space<hbm>> -> memref<1x20000xf32, #tpu.memory_space<hbm>>
    %dma_start3A_158 = arith.constant 60000 : i32
    %dma_start3A_159 = tpu.memref_slice %arg5[%add3A_155, %dma_start3A_158] : memref<64x100000xf32, #tpu.memory_space<hbm>> -> memref<1x20000xf32, #tpu.memory_space<hbm>>
    tpu.enqueue_dma source(%dma_start3A_159 : memref<1x20000xf32, #tpu.memory_space<hbm>>) target(%arg7 : memref<1x20000xf32, #tpu.memory_space<vmem>>) target_semaphore(%arg14 : memref<!tpu.dma_semaphore, #tpu.memory_space<semaphore_mem>>)
    %parallel_loop3A_160 = arith.constant 0 : i32
    %parallel_loop3A_161 = arith.constant 1024 : i32
    %parallel_loop3A_162 = arith.constant 1 : i32
    %parallel_loop3A_163 = arith.constant 40000 : i32
    scf.for %parallel_loop3A_401 = %parallel_loop3A_160 to %parallel_loop3A_161 step %parallel_loop3A_162  : i32 {
      %parallel_loop3A_402 = arith.constant 16 : i32
      %parallel_loop3A_403 = arith.muli %parallel_loop3A_401, %parallel_loop3A_402 : i32
      %parallel_loop3A_404 = arith.index_cast %parallel_loop3A_403 : i32 to index
      %parallel_loop3A_405 = tpu.vector_load %arg12[%parallel_loop3A_404] {strides = array<i32>} : memref<16384xi32, #tpu.memory_space<vmem>>, vector<16xi32>,
      %parallel_loop3A_406 = vector.broadcast %parallel_loop3A_163 : i32 to vector<16xi32>
      %parallel_loop3A_407 = arith.subi %parallel_loop3A_405, %parallel_loop3A_406 : vector<16xi32>
      %parallel_loop3A_408 = arith.constant 0 : i32
      %parallel_loop3A_409 = vector.broadcast %parallel_loop3A_408 : i32 to vector<16xi32>
      %parallel_loop3A_410 = arith.cmpi sge, %parallel_loop3A_407, %parallel_loop3A_409 : vector<16xi32>
      %parallel_loop3A_411 = arith.constant 20000 : i32
      %parallel_loop3A_412 = vector.broadcast %parallel_loop3A_411 : i32 to vector<16xi32>
      %parallel_loop3A_413 = arith.cmpi slt, %parallel_loop3A_407, %parallel_loop3A_412 : vector<16xi32>
      %parallel_loop3A_414 = arith.andi %parallel_loop3A_410, %parallel_loop3A_413 : vector<16xi1>
      %parallel_loop3A_415 = tpu.vector_load_idx %arg8[%broadcast_in_dim3A_0, %parallel_loop3A_407] masked %parallel_loop3A_414 : memref<1x20000xf32, #tpu.memory_space<vmem>>[vector<16xi32>, vector<16xi32>], vector<16xf32>, vector<16xi1>
      %parallel_loop3A_416 = arith.constant 16 : i32
      %parallel_loop3A_417 = arith.muli %parallel_loop3A_401, %parallel_loop3A_416 : i32
      %parallel_loop3A_418 = arith.index_cast %parallel_loop3A_417 : i32 to index
      %parallel_loop3A_419 = tpu.vector_load %arg9[%parallel_loop3A_418] {strides = array<i32>} : memref<16384xf32, #tpu.memory_space<vmem>>, vector<16xf32>,
      %parallel_loop3A_420 = arith.constant 16 : i32
      %parallel_loop3A_421 = arith.muli %parallel_loop3A_401, %parallel_loop3A_420 : i32
      %parallel_loop3A_422 = vector.broadcast %parallel_loop3A_421 : i32 to vector<16xi32>
      %parallel_loop3A_423 = arith.addi %parallel_loop3A_422, %iota3A : vector<16xi32>
      %parallel_loop3A_424 = arith.mulf %parallel_loop3A_415, %parallel_loop3A_419 : vector<16xf32>
      tpu.vector_store_idx %arg10[%parallel_loop3A_423], %parallel_loop3A_424 masked %parallel_loop3A_414 {add = true} : memref<16384xf32, #tpu.memory_space<vmem>>[vector<16xi32>], vector<16xf32>, vector<16xi1>
    } {sc.loop_unroll_factor = 8 : i64, sc.parallel_access}
    %dma_wait3A_164 = arith.constant 60000 : i32
    %dma_wait3A_165 = tpu.memref_slice %arg5[%add3A_155, %dma_wait3A_164] : memref<64x100000xf32, #tpu.memory_space<hbm>> -> memref<1x20000xf32, #tpu.memory_space<hbm>>
    %dma_wait3A_166 = arith.constant 60000 : i32
    %dma_wait3A_167 = tpu.memref_slice %arg5[%add3A_155, %dma_wait3A_166] : memref<64x100000xf32, #tpu.memory_space<hbm>> -> memref<1x20000xf32, #tpu.memory_space<hbm>>
    tpu.wait_dma2 semaphore(%arg14 : memref<!tpu.dma_semaphore, #tpu.memory_space<semaphore_mem>>) src(%dma_wait3A_167 : memref<1x20000xf32, #tpu.memory_space<hbm>>) dst(%arg7 : memref<1x20000xf32, #tpu.memory_space<vmem>>)
    %mul3A_168 = arith.constant 32 : i32
    %mul3A_169 = arith.muli %arg0, %mul3A_168 : i32
    %mul3A_170 = arith.constant 2 : i32
    %mul3A_171 = arith.muli %arg1, %mul3A_170 : i32
    %add3A_172 = arith.addi %mul3A_169, %mul3A_171 : i32
    %add3A_173 = arith.constant 0 : i32
    %add3A_174 = arith.addi %add3A_172, %add3A_173 : i32
    %dma_start3A_175 = arith.constant 80000 : i32
    %dma_start3A_176 = tpu.memref_slice %arg5[%add3A_174, %dma_start3A_175] : memref<64x100000xf32, #tpu.memory_space<hbm>> -> memref<1x20000xf32, #tpu.memory_space<hbm>>
    %dma_start3A_177 = arith.constant 80000 : i32
    %dma_start3A_178 = tpu.memref_slice %arg5[%add3A_174, %dma_start3A_177] : memref<64x100000xf32, #tpu.memory_space<hbm>> -> memref<1x20000xf32, #tpu.memory_space<hbm>>
    tpu.enqueue_dma source(%dma_start3A_178 : memref<1x20000xf32, #tpu.memory_space<hbm>>) target(%arg8 : memref<1x20000xf32, #tpu.memory_space<vmem>>) target_semaphore(%arg15 : memref<!tpu.dma_semaphore, #tpu.memory_space<semaphore_mem>>)
    %parallel_loop3A_179 = arith.constant 0 : i32
    %parallel_loop3A_180 = arith.constant 1024 : i32
    %parallel_loop3A_181 = arith.constant 1 : i32
    %parallel_loop3A_182 = arith.constant 60000 : i32
    scf.for %parallel_loop3A_401 = %parallel_loop3A_179 to %parallel_loop3A_180 step %parallel_loop3A_181  : i32 {
      %parallel_loop3A_402 = arith.constant 16 : i32
      %parallel_loop3A_403 = arith.muli %parallel_loop3A_401, %parallel_loop3A_402 : i32
      %parallel_loop3A_404 = arith.index_cast %parallel_loop3A_403 : i32 to index
      %parallel_loop3A_405 = tpu.vector_load %arg12[%parallel_loop3A_404] {strides = array<i32>} : memref<16384xi32, #tpu.memory_space<vmem>>, vector<16xi32>,
      %parallel_loop3A_406 = vector.broadcast %parallel_loop3A_182 : i32 to vector<16xi32>
      %parallel_loop3A_407 = arith.subi %parallel_loop3A_405, %parallel_loop3A_406 : vector<16xi32>
      %parallel_loop3A_408 = arith.constant 0 : i32
      %parallel_loop3A_409 = vector.broadcast %parallel_loop3A_408 : i32 to vector<16xi32>
      %parallel_loop3A_410 = arith.cmpi sge, %parallel_loop3A_407, %parallel_loop3A_409 : vector<16xi32>
      %parallel_loop3A_411 = arith.constant 20000 : i32
      %parallel_loop3A_412 = vector.broadcast %parallel_loop3A_411 : i32 to vector<16xi32>
      %parallel_loop3A_413 = arith.cmpi slt, %parallel_loop3A_407, %parallel_loop3A_412 : vector<16xi32>
      %parallel_loop3A_414 = arith.andi %parallel_loop3A_410, %parallel_loop3A_413 : vector<16xi1>
      %parallel_loop3A_415 = tpu.vector_load_idx %arg7[%broadcast_in_dim3A_0, %parallel_loop3A_407] masked %parallel_loop3A_414 : memref<1x20000xf32, #tpu.memory_space<vmem>>[vector<16xi32>, vector<16xi32>], vector<16xf32>, vector<16xi1>
      %parallel_loop3A_416 = arith.constant 16 : i32
      %parallel_loop3A_417 = arith.muli %parallel_loop3A_401, %parallel_loop3A_416 : i32
      %parallel_loop3A_418 = arith.index_cast %parallel_loop3A_417 : i32 to index
      %parallel_loop3A_419 = tpu.vector_load %arg9[%parallel_loop3A_418] {strides = array<i32>} : memref<16384xf32, #tpu.memory_space<vmem>>, vector<16xf32>,
      %parallel_loop3A_420 = arith.constant 16 : i32
      %parallel_loop3A_421 = arith.muli %parallel_loop3A_401, %parallel_loop3A_420 : i32
      %parallel_loop3A_422 = vector.broadcast %parallel_loop3A_421 : i32 to vector<16xi32>
      %parallel_loop3A_423 = arith.addi %parallel_loop3A_422, %iota3A : vector<16xi32>
      %parallel_loop3A_424 = arith.mulf %parallel_loop3A_415, %parallel_loop3A_419 : vector<16xf32>
      tpu.vector_store_idx %arg10[%parallel_loop3A_423], %parallel_loop3A_424 masked %parallel_loop3A_414 {add = true} : memref<16384xf32, #tpu.memory_space<vmem>>[vector<16xi32>], vector<16xf32>, vector<16xi1>
    } {sc.loop_unroll_factor = 8 : i64, sc.parallel_access}
    %dma_wait3A_183 = arith.constant 80000 : i32
    %dma_wait3A_184 = tpu.memref_slice %arg5[%add3A_174, %dma_wait3A_183] : memref<64x100000xf32, #tpu.memory_space<hbm>> -> memref<1x20000xf32, #tpu.memory_space<hbm>>
    %dma_wait3A_185 = arith.constant 80000 : i32
    %dma_wait3A_186 = tpu.memref_slice %arg5[%add3A_174, %dma_wait3A_185] : memref<64x100000xf32, #tpu.memory_space<hbm>> -> memref<1x20000xf32, #tpu.memory_space<hbm>>
    tpu.wait_dma2 semaphore(%arg15 : memref<!tpu.dma_semaphore, #tpu.memory_space<semaphore_mem>>) src(%dma_wait3A_186 : memref<1x20000xf32, #tpu.memory_space<hbm>>) dst(%arg8 : memref<1x20000xf32, #tpu.memory_space<vmem>>)
    %mul3A_187 = arith.constant 32 : i32
    %mul3A_188 = arith.muli %arg0, %mul3A_187 : i32
    %mul3A_189 = arith.constant 2 : i32
    %mul3A_190 = arith.muli %arg1, %mul3A_189 : i32
    %add3A_191 = arith.addi %mul3A_188, %mul3A_190 : i32
    %add3A_192 = arith.constant 1 : i32
    %add3A_193 = arith.addi %add3A_191, %add3A_192 : i32
    %dma_start3A_194 = arith.constant 0 : i32
    %dma_start3A_195 = tpu.memref_slice %arg4[%add3A_193, %dma_start3A_194] : memref<64x100000xf32, #tpu.memory_space<hbm>> -> memref<1x20000xf32, #tpu.memory_space<hbm>>
    %dma_start3A_196 = arith.constant 0 : i32
    %dma_start3A_197 = tpu.memref_slice %arg4[%add3A_193, %dma_start3A_196] : memref<64x100000xf32, #tpu.memory_space<hbm>> -> memref<1x20000xf32, #tpu.memory_space<hbm>>
    tpu.enqueue_dma source(%dma_start3A_197 : memref<1x20000xf32, #tpu.memory_space<hbm>>) target(%arg7 : memref<1x20000xf32, #tpu.memory_space<vmem>>) target_semaphore(%arg14 : memref<!tpu.dma_semaphore, #tpu.memory_space<semaphore_mem>>)
    %parallel_loop3A_198 = arith.constant 0 : i32
    %parallel_loop3A_199 = arith.constant 1024 : i32
    %parallel_loop3A_200 = arith.constant 1 : i32
    %parallel_loop3A_201 = arith.constant 80000 : i32
    scf.for %parallel_loop3A_401 = %parallel_loop3A_198 to %parallel_loop3A_199 step %parallel_loop3A_200  : i32 {
      %parallel_loop3A_402 = arith.constant 16 : i32
      %parallel_loop3A_403 = arith.muli %parallel_loop3A_401, %parallel_loop3A_402 : i32
      %parallel_loop3A_404 = arith.index_cast %parallel_loop3A_403 : i32 to index
      %parallel_loop3A_405 = tpu.vector_load %arg12[%parallel_loop3A_404] {strides = array<i32>} : memref<16384xi32, #tpu.memory_space<vmem>>, vector<16xi32>,
      %parallel_loop3A_406 = vector.broadcast %parallel_loop3A_201 : i32 to vector<16xi32>
      %parallel_loop3A_407 = arith.subi %parallel_loop3A_405, %parallel_loop3A_406 : vector<16xi32>
      %parallel_loop3A_408 = arith.constant 0 : i32
      %parallel_loop3A_409 = vector.broadcast %parallel_loop3A_408 : i32 to vector<16xi32>
      %parallel_loop3A_410 = arith.cmpi sge, %parallel_loop3A_407, %parallel_loop3A_409 : vector<16xi32>
      %parallel_loop3A_411 = arith.constant 20000 : i32
      %parallel_loop3A_412 = vector.broadcast %parallel_loop3A_411 : i32 to vector<16xi32>
      %parallel_loop3A_413 = arith.cmpi slt, %parallel_loop3A_407, %parallel_loop3A_412 : vector<16xi32>
      %parallel_loop3A_414 = arith.andi %parallel_loop3A_410, %parallel_loop3A_413 : vector<16xi1>
      %parallel_loop3A_415 = tpu.vector_load_idx %arg8[%broadcast_in_dim3A_0, %parallel_loop3A_407] masked %parallel_loop3A_414 : memref<1x20000xf32, #tpu.memory_space<vmem>>[vector<16xi32>, vector<16xi32>], vector<16xf32>, vector<16xi1>
      %parallel_loop3A_416 = arith.constant 16 : i32
      %parallel_loop3A_417 = arith.muli %parallel_loop3A_401, %parallel_loop3A_416 : i32
      %parallel_loop3A_418 = arith.index_cast %parallel_loop3A_417 : i32 to index
      %parallel_loop3A_419 = tpu.vector_load %arg9[%parallel_loop3A_418] {strides = array<i32>} : memref<16384xf32, #tpu.memory_space<vmem>>, vector<16xf32>,
      %parallel_loop3A_420 = arith.constant 16 : i32
      %parallel_loop3A_421 = arith.muli %parallel_loop3A_401, %parallel_loop3A_420 : i32
      %parallel_loop3A_422 = vector.broadcast %parallel_loop3A_421 : i32 to vector<16xi32>
      %parallel_loop3A_423 = arith.addi %parallel_loop3A_422, %iota3A : vector<16xi32>
      %parallel_loop3A_424 = arith.mulf %parallel_loop3A_415, %parallel_loop3A_419 : vector<16xf32>
      tpu.vector_store_idx %arg10[%parallel_loop3A_423], %parallel_loop3A_424 masked %parallel_loop3A_414 {add = true} : memref<16384xf32, #tpu.memory_space<vmem>>[vector<16xi32>], vector<16xf32>, vector<16xi1>
    } {sc.loop_unroll_factor = 8 : i64, sc.parallel_access}
    %dma_wait3A_202 = arith.constant 0 : i32
    %dma_wait3A_203 = tpu.memref_slice %arg4[%add3A_193, %dma_wait3A_202] : memref<64x100000xf32, #tpu.memory_space<hbm>> -> memref<1x20000xf32, #tpu.memory_space<hbm>>
    %dma_wait3A_204 = arith.constant 0 : i32
    %dma_wait3A_205 = tpu.memref_slice %arg4[%add3A_193, %dma_wait3A_204] : memref<64x100000xf32, #tpu.memory_space<hbm>> -> memref<1x20000xf32, #tpu.memory_space<hbm>>
    tpu.wait_dma2 semaphore(%arg14 : memref<!tpu.dma_semaphore, #tpu.memory_space<semaphore_mem>>) src(%dma_wait3A_205 : memref<1x20000xf32, #tpu.memory_space<hbm>>) dst(%arg7 : memref<1x20000xf32, #tpu.memory_space<vmem>>)
    %mul3A_206 = arith.constant 32 : i32
    %mul3A_207 = arith.muli %arg0, %mul3A_206 : i32
    %mul3A_208 = arith.constant 2 : i32
    %mul3A_209 = arith.muli %arg1, %mul3A_208 : i32
    %add3A_210 = arith.addi %mul3A_207, %mul3A_209 : i32
    %add3A_211 = arith.constant 1 : i32
    %add3A_212 = arith.addi %add3A_210, %add3A_211 : i32
    %dma_start3A_213 = arith.constant 20000 : i32
    %dma_start3A_214 = tpu.memref_slice %arg4[%add3A_212, %dma_start3A_213] : memref<64x100000xf32, #tpu.memory_space<hbm>> -> memref<1x20000xf32, #tpu.memory_space<hbm>>
    %dma_start3A_215 = arith.constant 20000 : i32
    %dma_start3A_216 = tpu.memref_slice %arg4[%add3A_212, %dma_start3A_215] : memref<64x100000xf32, #tpu.memory_space<hbm>> -> memref<1x20000xf32, #tpu.memory_space<hbm>>
    tpu.enqueue_dma source(%dma_start3A_216 : memref<1x20000xf32, #tpu.memory_space<hbm>>) target(%arg8 : memref<1x20000xf32, #tpu.memory_space<vmem>>) target_semaphore(%arg15 : memref<!tpu.dma_semaphore, #tpu.memory_space<semaphore_mem>>)
    %parallel_loop3A_217 = arith.constant 0 : i32
    %parallel_loop3A_218 = arith.constant 1024 : i32
    %parallel_loop3A_219 = arith.constant 1 : i32
    %parallel_loop3A_220 = arith.constant 0 : i32
    scf.for %parallel_loop3A_401 = %parallel_loop3A_217 to %parallel_loop3A_218 step %parallel_loop3A_219  : i32 {
      %parallel_loop3A_402 = arith.constant 16 : i32
      %parallel_loop3A_403 = arith.muli %parallel_loop3A_401, %parallel_loop3A_402 : i32
      %parallel_loop3A_404 = arith.index_cast %parallel_loop3A_403 : i32 to index
      %parallel_loop3A_405 = tpu.vector_load %arg11[%parallel_loop3A_404] {strides = array<i32>} : memref<16384xi32, #tpu.memory_space<vmem>>, vector<16xi32>,
      %parallel_loop3A_406 = vector.broadcast %parallel_loop3A_220 : i32 to vector<16xi32>
      %parallel_loop3A_407 = arith.subi %parallel_loop3A_405, %parallel_loop3A_406 : vector<16xi32>
      %parallel_loop3A_408 = arith.constant 0 : i32
      %parallel_loop3A_409 = vector.broadcast %parallel_loop3A_408 : i32 to vector<16xi32>
      %parallel_loop3A_410 = arith.cmpi sge, %parallel_loop3A_407, %parallel_loop3A_409 : vector<16xi32>
      %parallel_loop3A_411 = arith.constant 20000 : i32
      %parallel_loop3A_412 = vector.broadcast %parallel_loop3A_411 : i32 to vector<16xi32>
      %parallel_loop3A_413 = arith.cmpi slt, %parallel_loop3A_407, %parallel_loop3A_412 : vector<16xi32>
      %parallel_loop3A_414 = arith.andi %parallel_loop3A_410, %parallel_loop3A_413 : vector<16xi1>
      %parallel_loop3A_415 = tpu.vector_load_idx %arg7[%broadcast_in_dim3A_0, %parallel_loop3A_407] masked %parallel_loop3A_414 : memref<1x20000xf32, #tpu.memory_space<vmem>>[vector<16xi32>, vector<16xi32>], vector<16xf32>, vector<16xi1>
      %parallel_loop3A_416 = arith.constant 16 : i32
      %parallel_loop3A_417 = arith.muli %parallel_loop3A_401, %parallel_loop3A_416 : i32
      %parallel_loop3A_418 = vector.broadcast %parallel_loop3A_417 : i32 to vector<16xi32>
      %parallel_loop3A_419 = arith.addi %parallel_loop3A_418, %iota3A : vector<16xi32>
      tpu.vector_store_idx %arg9[%parallel_loop3A_419], %parallel_loop3A_415 masked %parallel_loop3A_414 : memref<16384xf32, #tpu.memory_space<vmem>>[vector<16xi32>], vector<16xf32>, vector<16xi1>
    } {sc.loop_unroll_factor = 8 : i64, sc.parallel_access}
    %dma_wait3A_221 = arith.constant 20000 : i32
    %dma_wait3A_222 = tpu.memref_slice %arg4[%add3A_212, %dma_wait3A_221] : memref<64x100000xf32, #tpu.memory_space<hbm>> -> memref<1x20000xf32, #tpu.memory_space<hbm>>
    %dma_wait3A_223 = arith.constant 20000 : i32
    %dma_wait3A_224 = tpu.memref_slice %arg4[%add3A_212, %dma_wait3A_223] : memref<64x100000xf32, #tpu.memory_space<hbm>> -> memref<1x20000xf32, #tpu.memory_space<hbm>>
    tpu.wait_dma2 semaphore(%arg15 : memref<!tpu.dma_semaphore, #tpu.memory_space<semaphore_mem>>) src(%dma_wait3A_224 : memref<1x20000xf32, #tpu.memory_space<hbm>>) dst(%arg8 : memref<1x20000xf32, #tpu.memory_space<vmem>>)
    %mul3A_225 = arith.constant 32 : i32
    %mul3A_226 = arith.muli %arg0, %mul3A_225 : i32
    %mul3A_227 = arith.constant 2 : i32
    %mul3A_228 = arith.muli %arg1, %mul3A_227 : i32
    %add3A_229 = arith.addi %mul3A_226, %mul3A_228 : i32
    %add3A_230 = arith.constant 1 : i32
    %add3A_231 = arith.addi %add3A_229, %add3A_230 : i32
    %dma_start3A_232 = arith.constant 40000 : i32
    %dma_start3A_233 = tpu.memref_slice %arg4[%add3A_231, %dma_start3A_232] : memref<64x100000xf32, #tpu.memory_space<hbm>> -> memref<1x20000xf32, #tpu.memory_space<hbm>>
    %dma_start3A_234 = arith.constant 40000 : i32
    %dma_start3A_235 = tpu.memref_slice %arg4[%add3A_231, %dma_start3A_234] : memref<64x100000xf32, #tpu.memory_space<hbm>> -> memref<1x20000xf32, #tpu.memory_space<hbm>>
    tpu.enqueue_dma source(%dma_start3A_235 : memref<1x20000xf32, #tpu.memory_space<hbm>>) target(%arg7 : memref<1x20000xf32, #tpu.memory_space<vmem>>) target_semaphore(%arg14 : memref<!tpu.dma_semaphore, #tpu.memory_space<semaphore_mem>>)
    %parallel_loop3A_236 = arith.constant 0 : i32
    %parallel_loop3A_237 = arith.constant 1024 : i32
    %parallel_loop3A_238 = arith.constant 1 : i32
    %parallel_loop3A_239 = arith.constant 20000 : i32
    scf.for %parallel_loop3A_401 = %parallel_loop3A_236 to %parallel_loop3A_237 step %parallel_loop3A_238  : i32 {
      %parallel_loop3A_402 = arith.constant 16 : i32
      %parallel_loop3A_403 = arith.muli %parallel_loop3A_401, %parallel_loop3A_402 : i32
      %parallel_loop3A_404 = arith.index_cast %parallel_loop3A_403 : i32 to index
      %parallel_loop3A_405 = tpu.vector_load %arg11[%parallel_loop3A_404] {strides = array<i32>} : memref<16384xi32, #tpu.memory_space<vmem>>, vector<16xi32>,
      %parallel_loop3A_406 = vector.broadcast %parallel_loop3A_239 : i32 to vector<16xi32>
      %parallel_loop3A_407 = arith.subi %parallel_loop3A_405, %parallel_loop3A_406 : vector<16xi32>
      %parallel_loop3A_408 = arith.constant 0 : i32
      %parallel_loop3A_409 = vector.broadcast %parallel_loop3A_408 : i32 to vector<16xi32>
      %parallel_loop3A_410 = arith.cmpi sge, %parallel_loop3A_407, %parallel_loop3A_409 : vector<16xi32>
      %parallel_loop3A_411 = arith.constant 20000 : i32
      %parallel_loop3A_412 = vector.broadcast %parallel_loop3A_411 : i32 to vector<16xi32>
      %parallel_loop3A_413 = arith.cmpi slt, %parallel_loop3A_407, %parallel_loop3A_412 : vector<16xi32>
      %parallel_loop3A_414 = arith.andi %parallel_loop3A_410, %parallel_loop3A_413 : vector<16xi1>
      %parallel_loop3A_415 = tpu.vector_load_idx %arg8[%broadcast_in_dim3A_0, %parallel_loop3A_407] masked %parallel_loop3A_414 : memref<1x20000xf32, #tpu.memory_space<vmem>>[vector<16xi32>, vector<16xi32>], vector<16xf32>, vector<16xi1>
      %parallel_loop3A_416 = arith.constant 16 : i32
      %parallel_loop3A_417 = arith.muli %parallel_loop3A_401, %parallel_loop3A_416 : i32
      %parallel_loop3A_418 = vector.broadcast %parallel_loop3A_417 : i32 to vector<16xi32>
      %parallel_loop3A_419 = arith.addi %parallel_loop3A_418, %iota3A : vector<16xi32>
      tpu.vector_store_idx %arg9[%parallel_loop3A_419], %parallel_loop3A_415 masked %parallel_loop3A_414 : memref<16384xf32, #tpu.memory_space<vmem>>[vector<16xi32>], vector<16xf32>, vector<16xi1>
    } {sc.loop_unroll_factor = 8 : i64, sc.parallel_access}
    %dma_wait3A_240 = arith.constant 40000 : i32
    %dma_wait3A_241 = tpu.memref_slice %arg4[%add3A_231, %dma_wait3A_240] : memref<64x100000xf32, #tpu.memory_space<hbm>> -> memref<1x20000xf32, #tpu.memory_space<hbm>>
    %dma_wait3A_242 = arith.constant 40000 : i32
    %dma_wait3A_243 = tpu.memref_slice %arg4[%add3A_231, %dma_wait3A_242] : memref<64x100000xf32, #tpu.memory_space<hbm>> -> memref<1x20000xf32, #tpu.memory_space<hbm>>
    tpu.wait_dma2 semaphore(%arg14 : memref<!tpu.dma_semaphore, #tpu.memory_space<semaphore_mem>>) src(%dma_wait3A_243 : memref<1x20000xf32, #tpu.memory_space<hbm>>) dst(%arg7 : memref<1x20000xf32, #tpu.memory_space<vmem>>)
    %mul3A_244 = arith.constant 32 : i32
    %mul3A_245 = arith.muli %arg0, %mul3A_244 : i32
    %mul3A_246 = arith.constant 2 : i32
    %mul3A_247 = arith.muli %arg1, %mul3A_246 : i32
    %add3A_248 = arith.addi %mul3A_245, %mul3A_247 : i32
    %add3A_249 = arith.constant 1 : i32
    %add3A_250 = arith.addi %add3A_248, %add3A_249 : i32
    %dma_start3A_251 = arith.constant 60000 : i32
    %dma_start3A_252 = tpu.memref_slice %arg4[%add3A_250, %dma_start3A_251] : memref<64x100000xf32, #tpu.memory_space<hbm>> -> memref<1x20000xf32, #tpu.memory_space<hbm>>
    %dma_start3A_253 = arith.constant 60000 : i32
    %dma_start3A_254 = tpu.memref_slice %arg4[%add3A_250, %dma_start3A_253] : memref<64x100000xf32, #tpu.memory_space<hbm>> -> memref<1x20000xf32, #tpu.memory_space<hbm>>
    tpu.enqueue_dma source(%dma_start3A_254 : memref<1x20000xf32, #tpu.memory_space<hbm>>) target(%arg8 : memref<1x20000xf32, #tpu.memory_space<vmem>>) target_semaphore(%arg15 : memref<!tpu.dma_semaphore, #tpu.memory_space<semaphore_mem>>)
    %parallel_loop3A_255 = arith.constant 0 : i32
    %parallel_loop3A_256 = arith.constant 1024 : i32
    %parallel_loop3A_257 = arith.constant 1 : i32
    %parallel_loop3A_258 = arith.constant 40000 : i32
    scf.for %parallel_loop3A_401 = %parallel_loop3A_255 to %parallel_loop3A_256 step %parallel_loop3A_257  : i32 {
      %parallel_loop3A_402 = arith.constant 16 : i32
      %parallel_loop3A_403 = arith.muli %parallel_loop3A_401, %parallel_loop3A_402 : i32
      %parallel_loop3A_404 = arith.index_cast %parallel_loop3A_403 : i32 to index
      %parallel_loop3A_405 = tpu.vector_load %arg11[%parallel_loop3A_404] {strides = array<i32>} : memref<16384xi32, #tpu.memory_space<vmem>>, vector<16xi32>,
      %parallel_loop3A_406 = vector.broadcast %parallel_loop3A_258 : i32 to vector<16xi32>
      %parallel_loop3A_407 = arith.subi %parallel_loop3A_405, %parallel_loop3A_406 : vector<16xi32>
      %parallel_loop3A_408 = arith.constant 0 : i32
      %parallel_loop3A_409 = vector.broadcast %parallel_loop3A_408 : i32 to vector<16xi32>
      %parallel_loop3A_410 = arith.cmpi sge, %parallel_loop3A_407, %parallel_loop3A_409 : vector<16xi32>
      %parallel_loop3A_411 = arith.constant 20000 : i32
      %parallel_loop3A_412 = vector.broadcast %parallel_loop3A_411 : i32 to vector<16xi32>
      %parallel_loop3A_413 = arith.cmpi slt, %parallel_loop3A_407, %parallel_loop3A_412 : vector<16xi32>
      %parallel_loop3A_414 = arith.andi %parallel_loop3A_410, %parallel_loop3A_413 : vector<16xi1>
      %parallel_loop3A_415 = tpu.vector_load_idx %arg7[%broadcast_in_dim3A_0, %parallel_loop3A_407] masked %parallel_loop3A_414 : memref<1x20000xf32, #tpu.memory_space<vmem>>[vector<16xi32>, vector<16xi32>], vector<16xf32>, vector<16xi1>
      %parallel_loop3A_416 = arith.constant 16 : i32
      %parallel_loop3A_417 = arith.muli %parallel_loop3A_401, %parallel_loop3A_416 : i32
      %parallel_loop3A_418 = vector.broadcast %parallel_loop3A_417 : i32 to vector<16xi32>
      %parallel_loop3A_419 = arith.addi %parallel_loop3A_418, %iota3A : vector<16xi32>
      tpu.vector_store_idx %arg9[%parallel_loop3A_419], %parallel_loop3A_415 masked %parallel_loop3A_414 : memref<16384xf32, #tpu.memory_space<vmem>>[vector<16xi32>], vector<16xf32>, vector<16xi1>
    } {sc.loop_unroll_factor = 8 : i64, sc.parallel_access}
    %dma_wait3A_259 = arith.constant 60000 : i32
    %dma_wait3A_260 = tpu.memref_slice %arg4[%add3A_250, %dma_wait3A_259] : memref<64x100000xf32, #tpu.memory_space<hbm>> -> memref<1x20000xf32, #tpu.memory_space<hbm>>
    %dma_wait3A_261 = arith.constant 60000 : i32
    %dma_wait3A_262 = tpu.memref_slice %arg4[%add3A_250, %dma_wait3A_261] : memref<64x100000xf32, #tpu.memory_space<hbm>> -> memref<1x20000xf32, #tpu.memory_space<hbm>>
    tpu.wait_dma2 semaphore(%arg15 : memref<!tpu.dma_semaphore, #tpu.memory_space<semaphore_mem>>) src(%dma_wait3A_262 : memref<1x20000xf32, #tpu.memory_space<hbm>>) dst(%arg8 : memref<1x20000xf32, #tpu.memory_space<vmem>>)
    %mul3A_263 = arith.constant 32 : i32
    %mul3A_264 = arith.muli %arg0, %mul3A_263 : i32
    %mul3A_265 = arith.constant 2 : i32
    %mul3A_266 = arith.muli %arg1, %mul3A_265 : i32
    %add3A_267 = arith.addi %mul3A_264, %mul3A_266 : i32
    %add3A_268 = arith.constant 1 : i32
    %add3A_269 = arith.addi %add3A_267, %add3A_268 : i32
    %dma_start3A_270 = arith.constant 80000 : i32
    %dma_start3A_271 = tpu.memref_slice %arg4[%add3A_269, %dma_start3A_270] : memref<64x100000xf32, #tpu.memory_space<hbm>> -> memref<1x20000xf32, #tpu.memory_space<hbm>>
    %dma_start3A_272 = arith.constant 80000 : i32
    %dma_start3A_273 = tpu.memref_slice %arg4[%add3A_269, %dma_start3A_272] : memref<64x100000xf32, #tpu.memory_space<hbm>> -> memref<1x20000xf32, #tpu.memory_space<hbm>>
    tpu.enqueue_dma source(%dma_start3A_273 : memref<1x20000xf32, #tpu.memory_space<hbm>>) target(%arg7 : memref<1x20000xf32, #tpu.memory_space<vmem>>) target_semaphore(%arg14 : memref<!tpu.dma_semaphore, #tpu.memory_space<semaphore_mem>>)
    %parallel_loop3A_274 = arith.constant 0 : i32
    %parallel_loop3A_275 = arith.constant 1024 : i32
    %parallel_loop3A_276 = arith.constant 1 : i32
    %parallel_loop3A_277 = arith.constant 60000 : i32
    scf.for %parallel_loop3A_401 = %parallel_loop3A_274 to %parallel_loop3A_275 step %parallel_loop3A_276  : i32 {
      %parallel_loop3A_402 = arith.constant 16 : i32
      %parallel_loop3A_403 = arith.muli %parallel_loop3A_401, %parallel_loop3A_402 : i32
      %parallel_loop3A_404 = arith.index_cast %parallel_loop3A_403 : i32 to index
      %parallel_loop3A_405 = tpu.vector_load %arg11[%parallel_loop3A_404] {strides = array<i32>} : memref<16384xi32, #tpu.memory_space<vmem>>, vector<16xi32>,
      %parallel_loop3A_406 = vector.broadcast %parallel_loop3A_277 : i32 to vector<16xi32>
      %parallel_loop3A_407 = arith.subi %parallel_loop3A_405, %parallel_loop3A_406 : vector<16xi32>
      %parallel_loop3A_408 = arith.constant 0 : i32
      %parallel_loop3A_409 = vector.broadcast %parallel_loop3A_408 : i32 to vector<16xi32>
      %parallel_loop3A_410 = arith.cmpi sge, %parallel_loop3A_407, %parallel_loop3A_409 : vector<16xi32>
      %parallel_loop3A_411 = arith.constant 20000 : i32
      %parallel_loop3A_412 = vector.broadcast %parallel_loop3A_411 : i32 to vector<16xi32>
      %parallel_loop3A_413 = arith.cmpi slt, %parallel_loop3A_407, %parallel_loop3A_412 : vector<16xi32>
      %parallel_loop3A_414 = arith.andi %parallel_loop3A_410, %parallel_loop3A_413 : vector<16xi1>
      %parallel_loop3A_415 = tpu.vector_load_idx %arg8[%broadcast_in_dim3A_0, %parallel_loop3A_407] masked %parallel_loop3A_414 : memref<1x20000xf32, #tpu.memory_space<vmem>>[vector<16xi32>, vector<16xi32>], vector<16xf32>, vector<16xi1>
      %parallel_loop3A_416 = arith.constant 16 : i32
      %parallel_loop3A_417 = arith.muli %parallel_loop3A_401, %parallel_loop3A_416 : i32
      %parallel_loop3A_418 = vector.broadcast %parallel_loop3A_417 : i32 to vector<16xi32>
      %parallel_loop3A_419 = arith.addi %parallel_loop3A_418, %iota3A : vector<16xi32>
      tpu.vector_store_idx %arg9[%parallel_loop3A_419], %parallel_loop3A_415 masked %parallel_loop3A_414 : memref<16384xf32, #tpu.memory_space<vmem>>[vector<16xi32>], vector<16xf32>, vector<16xi1>
    } {sc.loop_unroll_factor = 8 : i64, sc.parallel_access}
    %dma_wait3A_278 = arith.constant 80000 : i32
    %dma_wait3A_279 = tpu.memref_slice %arg4[%add3A_269, %dma_wait3A_278] : memref<64x100000xf32, #tpu.memory_space<hbm>> -> memref<1x20000xf32, #tpu.memory_space<hbm>>
    %dma_wait3A_280 = arith.constant 80000 : i32
    %dma_wait3A_281 = tpu.memref_slice %arg4[%add3A_269, %dma_wait3A_280] : memref<64x100000xf32, #tpu.memory_space<hbm>> -> memref<1x20000xf32, #tpu.memory_space<hbm>>
    tpu.wait_dma2 semaphore(%arg14 : memref<!tpu.dma_semaphore, #tpu.memory_space<semaphore_mem>>) src(%dma_wait3A_281 : memref<1x20000xf32, #tpu.memory_space<hbm>>) dst(%arg7 : memref<1x20000xf32, #tpu.memory_space<vmem>>)
    %mul3A_282 = arith.constant 32 : i32
    %mul3A_283 = arith.muli %arg0, %mul3A_282 : i32
    %mul3A_284 = arith.constant 2 : i32
    %mul3A_285 = arith.muli %arg1, %mul3A_284 : i32
    %add3A_286 = arith.addi %mul3A_283, %mul3A_285 : i32
    %add3A_287 = arith.constant 1 : i32
    %add3A_288 = arith.addi %add3A_286, %add3A_287 : i32
    %dma_start3A_289 = arith.constant 0 : i32
    %dma_start3A_290 = tpu.memref_slice %arg5[%add3A_288, %dma_start3A_289] : memref<64x100000xf32, #tpu.memory_space<hbm>> -> memref<1x20000xf32, #tpu.memory_space<hbm>>
    %dma_start3A_291 = arith.constant 0 : i32
    %dma_start3A_292 = tpu.memref_slice %arg5[%add3A_288, %dma_start3A_291] : memref<64x100000xf32, #tpu.memory_space<hbm>> -> memref<1x20000xf32, #tpu.memory_space<hbm>>
    tpu.enqueue_dma source(%dma_start3A_292 : memref<1x20000xf32, #tpu.memory_space<hbm>>) target(%arg8 : memref<1x20000xf32, #tpu.memory_space<vmem>>) target_semaphore(%arg15 : memref<!tpu.dma_semaphore, #tpu.memory_space<semaphore_mem>>)
    %parallel_loop3A_293 = arith.constant 0 : i32
    %parallel_loop3A_294 = arith.constant 1024 : i32
    %parallel_loop3A_295 = arith.constant 1 : i32
    %parallel_loop3A_296 = arith.constant 80000 : i32
    scf.for %parallel_loop3A_401 = %parallel_loop3A_293 to %parallel_loop3A_294 step %parallel_loop3A_295  : i32 {
      %parallel_loop3A_402 = arith.constant 16 : i32
      %parallel_loop3A_403 = arith.muli %parallel_loop3A_401, %parallel_loop3A_402 : i32
      %parallel_loop3A_404 = arith.index_cast %parallel_loop3A_403 : i32 to index
      %parallel_loop3A_405 = tpu.vector_load %arg11[%parallel_loop3A_404] {strides = array<i32>} : memref<16384xi32, #tpu.memory_space<vmem>>, vector<16xi32>,
      %parallel_loop3A_406 = vector.broadcast %parallel_loop3A_296 : i32 to vector<16xi32>
      %parallel_loop3A_407 = arith.subi %parallel_loop3A_405, %parallel_loop3A_406 : vector<16xi32>
      %parallel_loop3A_408 = arith.constant 0 : i32
      %parallel_loop3A_409 = vector.broadcast %parallel_loop3A_408 : i32 to vector<16xi32>
      %parallel_loop3A_410 = arith.cmpi sge, %parallel_loop3A_407, %parallel_loop3A_409 : vector<16xi32>
      %parallel_loop3A_411 = arith.constant 20000 : i32
      %parallel_loop3A_412 = vector.broadcast %parallel_loop3A_411 : i32 to vector<16xi32>
      %parallel_loop3A_413 = arith.cmpi slt, %parallel_loop3A_407, %parallel_loop3A_412 : vector<16xi32>
      %parallel_loop3A_414 = arith.andi %parallel_loop3A_410, %parallel_loop3A_413 : vector<16xi1>
      %parallel_loop3A_415 = tpu.vector_load_idx %arg7[%broadcast_in_dim3A_0, %parallel_loop3A_407] masked %parallel_loop3A_414 : memref<1x20000xf32, #tpu.memory_space<vmem>>[vector<16xi32>, vector<16xi32>], vector<16xf32>, vector<16xi1>
      %parallel_loop3A_416 = arith.constant 16 : i32
      %parallel_loop3A_417 = arith.muli %parallel_loop3A_401, %parallel_loop3A_416 : i32
      %parallel_loop3A_418 = vector.broadcast %parallel_loop3A_417 : i32 to vector<16xi32>
      %parallel_loop3A_419 = arith.addi %parallel_loop3A_418, %iota3A : vector<16xi32>
      tpu.vector_store_idx %arg9[%parallel_loop3A_419], %parallel_loop3A_415 masked %parallel_loop3A_414 : memref<16384xf32, #tpu.memory_space<vmem>>[vector<16xi32>], vector<16xf32>, vector<16xi1>
    } {sc.loop_unroll_factor = 8 : i64, sc.parallel_access}
    %dma_wait3A_297 = arith.constant 0 : i32
    %dma_wait3A_298 = tpu.memref_slice %arg5[%add3A_288, %dma_wait3A_297] : memref<64x100000xf32, #tpu.memory_space<hbm>> -> memref<1x20000xf32, #tpu.memory_space<hbm>>
    %dma_wait3A_299 = arith.constant 0 : i32
    %dma_wait3A_300 = tpu.memref_slice %arg5[%add3A_288, %dma_wait3A_299] : memref<64x100000xf32, #tpu.memory_space<hbm>> -> memref<1x20000xf32, #tpu.memory_space<hbm>>
    tpu.wait_dma2 semaphore(%arg15 : memref<!tpu.dma_semaphore, #tpu.memory_space<semaphore_mem>>) src(%dma_wait3A_300 : memref<1x20000xf32, #tpu.memory_space<hbm>>) dst(%arg8 : memref<1x20000xf32, #tpu.memory_space<vmem>>)
    %mul3A_301 = arith.constant 32 : i32
    %mul3A_302 = arith.muli %arg0, %mul3A_301 : i32
    %mul3A_303 = arith.constant 2 : i32
    %mul3A_304 = arith.muli %arg1, %mul3A_303 : i32
    %add3A_305 = arith.addi %mul3A_302, %mul3A_304 : i32
    %add3A_306 = arith.constant 1 : i32
    %add3A_307 = arith.addi %add3A_305, %add3A_306 : i32
    %dma_start3A_308 = arith.constant 20000 : i32
    %dma_start3A_309 = tpu.memref_slice %arg5[%add3A_307, %dma_start3A_308] : memref<64x100000xf32, #tpu.memory_space<hbm>> -> memref<1x20000xf32, #tpu.memory_space<hbm>>
    %dma_start3A_310 = arith.constant 20000 : i32
    %dma_start3A_311 = tpu.memref_slice %arg5[%add3A_307, %dma_start3A_310] : memref<64x100000xf32, #tpu.memory_space<hbm>> -> memref<1x20000xf32, #tpu.memory_space<hbm>>
    tpu.enqueue_dma source(%dma_start3A_311 : memref<1x20000xf32, #tpu.memory_space<hbm>>) target(%arg7 : memref<1x20000xf32, #tpu.memory_space<vmem>>) target_semaphore(%arg14 : memref<!tpu.dma_semaphore, #tpu.memory_space<semaphore_mem>>)
    %parallel_loop3A_312 = arith.constant 0 : i32
    %parallel_loop3A_313 = arith.constant 1024 : i32
    %parallel_loop3A_314 = arith.constant 1 : i32
    %parallel_loop3A_315 = arith.constant 0 : i32
    scf.for %parallel_loop3A_401 = %parallel_loop3A_312 to %parallel_loop3A_313 step %parallel_loop3A_314  : i32 {
      %parallel_loop3A_402 = arith.constant 16 : i32
      %parallel_loop3A_403 = arith.muli %parallel_loop3A_401, %parallel_loop3A_402 : i32
      %parallel_loop3A_404 = arith.index_cast %parallel_loop3A_403 : i32 to index
      %parallel_loop3A_405 = tpu.vector_load %arg12[%parallel_loop3A_404] {strides = array<i32>} : memref<16384xi32, #tpu.memory_space<vmem>>, vector<16xi32>,
      %parallel_loop3A_406 = vector.broadcast %parallel_loop3A_315 : i32 to vector<16xi32>
      %parallel_loop3A_407 = arith.subi %parallel_loop3A_405, %parallel_loop3A_406 : vector<16xi32>
      %parallel_loop3A_408 = arith.constant 0 : i32
      %parallel_loop3A_409 = vector.broadcast %parallel_loop3A_408 : i32 to vector<16xi32>
      %parallel_loop3A_410 = arith.cmpi sge, %parallel_loop3A_407, %parallel_loop3A_409 : vector<16xi32>
      %parallel_loop3A_411 = arith.constant 20000 : i32
      %parallel_loop3A_412 = vector.broadcast %parallel_loop3A_411 : i32 to vector<16xi32>
      %parallel_loop3A_413 = arith.cmpi slt, %parallel_loop3A_407, %parallel_loop3A_412 : vector<16xi32>
      %parallel_loop3A_414 = arith.andi %parallel_loop3A_410, %parallel_loop3A_413 : vector<16xi1>
      %parallel_loop3A_415 = tpu.vector_load_idx %arg8[%broadcast_in_dim3A_0, %parallel_loop3A_407] masked %parallel_loop3A_414 : memref<1x20000xf32, #tpu.memory_space<vmem>>[vector<16xi32>, vector<16xi32>], vector<16xf32>, vector<16xi1>
      %parallel_loop3A_416 = arith.constant 16 : i32
      %parallel_loop3A_417 = arith.muli %parallel_loop3A_401, %parallel_loop3A_416 : i32
      %parallel_loop3A_418 = arith.index_cast %parallel_loop3A_417 : i32 to index
      %parallel_loop3A_419 = tpu.vector_load %arg9[%parallel_loop3A_418] {strides = array<i32>} : memref<16384xf32, #tpu.memory_space<vmem>>, vector<16xf32>,
      %parallel_loop3A_420 = arith.constant 16 : i32
      %parallel_loop3A_421 = arith.muli %parallel_loop3A_401, %parallel_loop3A_420 : i32
      %parallel_loop3A_422 = vector.broadcast %parallel_loop3A_421 : i32 to vector<16xi32>
      %parallel_loop3A_423 = arith.addi %parallel_loop3A_422, %iota3A : vector<16xi32>
      %parallel_loop3A_424 = arith.mulf %parallel_loop3A_415, %parallel_loop3A_419 : vector<16xf32>
      tpu.vector_store_idx %arg10[%parallel_loop3A_423], %parallel_loop3A_424 masked %parallel_loop3A_414 {add = true} : memref<16384xf32, #tpu.memory_space<vmem>>[vector<16xi32>], vector<16xf32>, vector<16xi1>
    } {sc.loop_unroll_factor = 8 : i64, sc.parallel_access}
    %dma_wait3A_316 = arith.constant 20000 : i32
    %dma_wait3A_317 = tpu.memref_slice %arg5[%add3A_307, %dma_wait3A_316] : memref<64x100000xf32, #tpu.memory_space<hbm>> -> memref<1x20000xf32, #tpu.memory_space<hbm>>
    %dma_wait3A_318 = arith.constant 20000 : i32
    %dma_wait3A_319 = tpu.memref_slice %arg5[%add3A_307, %dma_wait3A_318] : memref<64x100000xf32, #tpu.memory_space<hbm>> -> memref<1x20000xf32, #tpu.memory_space<hbm>>
    tpu.wait_dma2 semaphore(%arg14 : memref<!tpu.dma_semaphore, #tpu.memory_space<semaphore_mem>>) src(%dma_wait3A_319 : memref<1x20000xf32, #tpu.memory_space<hbm>>) dst(%arg7 : memref<1x20000xf32, #tpu.memory_space<vmem>>)
    %mul3A_320 = arith.constant 32 : i32
    %mul3A_321 = arith.muli %arg0, %mul3A_320 : i32
    %mul3A_322 = arith.constant 2 : i32
    %mul3A_323 = arith.muli %arg1, %mul3A_322 : i32
    %add3A_324 = arith.addi %mul3A_321, %mul3A_323 : i32
    %add3A_325 = arith.constant 1 : i32
    %add3A_326 = arith.addi %add3A_324, %add3A_325 : i32
    %dma_start3A_327 = arith.constant 40000 : i32
    %dma_start3A_328 = tpu.memref_slice %arg5[%add3A_326, %dma_start3A_327] : memref<64x100000xf32, #tpu.memory_space<hbm>> -> memref<1x20000xf32, #tpu.memory_space<hbm>>
    %dma_start3A_329 = arith.constant 40000 : i32
    %dma_start3A_330 = tpu.memref_slice %arg5[%add3A_326, %dma_start3A_329] : memref<64x100000xf32, #tpu.memory_space<hbm>> -> memref<1x20000xf32, #tpu.memory_space<hbm>>
    tpu.enqueue_dma source(%dma_start3A_330 : memref<1x20000xf32, #tpu.memory_space<hbm>>) target(%arg8 : memref<1x20000xf32, #tpu.memory_space<vmem>>) target_semaphore(%arg15 : memref<!tpu.dma_semaphore, #tpu.memory_space<semaphore_mem>>)
    %parallel_loop3A_331 = arith.constant 0 : i32
    %parallel_loop3A_332 = arith.constant 1024 : i32
    %parallel_loop3A_333 = arith.constant 1 : i32
    %parallel_loop3A_334 = arith.constant 20000 : i32
    scf.for %parallel_loop3A_401 = %parallel_loop3A_331 to %parallel_loop3A_332 step %parallel_loop3A_333  : i32 {
      %parallel_loop3A_402 = arith.constant 16 : i32
      %parallel_loop3A_403 = arith.muli %parallel_loop3A_401, %parallel_loop3A_402 : i32
      %parallel_loop3A_404 = arith.index_cast %parallel_loop3A_403 : i32 to index
      %parallel_loop3A_405 = tpu.vector_load %arg12[%parallel_loop3A_404] {strides = array<i32>} : memref<16384xi32, #tpu.memory_space<vmem>>, vector<16xi32>,
      %parallel_loop3A_406 = vector.broadcast %parallel_loop3A_334 : i32 to vector<16xi32>
      %parallel_loop3A_407 = arith.subi %parallel_loop3A_405, %parallel_loop3A_406 : vector<16xi32>
      %parallel_loop3A_408 = arith.constant 0 : i32
      %parallel_loop3A_409 = vector.broadcast %parallel_loop3A_408 : i32 to vector<16xi32>
      %parallel_loop3A_410 = arith.cmpi sge, %parallel_loop3A_407, %parallel_loop3A_409 : vector<16xi32>
      %parallel_loop3A_411 = arith.constant 20000 : i32
      %parallel_loop3A_412 = vector.broadcast %parallel_loop3A_411 : i32 to vector<16xi32>
      %parallel_loop3A_413 = arith.cmpi slt, %parallel_loop3A_407, %parallel_loop3A_412 : vector<16xi32>
      %parallel_loop3A_414 = arith.andi %parallel_loop3A_410, %parallel_loop3A_413 : vector<16xi1>
      %parallel_loop3A_415 = tpu.vector_load_idx %arg7[%broadcast_in_dim3A_0, %parallel_loop3A_407] masked %parallel_loop3A_414 : memref<1x20000xf32, #tpu.memory_space<vmem>>[vector<16xi32>, vector<16xi32>], vector<16xf32>, vector<16xi1>
      %parallel_loop3A_416 = arith.constant 16 : i32
      %parallel_loop3A_417 = arith.muli %parallel_loop3A_401, %parallel_loop3A_416 : i32
      %parallel_loop3A_418 = arith.index_cast %parallel_loop3A_417 : i32 to index
      %parallel_loop3A_419 = tpu.vector_load %arg9[%parallel_loop3A_418] {strides = array<i32>} : memref<16384xf32, #tpu.memory_space<vmem>>, vector<16xf32>,
      %parallel_loop3A_420 = arith.constant 16 : i32
      %parallel_loop3A_421 = arith.muli %parallel_loop3A_401, %parallel_loop3A_420 : i32
      %parallel_loop3A_422 = vector.broadcast %parallel_loop3A_421 : i32 to vector<16xi32>
      %parallel_loop3A_423 = arith.addi %parallel_loop3A_422, %iota3A : vector<16xi32>
      %parallel_loop3A_424 = arith.mulf %parallel_loop3A_415, %parallel_loop3A_419 : vector<16xf32>
      tpu.vector_store_idx %arg10[%parallel_loop3A_423], %parallel_loop3A_424 masked %parallel_loop3A_414 {add = true} : memref<16384xf32, #tpu.memory_space<vmem>>[vector<16xi32>], vector<16xf32>, vector<16xi1>
    } {sc.loop_unroll_factor = 8 : i64, sc.parallel_access}
    %dma_wait3A_335 = arith.constant 40000 : i32
    %dma_wait3A_336 = tpu.memref_slice %arg5[%add3A_326, %dma_wait3A_335] : memref<64x100000xf32, #tpu.memory_space<hbm>> -> memref<1x20000xf32, #tpu.memory_space<hbm>>
    %dma_wait3A_337 = arith.constant 40000 : i32
    %dma_wait3A_338 = tpu.memref_slice %arg5[%add3A_326, %dma_wait3A_337] : memref<64x100000xf32, #tpu.memory_space<hbm>> -> memref<1x20000xf32, #tpu.memory_space<hbm>>
    tpu.wait_dma2 semaphore(%arg15 : memref<!tpu.dma_semaphore, #tpu.memory_space<semaphore_mem>>) src(%dma_wait3A_338 : memref<1x20000xf32, #tpu.memory_space<hbm>>) dst(%arg8 : memref<1x20000xf32, #tpu.memory_space<vmem>>)
    %mul3A_339 = arith.constant 32 : i32
    %mul3A_340 = arith.muli %arg0, %mul3A_339 : i32
    %mul3A_341 = arith.constant 2 : i32
    %mul3A_342 = arith.muli %arg1, %mul3A_341 : i32
    %add3A_343 = arith.addi %mul3A_340, %mul3A_342 : i32
    %add3A_344 = arith.constant 1 : i32
    %add3A_345 = arith.addi %add3A_343, %add3A_344 : i32
    %dma_start3A_346 = arith.constant 60000 : i32
    %dma_start3A_347 = tpu.memref_slice %arg5[%add3A_345, %dma_start3A_346] : memref<64x100000xf32, #tpu.memory_space<hbm>> -> memref<1x20000xf32, #tpu.memory_space<hbm>>
    %dma_start3A_348 = arith.constant 60000 : i32
    %dma_start3A_349 = tpu.memref_slice %arg5[%add3A_345, %dma_start3A_348] : memref<64x100000xf32, #tpu.memory_space<hbm>> -> memref<1x20000xf32, #tpu.memory_space<hbm>>
    tpu.enqueue_dma source(%dma_start3A_349 : memref<1x20000xf32, #tpu.memory_space<hbm>>) target(%arg7 : memref<1x20000xf32, #tpu.memory_space<vmem>>) target_semaphore(%arg14 : memref<!tpu.dma_semaphore, #tpu.memory_space<semaphore_mem>>)
    %parallel_loop3A_350 = arith.constant 0 : i32
    %parallel_loop3A_351 = arith.constant 1024 : i32
    %parallel_loop3A_352 = arith.constant 1 : i32
    %parallel_loop3A_353 = arith.constant 40000 : i32
    scf.for %parallel_loop3A_401 = %parallel_loop3A_350 to %parallel_loop3A_351 step %parallel_loop3A_352  : i32 {
      %parallel_loop3A_402 = arith.constant 16 : i32
      %parallel_loop3A_403 = arith.muli %parallel_loop3A_401, %parallel_loop3A_402 : i32
      %parallel_loop3A_404 = arith.index_cast %parallel_loop3A_403 : i32 to index
      %parallel_loop3A_405 = tpu.vector_load %arg12[%parallel_loop3A_404] {strides = array<i32>} : memref<16384xi32, #tpu.memory_space<vmem>>, vector<16xi32>,
      %parallel_loop3A_406 = vector.broadcast %parallel_loop3A_353 : i32 to vector<16xi32>
      %parallel_loop3A_407 = arith.subi %parallel_loop3A_405, %parallel_loop3A_406 : vector<16xi32>
      %parallel_loop3A_408 = arith.constant 0 : i32
      %parallel_loop3A_409 = vector.broadcast %parallel_loop3A_408 : i32 to vector<16xi32>
      %parallel_loop3A_410 = arith.cmpi sge, %parallel_loop3A_407, %parallel_loop3A_409 : vector<16xi32>
      %parallel_loop3A_411 = arith.constant 20000 : i32
      %parallel_loop3A_412 = vector.broadcast %parallel_loop3A_411 : i32 to vector<16xi32>
      %parallel_loop3A_413 = arith.cmpi slt, %parallel_loop3A_407, %parallel_loop3A_412 : vector<16xi32>
      %parallel_loop3A_414 = arith.andi %parallel_loop3A_410, %parallel_loop3A_413 : vector<16xi1>
      %parallel_loop3A_415 = tpu.vector_load_idx %arg8[%broadcast_in_dim3A_0, %parallel_loop3A_407] masked %parallel_loop3A_414 : memref<1x20000xf32, #tpu.memory_space<vmem>>[vector<16xi32>, vector<16xi32>], vector<16xf32>, vector<16xi1>
      %parallel_loop3A_416 = arith.constant 16 : i32
      %parallel_loop3A_417 = arith.muli %parallel_loop3A_401, %parallel_loop3A_416 : i32
      %parallel_loop3A_418 = arith.index_cast %parallel_loop3A_417 : i32 to index
      %parallel_loop3A_419 = tpu.vector_load %arg9[%parallel_loop3A_418] {strides = array<i32>} : memref<16384xf32, #tpu.memory_space<vmem>>, vector<16xf32>,
      %parallel_loop3A_420 = arith.constant 16 : i32
      %parallel_loop3A_421 = arith.muli %parallel_loop3A_401, %parallel_loop3A_420 : i32
      %parallel_loop3A_422 = vector.broadcast %parallel_loop3A_421 : i32 to vector<16xi32>
      %parallel_loop3A_423 = arith.addi %parallel_loop3A_422, %iota3A : vector<16xi32>
      %parallel_loop3A_424 = arith.mulf %parallel_loop3A_415, %parallel_loop3A_419 : vector<16xf32>
      tpu.vector_store_idx %arg10[%parallel_loop3A_423], %parallel_loop3A_424 masked %parallel_loop3A_414 {add = true} : memref<16384xf32, #tpu.memory_space<vmem>>[vector<16xi32>], vector<16xf32>, vector<16xi1>
    } {sc.loop_unroll_factor = 8 : i64, sc.parallel_access}
    %dma_wait3A_354 = arith.constant 60000 : i32
    %dma_wait3A_355 = tpu.memref_slice %arg5[%add3A_345, %dma_wait3A_354] : memref<64x100000xf32, #tpu.memory_space<hbm>> -> memref<1x20000xf32, #tpu.memory_space<hbm>>
    %dma_wait3A_356 = arith.constant 60000 : i32
    %dma_wait3A_357 = tpu.memref_slice %arg5[%add3A_345, %dma_wait3A_356] : memref<64x100000xf32, #tpu.memory_space<hbm>> -> memref<1x20000xf32, #tpu.memory_space<hbm>>
    tpu.wait_dma2 semaphore(%arg14 : memref<!tpu.dma_semaphore, #tpu.memory_space<semaphore_mem>>) src(%dma_wait3A_357 : memref<1x20000xf32, #tpu.memory_space<hbm>>) dst(%arg7 : memref<1x20000xf32, #tpu.memory_space<vmem>>)
    %mul3A_358 = arith.constant 32 : i32
    %mul3A_359 = arith.muli %arg0, %mul3A_358 : i32
    %mul3A_360 = arith.constant 2 : i32
    %mul3A_361 = arith.muli %arg1, %mul3A_360 : i32
    %add3A_362 = arith.addi %mul3A_359, %mul3A_361 : i32
    %add3A_363 = arith.constant 1 : i32
    %add3A_364 = arith.addi %add3A_362, %add3A_363 : i32
    %dma_start3A_365 = arith.constant 80000 : i32
    %dma_start3A_366 = tpu.memref_slice %arg5[%add3A_364, %dma_start3A_365] : memref<64x100000xf32, #tpu.memory_space<hbm>> -> memref<1x20000xf32, #tpu.memory_space<hbm>>
    %dma_start3A_367 = arith.constant 80000 : i32
    %dma_start3A_368 = tpu.memref_slice %arg5[%add3A_364, %dma_start3A_367] : memref<64x100000xf32, #tpu.memory_space<hbm>> -> memref<1x20000xf32, #tpu.memory_space<hbm>>
    tpu.enqueue_dma source(%dma_start3A_368 : memref<1x20000xf32, #tpu.memory_space<hbm>>) target(%arg8 : memref<1x20000xf32, #tpu.memory_space<vmem>>) target_semaphore(%arg15 : memref<!tpu.dma_semaphore, #tpu.memory_space<semaphore_mem>>)
    %parallel_loop3A_369 = arith.constant 0 : i32
    %parallel_loop3A_370 = arith.constant 1024 : i32
    %parallel_loop3A_371 = arith.constant 1 : i32
    %parallel_loop3A_372 = arith.constant 60000 : i32
    scf.for %parallel_loop3A_401 = %parallel_loop3A_369 to %parallel_loop3A_370 step %parallel_loop3A_371  : i32 {
      %parallel_loop3A_402 = arith.constant 16 : i32
      %parallel_loop3A_403 = arith.muli %parallel_loop3A_401, %parallel_loop3A_402 : i32
      %parallel_loop3A_404 = arith.index_cast %parallel_loop3A_403 : i32 to index
      %parallel_loop3A_405 = tpu.vector_load %arg12[%parallel_loop3A_404] {strides = array<i32>} : memref<16384xi32, #tpu.memory_space<vmem>>, vector<16xi32>,
      %parallel_loop3A_406 = vector.broadcast %parallel_loop3A_372 : i32 to vector<16xi32>
      %parallel_loop3A_407 = arith.subi %parallel_loop3A_405, %parallel_loop3A_406 : vector<16xi32>
      %parallel_loop3A_408 = arith.constant 0 : i32
      %parallel_loop3A_409 = vector.broadcast %parallel_loop3A_408 : i32 to vector<16xi32>
      %parallel_loop3A_410 = arith.cmpi sge, %parallel_loop3A_407, %parallel_loop3A_409 : vector<16xi32>
      %parallel_loop3A_411 = arith.constant 20000 : i32
      %parallel_loop3A_412 = vector.broadcast %parallel_loop3A_411 : i32 to vector<16xi32>
      %parallel_loop3A_413 = arith.cmpi slt, %parallel_loop3A_407, %parallel_loop3A_412 : vector<16xi32>
      %parallel_loop3A_414 = arith.andi %parallel_loop3A_410, %parallel_loop3A_413 : vector<16xi1>
      %parallel_loop3A_415 = tpu.vector_load_idx %arg7[%broadcast_in_dim3A_0, %parallel_loop3A_407] masked %parallel_loop3A_414 : memref<1x20000xf32, #tpu.memory_space<vmem>>[vector<16xi32>, vector<16xi32>], vector<16xf32>, vector<16xi1>
      %parallel_loop3A_416 = arith.constant 16 : i32
      %parallel_loop3A_417 = arith.muli %parallel_loop3A_401, %parallel_loop3A_416 : i32
      %parallel_loop3A_418 = arith.index_cast %parallel_loop3A_417 : i32 to index
      %parallel_loop3A_419 = tpu.vector_load %arg9[%parallel_loop3A_418] {strides = array<i32>} : memref<16384xf32, #tpu.memory_space<vmem>>, vector<16xf32>,
      %parallel_loop3A_420 = arith.constant 16 : i32
      %parallel_loop3A_421 = arith.muli %parallel_loop3A_401, %parallel_loop3A_420 : i32
      %parallel_loop3A_422 = vector.broadcast %parallel_loop3A_421 : i32 to vector<16xi32>
      %parallel_loop3A_423 = arith.addi %parallel_loop3A_422, %iota3A : vector<16xi32>
      %parallel_loop3A_424 = arith.mulf %parallel_loop3A_415, %parallel_loop3A_419 : vector<16xf32>
      tpu.vector_store_idx %arg10[%parallel_loop3A_423], %parallel_loop3A_424 masked %parallel_loop3A_414 {add = true} : memref<16384xf32, #tpu.memory_space<vmem>>[vector<16xi32>], vector<16xf32>, vector<16xi1>
    } {sc.loop_unroll_factor = 8 : i64, sc.parallel_access}
    %dma_wait3A_373 = arith.constant 80000 : i32
    %dma_wait3A_374 = tpu.memref_slice %arg5[%add3A_364, %dma_wait3A_373] : memref<64x100000xf32, #tpu.memory_space<hbm>> -> memref<1x20000xf32, #tpu.memory_space<hbm>>
    %dma_wait3A_375 = arith.constant 80000 : i32
    %dma_wait3A_376 = tpu.memref_slice %arg5[%add3A_364, %dma_wait3A_375] : memref<64x100000xf32, #tpu.memory_space<hbm>> -> memref<1x20000xf32, #tpu.memory_space<hbm>>
    tpu.wait_dma2 semaphore(%arg15 : memref<!tpu.dma_semaphore, #tpu.memory_space<semaphore_mem>>) src(%dma_wait3A_376 : memref<1x20000xf32, #tpu.memory_space<hbm>>) dst(%arg8 : memref<1x20000xf32, #tpu.memory_space<vmem>>)
    %parallel_loop3A_377 = arith.constant 0 : i32
    %parallel_loop3A_378 = arith.constant 1024 : i32
    %parallel_loop3A_379 = arith.constant 1 : i32
    %parallel_loop3A_380 = arith.constant 80000 : i32
    scf.for %parallel_loop3A_401 = %parallel_loop3A_377 to %parallel_loop3A_378 step %parallel_loop3A_379  : i32 {
      %parallel_loop3A_402 = arith.constant 16 : i32
      %parallel_loop3A_403 = arith.muli %parallel_loop3A_401, %parallel_loop3A_402 : i32
      %parallel_loop3A_404 = arith.index_cast %parallel_loop3A_403 : i32 to index
      %parallel_loop3A_405 = tpu.vector_load %arg12[%parallel_loop3A_404] {strides = array<i32>} : memref<16384xi32, #tpu.memory_space<vmem>>, vector<16xi32>,
      %parallel_loop3A_406 = vector.broadcast %parallel_loop3A_380 : i32 to vector<16xi32>
      %parallel_loop3A_407 = arith.subi %parallel_loop3A_405, %parallel_loop3A_406 : vector<16xi32>
      %parallel_loop3A_408 = arith.constant 0 : i32
      %parallel_loop3A_409 = vector.broadcast %parallel_loop3A_408 : i32 to vector<16xi32>
      %parallel_loop3A_410 = arith.cmpi sge, %parallel_loop3A_407, %parallel_loop3A_409 : vector<16xi32>
      %parallel_loop3A_411 = arith.constant 20000 : i32
      %parallel_loop3A_412 = vector.broadcast %parallel_loop3A_411 : i32 to vector<16xi32>
      %parallel_loop3A_413 = arith.cmpi slt, %parallel_loop3A_407, %parallel_loop3A_412 : vector<16xi32>
      %parallel_loop3A_414 = arith.andi %parallel_loop3A_410, %parallel_loop3A_413 : vector<16xi1>
      %parallel_loop3A_415 = tpu.vector_load_idx %arg8[%broadcast_in_dim3A_0, %parallel_loop3A_407] masked %parallel_loop3A_414 : memref<1x20000xf32, #tpu.memory_space<vmem>>[vector<16xi32>, vector<16xi32>], vector<16xf32>, vector<16xi1>
      %parallel_loop3A_416 = arith.constant 16 : i32
      %parallel_loop3A_417 = arith.muli %parallel_loop3A_401, %parallel_loop3A_416 : i32
      %parallel_loop3A_418 = arith.index_cast %parallel_loop3A_417 : i32 to index
      %parallel_loop3A_419 = tpu.vector_load %arg9[%parallel_loop3A_418] {strides = array<i32>} : memref<16384xf32, #tpu.memory_space<vmem>>, vector<16xf32>,
      %parallel_loop3A_420 = arith.constant 16 : i32
      %parallel_loop3A_421 = arith.muli %parallel_loop3A_401, %parallel_loop3A_420 : i32
      %parallel_loop3A_422 = vector.broadcast %parallel_loop3A_421 : i32 to vector<16xi32>
      %parallel_loop3A_423 = arith.addi %parallel_loop3A_422, %iota3A : vector<16xi32>
      %parallel_loop3A_424 = arith.mulf %parallel_loop3A_415, %parallel_loop3A_419 : vector<16xf32>
      tpu.vector_store_idx %arg10[%parallel_loop3A_423], %parallel_loop3A_424 masked %parallel_loop3A_414 {add = true} : memref<16384xf32, #tpu.memory_space<vmem>>[vector<16xi32>], vector<16xf32>, vector<16xi1>
    } {sc.loop_unroll_factor = 8 : i64, sc.parallel_access}
    "tpu.region"() ({
      %run_scoped3A_401 = tpu.sem_alloc : memref<!tpu.dma_semaphore, #tpu.memory_space<semaphore_mem>>
      %dma_start3A_402 = arith.constant 0 : i32
      %dma_start3A_403 = tpu.memref_slice %arg13[%arg1, %dma_start3A_402] : memref<16x16384xf32, #tpu.memory_space<vmem_shared>> -> memref<1x16384xf32, #tpu.memory_space<vmem_shared>>
      %dma_start3A_404 = tpu.memref_squeeze %dma_start3A_403 : memref<1x16384xf32, #tpu.memory_space<vmem_shared>> -> memref<16384xf32, #tpu.memory_space<vmem_shared>>
      %dma_start3A_405 = arith.constant 0 : i32
      %dma_start3A_406 = tpu.memref_slice %arg13[%arg1, %dma_start3A_405] : memref<16x16384xf32, #tpu.memory_space<vmem_shared>> -> memref<1x16384xf32, #tpu.memory_space<vmem_shared>>
      %dma_start3A_407 = tpu.memref_squeeze %dma_start3A_406 : memref<1x16384xf32, #tpu.memory_space<vmem_shared>> -> memref<16384xf32, #tpu.memory_space<vmem_shared>>
      tpu.enqueue_dma source(%arg10 : memref<16384xf32, #tpu.memory_space<vmem>>) target(%dma_start3A_407 : memref<16384xf32, #tpu.memory_space<vmem_shared>>) target_semaphore(%run_scoped3A_401 : memref<!tpu.dma_semaphore, #tpu.memory_space<semaphore_mem>>)
      %dma_wait3A_408 = arith.constant 0 : i32
      %dma_wait3A_409 = tpu.memref_slice %arg13[%arg1, %dma_wait3A_408] : memref<16x16384xf32, #tpu.memory_space<vmem_shared>> -> memref<1x16384xf32, #tpu.memory_space<vmem_shared>>
      %dma_wait3A_410 = tpu.memref_squeeze %dma_wait3A_409 : memref<1x16384xf32, #tpu.memory_space<vmem_shared>> -> memref<16384xf32, #tpu.memory_space<vmem_shared>>
      %dma_wait3A_411 = arith.constant 0 : i32
      %dma_wait3A_412 = tpu.memref_slice %arg13[%arg1, %dma_wait3A_411] : memref<16x16384xf32, #tpu.memory_space<vmem_shared>> -> memref<1x16384xf32, #tpu.memory_space<vmem_shared>>
      %dma_wait3A_413 = tpu.memref_squeeze %dma_wait3A_412 : memref<1x16384xf32, #tpu.memory_space<vmem_shared>> -> memref<16384xf32, #tpu.memory_space<vmem_shared>>
      tpu.wait_dma2 semaphore(%run_scoped3A_401 : memref<!tpu.dma_semaphore, #tpu.memory_space<semaphore_mem>>) src(%arg10 : memref<16384xf32, #tpu.memory_space<vmem>>) dst(%dma_wait3A_413 : memref<16384xf32, #tpu.memory_space<vmem_shared>>)
      tpu.yield
    }) : () -> ()
    %barrier3A = arith.constant 0 : index
    tpu.barrier barrier_id(%barrier3A)
    %mul3A_381 = arith.constant 1024 : i32
    %mul3A_382 = arith.muli %arg1, %mul3A_381 : i32
    %run_scoped3A = arith.constant 0 : i32
    "tpu.region"() ({
      %run_scoped3A_401 = tpu.sem_alloc : memref<!tpu.dma_semaphore, #tpu.memory_space<semaphore_mem>>
      %dma_start3A_402 = arith.constant 0 : i32
      %dma_start3A_403 = tpu.memref_slice %arg9[%dma_start3A_402] : memref<16384xf32, #tpu.memory_space<vmem>> -> memref<1024xf32, #tpu.memory_space<vmem>>
      %dma_start3A_404 = tpu.memref_slice %arg13[%run_scoped3A, %mul3A_382] : memref<16x16384xf32, #tpu.memory_space<vmem_shared>> -> memref<1x1024xf32, #tpu.memory_space<vmem_shared>>
      %dma_start3A_405 = tpu.memref_squeeze %dma_start3A_404 : memref<1x1024xf32, #tpu.memory_space<vmem_shared>> -> memref<1024xf32, #tpu.memory_space<vmem_shared>>
      %dma_start3A_406 = arith.constant 0 : i32
      %dma_start3A_407 = tpu.memref_slice %arg9[%dma_start3A_406] : memref<16384xf32, #tpu.memory_space<vmem>> -> memref<1024xf32, #tpu.memory_space<vmem>>
      %dma_start3A_408 = tpu.memref_slice %arg13[%run_scoped3A, %mul3A_382] : memref<16x16384xf32, #tpu.memory_space<vmem_shared>> -> memref<1x1024xf32, #tpu.memory_space<vmem_shared>>
      %dma_start3A_409 = tpu.memref_squeeze %dma_start3A_408 : memref<1x1024xf32, #tpu.memory_space<vmem_shared>> -> memref<1024xf32, #tpu.memory_space<vmem_shared>>
      tpu.enqueue_dma source(%dma_start3A_409 : memref<1024xf32, #tpu.memory_space<vmem_shared>>) target(%dma_start3A_407 : memref<1024xf32, #tpu.memory_space<vmem>>) target_semaphore(%run_scoped3A_401 : memref<!tpu.dma_semaphore, #tpu.memory_space<semaphore_mem>>)
      %dma_wait3A_410 = arith.constant 0 : i32
      %dma_wait3A_411 = tpu.memref_slice %arg9[%dma_wait3A_410] : memref<16384xf32, #tpu.memory_space<vmem>> -> memref<1024xf32, #tpu.memory_space<vmem>>
      %dma_wait3A_412 = tpu.memref_slice %arg13[%run_scoped3A, %mul3A_382] : memref<16x16384xf32, #tpu.memory_space<vmem_shared>> -> memref<1x1024xf32, #tpu.memory_space<vmem_shared>>
      %dma_wait3A_413 = tpu.memref_squeeze %dma_wait3A_412 : memref<1x1024xf32, #tpu.memory_space<vmem_shared>> -> memref<1024xf32, #tpu.memory_space<vmem_shared>>
      %dma_wait3A_414 = arith.constant 0 : i32
      %dma_wait3A_415 = tpu.memref_slice %arg9[%dma_wait3A_414] : memref<16384xf32, #tpu.memory_space<vmem>> -> memref<1024xf32, #tpu.memory_space<vmem>>
      %dma_wait3A_416 = tpu.memref_slice %arg13[%run_scoped3A, %mul3A_382] : memref<16x16384xf32, #tpu.memory_space<vmem_shared>> -> memref<1x1024xf32, #tpu.memory_space<vmem_shared>>
      %dma_wait3A_417 = tpu.memref_squeeze %dma_wait3A_416 : memref<1x1024xf32, #tpu.memory_space<vmem_shared>> -> memref<1024xf32, #tpu.memory_space<vmem_shared>>
      tpu.wait_dma2 semaphore(%run_scoped3A_401 : memref<!tpu.dma_semaphore, #tpu.memory_space<semaphore_mem>>) src(%dma_wait3A_417 : memref<1024xf32, #tpu.memory_space<vmem_shared>>) dst(%dma_wait3A_415 : memref<1024xf32, #tpu.memory_space<vmem>>)
      tpu.yield
    }) : () -> ()
    %run_scoped3A_383 = arith.constant 1 : i32
    "tpu.region"() ({
      %run_scoped3A_401 = tpu.sem_alloc : memref<!tpu.dma_semaphore, #tpu.memory_space<semaphore_mem>>
      %dma_start3A_402 = arith.constant 1024 : i32
      %dma_start3A_403 = tpu.memref_slice %arg9[%dma_start3A_402] : memref<16384xf32, #tpu.memory_space<vmem>> -> memref<1024xf32, #tpu.memory_space<vmem>>
      %dma_start3A_404 = tpu.memref_slice %arg13[%run_scoped3A_383, %mul3A_382] : memref<16x16384xf32, #tpu.memory_space<vmem_shared>> -> memref<1x1024xf32, #tpu.memory_space<vmem_shared>>
      %dma_start3A_405 = tpu.memref_squeeze %dma_start3A_404 : memref<1x1024xf32, #tpu.memory_space<vmem_shared>> -> memref<1024xf32, #tpu.memory_space<vmem_shared>>
      %dma_start3A_406 = arith.constant 1024 : i32
      %dma_start3A_407 = tpu.memref_slice %arg9[%dma_start3A_406] : memref<16384xf32, #tpu.memory_space<vmem>> -> memref<1024xf32, #tpu.memory_space<vmem>>
      %dma_start3A_408 = tpu.memref_slice %arg13[%run_scoped3A_383, %mul3A_382] : memref<16x16384xf32, #tpu.memory_space<vmem_shared>> -> memref<1x1024xf32, #tpu.memory_space<vmem_shared>>
      %dma_start3A_409 = tpu.memref_squeeze %dma_start3A_408 : memref<1x1024xf32, #tpu.memory_space<vmem_shared>> -> memref<1024xf32, #tpu.memory_space<vmem_shared>>
      tpu.enqueue_dma source(%dma_start3A_409 : memref<1024xf32, #tpu.memory_space<vmem_shared>>) target(%dma_start3A_407 : memref<1024xf32, #tpu.memory_space<vmem>>) target_semaphore(%run_scoped3A_401 : memref<!tpu.dma_semaphore, #tpu.memory_space<semaphore_mem>>)
      %dma_wait3A_410 = arith.constant 1024 : i32
      %dma_wait3A_411 = tpu.memref_slice %arg9[%dma_wait3A_410] : memref<16384xf32, #tpu.memory_space<vmem>> -> memref<1024xf32, #tpu.memory_space<vmem>>
      %dma_wait3A_412 = tpu.memref_slice %arg13[%run_scoped3A_383, %mul3A_382] : memref<16x16384xf32, #tpu.memory_space<vmem_shared>> -> memref<1x1024xf32, #tpu.memory_space<vmem_shared>>
      %dma_wait3A_413 = tpu.memref_squeeze %dma_wait3A_412 : memref<1x1024xf32, #tpu.memory_space<vmem_shared>> -> memref<1024xf32, #tpu.memory_space<vmem_shared>>
      %dma_wait3A_414 = arith.constant 1024 : i32
      %dma_wait3A_415 = tpu.memref_slice %arg9[%dma_wait3A_414] : memref<16384xf32, #tpu.memory_space<vmem>> -> memref<1024xf32, #tpu.memory_space<vmem>>
      %dma_wait3A_416 = tpu.memref_slice %arg13[%run_scoped3A_383, %mul3A_382] : memref<16x16384xf32, #tpu.memory_space<vmem_shared>> -> memref<1x1024xf32, #tpu.memory_space<vmem_shared>>
      %dma_wait3A_417 = tpu.memref_squeeze %dma_wait3A_416 : memref<1x1024xf32, #tpu.memory_space<vmem_shared>> -> memref<1024xf32, #tpu.memory_space<vmem_shared>>
      tpu.wait_dma2 semaphore(%run_scoped3A_401 : memref<!tpu.dma_semaphore, #tpu.memory_space<semaphore_mem>>) src(%dma_wait3A_417 : memref<1024xf32, #tpu.memory_space<vmem_shared>>) dst(%dma_wait3A_415 : memref<1024xf32, #tpu.memory_space<vmem>>)
      tpu.yield
    }) : () -> ()
    %run_scoped3A_384 = arith.constant 2 : i32
    "tpu.region"() ({
      %run_scoped3A_401 = tpu.sem_alloc : memref<!tpu.dma_semaphore, #tpu.memory_space<semaphore_mem>>
      %dma_start3A_402 = arith.constant 2048 : i32
      %dma_start3A_403 = tpu.memref_slice %arg9[%dma_start3A_402] : memref<16384xf32, #tpu.memory_space<vmem>> -> memref<1024xf32, #tpu.memory_space<vmem>>
      %dma_start3A_404 = tpu.memref_slice %arg13[%run_scoped3A_384, %mul3A_382] : memref<16x16384xf32, #tpu.memory_space<vmem_shared>> -> memref<1x1024xf32, #tpu.memory_space<vmem_shared>>
      %dma_start3A_405 = tpu.memref_squeeze %dma_start3A_404 : memref<1x1024xf32, #tpu.memory_space<vmem_shared>> -> memref<1024xf32, #tpu.memory_space<vmem_shared>>
      %dma_start3A_406 = arith.constant 2048 : i32
      %dma_start3A_407 = tpu.memref_slice %arg9[%dma_start3A_406] : memref<16384xf32, #tpu.memory_space<vmem>> -> memref<1024xf32, #tpu.memory_space<vmem>>
      %dma_start3A_408 = tpu.memref_slice %arg13[%run_scoped3A_384, %mul3A_382] : memref<16x16384xf32, #tpu.memory_space<vmem_shared>> -> memref<1x1024xf32, #tpu.memory_space<vmem_shared>>
      %dma_start3A_409 = tpu.memref_squeeze %dma_start3A_408 : memref<1x1024xf32, #tpu.memory_space<vmem_shared>> -> memref<1024xf32, #tpu.memory_space<vmem_shared>>
      tpu.enqueue_dma source(%dma_start3A_409 : memref<1024xf32, #tpu.memory_space<vmem_shared>>) target(%dma_start3A_407 : memref<1024xf32, #tpu.memory_space<vmem>>) target_semaphore(%run_scoped3A_401 : memref<!tpu.dma_semaphore, #tpu.memory_space<semaphore_mem>>)
      %dma_wait3A_410 = arith.constant 2048 : i32
      %dma_wait3A_411 = tpu.memref_slice %arg9[%dma_wait3A_410] : memref<16384xf32, #tpu.memory_space<vmem>> -> memref<1024xf32, #tpu.memory_space<vmem>>
      %dma_wait3A_412 = tpu.memref_slice %arg13[%run_scoped3A_384, %mul3A_382] : memref<16x16384xf32, #tpu.memory_space<vmem_shared>> -> memref<1x1024xf32, #tpu.memory_space<vmem_shared>>
      %dma_wait3A_413 = tpu.memref_squeeze %dma_wait3A_412 : memref<1x1024xf32, #tpu.memory_space<vmem_shared>> -> memref<1024xf32, #tpu.memory_space<vmem_shared>>
      %dma_wait3A_414 = arith.constant 2048 : i32
      %dma_wait3A_415 = tpu.memref_slice %arg9[%dma_wait3A_414] : memref<16384xf32, #tpu.memory_space<vmem>> -> memref<1024xf32, #tpu.memory_space<vmem>>
      %dma_wait3A_416 = tpu.memref_slice %arg13[%run_scoped3A_384, %mul3A_382] : memref<16x16384xf32, #tpu.memory_space<vmem_shared>> -> memref<1x1024xf32, #tpu.memory_space<vmem_shared>>
      %dma_wait3A_417 = tpu.memref_squeeze %dma_wait3A_416 : memref<1x1024xf32, #tpu.memory_space<vmem_shared>> -> memref<1024xf32, #tpu.memory_space<vmem_shared>>
      tpu.wait_dma2 semaphore(%run_scoped3A_401 : memref<!tpu.dma_semaphore, #tpu.memory_space<semaphore_mem>>) src(%dma_wait3A_417 : memref<1024xf32, #tpu.memory_space<vmem_shared>>) dst(%dma_wait3A_415 : memref<1024xf32, #tpu.memory_space<vmem>>)
      tpu.yield
    }) : () -> ()
    %run_scoped3A_385 = arith.constant 3 : i32
    "tpu.region"() ({
      %run_scoped3A_401 = tpu.sem_alloc : memref<!tpu.dma_semaphore, #tpu.memory_space<semaphore_mem>>
      %dma_start3A_402 = arith.constant 3072 : i32
      %dma_start3A_403 = tpu.memref_slice %arg9[%dma_start3A_402] : memref<16384xf32, #tpu.memory_space<vmem>> -> memref<1024xf32, #tpu.memory_space<vmem>>
      %dma_start3A_404 = tpu.memref_slice %arg13[%run_scoped3A_385, %mul3A_382] : memref<16x16384xf32, #tpu.memory_space<vmem_shared>> -> memref<1x1024xf32, #tpu.memory_space<vmem_shared>>
      %dma_start3A_405 = tpu.memref_squeeze %dma_start3A_404 : memref<1x1024xf32, #tpu.memory_space<vmem_shared>> -> memref<1024xf32, #tpu.memory_space<vmem_shared>>
      %dma_start3A_406 = arith.constant 3072 : i32
      %dma_start3A_407 = tpu.memref_slice %arg9[%dma_start3A_406] : memref<16384xf32, #tpu.memory_space<vmem>> -> memref<1024xf32, #tpu.memory_space<vmem>>
      %dma_start3A_408 = tpu.memref_slice %arg13[%run_scoped3A_385, %mul3A_382] : memref<16x16384xf32, #tpu.memory_space<vmem_shared>> -> memref<1x1024xf32, #tpu.memory_space<vmem_shared>>
      %dma_start3A_409 = tpu.memref_squeeze %dma_start3A_408 : memref<1x1024xf32, #tpu.memory_space<vmem_shared>> -> memref<1024xf32, #tpu.memory_space<vmem_shared>>
      tpu.enqueue_dma source(%dma_start3A_409 : memref<1024xf32, #tpu.memory_space<vmem_shared>>) target(%dma_start3A_407 : memref<1024xf32, #tpu.memory_space<vmem>>) target_semaphore(%run_scoped3A_401 : memref<!tpu.dma_semaphore, #tpu.memory_space<semaphore_mem>>)
      %dma_wait3A_410 = arith.constant 3072 : i32
      %dma_wait3A_411 = tpu.memref_slice %arg9[%dma_wait3A_410] : memref<16384xf32, #tpu.memory_space<vmem>> -> memref<1024xf32, #tpu.memory_space<vmem>>
      %dma_wait3A_412 = tpu.memref_slice %arg13[%run_scoped3A_385, %mul3A_382] : memref<16x16384xf32, #tpu.memory_space<vmem_shared>> -> memref<1x1024xf32, #tpu.memory_space<vmem_shared>>
      %dma_wait3A_413 = tpu.memref_squeeze %dma_wait3A_412 : memref<1x1024xf32, #tpu.memory_space<vmem_shared>> -> memref<1024xf32, #tpu.memory_space<vmem_shared>>
      %dma_wait3A_414 = arith.constant 3072 : i32
      %dma_wait3A_415 = tpu.memref_slice %arg9[%dma_wait3A_414] : memref<16384xf32, #tpu.memory_space<vmem>> -> memref<1024xf32, #tpu.memory_space<vmem>>
      %dma_wait3A_416 = tpu.memref_slice %arg13[%run_scoped3A_385, %mul3A_382] : memref<16x16384xf32, #tpu.memory_space<vmem_shared>> -> memref<1x1024xf32, #tpu.memory_space<vmem_shared>>
      %dma_wait3A_417 = tpu.memref_squeeze %dma_wait3A_416 : memref<1x1024xf32, #tpu.memory_space<vmem_shared>> -> memref<1024xf32, #tpu.memory_space<vmem_shared>>
      tpu.wait_dma2 semaphore(%run_scoped3A_401 : memref<!tpu.dma_semaphore, #tpu.memory_space<semaphore_mem>>) src(%dma_wait3A_417 : memref<1024xf32, #tpu.memory_space<vmem_shared>>) dst(%dma_wait3A_415 : memref<1024xf32, #tpu.memory_space<vmem>>)
      tpu.yield
    }) : () -> ()
    %run_scoped3A_386 = arith.constant 4 : i32
    "tpu.region"() ({
      %run_scoped3A_401 = tpu.sem_alloc : memref<!tpu.dma_semaphore, #tpu.memory_space<semaphore_mem>>
      %dma_start3A_402 = arith.constant 4096 : i32
      %dma_start3A_403 = tpu.memref_slice %arg9[%dma_start3A_402] : memref<16384xf32, #tpu.memory_space<vmem>> -> memref<1024xf32, #tpu.memory_space<vmem>>
      %dma_start3A_404 = tpu.memref_slice %arg13[%run_scoped3A_386, %mul3A_382] : memref<16x16384xf32, #tpu.memory_space<vmem_shared>> -> memref<1x1024xf32, #tpu.memory_space<vmem_shared>>
      %dma_start3A_405 = tpu.memref_squeeze %dma_start3A_404 : memref<1x1024xf32, #tpu.memory_space<vmem_shared>> -> memref<1024xf32, #tpu.memory_space<vmem_shared>>
      %dma_start3A_406 = arith.constant 4096 : i32
      %dma_start3A_407 = tpu.memref_slice %arg9[%dma_start3A_406] : memref<16384xf32, #tpu.memory_space<vmem>> -> memref<1024xf32, #tpu.memory_space<vmem>>
      %dma_start3A_408 = tpu.memref_slice %arg13[%run_scoped3A_386, %mul3A_382] : memref<16x16384xf32, #tpu.memory_space<vmem_shared>> -> memref<1x1024xf32, #tpu.memory_space<vmem_shared>>
      %dma_start3A_409 = tpu.memref_squeeze %dma_start3A_408 : memref<1x1024xf32, #tpu.memory_space<vmem_shared>> -> memref<1024xf32, #tpu.memory_space<vmem_shared>>
      tpu.enqueue_dma source(%dma_start3A_409 : memref<1024xf32, #tpu.memory_space<vmem_shared>>) target(%dma_start3A_407 : memref<1024xf32, #tpu.memory_space<vmem>>) target_semaphore(%run_scoped3A_401 : memref<!tpu.dma_semaphore, #tpu.memory_space<semaphore_mem>>)
      %dma_wait3A_410 = arith.constant 4096 : i32
      %dma_wait3A_411 = tpu.memref_slice %arg9[%dma_wait3A_410] : memref<16384xf32, #tpu.memory_space<vmem>> -> memref<1024xf32, #tpu.memory_space<vmem>>
      %dma_wait3A_412 = tpu.memref_slice %arg13[%run_scoped3A_386, %mul3A_382] : memref<16x16384xf32, #tpu.memory_space<vmem_shared>> -> memref<1x1024xf32, #tpu.memory_space<vmem_shared>>
      %dma_wait3A_413 = tpu.memref_squeeze %dma_wait3A_412 : memref<1x1024xf32, #tpu.memory_space<vmem_shared>> -> memref<1024xf32, #tpu.memory_space<vmem_shared>>
      %dma_wait3A_414 = arith.constant 4096 : i32
      %dma_wait3A_415 = tpu.memref_slice %arg9[%dma_wait3A_414] : memref<16384xf32, #tpu.memory_space<vmem>> -> memref<1024xf32, #tpu.memory_space<vmem>>
      %dma_wait3A_416 = tpu.memref_slice %arg13[%run_scoped3A_386, %mul3A_382] : memref<16x16384xf32, #tpu.memory_space<vmem_shared>> -> memref<1x1024xf32, #tpu.memory_space<vmem_shared>>
      %dma_wait3A_417 = tpu.memref_squeeze %dma_wait3A_416 : memref<1x1024xf32, #tpu.memory_space<vmem_shared>> -> memref<1024xf32, #tpu.memory_space<vmem_shared>>
      tpu.wait_dma2 semaphore(%run_scoped3A_401 : memref<!tpu.dma_semaphore, #tpu.memory_space<semaphore_mem>>) src(%dma_wait3A_417 : memref<1024xf32, #tpu.memory_space<vmem_shared>>) dst(%dma_wait3A_415 : memref<1024xf32, #tpu.memory_space<vmem>>)
      tpu.yield
    }) : () -> ()
    %run_scoped3A_387 = arith.constant 5 : i32
    "tpu.region"() ({
      %run_scoped3A_401 = tpu.sem_alloc : memref<!tpu.dma_semaphore, #tpu.memory_space<semaphore_mem>>
      %dma_start3A_402 = arith.constant 5120 : i32
      %dma_start3A_403 = tpu.memref_slice %arg9[%dma_start3A_402] : memref<16384xf32, #tpu.memory_space<vmem>> -> memref<1024xf32, #tpu.memory_space<vmem>>
      %dma_start3A_404 = tpu.memref_slice %arg13[%run_scoped3A_387, %mul3A_382] : memref<16x16384xf32, #tpu.memory_space<vmem_shared>> -> memref<1x1024xf32, #tpu.memory_space<vmem_shared>>
      %dma_start3A_405 = tpu.memref_squeeze %dma_start3A_404 : memref<1x1024xf32, #tpu.memory_space<vmem_shared>> -> memref<1024xf32, #tpu.memory_space<vmem_shared>>
      %dma_start3A_406 = arith.constant 5120 : i32
      %dma_start3A_407 = tpu.memref_slice %arg9[%dma_start3A_406] : memref<16384xf32, #tpu.memory_space<vmem>> -> memref<1024xf32, #tpu.memory_space<vmem>>
      %dma_start3A_408 = tpu.memref_slice %arg13[%run_scoped3A_387, %mul3A_382] : memref<16x16384xf32, #tpu.memory_space<vmem_shared>> -> memref<1x1024xf32, #tpu.memory_space<vmem_shared>>
      %dma_start3A_409 = tpu.memref_squeeze %dma_start3A_408 : memref<1x1024xf32, #tpu.memory_space<vmem_shared>> -> memref<1024xf32, #tpu.memory_space<vmem_shared>>
      tpu.enqueue_dma source(%dma_start3A_409 : memref<1024xf32, #tpu.memory_space<vmem_shared>>) target(%dma_start3A_407 : memref<1024xf32, #tpu.memory_space<vmem>>) target_semaphore(%run_scoped3A_401 : memref<!tpu.dma_semaphore, #tpu.memory_space<semaphore_mem>>)
      %dma_wait3A_410 = arith.constant 5120 : i32
      %dma_wait3A_411 = tpu.memref_slice %arg9[%dma_wait3A_410] : memref<16384xf32, #tpu.memory_space<vmem>> -> memref<1024xf32, #tpu.memory_space<vmem>>
      %dma_wait3A_412 = tpu.memref_slice %arg13[%run_scoped3A_387, %mul3A_382] : memref<16x16384xf32, #tpu.memory_space<vmem_shared>> -> memref<1x1024xf32, #tpu.memory_space<vmem_shared>>
      %dma_wait3A_413 = tpu.memref_squeeze %dma_wait3A_412 : memref<1x1024xf32, #tpu.memory_space<vmem_shared>> -> memref<1024xf32, #tpu.memory_space<vmem_shared>>
      %dma_wait3A_414 = arith.constant 5120 : i32
      %dma_wait3A_415 = tpu.memref_slice %arg9[%dma_wait3A_414] : memref<16384xf32, #tpu.memory_space<vmem>> -> memref<1024xf32, #tpu.memory_space<vmem>>
      %dma_wait3A_416 = tpu.memref_slice %arg13[%run_scoped3A_387, %mul3A_382] : memref<16x16384xf32, #tpu.memory_space<vmem_shared>> -> memref<1x1024xf32, #tpu.memory_space<vmem_shared>>
      %dma_wait3A_417 = tpu.memref_squeeze %dma_wait3A_416 : memref<1x1024xf32, #tpu.memory_space<vmem_shared>> -> memref<1024xf32, #tpu.memory_space<vmem_shared>>
      tpu.wait_dma2 semaphore(%run_scoped3A_401 : memref<!tpu.dma_semaphore, #tpu.memory_space<semaphore_mem>>) src(%dma_wait3A_417 : memref<1024xf32, #tpu.memory_space<vmem_shared>>) dst(%dma_wait3A_415 : memref<1024xf32, #tpu.memory_space<vmem>>)
      tpu.yield
    }) : () -> ()
    %run_scoped3A_388 = arith.constant 6 : i32
    "tpu.region"() ({
      %run_scoped3A_401 = tpu.sem_alloc : memref<!tpu.dma_semaphore, #tpu.memory_space<semaphore_mem>>
      %dma_start3A_402 = arith.constant 6144 : i32
      %dma_start3A_403 = tpu.memref_slice %arg9[%dma_start3A_402] : memref<16384xf32, #tpu.memory_space<vmem>> -> memref<1024xf32, #tpu.memory_space<vmem>>
      %dma_start3A_404 = tpu.memref_slice %arg13[%run_scoped3A_388, %mul3A_382] : memref<16x16384xf32, #tpu.memory_space<vmem_shared>> -> memref<1x1024xf32, #tpu.memory_space<vmem_shared>>
      %dma_start3A_405 = tpu.memref_squeeze %dma_start3A_404 : memref<1x1024xf32, #tpu.memory_space<vmem_shared>> -> memref<1024xf32, #tpu.memory_space<vmem_shared>>
      %dma_start3A_406 = arith.constant 6144 : i32
      %dma_start3A_407 = tpu.memref_slice %arg9[%dma_start3A_406] : memref<16384xf32, #tpu.memory_space<vmem>> -> memref<1024xf32, #tpu.memory_space<vmem>>
      %dma_start3A_408 = tpu.memref_slice %arg13[%run_scoped3A_388, %mul3A_382] : memref<16x16384xf32, #tpu.memory_space<vmem_shared>> -> memref<1x1024xf32, #tpu.memory_space<vmem_shared>>
      %dma_start3A_409 = tpu.memref_squeeze %dma_start3A_408 : memref<1x1024xf32, #tpu.memory_space<vmem_shared>> -> memref<1024xf32, #tpu.memory_space<vmem_shared>>
      tpu.enqueue_dma source(%dma_start3A_409 : memref<1024xf32, #tpu.memory_space<vmem_shared>>) target(%dma_start3A_407 : memref<1024xf32, #tpu.memory_space<vmem>>) target_semaphore(%run_scoped3A_401 : memref<!tpu.dma_semaphore, #tpu.memory_space<semaphore_mem>>)
      %dma_wait3A_410 = arith.constant 6144 : i32
      %dma_wait3A_411 = tpu.memref_slice %arg9[%dma_wait3A_410] : memref<16384xf32, #tpu.memory_space<vmem>> -> memref<1024xf32, #tpu.memory_space<vmem>>
      %dma_wait3A_412 = tpu.memref_slice %arg13[%run_scoped3A_388, %mul3A_382] : memref<16x16384xf32, #tpu.memory_space<vmem_shared>> -> memref<1x1024xf32, #tpu.memory_space<vmem_shared>>
      %dma_wait3A_413 = tpu.memref_squeeze %dma_wait3A_412 : memref<1x1024xf32, #tpu.memory_space<vmem_shared>> -> memref<1024xf32, #tpu.memory_space<vmem_shared>>
      %dma_wait3A_414 = arith.constant 6144 : i32
      %dma_wait3A_415 = tpu.memref_slice %arg9[%dma_wait3A_414] : memref<16384xf32, #tpu.memory_space<vmem>> -> memref<1024xf32, #tpu.memory_space<vmem>>
      %dma_wait3A_416 = tpu.memref_slice %arg13[%run_scoped3A_388, %mul3A_382] : memref<16x16384xf32, #tpu.memory_space<vmem_shared>> -> memref<1x1024xf32, #tpu.memory_space<vmem_shared>>
      %dma_wait3A_417 = tpu.memref_squeeze %dma_wait3A_416 : memref<1x1024xf32, #tpu.memory_space<vmem_shared>> -> memref<1024xf32, #tpu.memory_space<vmem_shared>>
      tpu.wait_dma2 semaphore(%run_scoped3A_401 : memref<!tpu.dma_semaphore, #tpu.memory_space<semaphore_mem>>) src(%dma_wait3A_417 : memref<1024xf32, #tpu.memory_space<vmem_shared>>) dst(%dma_wait3A_415 : memref<1024xf32, #tpu.memory_space<vmem>>)
      tpu.yield
    }) : () -> ()
    %run_scoped3A_389 = arith.constant 7 : i32
    "tpu.region"() ({
      %run_scoped3A_401 = tpu.sem_alloc : memref<!tpu.dma_semaphore, #tpu.memory_space<semaphore_mem>>
      %dma_start3A_402 = arith.constant 7168 : i32
      %dma_start3A_403 = tpu.memref_slice %arg9[%dma_start3A_402] : memref<16384xf32, #tpu.memory_space<vmem>> -> memref<1024xf32, #tpu.memory_space<vmem>>
      %dma_start3A_404 = tpu.memref_slice %arg13[%run_scoped3A_389, %mul3A_382] : memref<16x16384xf32, #tpu.memory_space<vmem_shared>> -> memref<1x1024xf32, #tpu.memory_space<vmem_shared>>
      %dma_start3A_405 = tpu.memref_squeeze %dma_start3A_404 : memref<1x1024xf32, #tpu.memory_space<vmem_shared>> -> memref<1024xf32, #tpu.memory_space<vmem_shared>>
      %dma_start3A_406 = arith.constant 7168 : i32
      %dma_start3A_407 = tpu.memref_slice %arg9[%dma_start3A_406] : memref<16384xf32, #tpu.memory_space<vmem>> -> memref<1024xf32, #tpu.memory_space<vmem>>
      %dma_start3A_408 = tpu.memref_slice %arg13[%run_scoped3A_389, %mul3A_382] : memref<16x16384xf32, #tpu.memory_space<vmem_shared>> -> memref<1x1024xf32, #tpu.memory_space<vmem_shared>>
      %dma_start3A_409 = tpu.memref_squeeze %dma_start3A_408 : memref<1x1024xf32, #tpu.memory_space<vmem_shared>> -> memref<1024xf32, #tpu.memory_space<vmem_shared>>
      tpu.enqueue_dma source(%dma_start3A_409 : memref<1024xf32, #tpu.memory_space<vmem_shared>>) target(%dma_start3A_407 : memref<1024xf32, #tpu.memory_space<vmem>>) target_semaphore(%run_scoped3A_401 : memref<!tpu.dma_semaphore, #tpu.memory_space<semaphore_mem>>)
      %dma_wait3A_410 = arith.constant 7168 : i32
      %dma_wait3A_411 = tpu.memref_slice %arg9[%dma_wait3A_410] : memref<16384xf32, #tpu.memory_space<vmem>> -> memref<1024xf32, #tpu.memory_space<vmem>>
      %dma_wait3A_412 = tpu.memref_slice %arg13[%run_scoped3A_389, %mul3A_382] : memref<16x16384xf32, #tpu.memory_space<vmem_shared>> -> memref<1x1024xf32, #tpu.memory_space<vmem_shared>>
      %dma_wait3A_413 = tpu.memref_squeeze %dma_wait3A_412 : memref<1x1024xf32, #tpu.memory_space<vmem_shared>> -> memref<1024xf32, #tpu.memory_space<vmem_shared>>
      %dma_wait3A_414 = arith.constant 7168 : i32
      %dma_wait3A_415 = tpu.memref_slice %arg9[%dma_wait3A_414] : memref<16384xf32, #tpu.memory_space<vmem>> -> memref<1024xf32, #tpu.memory_space<vmem>>
      %dma_wait3A_416 = tpu.memref_slice %arg13[%run_scoped3A_389, %mul3A_382] : memref<16x16384xf32, #tpu.memory_space<vmem_shared>> -> memref<1x1024xf32, #tpu.memory_space<vmem_shared>>
      %dma_wait3A_417 = tpu.memref_squeeze %dma_wait3A_416 : memref<1x1024xf32, #tpu.memory_space<vmem_shared>> -> memref<1024xf32, #tpu.memory_space<vmem_shared>>
      tpu.wait_dma2 semaphore(%run_scoped3A_401 : memref<!tpu.dma_semaphore, #tpu.memory_space<semaphore_mem>>) src(%dma_wait3A_417 : memref<1024xf32, #tpu.memory_space<vmem_shared>>) dst(%dma_wait3A_415 : memref<1024xf32, #tpu.memory_space<vmem>>)
      tpu.yield
    }) : () -> ()
    %run_scoped3A_390 = arith.constant 8 : i32
    "tpu.region"() ({
      %run_scoped3A_401 = tpu.sem_alloc : memref<!tpu.dma_semaphore, #tpu.memory_space<semaphore_mem>>
      %dma_start3A_402 = arith.constant 8192 : i32
      %dma_start3A_403 = tpu.memref_slice %arg9[%dma_start3A_402] : memref<16384xf32, #tpu.memory_space<vmem>> -> memref<1024xf32, #tpu.memory_space<vmem>>
      %dma_start3A_404 = tpu.memref_slice %arg13[%run_scoped3A_390, %mul3A_382] : memref<16x16384xf32, #tpu.memory_space<vmem_shared>> -> memref<1x1024xf32, #tpu.memory_space<vmem_shared>>
      %dma_start3A_405 = tpu.memref_squeeze %dma_start3A_404 : memref<1x1024xf32, #tpu.memory_space<vmem_shared>> -> memref<1024xf32, #tpu.memory_space<vmem_shared>>
      %dma_start3A_406 = arith.constant 8192 : i32
      %dma_start3A_407 = tpu.memref_slice %arg9[%dma_start3A_406] : memref<16384xf32, #tpu.memory_space<vmem>> -> memref<1024xf32, #tpu.memory_space<vmem>>
      %dma_start3A_408 = tpu.memref_slice %arg13[%run_scoped3A_390, %mul3A_382] : memref<16x16384xf32, #tpu.memory_space<vmem_shared>> -> memref<1x1024xf32, #tpu.memory_space<vmem_shared>>
      %dma_start3A_409 = tpu.memref_squeeze %dma_start3A_408 : memref<1x1024xf32, #tpu.memory_space<vmem_shared>> -> memref<1024xf32, #tpu.memory_space<vmem_shared>>
      tpu.enqueue_dma source(%dma_start3A_409 : memref<1024xf32, #tpu.memory_space<vmem_shared>>) target(%dma_start3A_407 : memref<1024xf32, #tpu.memory_space<vmem>>) target_semaphore(%run_scoped3A_401 : memref<!tpu.dma_semaphore, #tpu.memory_space<semaphore_mem>>)
      %dma_wait3A_410 = arith.constant 8192 : i32
      %dma_wait3A_411 = tpu.memref_slice %arg9[%dma_wait3A_410] : memref<16384xf32, #tpu.memory_space<vmem>> -> memref<1024xf32, #tpu.memory_space<vmem>>
      %dma_wait3A_412 = tpu.memref_slice %arg13[%run_scoped3A_390, %mul3A_382] : memref<16x16384xf32, #tpu.memory_space<vmem_shared>> -> memref<1x1024xf32, #tpu.memory_space<vmem_shared>>
      %dma_wait3A_413 = tpu.memref_squeeze %dma_wait3A_412 : memref<1x1024xf32, #tpu.memory_space<vmem_shared>> -> memref<1024xf32, #tpu.memory_space<vmem_shared>>
      %dma_wait3A_414 = arith.constant 8192 : i32
      %dma_wait3A_415 = tpu.memref_slice %arg9[%dma_wait3A_414] : memref<16384xf32, #tpu.memory_space<vmem>> -> memref<1024xf32, #tpu.memory_space<vmem>>
      %dma_wait3A_416 = tpu.memref_slice %arg13[%run_scoped3A_390, %mul3A_382] : memref<16x16384xf32, #tpu.memory_space<vmem_shared>> -> memref<1x1024xf32, #tpu.memory_space<vmem_shared>>
      %dma_wait3A_417 = tpu.memref_squeeze %dma_wait3A_416 : memref<1x1024xf32, #tpu.memory_space<vmem_shared>> -> memref<1024xf32, #tpu.memory_space<vmem_shared>>
      tpu.wait_dma2 semaphore(%run_scoped3A_401 : memref<!tpu.dma_semaphore, #tpu.memory_space<semaphore_mem>>) src(%dma_wait3A_417 : memref<1024xf32, #tpu.memory_space<vmem_shared>>) dst(%dma_wait3A_415 : memref<1024xf32, #tpu.memory_space<vmem>>)
      tpu.yield
    }) : () -> ()
    %run_scoped3A_391 = arith.constant 9 : i32
    "tpu.region"() ({
      %run_scoped3A_401 = tpu.sem_alloc : memref<!tpu.dma_semaphore, #tpu.memory_space<semaphore_mem>>
      %dma_start3A_402 = arith.constant 9216 : i32
      %dma_start3A_403 = tpu.memref_slice %arg9[%dma_start3A_402] : memref<16384xf32, #tpu.memory_space<vmem>> -> memref<1024xf32, #tpu.memory_space<vmem>>
      %dma_start3A_404 = tpu.memref_slice %arg13[%run_scoped3A_391, %mul3A_382] : memref<16x16384xf32, #tpu.memory_space<vmem_shared>> -> memref<1x1024xf32, #tpu.memory_space<vmem_shared>>
      %dma_start3A_405 = tpu.memref_squeeze %dma_start3A_404 : memref<1x1024xf32, #tpu.memory_space<vmem_shared>> -> memref<1024xf32, #tpu.memory_space<vmem_shared>>
      %dma_start3A_406 = arith.constant 9216 : i32
      %dma_start3A_407 = tpu.memref_slice %arg9[%dma_start3A_406] : memref<16384xf32, #tpu.memory_space<vmem>> -> memref<1024xf32, #tpu.memory_space<vmem>>
      %dma_start3A_408 = tpu.memref_slice %arg13[%run_scoped3A_391, %mul3A_382] : memref<16x16384xf32, #tpu.memory_space<vmem_shared>> -> memref<1x1024xf32, #tpu.memory_space<vmem_shared>>
      %dma_start3A_409 = tpu.memref_squeeze %dma_start3A_408 : memref<1x1024xf32, #tpu.memory_space<vmem_shared>> -> memref<1024xf32, #tpu.memory_space<vmem_shared>>
      tpu.enqueue_dma source(%dma_start3A_409 : memref<1024xf32, #tpu.memory_space<vmem_shared>>) target(%dma_start3A_407 : memref<1024xf32, #tpu.memory_space<vmem>>) target_semaphore(%run_scoped3A_401 : memref<!tpu.dma_semaphore, #tpu.memory_space<semaphore_mem>>)
      %dma_wait3A_410 = arith.constant 9216 : i32
      %dma_wait3A_411 = tpu.memref_slice %arg9[%dma_wait3A_410] : memref<16384xf32, #tpu.memory_space<vmem>> -> memref<1024xf32, #tpu.memory_space<vmem>>
      %dma_wait3A_412 = tpu.memref_slice %arg13[%run_scoped3A_391, %mul3A_382] : memref<16x16384xf32, #tpu.memory_space<vmem_shared>> -> memref<1x1024xf32, #tpu.memory_space<vmem_shared>>
      %dma_wait3A_413 = tpu.memref_squeeze %dma_wait3A_412 : memref<1x1024xf32, #tpu.memory_space<vmem_shared>> -> memref<1024xf32, #tpu.memory_space<vmem_shared>>
      %dma_wait3A_414 = arith.constant 9216 : i32
      %dma_wait3A_415 = tpu.memref_slice %arg9[%dma_wait3A_414] : memref<16384xf32, #tpu.memory_space<vmem>> -> memref<1024xf32, #tpu.memory_space<vmem>>
      %dma_wait3A_416 = tpu.memref_slice %arg13[%run_scoped3A_391, %mul3A_382] : memref<16x16384xf32, #tpu.memory_space<vmem_shared>> -> memref<1x1024xf32, #tpu.memory_space<vmem_shared>>
      %dma_wait3A_417 = tpu.memref_squeeze %dma_wait3A_416 : memref<1x1024xf32, #tpu.memory_space<vmem_shared>> -> memref<1024xf32, #tpu.memory_space<vmem_shared>>
      tpu.wait_dma2 semaphore(%run_scoped3A_401 : memref<!tpu.dma_semaphore, #tpu.memory_space<semaphore_mem>>) src(%dma_wait3A_417 : memref<1024xf32, #tpu.memory_space<vmem_shared>>) dst(%dma_wait3A_415 : memref<1024xf32, #tpu.memory_space<vmem>>)
      tpu.yield
    }) : () -> ()
    %run_scoped3A_392 = arith.constant 10 : i32
    "tpu.region"() ({
      %run_scoped3A_401 = tpu.sem_alloc : memref<!tpu.dma_semaphore, #tpu.memory_space<semaphore_mem>>
      %dma_start3A_402 = arith.constant 10240 : i32
      %dma_start3A_403 = tpu.memref_slice %arg9[%dma_start3A_402] : memref<16384xf32, #tpu.memory_space<vmem>> -> memref<1024xf32, #tpu.memory_space<vmem>>
      %dma_start3A_404 = tpu.memref_slice %arg13[%run_scoped3A_392, %mul3A_382] : memref<16x16384xf32, #tpu.memory_space<vmem_shared>> -> memref<1x1024xf32, #tpu.memory_space<vmem_shared>>
      %dma_start3A_405 = tpu.memref_squeeze %dma_start3A_404 : memref<1x1024xf32, #tpu.memory_space<vmem_shared>> -> memref<1024xf32, #tpu.memory_space<vmem_shared>>
      %dma_start3A_406 = arith.constant 10240 : i32
      %dma_start3A_407 = tpu.memref_slice %arg9[%dma_start3A_406] : memref<16384xf32, #tpu.memory_space<vmem>> -> memref<1024xf32, #tpu.memory_space<vmem>>
      %dma_start3A_408 = tpu.memref_slice %arg13[%run_scoped3A_392, %mul3A_382] : memref<16x16384xf32, #tpu.memory_space<vmem_shared>> -> memref<1x1024xf32, #tpu.memory_space<vmem_shared>>
      %dma_start3A_409 = tpu.memref_squeeze %dma_start3A_408 : memref<1x1024xf32, #tpu.memory_space<vmem_shared>> -> memref<1024xf32, #tpu.memory_space<vmem_shared>>
      tpu.enqueue_dma source(%dma_start3A_409 : memref<1024xf32, #tpu.memory_space<vmem_shared>>) target(%dma_start3A_407 : memref<1024xf32, #tpu.memory_space<vmem>>) target_semaphore(%run_scoped3A_401 : memref<!tpu.dma_semaphore, #tpu.memory_space<semaphore_mem>>)
      %dma_wait3A_410 = arith.constant 10240 : i32
      %dma_wait3A_411 = tpu.memref_slice %arg9[%dma_wait3A_410] : memref<16384xf32, #tpu.memory_space<vmem>> -> memref<1024xf32, #tpu.memory_space<vmem>>
      %dma_wait3A_412 = tpu.memref_slice %arg13[%run_scoped3A_392, %mul3A_382] : memref<16x16384xf32, #tpu.memory_space<vmem_shared>> -> memref<1x1024xf32, #tpu.memory_space<vmem_shared>>
      %dma_wait3A_413 = tpu.memref_squeeze %dma_wait3A_412 : memref<1x1024xf32, #tpu.memory_space<vmem_shared>> -> memref<1024xf32, #tpu.memory_space<vmem_shared>>
      %dma_wait3A_414 = arith.constant 10240 : i32
      %dma_wait3A_415 = tpu.memref_slice %arg9[%dma_wait3A_414] : memref<16384xf32, #tpu.memory_space<vmem>> -> memref<1024xf32, #tpu.memory_space<vmem>>
      %dma_wait3A_416 = tpu.memref_slice %arg13[%run_scoped3A_392, %mul3A_382] : memref<16x16384xf32, #tpu.memory_space<vmem_shared>> -> memref<1x1024xf32, #tpu.memory_space<vmem_shared>>
      %dma_wait3A_417 = tpu.memref_squeeze %dma_wait3A_416 : memref<1x1024xf32, #tpu.memory_space<vmem_shared>> -> memref<1024xf32, #tpu.memory_space<vmem_shared>>
      tpu.wait_dma2 semaphore(%run_scoped3A_401 : memref<!tpu.dma_semaphore, #tpu.memory_space<semaphore_mem>>) src(%dma_wait3A_417 : memref<1024xf32, #tpu.memory_space<vmem_shared>>) dst(%dma_wait3A_415 : memref<1024xf32, #tpu.memory_space<vmem>>)
      tpu.yield
    }) : () -> ()
    %run_scoped3A_393 = arith.constant 11 : i32
    "tpu.region"() ({
      %run_scoped3A_401 = tpu.sem_alloc : memref<!tpu.dma_semaphore, #tpu.memory_space<semaphore_mem>>
      %dma_start3A_402 = arith.constant 11264 : i32
      %dma_start3A_403 = tpu.memref_slice %arg9[%dma_start3A_402] : memref<16384xf32, #tpu.memory_space<vmem>> -> memref<1024xf32, #tpu.memory_space<vmem>>
      %dma_start3A_404 = tpu.memref_slice %arg13[%run_scoped3A_393, %mul3A_382] : memref<16x16384xf32, #tpu.memory_space<vmem_shared>> -> memref<1x1024xf32, #tpu.memory_space<vmem_shared>>
      %dma_start3A_405 = tpu.memref_squeeze %dma_start3A_404 : memref<1x1024xf32, #tpu.memory_space<vmem_shared>> -> memref<1024xf32, #tpu.memory_space<vmem_shared>>
      %dma_start3A_406 = arith.constant 11264 : i32
      %dma_start3A_407 = tpu.memref_slice %arg9[%dma_start3A_406] : memref<16384xf32, #tpu.memory_space<vmem>> -> memref<1024xf32, #tpu.memory_space<vmem>>
      %dma_start3A_408 = tpu.memref_slice %arg13[%run_scoped3A_393, %mul3A_382] : memref<16x16384xf32, #tpu.memory_space<vmem_shared>> -> memref<1x1024xf32, #tpu.memory_space<vmem_shared>>
      %dma_start3A_409 = tpu.memref_squeeze %dma_start3A_408 : memref<1x1024xf32, #tpu.memory_space<vmem_shared>> -> memref<1024xf32, #tpu.memory_space<vmem_shared>>
      tpu.enqueue_dma source(%dma_start3A_409 : memref<1024xf32, #tpu.memory_space<vmem_shared>>) target(%dma_start3A_407 : memref<1024xf32, #tpu.memory_space<vmem>>) target_semaphore(%run_scoped3A_401 : memref<!tpu.dma_semaphore, #tpu.memory_space<semaphore_mem>>)
      %dma_wait3A_410 = arith.constant 11264 : i32
      %dma_wait3A_411 = tpu.memref_slice %arg9[%dma_wait3A_410] : memref<16384xf32, #tpu.memory_space<vmem>> -> memref<1024xf32, #tpu.memory_space<vmem>>
      %dma_wait3A_412 = tpu.memref_slice %arg13[%run_scoped3A_393, %mul3A_382] : memref<16x16384xf32, #tpu.memory_space<vmem_shared>> -> memref<1x1024xf32, #tpu.memory_space<vmem_shared>>
      %dma_wait3A_413 = tpu.memref_squeeze %dma_wait3A_412 : memref<1x1024xf32, #tpu.memory_space<vmem_shared>> -> memref<1024xf32, #tpu.memory_space<vmem_shared>>
      %dma_wait3A_414 = arith.constant 11264 : i32
      %dma_wait3A_415 = tpu.memref_slice %arg9[%dma_wait3A_414] : memref<16384xf32, #tpu.memory_space<vmem>> -> memref<1024xf32, #tpu.memory_space<vmem>>
      %dma_wait3A_416 = tpu.memref_slice %arg13[%run_scoped3A_393, %mul3A_382] : memref<16x16384xf32, #tpu.memory_space<vmem_shared>> -> memref<1x1024xf32, #tpu.memory_space<vmem_shared>>
      %dma_wait3A_417 = tpu.memref_squeeze %dma_wait3A_416 : memref<1x1024xf32, #tpu.memory_space<vmem_shared>> -> memref<1024xf32, #tpu.memory_space<vmem_shared>>
      tpu.wait_dma2 semaphore(%run_scoped3A_401 : memref<!tpu.dma_semaphore, #tpu.memory_space<semaphore_mem>>) src(%dma_wait3A_417 : memref<1024xf32, #tpu.memory_space<vmem_shared>>) dst(%dma_wait3A_415 : memref<1024xf32, #tpu.memory_space<vmem>>)
      tpu.yield
    }) : () -> ()
    %run_scoped3A_394 = arith.constant 12 : i32
    "tpu.region"() ({
      %run_scoped3A_401 = tpu.sem_alloc : memref<!tpu.dma_semaphore, #tpu.memory_space<semaphore_mem>>
      %dma_start3A_402 = arith.constant 12288 : i32
      %dma_start3A_403 = tpu.memref_slice %arg9[%dma_start3A_402] : memref<16384xf32, #tpu.memory_space<vmem>> -> memref<1024xf32, #tpu.memory_space<vmem>>
      %dma_start3A_404 = tpu.memref_slice %arg13[%run_scoped3A_394, %mul3A_382] : memref<16x16384xf32, #tpu.memory_space<vmem_shared>> -> memref<1x1024xf32, #tpu.memory_space<vmem_shared>>
      %dma_start3A_405 = tpu.memref_squeeze %dma_start3A_404 : memref<1x1024xf32, #tpu.memory_space<vmem_shared>> -> memref<1024xf32, #tpu.memory_space<vmem_shared>>
      %dma_start3A_406 = arith.constant 12288 : i32
      %dma_start3A_407 = tpu.memref_slice %arg9[%dma_start3A_406] : memref<16384xf32, #tpu.memory_space<vmem>> -> memref<1024xf32, #tpu.memory_space<vmem>>
      %dma_start3A_408 = tpu.memref_slice %arg13[%run_scoped3A_394, %mul3A_382] : memref<16x16384xf32, #tpu.memory_space<vmem_shared>> -> memref<1x1024xf32, #tpu.memory_space<vmem_shared>>
      %dma_start3A_409 = tpu.memref_squeeze %dma_start3A_408 : memref<1x1024xf32, #tpu.memory_space<vmem_shared>> -> memref<1024xf32, #tpu.memory_space<vmem_shared>>
      tpu.enqueue_dma source(%dma_start3A_409 : memref<1024xf32, #tpu.memory_space<vmem_shared>>) target(%dma_start3A_407 : memref<1024xf32, #tpu.memory_space<vmem>>) target_semaphore(%run_scoped3A_401 : memref<!tpu.dma_semaphore, #tpu.memory_space<semaphore_mem>>)
      %dma_wait3A_410 = arith.constant 12288 : i32
      %dma_wait3A_411 = tpu.memref_slice %arg9[%dma_wait3A_410] : memref<16384xf32, #tpu.memory_space<vmem>> -> memref<1024xf32, #tpu.memory_space<vmem>>
      %dma_wait3A_412 = tpu.memref_slice %arg13[%run_scoped3A_394, %mul3A_382] : memref<16x16384xf32, #tpu.memory_space<vmem_shared>> -> memref<1x1024xf32, #tpu.memory_space<vmem_shared>>
      %dma_wait3A_413 = tpu.memref_squeeze %dma_wait3A_412 : memref<1x1024xf32, #tpu.memory_space<vmem_shared>> -> memref<1024xf32, #tpu.memory_space<vmem_shared>>
      %dma_wait3A_414 = arith.constant 12288 : i32
      %dma_wait3A_415 = tpu.memref_slice %arg9[%dma_wait3A_414] : memref<16384xf32, #tpu.memory_space<vmem>> -> memref<1024xf32, #tpu.memory_space<vmem>>
      %dma_wait3A_416 = tpu.memref_slice %arg13[%run_scoped3A_394, %mul3A_382] : memref<16x16384xf32, #tpu.memory_space<vmem_shared>> -> memref<1x1024xf32, #tpu.memory_space<vmem_shared>>
      %dma_wait3A_417 = tpu.memref_squeeze %dma_wait3A_416 : memref<1x1024xf32, #tpu.memory_space<vmem_shared>> -> memref<1024xf32, #tpu.memory_space<vmem_shared>>
      tpu.wait_dma2 semaphore(%run_scoped3A_401 : memref<!tpu.dma_semaphore, #tpu.memory_space<semaphore_mem>>) src(%dma_wait3A_417 : memref<1024xf32, #tpu.memory_space<vmem_shared>>) dst(%dma_wait3A_415 : memref<1024xf32, #tpu.memory_space<vmem>>)
      tpu.yield
    }) : () -> ()
    %run_scoped3A_395 = arith.constant 13 : i32
    "tpu.region"() ({
      %run_scoped3A_401 = tpu.sem_alloc : memref<!tpu.dma_semaphore, #tpu.memory_space<semaphore_mem>>
      %dma_start3A_402 = arith.constant 13312 : i32
      %dma_start3A_403 = tpu.memref_slice %arg9[%dma_start3A_402] : memref<16384xf32, #tpu.memory_space<vmem>> -> memref<1024xf32, #tpu.memory_space<vmem>>
      %dma_start3A_404 = tpu.memref_slice %arg13[%run_scoped3A_395, %mul3A_382] : memref<16x16384xf32, #tpu.memory_space<vmem_shared>> -> memref<1x1024xf32, #tpu.memory_space<vmem_shared>>
      %dma_start3A_405 = tpu.memref_squeeze %dma_start3A_404 : memref<1x1024xf32, #tpu.memory_space<vmem_shared>> -> memref<1024xf32, #tpu.memory_space<vmem_shared>>
      %dma_start3A_406 = arith.constant 13312 : i32
      %dma_start3A_407 = tpu.memref_slice %arg9[%dma_start3A_406] : memref<16384xf32, #tpu.memory_space<vmem>> -> memref<1024xf32, #tpu.memory_space<vmem>>
      %dma_start3A_408 = tpu.memref_slice %arg13[%run_scoped3A_395, %mul3A_382] : memref<16x16384xf32, #tpu.memory_space<vmem_shared>> -> memref<1x1024xf32, #tpu.memory_space<vmem_shared>>
      %dma_start3A_409 = tpu.memref_squeeze %dma_start3A_408 : memref<1x1024xf32, #tpu.memory_space<vmem_shared>> -> memref<1024xf32, #tpu.memory_space<vmem_shared>>
      tpu.enqueue_dma source(%dma_start3A_409 : memref<1024xf32, #tpu.memory_space<vmem_shared>>) target(%dma_start3A_407 : memref<1024xf32, #tpu.memory_space<vmem>>) target_semaphore(%run_scoped3A_401 : memref<!tpu.dma_semaphore, #tpu.memory_space<semaphore_mem>>)
      %dma_wait3A_410 = arith.constant 13312 : i32
      %dma_wait3A_411 = tpu.memref_slice %arg9[%dma_wait3A_410] : memref<16384xf32, #tpu.memory_space<vmem>> -> memref<1024xf32, #tpu.memory_space<vmem>>
      %dma_wait3A_412 = tpu.memref_slice %arg13[%run_scoped3A_395, %mul3A_382] : memref<16x16384xf32, #tpu.memory_space<vmem_shared>> -> memref<1x1024xf32, #tpu.memory_space<vmem_shared>>
      %dma_wait3A_413 = tpu.memref_squeeze %dma_wait3A_412 : memref<1x1024xf32, #tpu.memory_space<vmem_shared>> -> memref<1024xf32, #tpu.memory_space<vmem_shared>>
      %dma_wait3A_414 = arith.constant 13312 : i32
      %dma_wait3A_415 = tpu.memref_slice %arg9[%dma_wait3A_414] : memref<16384xf32, #tpu.memory_space<vmem>> -> memref<1024xf32, #tpu.memory_space<vmem>>
      %dma_wait3A_416 = tpu.memref_slice %arg13[%run_scoped3A_395, %mul3A_382] : memref<16x16384xf32, #tpu.memory_space<vmem_shared>> -> memref<1x1024xf32, #tpu.memory_space<vmem_shared>>
      %dma_wait3A_417 = tpu.memref_squeeze %dma_wait3A_416 : memref<1x1024xf32, #tpu.memory_space<vmem_shared>> -> memref<1024xf32, #tpu.memory_space<vmem_shared>>
      tpu.wait_dma2 semaphore(%run_scoped3A_401 : memref<!tpu.dma_semaphore, #tpu.memory_space<semaphore_mem>>) src(%dma_wait3A_417 : memref<1024xf32, #tpu.memory_space<vmem_shared>>) dst(%dma_wait3A_415 : memref<1024xf32, #tpu.memory_space<vmem>>)
      tpu.yield
    }) : () -> ()
    %run_scoped3A_396 = arith.constant 14 : i32
    "tpu.region"() ({
      %run_scoped3A_401 = tpu.sem_alloc : memref<!tpu.dma_semaphore, #tpu.memory_space<semaphore_mem>>
      %dma_start3A_402 = arith.constant 14336 : i32
      %dma_start3A_403 = tpu.memref_slice %arg9[%dma_start3A_402] : memref<16384xf32, #tpu.memory_space<vmem>> -> memref<1024xf32, #tpu.memory_space<vmem>>
      %dma_start3A_404 = tpu.memref_slice %arg13[%run_scoped3A_396, %mul3A_382] : memref<16x16384xf32, #tpu.memory_space<vmem_shared>> -> memref<1x1024xf32, #tpu.memory_space<vmem_shared>>
      %dma_start3A_405 = tpu.memref_squeeze %dma_start3A_404 : memref<1x1024xf32, #tpu.memory_space<vmem_shared>> -> memref<1024xf32, #tpu.memory_space<vmem_shared>>
      %dma_start3A_406 = arith.constant 14336 : i32
      %dma_start3A_407 = tpu.memref_slice %arg9[%dma_start3A_406] : memref<16384xf32, #tpu.memory_space<vmem>> -> memref<1024xf32, #tpu.memory_space<vmem>>
      %dma_start3A_408 = tpu.memref_slice %arg13[%run_scoped3A_396, %mul3A_382] : memref<16x16384xf32, #tpu.memory_space<vmem_shared>> -> memref<1x1024xf32, #tpu.memory_space<vmem_shared>>
      %dma_start3A_409 = tpu.memref_squeeze %dma_start3A_408 : memref<1x1024xf32, #tpu.memory_space<vmem_shared>> -> memref<1024xf32, #tpu.memory_space<vmem_shared>>
      tpu.enqueue_dma source(%dma_start3A_409 : memref<1024xf32, #tpu.memory_space<vmem_shared>>) target(%dma_start3A_407 : memref<1024xf32, #tpu.memory_space<vmem>>) target_semaphore(%run_scoped3A_401 : memref<!tpu.dma_semaphore, #tpu.memory_space<semaphore_mem>>)
      %dma_wait3A_410 = arith.constant 14336 : i32
      %dma_wait3A_411 = tpu.memref_slice %arg9[%dma_wait3A_410] : memref<16384xf32, #tpu.memory_space<vmem>> -> memref<1024xf32, #tpu.memory_space<vmem>>
      %dma_wait3A_412 = tpu.memref_slice %arg13[%run_scoped3A_396, %mul3A_382] : memref<16x16384xf32, #tpu.memory_space<vmem_shared>> -> memref<1x1024xf32, #tpu.memory_space<vmem_shared>>
      %dma_wait3A_413 = tpu.memref_squeeze %dma_wait3A_412 : memref<1x1024xf32, #tpu.memory_space<vmem_shared>> -> memref<1024xf32, #tpu.memory_space<vmem_shared>>
      %dma_wait3A_414 = arith.constant 14336 : i32
      %dma_wait3A_415 = tpu.memref_slice %arg9[%dma_wait3A_414] : memref<16384xf32, #tpu.memory_space<vmem>> -> memref<1024xf32, #tpu.memory_space<vmem>>
      %dma_wait3A_416 = tpu.memref_slice %arg13[%run_scoped3A_396, %mul3A_382] : memref<16x16384xf32, #tpu.memory_space<vmem_shared>> -> memref<1x1024xf32, #tpu.memory_space<vmem_shared>>
      %dma_wait3A_417 = tpu.memref_squeeze %dma_wait3A_416 : memref<1x1024xf32, #tpu.memory_space<vmem_shared>> -> memref<1024xf32, #tpu.memory_space<vmem_shared>>
      tpu.wait_dma2 semaphore(%run_scoped3A_401 : memref<!tpu.dma_semaphore, #tpu.memory_space<semaphore_mem>>) src(%dma_wait3A_417 : memref<1024xf32, #tpu.memory_space<vmem_shared>>) dst(%dma_wait3A_415 : memref<1024xf32, #tpu.memory_space<vmem>>)
      tpu.yield
    }) : () -> ()
    %run_scoped3A_397 = arith.constant 15 : i32
    "tpu.region"() ({
      %run_scoped3A_401 = tpu.sem_alloc : memref<!tpu.dma_semaphore, #tpu.memory_space<semaphore_mem>>
      %dma_start3A_402 = arith.constant 15360 : i32
      %dma_start3A_403 = tpu.memref_slice %arg9[%dma_start3A_402] : memref<16384xf32, #tpu.memory_space<vmem>> -> memref<1024xf32, #tpu.memory_space<vmem>>
      %dma_start3A_404 = tpu.memref_slice %arg13[%run_scoped3A_397, %mul3A_382] : memref<16x16384xf32, #tpu.memory_space<vmem_shared>> -> memref<1x1024xf32, #tpu.memory_space<vmem_shared>>
      %dma_start3A_405 = tpu.memref_squeeze %dma_start3A_404 : memref<1x1024xf32, #tpu.memory_space<vmem_shared>> -> memref<1024xf32, #tpu.memory_space<vmem_shared>>
      %dma_start3A_406 = arith.constant 15360 : i32
      %dma_start3A_407 = tpu.memref_slice %arg9[%dma_start3A_406] : memref<16384xf32, #tpu.memory_space<vmem>> -> memref<1024xf32, #tpu.memory_space<vmem>>
      %dma_start3A_408 = tpu.memref_slice %arg13[%run_scoped3A_397, %mul3A_382] : memref<16x16384xf32, #tpu.memory_space<vmem_shared>> -> memref<1x1024xf32, #tpu.memory_space<vmem_shared>>
      %dma_start3A_409 = tpu.memref_squeeze %dma_start3A_408 : memref<1x1024xf32, #tpu.memory_space<vmem_shared>> -> memref<1024xf32, #tpu.memory_space<vmem_shared>>
      tpu.enqueue_dma source(%dma_start3A_409 : memref<1024xf32, #tpu.memory_space<vmem_shared>>) target(%dma_start3A_407 : memref<1024xf32, #tpu.memory_space<vmem>>) target_semaphore(%run_scoped3A_401 : memref<!tpu.dma_semaphore, #tpu.memory_space<semaphore_mem>>)
      %dma_wait3A_410 = arith.constant 15360 : i32
      %dma_wait3A_411 = tpu.memref_slice %arg9[%dma_wait3A_410] : memref<16384xf32, #tpu.memory_space<vmem>> -> memref<1024xf32, #tpu.memory_space<vmem>>
      %dma_wait3A_412 = tpu.memref_slice %arg13[%run_scoped3A_397, %mul3A_382] : memref<16x16384xf32, #tpu.memory_space<vmem_shared>> -> memref<1x1024xf32, #tpu.memory_space<vmem_shared>>
      %dma_wait3A_413 = tpu.memref_squeeze %dma_wait3A_412 : memref<1x1024xf32, #tpu.memory_space<vmem_shared>> -> memref<1024xf32, #tpu.memory_space<vmem_shared>>
      %dma_wait3A_414 = arith.constant 15360 : i32
      %dma_wait3A_415 = tpu.memref_slice %arg9[%dma_wait3A_414] : memref<16384xf32, #tpu.memory_space<vmem>> -> memref<1024xf32, #tpu.memory_space<vmem>>
      %dma_wait3A_416 = tpu.memref_slice %arg13[%run_scoped3A_397, %mul3A_382] : memref<16x16384xf32, #tpu.memory_space<vmem_shared>> -> memref<1x1024xf32, #tpu.memory_space<vmem_shared>>
      %dma_wait3A_417 = tpu.memref_squeeze %dma_wait3A_416 : memref<1x1024xf32, #tpu.memory_space<vmem_shared>> -> memref<1024xf32, #tpu.memory_space<vmem_shared>>
      tpu.wait_dma2 semaphore(%run_scoped3A_401 : memref<!tpu.dma_semaphore, #tpu.memory_space<semaphore_mem>>) src(%dma_wait3A_417 : memref<1024xf32, #tpu.memory_space<vmem_shared>>) dst(%dma_wait3A_415 : memref<1024xf32, #tpu.memory_space<vmem>>)
      tpu.yield
    }) : () -> ()
    %parallel_loop3A_398 = arith.constant 0 : i32
    %parallel_loop3A_399 = arith.constant 64 : i32
    %parallel_loop3A_400 = arith.constant 1 : i32
    scf.for %parallel_loop3A_401 = %parallel_loop3A_398 to %parallel_loop3A_399 step %parallel_loop3A_400  : i32 {
      %parallel_loop3A_402 = arith.constant 16 : i32
      %parallel_loop3A_403 = arith.muli %parallel_loop3A_401, %parallel_loop3A_402 : i32
      %parallel_loop3A_404 = arith.index_cast %parallel_loop3A_403 : i32 to index
      %parallel_loop3A_405 = tpu.vector_load %arg9[%parallel_loop3A_404] {strides = array<i32>} : memref<16384xf32, #tpu.memory_space<vmem>>, vector<16xf32>,
      %parallel_loop3A_406 = arith.constant 16 : i32
      %parallel_loop3A_407 = arith.muli %parallel_loop3A_401, %parallel_loop3A_406 : i32
      %parallel_loop3A_408 = arith.constant 1024 : i32
      %parallel_loop3A_409 = arith.addi %parallel_loop3A_408, %parallel_loop3A_407 : i32
      %parallel_loop3A_410 = arith.index_cast %parallel_loop3A_409 : i32 to index
      %parallel_loop3A_411 = tpu.vector_load %arg9[%parallel_loop3A_410] {strides = array<i32>} : memref<16384xf32, #tpu.memory_space<vmem>>, vector<16xf32>,
      %parallel_loop3A_412 = arith.addf %parallel_loop3A_405, %parallel_loop3A_411 : vector<16xf32>
      %parallel_loop3A_413 = arith.constant 16 : i32
      %parallel_loop3A_414 = arith.muli %parallel_loop3A_401, %parallel_loop3A_413 : i32
      %parallel_loop3A_415 = arith.constant 2048 : i32
      %parallel_loop3A_416 = arith.addi %parallel_loop3A_415, %parallel_loop3A_414 : i32
      %parallel_loop3A_417 = arith.index_cast %parallel_loop3A_416 : i32 to index
      %parallel_loop3A_418 = tpu.vector_load %arg9[%parallel_loop3A_417] {strides = array<i32>} : memref<16384xf32, #tpu.memory_space<vmem>>, vector<16xf32>,
      %parallel_loop3A_419 = arith.addf %parallel_loop3A_412, %parallel_loop3A_418 : vector<16xf32>
      %parallel_loop3A_420 = arith.constant 16 : i32
      %parallel_loop3A_421 = arith.muli %parallel_loop3A_401, %parallel_loop3A_420 : i32
      %parallel_loop3A_422 = arith.constant 3072 : i32
      %parallel_loop3A_423 = arith.addi %parallel_loop3A_422, %parallel_loop3A_421 : i32
      %parallel_loop3A_424 = arith.index_cast %parallel_loop3A_423 : i32 to index
      %parallel_loop3A_425 = tpu.vector_load %arg9[%parallel_loop3A_424] {strides = array<i32>} : memref<16384xf32, #tpu.memory_space<vmem>>, vector<16xf32>,
      %parallel_loop3A_426 = arith.addf %parallel_loop3A_419, %parallel_loop3A_425 : vector<16xf32>
      %parallel_loop3A_427 = arith.constant 16 : i32
      %parallel_loop3A_428 = arith.muli %parallel_loop3A_401, %parallel_loop3A_427 : i32
      %parallel_loop3A_429 = arith.constant 4096 : i32
      %parallel_loop3A_430 = arith.addi %parallel_loop3A_429, %parallel_loop3A_428 : i32
      %parallel_loop3A_431 = arith.index_cast %parallel_loop3A_430 : i32 to index
      %parallel_loop3A_432 = tpu.vector_load %arg9[%parallel_loop3A_431] {strides = array<i32>} : memref<16384xf32, #tpu.memory_space<vmem>>, vector<16xf32>,
      %parallel_loop3A_433 = arith.addf %parallel_loop3A_426, %parallel_loop3A_432 : vector<16xf32>
      %parallel_loop3A_434 = arith.constant 16 : i32
      %parallel_loop3A_435 = arith.muli %parallel_loop3A_401, %parallel_loop3A_434 : i32
      %parallel_loop3A_436 = arith.constant 5120 : i32
      %parallel_loop3A_437 = arith.addi %parallel_loop3A_436, %parallel_loop3A_435 : i32
      %parallel_loop3A_438 = arith.index_cast %parallel_loop3A_437 : i32 to index
      %parallel_loop3A_439 = tpu.vector_load %arg9[%parallel_loop3A_438] {strides = array<i32>} : memref<16384xf32, #tpu.memory_space<vmem>>, vector<16xf32>,
      %parallel_loop3A_440 = arith.addf %parallel_loop3A_433, %parallel_loop3A_439 : vector<16xf32>
      %parallel_loop3A_441 = arith.constant 16 : i32
      %parallel_loop3A_442 = arith.muli %parallel_loop3A_401, %parallel_loop3A_441 : i32
      %parallel_loop3A_443 = arith.constant 6144 : i32
      %parallel_loop3A_444 = arith.addi %parallel_loop3A_443, %parallel_loop3A_442 : i32
      %parallel_loop3A_445 = arith.index_cast %parallel_loop3A_444 : i32 to index
      %parallel_loop3A_446 = tpu.vector_load %arg9[%parallel_loop3A_445] {strides = array<i32>} : memref<16384xf32, #tpu.memory_space<vmem>>, vector<16xf32>,
      %parallel_loop3A_447 = arith.addf %parallel_loop3A_440, %parallel_loop3A_446 : vector<16xf32>
      %parallel_loop3A_448 = arith.constant 16 : i32
      %parallel_loop3A_449 = arith.muli %parallel_loop3A_401, %parallel_loop3A_448 : i32
      %parallel_loop3A_450 = arith.constant 7168 : i32
      %parallel_loop3A_451 = arith.addi %parallel_loop3A_450, %parallel_loop3A_449 : i32
      %parallel_loop3A_452 = arith.index_cast %parallel_loop3A_451 : i32 to index
      %parallel_loop3A_453 = tpu.vector_load %arg9[%parallel_loop3A_452] {strides = array<i32>} : memref<16384xf32, #tpu.memory_space<vmem>>, vector<16xf32>,
      %parallel_loop3A_454 = arith.addf %parallel_loop3A_447, %parallel_loop3A_453 : vector<16xf32>
      %parallel_loop3A_455 = arith.constant 16 : i32
      %parallel_loop3A_456 = arith.muli %parallel_loop3A_401, %parallel_loop3A_455 : i32
      %parallel_loop3A_457 = arith.constant 8192 : i32
      %parallel_loop3A_458 = arith.addi %parallel_loop3A_457, %parallel_loop3A_456 : i32
      %parallel_loop3A_459 = arith.index_cast %parallel_loop3A_458 : i32 to index
      %parallel_loop3A_460 = tpu.vector_load %arg9[%parallel_loop3A_459] {strides = array<i32>} : memref<16384xf32, #tpu.memory_space<vmem>>, vector<16xf32>,
      %parallel_loop3A_461 = arith.addf %parallel_loop3A_454, %parallel_loop3A_460 : vector<16xf32>
      %parallel_loop3A_462 = arith.constant 16 : i32
      %parallel_loop3A_463 = arith.muli %parallel_loop3A_401, %parallel_loop3A_462 : i32
      %parallel_loop3A_464 = arith.constant 9216 : i32
      %parallel_loop3A_465 = arith.addi %parallel_loop3A_464, %parallel_loop3A_463 : i32
      %parallel_loop3A_466 = arith.index_cast %parallel_loop3A_465 : i32 to index
      %parallel_loop3A_467 = tpu.vector_load %arg9[%parallel_loop3A_466] {strides = array<i32>} : memref<16384xf32, #tpu.memory_space<vmem>>, vector<16xf32>,
      %parallel_loop3A_468 = arith.addf %parallel_loop3A_461, %parallel_loop3A_467 : vector<16xf32>
      %parallel_loop3A_469 = arith.constant 16 : i32
      %parallel_loop3A_470 = arith.muli %parallel_loop3A_401, %parallel_loop3A_469 : i32
      %parallel_loop3A_471 = arith.constant 10240 : i32
      %parallel_loop3A_472 = arith.addi %parallel_loop3A_471, %parallel_loop3A_470 : i32
      %parallel_loop3A_473 = arith.index_cast %parallel_loop3A_472 : i32 to index
      %parallel_loop3A_474 = tpu.vector_load %arg9[%parallel_loop3A_473] {strides = array<i32>} : memref<16384xf32, #tpu.memory_space<vmem>>, vector<16xf32>,
      %parallel_loop3A_475 = arith.addf %parallel_loop3A_468, %parallel_loop3A_474 : vector<16xf32>
      %parallel_loop3A_476 = arith.constant 16 : i32
      %parallel_loop3A_477 = arith.muli %parallel_loop3A_401, %parallel_loop3A_476 : i32
      %parallel_loop3A_478 = arith.constant 11264 : i32
      %parallel_loop3A_479 = arith.addi %parallel_loop3A_478, %parallel_loop3A_477 : i32
      %parallel_loop3A_480 = arith.index_cast %parallel_loop3A_479 : i32 to index
      %parallel_loop3A_481 = tpu.vector_load %arg9[%parallel_loop3A_480] {strides = array<i32>} : memref<16384xf32, #tpu.memory_space<vmem>>, vector<16xf32>,
      %parallel_loop3A_482 = arith.addf %parallel_loop3A_475, %parallel_loop3A_481 : vector<16xf32>
      %parallel_loop3A_483 = arith.constant 16 : i32
      %parallel_loop3A_484 = arith.muli %parallel_loop3A_401, %parallel_loop3A_483 : i32
      %parallel_loop3A_485 = arith.constant 12288 : i32
      %parallel_loop3A_486 = arith.addi %parallel_loop3A_485, %parallel_loop3A_484 : i32
      %parallel_loop3A_487 = arith.index_cast %parallel_loop3A_486 : i32 to index
      %parallel_loop3A_488 = tpu.vector_load %arg9[%parallel_loop3A_487] {strides = array<i32>} : memref<16384xf32, #tpu.memory_space<vmem>>, vector<16xf32>,
      %parallel_loop3A_489 = arith.addf %parallel_loop3A_482, %parallel_loop3A_488 : vector<16xf32>
      %parallel_loop3A_490 = arith.constant 16 : i32
      %parallel_loop3A_491 = arith.muli %parallel_loop3A_401, %parallel_loop3A_490 : i32
      %parallel_loop3A_492 = arith.constant 13312 : i32
      %parallel_loop3A_493 = arith.addi %parallel_loop3A_492, %parallel_loop3A_491 : i32
      %parallel_loop3A_494 = arith.index_cast %parallel_loop3A_493 : i32 to index
      %parallel_loop3A_495 = tpu.vector_load %arg9[%parallel_loop3A_494] {strides = array<i32>} : memref<16384xf32, #tpu.memory_space<vmem>>, vector<16xf32>,
      %parallel_loop3A_496 = arith.addf %parallel_loop3A_489, %parallel_loop3A_495 : vector<16xf32>
      %parallel_loop3A_497 = arith.constant 16 : i32
      %parallel_loop3A_498 = arith.muli %parallel_loop3A_401, %parallel_loop3A_497 : i32
      %parallel_loop3A_499 = arith.constant 14336 : i32
      %parallel_loop3A_500 = arith.addi %parallel_loop3A_499, %parallel_loop3A_498 : i32
      %parallel_loop3A_501 = arith.index_cast %parallel_loop3A_500 : i32 to index
      %parallel_loop3A_502 = tpu.vector_load %arg9[%parallel_loop3A_501] {strides = array<i32>} : memref<16384xf32, #tpu.memory_space<vmem>>, vector<16xf32>,
      %parallel_loop3A_503 = arith.addf %parallel_loop3A_496, %parallel_loop3A_502 : vector<16xf32>
      %parallel_loop3A_504 = arith.constant 16 : i32
      %parallel_loop3A_505 = arith.muli %parallel_loop3A_401, %parallel_loop3A_504 : i32
      %parallel_loop3A_506 = arith.constant 15360 : i32
      %parallel_loop3A_507 = arith.addi %parallel_loop3A_506, %parallel_loop3A_505 : i32
      %parallel_loop3A_508 = arith.index_cast %parallel_loop3A_507 : i32 to index
      %parallel_loop3A_509 = tpu.vector_load %arg9[%parallel_loop3A_508] {strides = array<i32>} : memref<16384xf32, #tpu.memory_space<vmem>>, vector<16xf32>,
      %parallel_loop3A_510 = arith.addf %parallel_loop3A_503, %parallel_loop3A_509 : vector<16xf32>
      %parallel_loop3A_511 = arith.constant 16 : i32
      %parallel_loop3A_512 = arith.muli %parallel_loop3A_401, %parallel_loop3A_511 : i32
      %parallel_loop3A_513 = vector.broadcast %parallel_loop3A_512 : i32 to vector<16xi32>
      %parallel_loop3A_514 = arith.addi %parallel_loop3A_513, %iota3A : vector<16xi32>
      tpu.vector_store_idx %arg10[%parallel_loop3A_514], %parallel_loop3A_510 : memref<16384xf32, #tpu.memory_space<vmem>>[vector<16xi32>], vector<16xf32>,
    } {sc.loop_unroll_factor = 4 : i64, sc.parallel_access}
    "tpu.region"() ({
      %run_scoped3A_401 = tpu.sem_alloc : memref<!tpu.dma_semaphore, #tpu.memory_space<semaphore_mem>>
      %dma_start3A_402 = arith.constant 0 : i32
      %dma_start3A_403 = tpu.memref_slice %arg10[%dma_start3A_402] : memref<16384xf32, #tpu.memory_space<vmem>> -> memref<1024xf32, #tpu.memory_space<vmem>>
      %dma_start3A_404 = tpu.memref_slice %arg6[%arg0, %mul3A_382] : memref<2x16384xf32, #tpu.memory_space<hbm>> -> memref<1x1024xf32, #tpu.memory_space<hbm>>
      %dma_start3A_405 = tpu.memref_squeeze %dma_start3A_404 : memref<1x1024xf32, #tpu.memory_space<hbm>> -> memref<1024xf32, #tpu.memory_space<hbm>>
      %dma_start3A_406 = tpu.memref_slice %arg6[%arg0, %mul3A_382] : memref<2x16384xf32, #tpu.memory_space<hbm>> -> memref<1x1024xf32, #tpu.memory_space<hbm>>
      %dma_start3A_407 = tpu.memref_squeeze %dma_start3A_406 : memref<1x1024xf32, #tpu.memory_space<hbm>> -> memref<1024xf32, #tpu.memory_space<hbm>>
      %dma_start3A_408 = arith.constant 0 : i32
      %dma_start3A_409 = tpu.memref_slice %arg10[%dma_start3A_408] : memref<16384xf32, #tpu.memory_space<vmem>> -> memref<1024xf32, #tpu.memory_space<vmem>>
      tpu.enqueue_dma source(%dma_start3A_409 : memref<1024xf32, #tpu.memory_space<vmem>>) target(%dma_start3A_407 : memref<1024xf32, #tpu.memory_space<hbm>>) target_semaphore(%run_scoped3A_401 : memref<!tpu.dma_semaphore, #tpu.memory_space<semaphore_mem>>)
      %dma_wait3A_410 = arith.constant 0 : i32
      %dma_wait3A_411 = tpu.memref_slice %arg10[%dma_wait3A_410] : memref<16384xf32, #tpu.memory_space<vmem>> -> memref<1024xf32, #tpu.memory_space<vmem>>
      %dma_wait3A_412 = tpu.memref_slice %arg6[%arg0, %mul3A_382] : memref<2x16384xf32, #tpu.memory_space<hbm>> -> memref<1x1024xf32, #tpu.memory_space<hbm>>
      %dma_wait3A_413 = tpu.memref_squeeze %dma_wait3A_412 : memref<1x1024xf32, #tpu.memory_space<hbm>> -> memref<1024xf32, #tpu.memory_space<hbm>>
      %dma_wait3A_414 = tpu.memref_slice %arg6[%arg0, %mul3A_382] : memref<2x16384xf32, #tpu.memory_space<hbm>> -> memref<1x1024xf32, #tpu.memory_space<hbm>>
      %dma_wait3A_415 = tpu.memref_squeeze %dma_wait3A_414 : memref<1x1024xf32, #tpu.memory_space<hbm>> -> memref<1024xf32, #tpu.memory_space<hbm>>
      %dma_wait3A_416 = arith.constant 0 : i32
      %dma_wait3A_417 = tpu.memref_slice %arg10[%dma_wait3A_416] : memref<16384xf32, #tpu.memory_space<vmem>> -> memref<1024xf32, #tpu.memory_space<vmem>>
      tpu.wait_dma2 semaphore(%run_scoped3A_401 : memref<!tpu.dma_semaphore, #tpu.memory_space<semaphore_mem>>) src(%dma_wait3A_417 : memref<1024xf32, #tpu.memory_space<vmem>>) dst(%dma_wait3A_415 : memref<1024xf32, #tpu.memory_space<hbm>>)
      tpu.yield
    }) : () -> ()
    return
  }
}

</mosaic_0001>

<sc_bundles>
// kernel: kernel.3.cloned.1.call-start
scs
__scs_entry_jumppad:
0x0: {  	(pc) =	sbr.rel $0x88, $3  }
0x1: {  	(tag) =	ssettag $0x0;
	lr =	simm.s32 $0x1  }
0x2: {  	[smem:$0x3F9D] =	sst lr;
	_ =	strace $0xD0000000  }
0x3: {  	_ = 	snop  }
0x4: {  	_ = 	snop  }
0x5: {  	_ = 	snop  }
0x6: {  	_ = 	snop  }
0x7: {  	_ = 	snop  }
__scs_overlays_trampoline_lowered:
0x8: {  	[smem:$0x3FAC] =	sst s0  }
0x9: {  	[smem:$0x3FAD] =	sst s1  }
0xa: {  	[smem:$0x3FAE] =	sst s2  }
0xb: {  	[smem:$0x3FAF] =	sst s3  }
0xc: {  	[smem:$0x3FB0] =	sst s4  }
0xd: {  	[smem:$0x3FB1] =	sst s5  }
0xe: {  	[smem:$0x3FB2] =	sst s6  }
0xf: {  	[smem:$0x3FB3] =	sst s7  }
0x10: {  	[smem:$0x3FB4] =	sst s8  }
0x11: {  	[smem:$0x3FB5] =	sst s9;
	s0 =	simm.s32 @!p0 $0x0  }
0x12: {  	s1 =	sld [smem:$0x3F9B];
	s0 =	simm.s32 @p0 $0x1  }
0x13: {  	[smem:$0x3FB6] =	sst s0;
	s0 =	simm.s32 @!p1 $0x0  }
0x14: {  	s2 =	sld [smem:$0x3F9A];
	s0 =	simm.s32 @p1 $0x1  }
0x15: {  	[smem:$0x3FB7] =	sst s0;
	s0 =	simm.s32 @!p2 $0x0  }
0x16: {  	s3 =	sld [smem:$0x3FDB];
	s0 =	simm.s32 @p2 $0x1  }
0x17: {  	s4 =	simm.s32 $0x1BF5;
	[smem:$0x3FB9] =	sst s0  }
0x18: {  	s0 =	sld [smem:$0x3F9C];
	_ =	swait.ge [sflag:s4], $0x0  }
0x19: {  	s7 =	sld [smem:$0x3F9D]  }
0x1a: {  	s8 =	sadd.s32 $0xFFFFE003, lr  }
0x1b: {  	s9 =	sadd.s32 $0xFFFFFEF7, lr;
	s5 =	simm.s32 $0xFFFFFFFF;
	p2 =	slt.u32 s8, $0xFFFFF086  }
0x1c: {  	p1 =	slt.u32 s9, $0xF7A;
	s5 =	simm.s32 @!p2 $0x0  }
0x1d: {  	s5 =	simm.s32 @p1 $0x1;
	p0 =	seq.s32 s7, s2  }
0x1e: {  	s7 =	smul.u32 @!p0 $0xF7A, s2;
	p2 =	seq.s32 @!p0 s5, $0x0  }
0x1f: {  	s9 =	smul.u32 $0xF7A, s1;
	s8 =	simm.s32 @!p0 $0x1BF5;
	p2 =	por !p2, p0  }
0x20: {  	[sflag:s8] =	ssyncset.s32 @!p0 $0xFFFFF086;
	s6 =	sadd.s32 @!p0 s3, s7;
	s7 =	simm.s32 @!p0 $0x108  }
0x21: {  	s3 =	sadd.s32 s3, s9;
	s6 =	sadd.s32 @!p0 $0x88, s6;
	s7 =	simm.s32 @p2 $0x1082  }
0x22: {  	[simem:s7], [sflag:s8] =	dma.local @!p0 [hbm:s6], $0xF7A  }
0x23: {  	s9 =	sor.u32 $0xD0000000, s2;
	s6 =	simm.s32 $0x108;
	_ =	swait.ge @!p0 [sflag:s8], $0x0  }
0x24: {  	s3 =	sadd.s32 $0x88, s3;
	s6 =	simm.s32 @!p1 $0x1082;
	[sflag:s4] =	ssyncset.s32 $0xFFFFF086  }
0x25: {  	[simem:s6], [sflag:s4] =	dma.local [hbm:s3], $0xF7A  }
0x26: {  	[smem:$0x3F9D] =	sst s1;
	(tag) =	ssettag s2;
	_ =	strace s9  }
0x27: {  	s1 =	sld [smem:$0x3FAD]  }
0x28: {  	s2 =	sld [smem:$0x3FAE]  }
0x29: {  	s4 =	sld [smem:$0x3FB0]  }
0x2a: {  	p0 =	seq.s32 s5, $0x0;
	s5 =	sld [smem:$0x3FB1]  }
0x2b: {  	s6 =	sld [smem:$0x3FB2]  }
0x2c: {  	s7 =	sld [smem:$0x3FB3]  }
0x2d: {  	s3 =	simm.s32 $0x108;
	s8 =	sld [smem:$0x3FB4]  }
0x2e: {  	s3 =	simm.s32 @!p0 $0x1082;
	s9 =	sld [smem:$0x3FB5]  }
0x2f: {  	lr =	sadd.s32 s0, s3;
	s0 =	sld [smem:$0x3FAC]  }
0x30: {  	s3 =	sld [smem:$0x3FAF]  }
0x31: {  	[smem:$0x3FB8] =	sst s10  }
0x32: {  	s10 =	sld [smem:$0x3FB6];
	_ =	sdelay $0x3  }
0x33: {  	p0 =	seq.s32 s10, $0x1;
	s10 =	sld [smem:$0x3FB8];
	_ =	sdelay $0x3  }
0x34: {  	[smem:$0x3FB8] =	sst s10  }
0x35: {  	s10 =	sld [smem:$0x3FB7];
	_ =	sdelay $0x3  }
0x36: {  	p1 =	seq.s32 s10, $0x1;
	s10 =	sld [smem:$0x3FB8];
	_ =	sdelay $0x3  }
0x37: {  	[smem:$0x3FB8] =	sst s10  }
0x38: {  	s10 =	sld [smem:$0x3FB9]  }
0x39: {  	_ = 	snop;
	(pc) =	sbr.ind lr, $3  }
0x3a: {  	_ = 	snop  }
0x3b: {  	_ = 	snop  }
0x3c: {  	p2 =	seq.s32 s10, $0x1;
	s10 =	sld [smem:$0x3FB8]  }
0x3d: {  	_ =	shalt  }
0x3e: {  	_ =	shalt  }
0x3f: {  	_ =	shalt  }
0x40: {  	_ =	shalt  }
0x41: {  	_ =	shalt  }
0x42: {  	_ =	shalt  }
0x43: {  	_ =	shalt  }
0x44: {  	_ =	shalt  }
0x45: {  	_ =	shalt  }
0x46: {  	_ =	shalt  }
0x47: {  	_ =	shalt  }
0x48: {  	_ =	shalt  }
0x49: {  	_ =	shalt  }
0x4a: {  	_ =	shalt  }
0x4b: {  	_ =	shalt  }
0x4c: {  	_ =	shalt  }
0x4d: {  	_ =	shalt  }
0x4e: {  	_ =	shalt  }
0x4f: {  	_ =	shalt  }
0x50: {  	_ =	shalt  }
0x51: {  	_ =	shalt  }
0x52: {  	_ =	shalt  }
0x53: {  	_ =	shalt  }
0x54: {  	_ =	shalt  }
0x55: {  	_ =	shalt  }
0x56: {  	_ =	shalt  }
0x57: {  	_ =	shalt  }
0x58: {  	_ =	shalt  }
0x59: {  	_ =	shalt  }
0x5a: {  	_ =	shalt  }
0x5b: {  	_ =	shalt  }
0x5c: {  	_ =	shalt  }
0x5d: {  	_ =	shalt  }
0x5e: {  	_ =	shalt  }
0x5f: {  	_ =	shalt  }
0x60: {  	_ =	shalt  }
0x61: {  	_ =	shalt  }
0x62: {  	_ =	shalt  }
0x63: {  	_ =	shalt  }
0x64: {  	_ =	shalt  }
0x65: {  	_ =	shalt  }
0x66: {  	_ =	shalt  }
0x67: {  	_ =	shalt  }
0x68: {  	_ =	shalt  }
0x69: {  	_ =	shalt  }
0x6a: {  	_ =	shalt  }
0x6b: {  	_ =	shalt  }
0x6c: {  	_ =	shalt  }
0x6d: {  	_ =	shalt  }
0x6e: {  	_ =	shalt  }
0x6f: {  	_ =	shalt  }
0x70: {  	_ =	shalt  }
0x71: {  	_ =	shalt  }
0x72: {  	_ =	shalt  }
0x73: {  	_ =	shalt  }
0x74: {  	_ =	shalt  }
0x75: {  	_ =	shalt  }
0x76: {  	_ =	shalt  }
0x77: {  	_ =	shalt  }
0x78: {  	_ =	shalt  }
0x79: {  	_ =	shalt  }
0x7a: {  	_ =	shalt  }
0x7b: {  	_ =	shalt  }
0x7c: {  	_ =	shalt  }
0x7d: {  	_ =	shalt  }
0x7e: {  	_ =	shalt  }
0x7f: {  	_ =	shalt  }
0x80: {  	_ =	shalt  }
0x81: {  	_ =	shalt  }
0x82: {  	_ =	shalt  }
0x83: {  	_ =	shalt  }
0x84: {  	_ =	shalt  }
0x85: {  	_ =	shalt  }
0x86: {  	_ =	shalt  }
0x87: {  	_ =	shalt  }
.Lfunc_end0:
.L_simem_size_0:
called_computation_lowered:
.L_overlay_start_0:
0x88: {  	s2 =	sld [smem:$0x3FD9]  }
0x89: {  	s3 =	sld [smem:$0x3FFE];
	_ =	sdelay $0x1  }
0x8a: {  	s1 =	srdreg.scid  }
0x8b: {  	s0 =	sand.u32 $0x1, s1  }
0x8c: {  	s17 =	sshll.u32 s0, $0xA;
	s2 =	sadd.s32 s3, s2  }
0x8d: {  	s2 =	sadd.s32 s2, s17  }
0x8e: {  	[smem:$0x3FC4] =	sst s2  }
0x8f: {  	_ = 	snop  }
0x90: {  	s2 =	sld [smem:$0x3FC9]  }
0x91: {  	s18 =	sld [smem:$0x3FC8];
	(tm) =	ssettm $0x1  }
0x92: {  	s4 =	sld [smem:$0x3FFB];
	_ =	sdelay $0x3  }
0x93: {  	_ =	strace s4  }
0x94: {  	s4 =	sld [smem:$0x3FFC];
	_ =	sdelay $0x3  }
0x95: {  	_ =	strace s4  }
0x96: {  	s4 =	sld [smem:$0x3FFD];
	_ =	sdelay $0x3  }
0x97: {  	_ =	strace s4  }
0x98: {  	_ =	strace $0x8FFFFFFF  }
0x99: {  	s19 =	sld [smem:$0x3FDB];
	_ =	sdelay $0x1  }
0x9a: {  	s5 =	simm.s32 $_scs_section_size  }
0x9b: {  	s6 =	simm.s32 $_size__tile_overlayer_lowered;
	s7 =	simm.s32 $_tile_overlayer_lowered  }
0x9c: {  	s22 =	simm.s32 $0x1BFF;
	s21 =	sshll.u32 s7, $0x1;
	s4 =	sadd.s32 s5, s19  }
0x9d: {  	s8 =	simm.s32 $0x0;
	s20 =	sshll.u32 s6, $0x1;
	s6 =	sadd.s32 s21, s4  }
0x9e: {  	[timem:s8], [sflag:s22] =	dma.local [hbm:s6], s20  }
0x9f: {  	_ =	swait.ge [sflag:s22], s20  }
0xa0: {  	s5 =	ssub.s32 $0x0, s20;
	[sflag:s22] =	ssyncset.done $0x0  }
0xa1: {  	[sflag:s22] =	ssyncadd.s32 s5;
	_ =	sdelay $0x1  }
0xa2: {  	s23 =	simm.s32 $0x1B8B  }
0xa3: {  	_ =	swait.ge [sflag:s23], $0x1  }
0xa4: {  	[sflag:s23] =	ssyncset.done $0x0  }
0xa5: {  	s25 =	simm.s32 $0x1B8E;
	s24 =	sld [smem:$0x3FFE];
	[sflag:s23] =	ssyncadd.s32 $0xFFFFFFFF  }
0xa6: {  	s26 =	simm.s32 $execute0_lowered;
	[smem:$0x3FD2] =	sst s25  }
0xa7: {  	s6 =	sshll.u32 s26, $0x1;
	_ =	strace $0x80000046;
	[dreg:$0x1] =	wrdreg $0xFFFFFFFF  }
0xa8: {  	s28 =	simm.s32 $_size_execute0_lowered;
	s4 =	sadd.s32 s4, s6;
	[dreg:$0x0] =	wrdreg $0x0  }
0xa9: {  	s6 =	sshll.u32 s28, $0x1;
	[dreg:$0x2] =	wrdreg s4  }
0xaa: {  	[dreg:$0x3] =	wrdreg s6  }
0xab: {  	[dreg:$0x4] =	wrdreg $0xC0  }
0xac: {  	_ =	task [dreg:s8], $0x5FFFF  }
0xad: {  	[dreg:$0x1] =	wrdreg $0xFFFFFFFF  }
0xae: {  	[dreg:$0x0] =	wrdreg $0x60  }
0xaf: {  	[dreg:$0x2] =	wrdreg s2  }
0xb0: {  	[dreg:$0x3] =	wrdreg s18  }
0xb1: {  	[dreg:$0x4] =	wrdreg s24  }
0xb2: {  	[dreg:$0x5] =	wrdreg $0x19C400  }
0xb3: {  	[dreg:$0x6] =	wrdreg $0x9  }
0xb4: {  	_ =	task.clear_ibuf [dreg:s8], $0x7FFFF;
	_ =	strace $0x90000046  }
0xb5: {  	s29 =	simm.s32 $0x9;
	_ =	strace $0x80000048  }
0xb6: {  	_ =	swait.ge [sflag:s29], $0x1  }
0xb7: {  	[sflag:s29] =	ssyncadd.s32 $0xFFFFFFFF  }
0xb8: {  	_ =	strace $0x90000048  }
0xb9: {  	_ =	sfence  }
0xba: {  	s30 =	sld [smem:$0x0];
	_ =	sdelay $0x2  }
0xbb: {  	s31 =	sshll.u32 s1, $0xD;
	s1 =	sshrl.u32 s1, $0x2  }
0xbc: {  	s3 =	sand.u32 $0x4000, s31;
	s1 =	sadd.s32 s1, s30  }
0xbd: {  	s0 =	sor.u32 s3, s0;
	s1 =	sshll.u32 s1, $0x11  }
0xbe: {  	s0 =	sor.u32 s1, s0  }
0xbf: {  	s0 =	sadd.s32 $0x8F2B, s0  }
0xc0: {  	[sflag:s0] =	ssyncadd.remote.s32 $0x1  }
0xc1: {  	_ =	sfence.sel $0xFFFF  }
0xc2: {  	[dreg:$0x0] =	wrdreg $0xFFFFFFFF;
	(pc) =	sbr.abs _section_cstart, $3  }
0xc3: {  	[dreg:$0x1] =	wrdreg $0xFFFFFFFF  }
0xc4: {  	_ =	task.clear_ibuf [dreg:s8], $0x2FFFF;
	_ =	strace $0x9FFFFFFF  }
0xc5: {  	(tm) =	ssettm $0x7FFFFFFF  }
tec
execute0_lowered:
.L_overlay_start_1:
0x0: {  	(tag) =	ssettag $0x1  }
0x1: {  	s0 =	srdreg.scid  }
0x2: {  	s11 =	stileid.u32;
	s0 =	sand.u32 $0x1, s0  }
0x3: {  	s4 =	sshll.u32 s11, $0x1;
	s3 =	sshll.u32 s0, $0x5  }
0x4: {  	s3 =	sor.u32 s4, s3  }
0x5: {  	s2 =	rddreg [dreg:$0x2];
	s1 =	simm.s32 $0x0;
	s3 =	smul.u32 $0x186A0, s3  }
0x6: {  	[smem:$0x7FF] =	sst s1;
	s6 =	sadd.s32 $0x2000, s2;
	s7 =	sadd.s32 $0xC5600, s2  }
0x7: {  	s5 =	sshll.u32 s0, $0xE;
	s0 =	ssub.s32 $0x2, s0;
	s3 =	sshrl.u32 s3, $0x3  }
0x8: {  	s4 =	sshll.u32 s11, $0xA;
	s25 =	sshrl.u32 s0, $0x1;
	s26 =	sadd.s32 s6, s3  }
0x9: {  	s8 =	sadd.s32 $0x9C4, s3;
	s13 =	sadd.s32 s7, s3;
	[dreg:$0x5] =	wrdreg s26  }
0xa: {  	s29 =	sadd.s32 $0x1388, s3;
	s28 =	sadd.s32 s6, s8;
	[dreg:$0xa] =	wrdreg s13  }
0xb: {  	s9 =	sadd.s32 $0x1D4C, s3;
	s12 =	sadd.s32 s6, s29;
	[dreg:$0x6] =	wrdreg s28  }
0xc: {  	s10 =	sadd.s32 $0x2710, s3;
	s30 =	sadd.s32 s6, s9;
	[dreg:$0x7] =	wrdreg s12  }
0xd: {  	s5 =	sor.u32 s4, s5;
	s31 =	sadd.s32 s6, s10;
	[dreg:$0x8] =	wrdreg s30  }
0xe: {  	s5 =	sshrl.u32 s5, $0x3;
	s8 =	sadd.s32 s7, s8;
	[dreg:$0x9] =	wrdreg s31  }
0xf: {  	s2 =	sadd.s32 s5, s2;
	s5 =	sadd.s32 s7, s29;
	[dreg:$0xb] =	wrdreg s8  }
0x10: {  	s0 =	ssub.s32 s0, s25;
	s14 =	sadd.s32 s7, s9;
	[dreg:$0xc] =	wrdreg s5  }
0x11: {  	s15 =	sadd.s32 $0x30D4, s3;
	s17 =	sadd.s32 s7, s10;
	[dreg:$0xd] =	wrdreg s14  }
0x12: {  	s16 =	sadd.s32 $0x3A98, s3;
	s18 =	sadd.s32 s6, s15;
	[dreg:$0xe] =	wrdreg s17  }
0x13: {  	s20 =	sadd.s32 $0x445C, s3;
	s19 =	sadd.s32 s6, s16;
	[dreg:$0xf] =	wrdreg s18  }
0x14: {  	s21 =	sadd.s32 $0x4E20, s3;
	s22 =	sadd.s32 s6, s20;
	[dreg:$0x10] =	wrdreg s19  }
0x15: {  	s3 =	sadd.s32 $0x57E4, s3;
	s23 =	sadd.s32 s6, s21;
	[dreg:$0x11] =	wrdreg s22  }
0x16: {  	s0 =	smax.u32 s0, $0x1;
	s6 =	sadd.s32 s6, s3;
	[dreg:$0x12] =	wrdreg s23  }
0x17: {  	s2 =	sadd.s32 $0x188C00, s2;
	s24 =	sadd.s32 s7, s16;
	[dreg:$0x13] =	wrdreg s6  }
0x18: {  	s25 =	sadd.s32 s7, s20;
	s26 =	sadd.s32 s7, s21;
	[dreg:$0x15] =	wrdreg s24  }
0x19: {  	s3 =	sadd.s32 s7, s3;
	s29 =	sshll.u32 s11, $0xE;
	[dreg:$0x16] =	wrdreg s25  }
0x1a: {  	s11 =	simm.s32 $0xDC40;
	s13 =	simm.s32 $0x1;
	[dreg:$0x17] =	wrdreg s26  }
0x1b: {  	s16 =	simm.s32 $0x2;
	s5 =	sadd.s32 s7, s15;
	[dreg:$0x18] =	wrdreg s3  }
0x1c: {  	s28 =	rddreg [dreg:$0x3];
	s12 =	simm.s32 $0x3;
	s14 =	simm.s32 $0x4E20  }
0x1d: {  	s15 =	simm.s32 $0x9C40;
	s17 =	simm.s32 $0x4;
	s18 =	simm.s32 $0x0  }
0x1e: {  	[dreg:$0x14] =	wrdreg s5;
	s5 =	sadd.s32 s29, s28;
	s26 =	sadd.s32 s4, s28  }
0x1f: {  	[dreg:$0x19] =	wrdreg s5;
	s30 =	sadd.s32 $0x4000, s26;
	s31 =	sadd.s32 $0x8000, s26  }
0x20: {  	s22 =	sadd.s32 $0xC000, s26;
	s19 =	sadd.s32 $0x14000, s26;
	s23 =	sadd.s32 $0x18000, s26  }
0x21: {  	s3 =	sadd.s32 $0x20000, s26;
	s4 =	sadd.s32 $0x24000, s26;
	s5 =	sadd.s32 $0x28000, s26  }
0x22: {  	s6 =	sadd.s32 $0x2C000, s26;
	_ =	strace $0x80000047;
	[dreg:$0x1a] =	wrdreg s2  }
0x23: {  	s7 =	sadd.s32 $0x30000, s26;
	s8 =	sadd.s32 $0x34000, s26;
	[dreg:$0x1b] =	wrdreg s0  }
0x24: {  	s9 =	sadd.s32 $0x38000, s26;
	s10 =	sadd.s32 $0x3C000, s26;
	[dreg:$0x1c] =	wrdreg s30  }
0x25: {  	v0 =	vlaneseq.u32;
	v1 =	vimm.f32 $0.0e+00;
	[dreg:$0x1d] =	wrdreg s31;
	s0 =	sadd.s32 $0x10000, s26;
	s2 =	sadd.s32 $0x1C000, s26  }
.LBB2_1:
0x26: {  	s20 =	rddreg [dreg:$0x0];
	s21 =	simm.s32 $0x11C40  }
0x27: {  	s28 =	simm.s32 $0x70;
	s29 =	simm.s32 $0x60;
	s30 =	simm.s32 $0x10  }
0x28: {  	[tilespmem:s21], [sflag:$0x3] =	stream.linear.gather [hbm4b:s20+s1], $0x4000, $0x38;
	v2 =	vor.u32 s28, v0;
	[tilespmem:$0x1DC40] =	vst v63  }
0x29: {  	s31 =	rddreg [dreg:$0x1];
	s24 =	simm.s32 $0x15C40;
	v4 =	vor.u32 s29, v0;
	v7 =	vor.u32 s30, v0;
	s30 =	simm.s32 $0x0  }
0x2a: {  	[tilespmem:s24], [sflag:$0x3] =	stream.linear.gather [hbm4b:s31+s1], $0x4000, $0x38;
	[tilespmem:$0x1DC40] =	vst v63  }
0x2b: {  	s25 =	rddreg [dreg:$0x5];
	s28 =	simm.s32 $0x20;
	s29 =	simm.s32 $0x30;
	v6 =	vor.u32 s30, v0  }
0x2c: {  	v3 =	vor.u32 s28, v0;
	[tilespmem:s1], [sflag:$0x1] =	stream.linear.gather [hbm4b:s25+s1], $0x4E20, $0x38;
	[tilespmem:$0x1DC40] =	vst v63  }
0x2d: {  	s31 =	simm.s32 $0x40;
	[tilespmem:v2+s11+$0x0] =	vst.idx.msk $0xffff, v1;
	v2 =	vor.u32 s29, v0  }
0x2e: {  	v5 =	vor.u32 s31, v0;
	s25 =	simm.s32 $0x50;
	[tilespmem:v4+s11+$0x0] =	vst.idx.msk $0xffff, v1  }
0x2f: {  	s20 =	simm.s32 $0x0;
	s21 =	simm.s32 $0xF0;
	v4 =	vor.u32 s25, v0;
	[tilespmem:v7+s11+$0x0] =	vst.idx.msk $0xffff, v1  }
.LBB2_2:
0x30: {  	s24 =	sadd.s32 $0xFFFFFFA0, s21;
	s25 =	sadd.s32 $0xFFFFFFF0, s21;
	v7 =	vor.u32 s21, v0;
	s20 =	sadd.s32 $0x8, s20;
	[tilespmem:v6+s11+$0x0] =	vst.idx.msk $0xffff, v1  }
0x31: {  	s28 =	sadd.s32 $0xFFFFFFC0, s21;
	v8 =	vor.u32 s24, v0;
	s24 =	sadd.s32 $0xFFFFFFB0, s21;
	v9 =	vor.u32 s25, v0;
	p0 =	slt.u32 s20, $0x3F8;
	[tilespmem:v3+s11+$0x0] =	vst.idx.msk $0xffff, v1  }
0x32: {  	s29 =	sadd.s32 $0xFFFFFFE0, s21;
	s25 =	sadd.s32 $0xFFFFFF90, s21;
	v3 =	vor.u32 s24, v0;
	s24 =	sadd.s32 $0xFFFFFFD0, s21;
	[tilespmem:v2+s11+$0x0] =	vst.idx.msk $0xffff, v1;
	v2 =	vor.u32 s28, v0  }
.Ltmp0:
0x33: {  	v10 =	vor.u32 s29, v0;
	v6 =	vor.u32 s25, v0;
	[tilespmem:v5+s11+$0x0] =	vst.idx.msk $0xffff, v1;
	v5 =	vor.u32 s24, v0;
	(pc) =	sbr.rel @p0 .LBB2_2-.Ltmp0, $4  }
0x34: {  	[tilespmem:v4+s11+$0x0] =	vst.idx.msk $0xffff, v1;
	v4 =	vmov v10  }
0x35: {  	[tilespmem:v7+s11+$0x0] =	vst.idx.msk $0xffff, v1  }
0x36: {  	[tilespmem:v9+s11+$0x0] =	vst.idx.msk $0xffff, v1  }
0x37: {  	s21 =	sadd.s32 $0x80, s21;
	[tilespmem:v8+s11+$0x0] =	vst.idx.msk $0xffff, v1  }
0x38: {  	_ =	sdelay $0x3  }
0x39: {  	[tilespmem:v6+s11+$0x0] =	vst.idx.msk $0xffff, v1  }
0x3a: {  	[tilespmem:v3+s11+$0x0] =	vst.idx.msk $0xffff, v1  }
0x3b: {  	[tilespmem:v2+s11+$0x0] =	vst.idx.msk $0xffff, v1  }
0x3c: {  	[tilespmem:v5+s11+$0x0] =	vst.idx.msk $0xffff, v1  }
0x3d: {  	[tilespmem:v4+s11+$0x0] =	vst.idx.msk $0xffff, v1  }
0x3e: {  	_ =	swait.ge [sflag:s12], $0x4000  }
0x3f: {  	[sflag:s12] =	ssyncset.done $0x0  }
0x40: {  	[sflag:s12] =	ssyncadd.s32 $0xFFFFC000  }
0x41: {  	_ =	swait.ge [sflag:s12], $0x4000  }
0x42: {  	[sflag:s12] =	ssyncset.done $0x0  }
0x43: {  	[sflag:s12] =	ssyncadd.s32 $0xFFFFC000  }
0x44: {  	_ =	swait.ge [sflag:s13], $0x4E20  }
0x45: {  	s20 =	simm.s32 $0x0;
	[sflag:s13] =	ssyncset.done $0x0  }
0x46: {  	s25 =	simm.s32 $0x11C80;
	s21 =	rddreg [dreg:$0x6];
	[sflag:s13] =	ssyncadd.s32 $0xFFFFB1E0  }
0x47: {  	[tilespmem:s14], [sflag:$0x2] =	stream.linear.gather [hbm4b:s21+s20], $0x4E20, $0x38;
	[tilespmem:$0x1DC40] =	vst v63  }
0x48: {  	v2 =	vld [tilespmem:s25+$0x30]  }
0x49: {  	v3 =	vld [tilespmem:s25+$0xFFFFFFD0]  }
0x4a: {  	v4 =	vld [tilespmem:s25+$0xFFFFFFE0]  }
0x4b: {  	v5 =	vld [tilespmem:s25+$0xFFFFFFF0]  }
0x4c: {  	v6 =	vld [tilespmem:s25+$0x0]  }
0x4d: {  	v7 =	vld [tilespmem:s25+$0x10]  }
0x4e: {  	v8 =	vld [tilespmem:s25+$0x20]  }
0x4f: {  	s28 =	simm.s32 $0x11D00;
	v9 =	vld [tilespmem:s25+$0xFFFFFFC0];
	vm3 =	vlt.u32 v2, $0x4E20  }
0x50: {  	v14 =	vld [tilespmem:s28+$0x30];
	vm5 =	vlt.u32 v3, $0x4E20  }
0x51: {  	v15 =	vld [tilespmem:s28+$0xFFFFFFD0];
	vm10 =	vlt.u32 v4, $0x4E20  }
0x52: {  	v17 =	vld [tilespmem:s28+$0xFFFFFFE0];
	vm9 =	vlt.u32 v5, $0x4E20  }
0x53: {  	v18 =	vld [tilespmem:s28+$0xFFFFFFF0];
	vm8 =	vlt.u32 v6, $0x4E20  }
0x54: {  	v20 =	vld [tilespmem:s28+$0x0]  }
0x55: {  	v10 =	vld.idx.msk [tilespmem:v2+s1+$0x0], vm3  }
0x56: {  	vm0 =	vlt.u32 v9, $0x4E20;
	v11 =	vld.idx.msk [tilespmem:v3+s1+$0x0], vm5  }
0x57: {  	s24 =	simm.s32 $0x70;
	vm1 =	vlt.u32 v7, $0x4E20;
	vm6 =	vmmov vm0;
	v4 =	vld.idx.msk [tilespmem:v4+s1+$0x0], vm10  }
0x58: {  	s25 =	simm.s32 $0x10;
	vm7 =	vmmov vm1;
	v12 =	vld.idx.msk [tilespmem:v5+s1+$0x0], vm9;
	v5 =	vor.u32 s24, v0  }
0x59: {  	s29 =	simm.s32 $0x20;
	v16 =	vor.u32 s25, v0;
	vm0 =	vlt.u32 v8, $0x4E20;
	vm1 =	vlt.u32 v14, $0x4E20;
	v13 =	vld.idx.msk [tilespmem:v6+s1+$0x0], vm8  }
0x5a: {  	s30 =	simm.s32 $0x30;
	v19 =	vor.u32 s29, v0;
	vm0 =	vmmov vm0;
	v2 =	vld [tilespmem:s28+$0x10]  }
0x5b: {  	s31 =	simm.s32 $0x40;
	v21 =	vor.u32 s30, v0;
	vm4 =	vlt.u32 v17, $0x4E20;
	v3 =	vld [tilespmem:s28+$0x20]  }
0x5c: {  	v22 =	vor.u32 s31, v0;
	vm2 =	vlt.u32 v15, $0x4E20;
	v6 =	vld [tilespmem:s28+$0xFFFFFFC0]  }
0x5d: {  	v23 =	vld.idx.msk [tilespmem:v9+s1+$0x0], vm6;
	[tilespmem:v5+s15+$0x0] =	vst.idx.msk vm3, v10;
	vm3 =	vlt.u32 v18, $0x4E20  }
0x5e: {  	v24 =	vor.u32 s20, v0;
	s28 =	simm.s32 $0x50;
	v25 =	vld.idx.msk [tilespmem:v7+s1+$0x0], vm7;
	[tilespmem:v16+s15+$0x0] =	vst.idx.msk vm5, v11;
	vm5 =	vlt.u32 v20, $0x4E20  }
0x5f: {  	s29 =	simm.s32 $0x60;
	v26 =	vor.u32 s28, v0;
	v9 =	vld.idx.msk [tilespmem:v14+s1+$0x0], vm1;
	[tilespmem:v19+s15+$0x0] =	vst.idx.msk vm10, v4  }
0x60: {  	s31 =	simm.s32 $0xF0;
	s20 =	simm.s32 $0x80;
	v8 =	vld.idx.msk [tilespmem:v8+s1+$0x0], vm0;
	v5 =	vor.u32 s29, v0;
	[tilespmem:v21+s15+$0x0] =	vst.idx.msk vm9, v12;
	vm9 =	vlt.u32 v2, $0x4E20  }
0x61: {  	s30 =	simm.s32 $0x90;
	s24 =	simm.s32 $0xA0;
	s28 =	simm.s32 $0xC0;
	v14 =	vld.idx.msk [tilespmem:v17+s1+$0x0], vm4;
	[tilespmem:v22+s15+$0x0] =	vst.idx.msk vm8, v13;
	v4 =	vor.u32 s20, v0;
	vm8 =	vlt.u32 v3, $0x4E20;
	v16 =	vor.u32 s31, v0  }
0x62: {  	v10 =	vld.idx.msk [tilespmem:v15+s1+$0x0], vm2;
	v11 =	vor.u32 s30, v0;
	s30 =	simm.s32 $0xB0;
	s29 =	simm.s32 $0xD0;
	v15 =	vor.u32 s24, v0;
	v12 =	vor.u32 s28, v0  }
0x63: {  	vm10 =	vlt.u32 v6, $0x4E20;
	s31 =	simm.s32 $0xE0;
	v13 =	vor.u32 s30, v0;
	v7 =	vor.u32 s29, v0;
	[tilespmem:v24+s15+$0x0] =	vst.idx.msk vm6, v23;
	v17 =	vld.idx.msk [tilespmem:v18+s1+$0x0], vm3  }
0x64: {  	s21 =	simm.s32 $0x8;
	s24 =	simm.s32 $0x11D80;
	v19 =	vor.u32 s31, v0;
	vm6 =	vmmov vm10;
	[tilespmem:v26+s15+$0x0] =	vst.idx.msk vm7, v25;
	vm7 =	vmmov vm9;
	v18 =	vld.idx.msk [tilespmem:v20+s1+$0x0], vm5  }
.LBB2_4:
0x65: {  	v20 =	vld [tilespmem:s24+$0x30];
	s21 =	sadd.s32 $0x8, s21;
	[tilespmem:v5+s15+$0x0] =	vst.idx.msk vm0, v8;
	v5 =	vmov v19;
	vm0 =	vmmov vm8  }
0x66: {  	v19 =	vld [tilespmem:s24+$0xFFFFFFD0];
	p0 =	slt.u32 s21, $0x3F8;
	[tilespmem:v16+s15+$0x0] =	vst.idx.msk vm1, v9  }
0x67: {  	v21 =	vld [tilespmem:s24+$0xFFFFFFE0];
	[tilespmem:v11+s15+$0x0] =	vst.idx.msk vm2, v10  }
0x68: {  	v22 =	vld [tilespmem:s24+$0xFFFFFFF0];
	[tilespmem:v15+s15+$0x0] =	vst.idx.msk vm4, v14  }
0x69: {  	v23 =	vld [tilespmem:s24+$0x0];
	[tilespmem:v13+s15+$0x0] =	vst.idx.msk vm3, v17  }
0x6a: {  	v9 =	vld [tilespmem:s24+$0x10];
	vm1 =	vlt.u32 v20, $0x4E20;
	[tilespmem:v12+s15+$0x0] =	vst.idx.msk vm5, v18  }
0x6b: {  	vm2 =	vlt.u32 v19, $0x4E20;
	v12 =	vld [tilespmem:s24+$0x20]  }
0x6c: {  	v13 =	vld [tilespmem:s24+$0xFFFFFFC0];
	vm4 =	vlt.u32 v21, $0x4E20  }
0x6d: {  	vm3 =	vlt.u32 v22, $0x4E20;
	v18 =	vld.idx.msk [tilespmem:v6+s1+$0x0], vm6  }
0x6e: {  	s20 =	sadd.s32 $0x80, s20;
	vm5 =	vlt.u32 v23, $0x4E20;
	v24 =	vld.idx.msk [tilespmem:v2+s1+$0x0], vm7  }
0x6f: {  	s25 =	sadd.s32 $0x10, s20;
	vm9 =	vlt.u32 v9, $0x4E20;
	v8 =	vld.idx.msk [tilespmem:v3+s1+$0x0], vm8;
	v2 =	vmov v9  }
.Ltmp1:
0x70: {  	v25 =	vor.u32 s20, v0;
	s28 =	sadd.s32 $0x20, s20;
	s29 =	sadd.s32 $0x70, s20;
	vm8 =	vlt.u32 v12, $0x4E20;
	v9 =	vld.idx.msk [tilespmem:v20+s1+$0x0], vm1;
	(pc) =	sbr.rel @p0 .LBB2_4-.Ltmp1, $4  }
0x71: {  	s30 =	sadd.s32 $0x40, s20;
	s31 =	sadd.s32 $0x50, s20;
	v11 =	vor.u32 s25, v0;
	s25 =	sadd.s32 $0x30, s20;
	v16 =	vor.u32 s29, v0;
	v3 =	vmovc v12;
	vm10 =	vlt.u32 v13, $0x4E20;
	v10 =	vld.idx.msk [tilespmem:v19+s1+$0x0], vm2;
	v6 =	vmovc v13  }
0x72: {  	v15 =	vor.u32 s28, v0;
	v12 =	vor.u32 s30, v0;
	v13 =	vor.u32 s25, v0;
	s25 =	sadd.s32 $0x60, s20;
	v14 =	vld.idx.msk [tilespmem:v21+s1+$0x0], vm4  }
0x73: {  	v20 =	vor.u32 s31, v0;
	v19 =	vor.u32 s25, v0;
	v17 =	vld.idx.msk [tilespmem:v22+s1+$0x0], vm3;
	[tilespmem:v4+s15+$0x0] =	vst.idx.msk vm6, v18;
	v4 =	vmovc v25;
	vm6 =	vmmov vm10  }
0x74: {  	s24 =	sadd.s32 $0x80, s24;
	v18 =	vld.idx.msk [tilespmem:v23+s1+$0x0], vm5;
	[tilespmem:v7+s15+$0x0] =	vst.idx.msk vm7, v24;
	v7 =	vmov v20;
	vm7 =	vmmov vm9  }
0x75: {  	_ =	sdelay $0x1  }
0x76: {  	vm8 =	vmmov vm8;
	_ =	sdelay $0x2  }
0x77: {  	[tilespmem:v5+s15+$0x0] =	vst.idx.msk vm0, v8  }
0x78: {  	[tilespmem:v16+s15+$0x0] =	vst.idx.msk vm1, v9;
	v5 =	vld.idx.msk [tilespmem:v6+s1+$0x0], vm6  }
0x79: {  	v2 =	vld.idx.msk [tilespmem:v2+s1+$0x0], vm7;
	[tilespmem:v11+s15+$0x0] =	vst.idx.msk vm2, v10  }
0x7a: {  	[tilespmem:v15+s15+$0x0] =	vst.idx.msk vm4, v14;
	v3 =	vld.idx.msk [tilespmem:v3+s1+$0x0], vm8  }
0x7b: {  	[tilespmem:v13+s15+$0x0] =	vst.idx.msk vm3, v17  }
0x7c: {  	[tilespmem:v12+s15+$0x0] =	vst.idx.msk vm5, v18  }
0x7d: {  	[tilespmem:v4+s15+$0x0] =	vst.idx.msk vm6, v5  }
0x7e: {  	[tilespmem:v7+s15+$0x0] =	vst.idx.msk vm7, v2  }
0x7f: {  	[tilespmem:v19+s15+$0x0] =	vst.idx.msk vm8, v3  }
0x80: {  	_ =	swait.ge [sflag:s16], $0x4E20  }
0x81: {  	s20 =	simm.s32 $0x0;
	[sflag:s16] =	ssyncset.done $0x0  }
0x82: {  	s25 =	simm.s32 $0x11C80;
	s21 =	rddreg [dreg:$0x7];
	[sflag:s16] =	ssyncadd.s32 $0xFFFFB1E0  }
0x83: {  	[tilespmem:s20], [sflag:$0x1] =	stream.linear.gather [hbm4b:s21+s20], $0x4E20, $0x38;
	[tilespmem:$0x1DC40] =	vst v63  }
0x84: {  	v2 =	vld [tilespmem:s25+$0x30]  }
0x85: {  	v3 =	vld [tilespmem:s25+$0xFFFFFFD0]  }
0x86: {  	v4 =	vld [tilespmem:s25+$0xFFFFFFE0]  }
0x87: {  	v5 =	vld [tilespmem:s25+$0xFFFFFFF0];
	_ =	sdelay $0x1  }
0x88: {  	v2 =	vadd.s32 $0xFFFFB1E0, v2  }
0x89: {  	v3 =	vadd.s32 $0xFFFFB1E0, v3;
	vm2 =	vlt.u32 v2, $0x4E20  }
0x8a: {  	v4 =	vadd.s32 $0xFFFFB1E0, v4;
	vm9 =	vlt.u32 v3, $0x4E20  }
0x8b: {  	v6 =	vld [tilespmem:s25+$0x0];
	v5 =	vadd.s32 $0xFFFFB1E0, v5;
	vm7 =	vlt.u32 v4, $0x4E20  }
0x8c: {  	v7 =	vld [tilespmem:s25+$0x10];
	vm11 =	vlt.u32 v5, $0x4E20  }
0x8d: {  	v8 =	vld [tilespmem:s25+$0x20]  }
0x8e: {  	v9 =	vld [tilespmem:s25+$0xFFFFFFC0]  }
0x8f: {  	v10 =	vld.idx.msk [tilespmem:v2+s14+$0x0], vm2  }
0x90: {  	v13 =	vld.idx.msk [tilespmem:v3+s14+$0x0], vm9  }
0x91: {  	v14 =	vld.idx.msk [tilespmem:v4+s14+$0x0], vm7  }
0x92: {  	s28 =	simm.s32 $0x11D00;
	v15 =	vld.idx.msk [tilespmem:v5+s14+$0x0], vm11  }
0x93: {  	v3 =	vld [tilespmem:s28+$0x30]  }
0x94: {  	v24 =	vor.u32 s20, v0;
	v8 =	vadd.s32 $0xFFFFB1E0, v8;
	v2 =	vadd.s32 $0xFFFFB1E0, v9;
	v4 =	vld [tilespmem:s28+$0xFFFFFFD0]  }
0x95: {  	vm12 =	vlt.u32 v8, $0x4E20;
	v5 =	vadd.s32 $0xFFFFB1E0, v6;
	v6 =	vld [tilespmem:s28+$0xFFFFFFE0];
	vm0 =	vlt.u32 v2, $0x4E20  }
0x96: {  	s24 =	simm.s32 $0x70;
	v7 =	vadd.s32 $0xFFFFB1E0, v7;
	v9 =	vld [tilespmem:s28+$0xFFFFFFF0];
	vm1 =	vlt.u32 v5, $0x4E20;
	vm8 =	vmmov vm0  }
0x97: {  	s29 =	simm.s32 $0x10;
	v17 =	vor.u32 s24, v0;
	v12 =	vld [tilespmem:s28+$0x0];
	vm3 =	vlt.u32 v7, $0x4E20;
	vm0 =	vmmov vm1  }
0x98: {  	s30 =	simm.s32 $0x30;
	v16 =	vor.u32 s29, v0;
	v25 =	vld [tilespmem:s28+$0xFFFFFFC0];
	vm1 =	vmmov vm3;
	v19 =	vadd.s32 $0xFFFFB1E0, v3  }
0x99: {  	v23 =	vor.u32 s30, v0;
	s25 =	simm.s32 $0x20;
	v18 =	vld [tilespmem:s28+$0x10];
	v21 =	vadd.s32 $0xFFFFB1E0, v4;
	vm3 =	vlt.u32 v19, $0x4E20  }
0x9a: {  	s31 =	simm.s32 $0x40;
	v22 =	vld [tilespmem:s28+$0x20];
	v20 =	vor.u32 s25, v0;
	v26 =	vadd.s32 $0xFFFFB1E0, v6;
	vm4 =	vlt.u32 v21, $0x4E20  }
0x9b: {  	s25 =	simm.s32 $0x50;
	v3 =	vor.u32 s31, v0;
	v27 =	vadd.s32 $0xFFFFB1E0, v9;
	v9 =	vld.idx.msk [tilespmem:v8+s14+$0x0], vm12;
	vm5 =	vlt.u32 v26, $0x4E20  }
0x9c: {  	s20 =	simm.s32 $0x80;
	v4 =	vor.u32 s25, v0;
	[tilespmem:v17+s15+$0x0] =	vst.idx.msk vm2, v10;
	vm2 =	vmmov vm12;
	vm6 =	vlt.u32 v27, $0x4E20;
	v28 =	vld.idx.msk [tilespmem:v2+s14+$0x0], vm8  }
0x9d: {  	s29 =	simm.s32 $0x90;
	v6 =	vadd.s32 $0xFFFFB1E0, v12;
	v10 =	vadd.s32 $0xFFFFB1E0, v25;
	v8 =	vor.u32 s20, v0;
	v11 =	vld.idx.msk [tilespmem:v5+s14+$0x0], vm0  }
0x9e: {  	s28 =	simm.s32 $0x60;
	[tilespmem:v23+s15+$0x0] =	vst.idx.msk vm11, v15;
	v15 =	vor.u32 s29, v0;
	s29 =	simm.s32 $0xB0;
	vm10 =	vlt.u32 v6, $0x4E20;
	vm11 =	vlt.u32 v10, $0x4E20;
	v12 =	vld.idx.msk [tilespmem:v7+s14+$0x0], vm1  }
0x9f: {  	s30 =	simm.s32 $0xF0;
	[tilespmem:v16+s15+$0x0] =	vst.idx.msk vm9, v13;
	v16 =	vor.u32 s29, v0;
	v2 =	vor.u32 s28, v0;
	v5 =	vadd.s32 $0xFFFFB1E0, v18;
	v13 =	vld.idx.msk [tilespmem:v19+s14+$0x0], vm3  }
0xa0: {  	[tilespmem:v20+s15+$0x0] =	vst.idx.msk vm7, v14;
	s31 =	simm.s32 $0xA0;
	v7 =	vadd.s32 $0xFFFFB1E0, v22;
	s28 =	simm.s32 $0xC0;
	vm9 =	vlt.u32 v5, $0x4E20;
	v14 =	vld.idx.msk [tilespmem:v21+s14+$0x0], vm4;
	v21 =	vor.u32 s30, v0  }
0xa1: {  	vm7 =	vlt.u32 v7, $0x4E20;
	v22 =	vor.u32 s28, v0;
	s30 =	simm.s32 $0xD0;
	v18 =	vld.idx.msk [tilespmem:v26+s14+$0x0], vm5;
	v19 =	vor.u32 s31, v0;
	s31 =	simm.s32 $0xE0  }
0xa2: {  	s24 =	simm.s32 $0x11D80;
	s21 =	simm.s32 $0x8;
	v20 =	vld.idx.msk [tilespmem:v27+s14+$0x0], vm6;
	v23 =	vor.u32 s30, v0;
	v17 =	vor.u32 s31, v0;
	[tilespmem:v24+s15+$0x0] =	vst.idx.msk vm8, v28;
	vm8 =	vmmov vm11  }
.LBB2_6:
0xa3: {  	v24 =	vld [tilespmem:s24+$0x30];
	s21 =	sadd.s32 $0x8, s21;
	[tilespmem:v3+s15+$0x0] =	vst.idx.msk vm0, v11;
	v3 =	vmov v22;
	vm0 =	vmmov vm10  }
0xa4: {  	v11 =	vld [tilespmem:s24+$0xFFFFFFD0];
	p0 =	slt.u32 s21, $0x3F8;
	[tilespmem:v4+s15+$0x0] =	vst.idx.msk vm1, v12;
	v4 =	vmov v23;
	vm1 =	vmmov vm9  }
0xa5: {  	v12 =	vld [tilespmem:s24+$0xFFFFFFE0];
	[tilespmem:v21+s15+$0x0] =	vst.idx.msk vm3, v13  }
0xa6: {  	v13 =	vld [tilespmem:s24+$0xFFFFFFF0];
	[tilespmem:v15+s15+$0x0] =	vst.idx.msk vm4, v14  }
0xa7: {  	v14 =	vld [tilespmem:s24+$0x0];
	[tilespmem:v19+s15+$0x0] =	vst.idx.msk vm5, v18  }
0xa8: {  	v15 =	vld [tilespmem:s24+$0x10];
	v18 =	vadd.s32 $0xFFFFB1E0, v24;
	[tilespmem:v16+s15+$0x0] =	vst.idx.msk vm6, v20  }
0xa9: {  	v16 =	vadd.s32 $0xFFFFB1E0, v11;
	v19 =	vld [tilespmem:s24+$0x20];
	vm3 =	vlt.u32 v18, $0x4E20;
	[tilespmem:v2+s15+$0x0] =	vst.idx.msk vm2, v9;
	v2 =	vmovc v17;
	vm2 =	vmmov vm7  }
0xaa: {  	v17 =	vld [tilespmem:s24+$0xFFFFFFC0];
	vm4 =	vlt.u32 v16, $0x4E20;
	v20 =	vadd.s32 $0xFFFFB1E0, v12  }
0xab: {  	vm5 =	vlt.u32 v20, $0x4E20;
	v23 =	vadd.s32 $0xFFFFB1E0, v13;
	v24 =	vld.idx.msk [tilespmem:v10+s14+$0x0], vm8  }
0xac: {  	vm6 =	vlt.u32 v23, $0x4E20;
	v11 =	vld.idx.msk [tilespmem:v6+s14+$0x0], vm10;
	v6 =	vadd.s32 $0xFFFFB1E0, v14  }
0xad: {  	vm10 =	vlt.u32 v6, $0x4E20;
	v12 =	vld.idx.msk [tilespmem:v5+s14+$0x0], vm9;
	v5 =	vadd.s32 $0xFFFFB1E0, v15  }
.Ltmp2:
0xae: {  	s20 =	sadd.s32 $0x80, s20;
	vm9 =	vlt.u32 v5, $0x4E20;
	v9 =	vld.idx.msk [tilespmem:v7+s14+$0x0], vm7;
	v7 =	vadd.s32 $0xFFFFB1E0, v19;
	(pc) =	sbr.rel @p0 .LBB2_6-.Ltmp2, $4  }
0xaf: {  	v25 =	vor.u32 s20, v0;
	s25 =	sadd.s32 $0x10, s20;
	s28 =	sadd.s32 $0x20, s20;
	s29 =	sadd.s32 $0x70, s20;
	v10 =	vadd.s32 $0xFFFFB1E0, v17;
	vm7 =	vlt.u32 v7, $0x4E20;
	v13 =	vld.idx.msk [tilespmem:v18+s14+$0x0], vm3  }
0xb0: {  	s30 =	sadd.s32 $0x40, s20;
	s31 =	sadd.s32 $0x50, s20;
	v21 =	vor.u32 s29, v0;
	v15 =	vor.u32 s25, v0;
	s25 =	sadd.s32 $0x30, s20;
	vm11 =	vlt.u32 v10, $0x4E20;
	v14 =	vld.idx.msk [tilespmem:v16+s14+$0x0], vm4  }
0xb1: {  	v22 =	vor.u32 s30, v0;
	v19 =	vor.u32 s28, v0;
	v16 =	vor.u32 s25, v0;
	s25 =	sadd.s32 $0x60, s20;
	v18 =	vld.idx.msk [tilespmem:v20+s14+$0x0], vm5  }
0xb2: {  	s24 =	sadd.s32 $0x80, s24;
	v17 =	vor.u32 s25, v0;
	v20 =	vld.idx.msk [tilespmem:v23+s14+$0x0], vm6;
	v23 =	vor.u32 s31, v0;
	[tilespmem:v8+s15+$0x0] =	vst.idx.msk vm8, v24;
	v8 =	vmovc v25;
	vm8 =	vmmov vm11  }
0xb3: {  	_ =	sdelay $0x1  }
0xb4: {  	vm10 =	vmmov vm10  }
0xb5: {  	vm9 =	vmmov vm9;
	_ =	sdelay $0x1  }
0xb6: {  	[tilespmem:v3+s15+$0x0] =	vst.idx.msk vm0, v11  }
0xb7: {  	[tilespmem:v4+s15+$0x0] =	vst.idx.msk vm1, v12  }
0xb8: {  	v3 =	vld.idx.msk [tilespmem:v10+s14+$0x0], vm8;
	[tilespmem:v2+s15+$0x0] =	vst.idx.msk vm2, v9  }
0xb9: {  	[tilespmem:v21+s15+$0x0] =	vst.idx.msk vm3, v13;
	v4 =	vld.idx.msk [tilespmem:v6+s14+$0x0], vm10  }
0xba: {  	[tilespmem:v15+s15+$0x0] =	vst.idx.msk vm4, v14;
	v5 =	vld.idx.msk [tilespmem:v5+s14+$0x0], vm9  }
0xbb: {  	[tilespmem:v19+s15+$0x0] =	vst.idx.msk vm5, v18;
	v6 =	vld.idx.msk [tilespmem:v7+s14+$0x0], vm7  }
0xbc: {  	[tilespmem:v16+s15+$0x0] =	vst.idx.msk vm6, v20  }
0xbd: {  	[tilespmem:v8+s15+$0x0] =	vst.idx.msk vm8, v3  }
0xbe: {  	[tilespmem:v22+s15+$0x0] =	vst.idx.msk vm10, v4  }
0xbf: {  	[tilespmem:v23+s15+$0x0] =	vst.idx.msk vm9, v5  }
0xc0: {  	[tilespmem:v17+s15+$0x0] =	vst.idx.msk vm7, v6  }
0xc1: {  	_ =	swait.ge [sflag:s13], $0x4E20  }
0xc2: {  	s20 =	simm.s32 $0x0;
	[sflag:s13] =	ssyncset.done $0x0  }
0xc3: {  	s25 =	simm.s32 $0x11C80;
	s21 =	rddreg [dreg:$0x8];
	[sflag:s13] =	ssyncadd.s32 $0xFFFFB1E0  }
0xc4: {  	[tilespmem:s14], [sflag:$0x2] =	stream.linear.gather [hbm4b:s21+s20], $0x4E20, $0x38;
	[tilespmem:$0x1DC40] =	vst v63  }
0xc5: {  	v2 =	vld [tilespmem:s25+$0x30]  }
0xc6: {  	v3 =	vld [tilespmem:s25+$0xFFFFFFD0]  }
0xc7: {  	v4 =	vld [tilespmem:s25+$0xFFFFFFE0]  }
0xc8: {  	v5 =	vld [tilespmem:s25+$0xFFFFFFF0];
	_ =	sdelay $0x1  }
0xc9: {  	v2 =	vadd.s32 $0xFFFF63C0, v2  }
0xca: {  	v3 =	vadd.s32 $0xFFFF63C0, v3;
	vm2 =	vlt.u32 v2, $0x4E20  }
0xcb: {  	v4 =	vadd.s32 $0xFFFF63C0, v4;
	vm9 =	vlt.u32 v3, $0x4E20  }
0xcc: {  	vm0 =	vmmov vm7;
	v6 =	vld [tilespmem:s25+$0x0];
	v5 =	vadd.s32 $0xFFFF63C0, v5;
	vm7 =	vlt.u32 v4, $0x4E20  }
0xcd: {  	v7 =	vld [tilespmem:s25+$0x10];
	vm11 =	vlt.u32 v5, $0x4E20  }
0xce: {  	v8 =	vld [tilespmem:s25+$0x20]  }
0xcf: {  	v9 =	vld [tilespmem:s25+$0xFFFFFFC0]  }
0xd0: {  	v10 =	vld.idx.msk [tilespmem:v2+s1+$0x0], vm2  }
0xd1: {  	v13 =	vld.idx.msk [tilespmem:v3+s1+$0x0], vm9  }
0xd2: {  	v14 =	vld.idx.msk [tilespmem:v4+s1+$0x0], vm7  }
0xd3: {  	s28 =	simm.s32 $0x11D00;
	v15 =	vld.idx.msk [tilespmem:v5+s1+$0x0], vm11  }
0xd4: {  	v3 =	vld [tilespmem:s28+$0x30]  }
0xd5: {  	v24 =	vor.u32 s20, v0;
	v8 =	vadd.s32 $0xFFFF63C0, v8;
	v2 =	vadd.s32 $0xFFFF63C0, v9;
	v4 =	vld [tilespmem:s28+$0xFFFFFFD0]  }
0xd6: {  	vm12 =	vlt.u32 v8, $0x4E20;
	v5 =	vadd.s32 $0xFFFF63C0, v6;
	v6 =	vld [tilespmem:s28+$0xFFFFFFE0];
	vm0 =	vlt.u32 v2, $0x4E20  }
0xd7: {  	s24 =	simm.s32 $0x70;
	v7 =	vadd.s32 $0xFFFF63C0, v7;
	v9 =	vld [tilespmem:s28+$0xFFFFFFF0];
	vm1 =	vlt.u32 v5, $0x4E20;
	vm8 =	vmmov vm0  }
0xd8: {  	s29 =	simm.s32 $0x10;
	v17 =	vor.u32 s24, v0;
	v12 =	vld [tilespmem:s28+$0x0];
	vm3 =	vlt.u32 v7, $0x4E20;
	vm0 =	vmmov vm1  }
0xd9: {  	s30 =	simm.s32 $0x30;
	v16 =	vor.u32 s29, v0;
	v25 =	vld [tilespmem:s28+$0xFFFFFFC0];
	vm1 =	vmmov vm3;
	v19 =	vadd.s32 $0xFFFF63C0, v3  }
0xda: {  	v23 =	vor.u32 s30, v0;
	s25 =	simm.s32 $0x20;
	v18 =	vld [tilespmem:s28+$0x10];
	v21 =	vadd.s32 $0xFFFF63C0, v4;
	vm3 =	vlt.u32 v19, $0x4E20  }
0xdb: {  	s31 =	simm.s32 $0x40;
	v22 =	vld [tilespmem:s28+$0x20];
	v20 =	vor.u32 s25, v0;
	v26 =	vadd.s32 $0xFFFF63C0, v6;
	vm4 =	vlt.u32 v21, $0x4E20  }
0xdc: {  	s25 =	simm.s32 $0x50;
	v3 =	vor.u32 s31, v0;
	v27 =	vadd.s32 $0xFFFF63C0, v9;
	v9 =	vld.idx.msk [tilespmem:v8+s1+$0x0], vm12;
	vm5 =	vlt.u32 v26, $0x4E20  }
0xdd: {  	s20 =	simm.s32 $0x80;
	v4 =	vor.u32 s25, v0;
	[tilespmem:v17+s15+$0x0] =	vst.idx.msk vm2, v10;
	vm2 =	vmmov vm12;
	vm6 =	vlt.u32 v27, $0x4E20;
	v28 =	vld.idx.msk [tilespmem:v2+s1+$0x0], vm8  }
0xde: {  	s29 =	simm.s32 $0x90;
	v6 =	vadd.s32 $0xFFFF63C0, v12;
	v10 =	vadd.s32 $0xFFFF63C0, v25;
	v8 =	vor.u32 s20, v0;
	v11 =	vld.idx.msk [tilespmem:v5+s1+$0x0], vm0  }
0xdf: {  	s28 =	simm.s32 $0x60;
	[tilespmem:v23+s15+$0x0] =	vst.idx.msk vm11, v15;
	v15 =	vor.u32 s29, v0;
	s29 =	simm.s32 $0xB0;
	vm10 =	vlt.u32 v6, $0x4E20;
	vm11 =	vlt.u32 v10, $0x4E20;
	v12 =	vld.idx.msk [tilespmem:v7+s1+$0x0], vm1  }
0xe0: {  	s30 =	simm.s32 $0xF0;
	[tilespmem:v16+s15+$0x0] =	vst.idx.msk vm9, v13;
	v16 =	vor.u32 s29, v0;
	v2 =	vor.u32 s28, v0;
	v5 =	vadd.s32 $0xFFFF63C0, v18;
	v13 =	vld.idx.msk [tilespmem:v19+s1+$0x0], vm3  }
0xe1: {  	[tilespmem:v20+s15+$0x0] =	vst.idx.msk vm7, v14;
	s31 =	simm.s32 $0xA0;
	v7 =	vadd.s32 $0xFFFF63C0, v22;
	s28 =	simm.s32 $0xC0;
	vm9 =	vlt.u32 v5, $0x4E20;
	v14 =	vld.idx.msk [tilespmem:v21+s1+$0x0], vm4;
	v21 =	vor.u32 s30, v0  }
0xe2: {  	vm7 =	vlt.u32 v7, $0x4E20;
	v22 =	vor.u32 s28, v0;
	s30 =	simm.s32 $0xD0;
	v18 =	vld.idx.msk [tilespmem:v26+s1+$0x0], vm5;
	v19 =	vor.u32 s31, v0;
	s31 =	simm.s32 $0xE0  }
0xe3: {  	s24 =	simm.s32 $0x11D80;
	s21 =	simm.s32 $0x8;
	v20 =	vld.idx.msk [tilespmem:v27+s1+$0x0], vm6;
	v23 =	vor.u32 s30, v0;
	v17 =	vor.u32 s31, v0;
	[tilespmem:v24+s15+$0x0] =	vst.idx.msk vm8, v28;
	vm8 =	vmmov vm11  }
.LBB2_8:
0xe4: {  	v24 =	vld [tilespmem:s24+$0x30];
	s21 =	sadd.s32 $0x8, s21;
	[tilespmem:v3+s15+$0x0] =	vst.idx.msk vm0, v11;
	v3 =	vmov v22;
	vm0 =	vmmov vm10  }
0xe5: {  	v11 =	vld [tilespmem:s24+$0xFFFFFFD0];
	p0 =	slt.u32 s21, $0x3F8;
	[tilespmem:v4+s15+$0x0] =	vst.idx.msk vm1, v12;
	v4 =	vmov v23;
	vm1 =	vmmov vm9  }
0xe6: {  	v12 =	vld [tilespmem:s24+$0xFFFFFFE0];
	[tilespmem:v21+s15+$0x0] =	vst.idx.msk vm3, v13  }
0xe7: {  	v13 =	vld [tilespmem:s24+$0xFFFFFFF0];
	[tilespmem:v15+s15+$0x0] =	vst.idx.msk vm4, v14  }
0xe8: {  	v14 =	vld [tilespmem:s24+$0x0];
	[tilespmem:v19+s15+$0x0] =	vst.idx.msk vm5, v18  }
0xe9: {  	v15 =	vld [tilespmem:s24+$0x10];
	v18 =	vadd.s32 $0xFFFF63C0, v24;
	[tilespmem:v16+s15+$0x0] =	vst.idx.msk vm6, v20  }
0xea: {  	v16 =	vadd.s32 $0xFFFF63C0, v11;
	v19 =	vld [tilespmem:s24+$0x20];
	vm3 =	vlt.u32 v18, $0x4E20;
	[tilespmem:v2+s15+$0x0] =	vst.idx.msk vm2, v9;
	v2 =	vmovc v17;
	vm2 =	vmmov vm7  }
0xeb: {  	v17 =	vld [tilespmem:s24+$0xFFFFFFC0];
	vm4 =	vlt.u32 v16, $0x4E20;
	v20 =	vadd.s32 $0xFFFF63C0, v12  }
0xec: {  	vm5 =	vlt.u32 v20, $0x4E20;
	v23 =	vadd.s32 $0xFFFF63C0, v13;
	v24 =	vld.idx.msk [tilespmem:v10+s1+$0x0], vm8  }
0xed: {  	vm6 =	vlt.u32 v23, $0x4E20;
	v11 =	vld.idx.msk [tilespmem:v6+s1+$0x0], vm10;
	v6 =	vadd.s32 $0xFFFF63C0, v14  }
0xee: {  	vm10 =	vlt.u32 v6, $0x4E20;
	v12 =	vld.idx.msk [tilespmem:v5+s1+$0x0], vm9;
	v5 =	vadd.s32 $0xFFFF63C0, v15  }
.Ltmp3:
0xef: {  	s20 =	sadd.s32 $0x80, s20;
	vm9 =	vlt.u32 v5, $0x4E20;
	v9 =	vld.idx.msk [tilespmem:v7+s1+$0x0], vm7;
	v7 =	vadd.s32 $0xFFFF63C0, v19;
	(pc) =	sbr.rel @p0 .LBB2_8-.Ltmp3, $4  }
0xf0: {  	v25 =	vor.u32 s20, v0;
	s25 =	sadd.s32 $0x10, s20;
	s28 =	sadd.s32 $0x20, s20;
	s29 =	sadd.s32 $0x70, s20;
	v10 =	vadd.s32 $0xFFFF63C0, v17;
	vm7 =	vlt.u32 v7, $0x4E20;
	v13 =	vld.idx.msk [tilespmem:v18+s1+$0x0], vm3  }
0xf1: {  	s30 =	sadd.s32 $0x40, s20;
	s31 =	sadd.s32 $0x50, s20;
	v21 =	vor.u32 s29, v0;
	v15 =	vor.u32 s25, v0;
	s25 =	sadd.s32 $0x30, s20;
	vm11 =	vlt.u32 v10, $0x4E20;
	v14 =	vld.idx.msk [tilespmem:v16+s1+$0x0], vm4  }
0xf2: {  	v22 =	vor.u32 s30, v0;
	v19 =	vor.u32 s28, v0;
	v16 =	vor.u32 s25, v0;
	s25 =	sadd.s32 $0x60, s20;
	v18 =	vld.idx.msk [tilespmem:v20+s1+$0x0], vm5  }
0xf3: {  	s24 =	sadd.s32 $0x80, s24;
	v17 =	vor.u32 s25, v0;
	v20 =	vld.idx.msk [tilespmem:v23+s1+$0x0], vm6;
	v23 =	vor.u32 s31, v0;
	[tilespmem:v8+s15+$0x0] =	vst.idx.msk vm8, v24;
	v8 =	vmovc v25;
	vm8 =	vmmov vm11  }
0xf4: {  	_ =	sdelay $0x1  }
0xf5: {  	vm10 =	vmmov vm10  }
0xf6: {  	vm9 =	vmmov vm9;
	_ =	sdelay $0x1  }
0xf7: {  	[tilespmem:v3+s15+$0x0] =	vst.idx.msk vm0, v11  }
0xf8: {  	[tilespmem:v4+s15+$0x0] =	vst.idx.msk vm1, v12  }
0xf9: {  	v3 =	vld.idx.msk [tilespmem:v10+s1+$0x0], vm8;
	[tilespmem:v2+s15+$0x0] =	vst.idx.msk vm2, v9  }
0xfa: {  	[tilespmem:v21+s15+$0x0] =	vst.idx.msk vm3, v13;
	v4 =	vld.idx.msk [tilespmem:v6+s1+$0x0], vm10  }
0xfb: {  	[tilespmem:v15+s15+$0x0] =	vst.idx.msk vm4, v14;
	v5 =	vld.idx.msk [tilespmem:v5+s1+$0x0], vm9  }
0xfc: {  	[tilespmem:v19+s15+$0x0] =	vst.idx.msk vm5, v18;
	v6 =	vld.idx.msk [tilespmem:v7+s1+$0x0], vm7  }
0xfd: {  	[tilespmem:v16+s15+$0x0] =	vst.idx.msk vm6, v20  }
0xfe: {  	[tilespmem:v8+s15+$0x0] =	vst.idx.msk vm8, v3  }
0xff: {  	[tilespmem:v22+s15+$0x0] =	vst.idx.msk vm10, v4  }
0x100: {  	[tilespmem:v23+s15+$0x0] =	vst.idx.msk vm9, v5  }
0x101: {  	[tilespmem:v17+s15+$0x0] =	vst.idx.msk vm7, v6  }
0x102: {  	_ =	swait.ge [sflag:s16], $0x4E20  }
0x103: {  	s20 =	simm.s32 $0x0;
	[sflag:s16] =	ssyncset.done $0x0  }
0x104: {  	s25 =	simm.s32 $0x11C80;
	s21 =	rddreg [dreg:$0x9];
	[sflag:s16] =	ssyncadd.s32 $0xFFFFB1E0  }
0x105: {  	[tilespmem:s20], [sflag:$0x1] =	stream.linear.gather [hbm4b:s21+s20], $0x4E20, $0x38;
	[tilespmem:$0x1DC40] =	vst v63  }
0x106: {  	v2 =	vld [tilespmem:s25+$0x30]  }
0x107: {  	v3 =	vld [tilespmem:s25+$0xFFFFFFD0]  }
0x108: {  	v4 =	vld [tilespmem:s25+$0xFFFFFFE0]  }
0x109: {  	v5 =	vld [tilespmem:s25+$0xFFFFFFF0];
	_ =	sdelay $0x1  }
0x10a: {  	v2 =	vadd.s32 $0xFFFF15A0, v2  }
0x10b: {  	v3 =	vadd.s32 $0xFFFF15A0, v3;
	vm2 =	vlt.u32 v2, $0x4E20  }
0x10c: {  	v4 =	vadd.s32 $0xFFFF15A0, v4;
	vm9 =	vlt.u32 v3, $0x4E20  }
0x10d: {  	vm0 =	vmmov vm7;
	v6 =	vld [tilespmem:s25+$0x0];
	v5 =	vadd.s32 $0xFFFF15A0, v5;
	vm7 =	vlt.u32 v4, $0x4E20  }
0x10e: {  	v7 =	vld [tilespmem:s25+$0x10];
	vm11 =	vlt.u32 v5, $0x4E20  }
0x10f: {  	v8 =	vld [tilespmem:s25+$0x20]  }
0x110: {  	v9 =	vld [tilespmem:s25+$0xFFFFFFC0]  }
0x111: {  	v10 =	vld.idx.msk [tilespmem:v2+s14+$0x0], vm2  }
0x112: {  	v13 =	vld.idx.msk [tilespmem:v3+s14+$0x0], vm9  }
0x113: {  	v14 =	vld.idx.msk [tilespmem:v4+s14+$0x0], vm7  }
0x114: {  	s28 =	simm.s32 $0x11D00;
	v15 =	vld.idx.msk [tilespmem:v5+s14+$0x0], vm11  }
0x115: {  	v3 =	vld [tilespmem:s28+$0x30]  }
0x116: {  	v24 =	vor.u32 s20, v0;
	v8 =	vadd.s32 $0xFFFF15A0, v8;
	v2 =	vadd.s32 $0xFFFF15A0, v9;
	v4 =	vld [tilespmem:s28+$0xFFFFFFD0]  }
0x117: {  	vm12 =	vlt.u32 v8, $0x4E20;
	v5 =	vadd.s32 $0xFFFF15A0, v6;
	v6 =	vld [tilespmem:s28+$0xFFFFFFE0];
	vm0 =	vlt.u32 v2, $0x4E20  }
0x118: {  	s24 =	simm.s32 $0x70;
	v7 =	vadd.s32 $0xFFFF15A0, v7;
	v9 =	vld [tilespmem:s28+$0xFFFFFFF0];
	vm1 =	vlt.u32 v5, $0x4E20;
	vm8 =	vmmov vm0  }
0x119: {  	s29 =	simm.s32 $0x10;
	v17 =	vor.u32 s24, v0;
	v12 =	vld [tilespmem:s28+$0x0];
	vm3 =	vlt.u32 v7, $0x4E20;
	vm0 =	vmmov vm1  }
0x11a: {  	s30 =	simm.s32 $0x30;
	v16 =	vor.u32 s29, v0;
	v25 =	vld [tilespmem:s28+$0xFFFFFFC0];
	vm1 =	vmmov vm3;
	v19 =	vadd.s32 $0xFFFF15A0, v3  }
0x11b: {  	v23 =	vor.u32 s30, v0;
	s25 =	simm.s32 $0x20;
	v18 =	vld [tilespmem:s28+$0x10];
	v21 =	vadd.s32 $0xFFFF15A0, v4;
	vm3 =	vlt.u32 v19, $0x4E20  }
0x11c: {  	s31 =	simm.s32 $0x40;
	v22 =	vld [tilespmem:s28+$0x20];
	v20 =	vor.u32 s25, v0;
	v26 =	vadd.s32 $0xFFFF15A0, v6;
	vm4 =	vlt.u32 v21, $0x4E20  }
0x11d: {  	s25 =	simm.s32 $0x50;
	v3 =	vor.u32 s31, v0;
	v27 =	vadd.s32 $0xFFFF15A0, v9;
	v9 =	vld.idx.msk [tilespmem:v8+s14+$0x0], vm12;
	vm5 =	vlt.u32 v26, $0x4E20  }
0x11e: {  	s20 =	simm.s32 $0x80;
	v4 =	vor.u32 s25, v0;
	[tilespmem:v17+s15+$0x0] =	vst.idx.msk vm2, v10;
	vm2 =	vmmov vm12;
	vm6 =	vlt.u32 v27, $0x4E20;
	v28 =	vld.idx.msk [tilespmem:v2+s14+$0x0], vm8  }
0x11f: {  	s29 =	simm.s32 $0x90;
	v6 =	vadd.s32 $0xFFFF15A0, v12;
	v10 =	vadd.s32 $0xFFFF15A0, v25;
	v8 =	vor.u32 s20, v0;
	v11 =	vld.idx.msk [tilespmem:v5+s14+$0x0], vm0  }
0x120: {  	s28 =	simm.s32 $0x60;
	[tilespmem:v23+s15+$0x0] =	vst.idx.msk vm11, v15;
	v15 =	vor.u32 s29, v0;
	s29 =	simm.s32 $0xB0;
	vm10 =	vlt.u32 v6, $0x4E20;
	vm11 =	vlt.u32 v10, $0x4E20;
	v12 =	vld.idx.msk [tilespmem:v7+s14+$0x0], vm1  }
0x121: {  	s30 =	simm.s32 $0xF0;
	[tilespmem:v16+s15+$0x0] =	vst.idx.msk vm9, v13;
	v16 =	vor.u32 s29, v0;
	v2 =	vor.u32 s28, v0;
	v5 =	vadd.s32 $0xFFFF15A0, v18;
	v13 =	vld.idx.msk [tilespmem:v19+s14+$0x0], vm3  }
0x122: {  	[tilespmem:v20+s15+$0x0] =	vst.idx.msk vm7, v14;
	s31 =	simm.s32 $0xA0;
	v7 =	vadd.s32 $0xFFFF15A0, v22;
	s28 =	simm.s32 $0xC0;
	vm9 =	vlt.u32 v5, $0x4E20;
	v14 =	vld.idx.msk [tilespmem:v21+s14+$0x0], vm4;
	v21 =	vor.u32 s30, v0  }
0x123: {  	vm7 =	vlt.u32 v7, $0x4E20;
	v22 =	vor.u32 s28, v0;
	s30 =	simm.s32 $0xD0;
	v18 =	vld.idx.msk [tilespmem:v26+s14+$0x0], vm5;
	v19 =	vor.u32 s31, v0;
	s31 =	simm.s32 $0xE0  }
0x124: {  	s24 =	simm.s32 $0x11D80;
	s21 =	simm.s32 $0x8;
	v20 =	vld.idx.msk [tilespmem:v27+s14+$0x0], vm6;
	v23 =	vor.u32 s30, v0;
	v17 =	vor.u32 s31, v0;
	[tilespmem:v24+s15+$0x0] =	vst.idx.msk vm8, v28;
	vm8 =	vmmov vm11  }
.LBB2_10:
0x125: {  	v24 =	vld [tilespmem:s24+$0x30];
	s21 =	sadd.s32 $0x8, s21;
	[tilespmem:v3+s15+$0x0] =	vst.idx.msk vm0, v11;
	v3 =	vmov v22;
	vm0 =	vmmov vm10  }
0x126: {  	v11 =	vld [tilespmem:s24+$0xFFFFFFD0];
	p0 =	slt.u32 s21, $0x3F8;
	[tilespmem:v4+s15+$0x0] =	vst.idx.msk vm1, v12;
	v4 =	vmov v23;
	vm1 =	vmmov vm9  }
0x127: {  	v12 =	vld [tilespmem:s24+$0xFFFFFFE0];
	[tilespmem:v21+s15+$0x0] =	vst.idx.msk vm3, v13  }
0x128: {  	v13 =	vld [tilespmem:s24+$0xFFFFFFF0];
	[tilespmem:v15+s15+$0x0] =	vst.idx.msk vm4, v14  }
0x129: {  	v14 =	vld [tilespmem:s24+$0x0];
	[tilespmem:v19+s15+$0x0] =	vst.idx.msk vm5, v18  }
0x12a: {  	v15 =	vld [tilespmem:s24+$0x10];
	v18 =	vadd.s32 $0xFFFF15A0, v24;
	[tilespmem:v16+s15+$0x0] =	vst.idx.msk vm6, v20  }
0x12b: {  	v16 =	vadd.s32 $0xFFFF15A0, v11;
	v19 =	vld [tilespmem:s24+$0x20];
	vm3 =	vlt.u32 v18, $0x4E20;
	[tilespmem:v2+s15+$0x0] =	vst.idx.msk vm2, v9;
	v2 =	vmovc v17;
	vm2 =	vmmov vm7  }
0x12c: {  	v17 =	vld [tilespmem:s24+$0xFFFFFFC0];
	vm4 =	vlt.u32 v16, $0x4E20;
	v20 =	vadd.s32 $0xFFFF15A0, v12  }
0x12d: {  	vm5 =	vlt.u32 v20, $0x4E20;
	v23 =	vadd.s32 $0xFFFF15A0, v13;
	v24 =	vld.idx.msk [tilespmem:v10+s14+$0x0], vm8  }
0x12e: {  	vm6 =	vlt.u32 v23, $0x4E20;
	v11 =	vld.idx.msk [tilespmem:v6+s14+$0x0], vm10;
	v6 =	vadd.s32 $0xFFFF15A0, v14  }
0x12f: {  	vm10 =	vlt.u32 v6, $0x4E20;
	v12 =	vld.idx.msk [tilespmem:v5+s14+$0x0], vm9;
	v5 =	vadd.s32 $0xFFFF15A0, v15  }
.Ltmp4:
0x130: {  	s20 =	sadd.s32 $0x80, s20;
	vm9 =	vlt.u32 v5, $0x4E20;
	v9 =	vld.idx.msk [tilespmem:v7+s14+$0x0], vm7;
	v7 =	vadd.s32 $0xFFFF15A0, v19;
	(pc) =	sbr.rel @p0 .LBB2_10-.Ltmp4, $4  }
0x131: {  	v25 =	vor.u32 s20, v0;
	s25 =	sadd.s32 $0x10, s20;
	s28 =	sadd.s32 $0x20, s20;
	s29 =	sadd.s32 $0x70, s20;
	v10 =	vadd.s32 $0xFFFF15A0, v17;
	vm7 =	vlt.u32 v7, $0x4E20;
	v13 =	vld.idx.msk [tilespmem:v18+s14+$0x0], vm3  }
0x132: {  	s30 =	sadd.s32 $0x40, s20;
	s31 =	sadd.s32 $0x50, s20;
	v21 =	vor.u32 s29, v0;
	v15 =	vor.u32 s25, v0;
	s25 =	sadd.s32 $0x30, s20;
	vm11 =	vlt.u32 v10, $0x4E20;
	v14 =	vld.idx.msk [tilespmem:v16+s14+$0x0], vm4  }
0x133: {  	v22 =	vor.u32 s30, v0;
	v19 =	vor.u32 s28, v0;
	v16 =	vor.u32 s25, v0;
	s25 =	sadd.s32 $0x60, s20;
	v18 =	vld.idx.msk [tilespmem:v20+s14+$0x0], vm5  }
0x134: {  	s24 =	sadd.s32 $0x80, s24;
	v17 =	vor.u32 s25, v0;
	v20 =	vld.idx.msk [tilespmem:v23+s14+$0x0], vm6;
	v23 =	vor.u32 s31, v0;
	[tilespmem:v8+s15+$0x0] =	vst.idx.msk vm8, v24;
	v8 =	vmovc v25;
	vm8 =	vmmov vm11  }
0x135: {  	_ =	sdelay $0x1  }
0x136: {  	vm10 =	vmmov vm10  }
0x137: {  	vm9 =	vmmov vm9;
	_ =	sdelay $0x1  }
0x138: {  	[tilespmem:v3+s15+$0x0] =	vst.idx.msk vm0, v11  }
0x139: {  	[tilespmem:v4+s15+$0x0] =	vst.idx.msk vm1, v12  }
0x13a: {  	v3 =	vld.idx.msk [tilespmem:v10+s14+$0x0], vm8;
	[tilespmem:v2+s15+$0x0] =	vst.idx.msk vm2, v9  }
0x13b: {  	[tilespmem:v21+s15+$0x0] =	vst.idx.msk vm3, v13;
	v4 =	vld.idx.msk [tilespmem:v6+s14+$0x0], vm10  }
0x13c: {  	[tilespmem:v15+s15+$0x0] =	vst.idx.msk vm4, v14;
	v5 =	vld.idx.msk [tilespmem:v5+s14+$0x0], vm9  }
0x13d: {  	[tilespmem:v19+s15+$0x0] =	vst.idx.msk vm5, v18;
	v6 =	vld.idx.msk [tilespmem:v7+s14+$0x0], vm7  }
0x13e: {  	[tilespmem:v16+s15+$0x0] =	vst.idx.msk vm6, v20  }
0x13f: {  	[tilespmem:v8+s15+$0x0] =	vst.idx.msk vm8, v3  }
0x140: {  	[tilespmem:v22+s15+$0x0] =	vst.idx.msk vm10, v4  }
0x141: {  	[tilespmem:v23+s15+$0x0] =	vst.idx.msk vm9, v5  }
0x142: {  	[tilespmem:v17+s15+$0x0] =	vst.idx.msk vm7, v6  }
0x143: {  	_ =	swait.ge [sflag:s13], $0x4E20  }
0x144: {  	s20 =	simm.s32 $0x0;
	[sflag:s13] =	ssyncset.done $0x0  }
0x145: {  	s25 =	simm.s32 $0x11C80;
	s21 =	rddreg [dreg:$0xa];
	[sflag:s13] =	ssyncadd.s32 $0xFFFFB1E0  }
0x146: {  	[tilespmem:s14], [sflag:$0x2] =	stream.linear.gather [hbm4b:s21+s20], $0x4E20, $0x38;
	[tilespmem:$0x1DC40] =	vst v63  }
0x147: {  	v2 =	vld [tilespmem:s25+$0x30]  }
0x148: {  	v3 =	vld [tilespmem:s25+$0xFFFFFFD0]  }
0x149: {  	v4 =	vld [tilespmem:s25+$0xFFFFFFE0]  }
0x14a: {  	v5 =	vld [tilespmem:s25+$0xFFFFFFF0];
	_ =	sdelay $0x1  }
0x14b: {  	v2 =	vadd.s32 $0xFFFEC780, v2  }
0x14c: {  	v3 =	vadd.s32 $0xFFFEC780, v3;
	vm2 =	vlt.u32 v2, $0x4E20  }
0x14d: {  	v4 =	vadd.s32 $0xFFFEC780, v4;
	vm9 =	vlt.u32 v3, $0x4E20  }
0x14e: {  	vm0 =	vmmov vm7;
	v6 =	vld [tilespmem:s25+$0x0];
	v5 =	vadd.s32 $0xFFFEC780, v5;
	vm7 =	vlt.u32 v4, $0x4E20  }
0x14f: {  	v7 =	vld [tilespmem:s25+$0x10];
	vm11 =	vlt.u32 v5, $0x4E20  }
0x150: {  	v8 =	vld [tilespmem:s25+$0x20]  }
0x151: {  	v9 =	vld [tilespmem:s25+$0xFFFFFFC0]  }
0x152: {  	v10 =	vld.idx.msk [tilespmem:v2+s1+$0x0], vm2  }
0x153: {  	v13 =	vld.idx.msk [tilespmem:v3+s1+$0x0], vm9  }
0x154: {  	v14 =	vld.idx.msk [tilespmem:v4+s1+$0x0], vm7  }
0x155: {  	s28 =	simm.s32 $0x11D00;
	v15 =	vld.idx.msk [tilespmem:v5+s1+$0x0], vm11  }
0x156: {  	v3 =	vld [tilespmem:s28+$0x30]  }
0x157: {  	v24 =	vor.u32 s20, v0;
	v8 =	vadd.s32 $0xFFFEC780, v8;
	v2 =	vadd.s32 $0xFFFEC780, v9;
	v4 =	vld [tilespmem:s28+$0xFFFFFFD0]  }
0x158: {  	vm12 =	vlt.u32 v8, $0x4E20;
	v5 =	vadd.s32 $0xFFFEC780, v6;
	v6 =	vld [tilespmem:s28+$0xFFFFFFE0];
	vm0 =	vlt.u32 v2, $0x4E20  }
0x159: {  	s24 =	simm.s32 $0x70;
	v7 =	vadd.s32 $0xFFFEC780, v7;
	v9 =	vld [tilespmem:s28+$0xFFFFFFF0];
	vm1 =	vlt.u32 v5, $0x4E20;
	vm8 =	vmmov vm0  }
0x15a: {  	s29 =	simm.s32 $0x10;
	v17 =	vor.u32 s24, v0;
	v12 =	vld [tilespmem:s28+$0x0];
	vm3 =	vlt.u32 v7, $0x4E20;
	vm0 =	vmmov vm1  }
0x15b: {  	s30 =	simm.s32 $0x30;
	v16 =	vor.u32 s29, v0;
	v25 =	vld [tilespmem:s28+$0xFFFFFFC0];
	vm1 =	vmmov vm3;
	v19 =	vadd.s32 $0xFFFEC780, v3  }
0x15c: {  	v23 =	vor.u32 s30, v0;
	s25 =	simm.s32 $0x20;
	v18 =	vld [tilespmem:s28+$0x10];
	v21 =	vadd.s32 $0xFFFEC780, v4;
	vm3 =	vlt.u32 v19, $0x4E20  }
0x15d: {  	s31 =	simm.s32 $0x40;
	v22 =	vld [tilespmem:s28+$0x20];
	v20 =	vor.u32 s25, v0;
	v26 =	vadd.s32 $0xFFFEC780, v6;
	vm4 =	vlt.u32 v21, $0x4E20  }
0x15e: {  	s25 =	simm.s32 $0x50;
	v3 =	vor.u32 s31, v0;
	v27 =	vadd.s32 $0xFFFEC780, v9;
	v9 =	vld.idx.msk [tilespmem:v8+s1+$0x0], vm12;
	vm5 =	vlt.u32 v26, $0x4E20  }
0x15f: {  	s20 =	simm.s32 $0x80;
	v4 =	vor.u32 s25, v0;
	[tilespmem:v17+s15+$0x0] =	vst.idx.msk vm2, v10;
	vm2 =	vmmov vm12;
	vm6 =	vlt.u32 v27, $0x4E20;
	v28 =	vld.idx.msk [tilespmem:v2+s1+$0x0], vm8  }
0x160: {  	s29 =	simm.s32 $0x90;
	v6 =	vadd.s32 $0xFFFEC780, v12;
	v10 =	vadd.s32 $0xFFFEC780, v25;
	v8 =	vor.u32 s20, v0;
	v11 =	vld.idx.msk [tilespmem:v5+s1+$0x0], vm0  }
0x161: {  	s28 =	simm.s32 $0x60;
	[tilespmem:v23+s15+$0x0] =	vst.idx.msk vm11, v15;
	v15 =	vor.u32 s29, v0;
	s29 =	simm.s32 $0xB0;
	vm10 =	vlt.u32 v6, $0x4E20;
	vm11 =	vlt.u32 v10, $0x4E20;
	v12 =	vld.idx.msk [tilespmem:v7+s1+$0x0], vm1  }
0x162: {  	s30 =	simm.s32 $0xF0;
	[tilespmem:v16+s15+$0x0] =	vst.idx.msk vm9, v13;
	v16 =	vor.u32 s29, v0;
	v2 =	vor.u32 s28, v0;
	v5 =	vadd.s32 $0xFFFEC780, v18;
	v13 =	vld.idx.msk [tilespmem:v19+s1+$0x0], vm3  }
0x163: {  	[tilespmem:v20+s15+$0x0] =	vst.idx.msk vm7, v14;
	s31 =	simm.s32 $0xA0;
	v7 =	vadd.s32 $0xFFFEC780, v22;
	s28 =	simm.s32 $0xC0;
	vm9 =	vlt.u32 v5, $0x4E20;
	v14 =	vld.idx.msk [tilespmem:v21+s1+$0x0], vm4;
	v21 =	vor.u32 s30, v0  }
0x164: {  	vm7 =	vlt.u32 v7, $0x4E20;
	v22 =	vor.u32 s28, v0;
	s30 =	simm.s32 $0xD0;
	v18 =	vld.idx.msk [tilespmem:v26+s1+$0x0], vm5;
	v19 =	vor.u32 s31, v0;
	s31 =	simm.s32 $0xE0  }
0x165: {  	s24 =	simm.s32 $0x11D80;
	s21 =	simm.s32 $0x8;
	v20 =	vld.idx.msk [tilespmem:v27+s1+$0x0], vm6;
	v23 =	vor.u32 s30, v0;
	v17 =	vor.u32 s31, v0;
	[tilespmem:v24+s15+$0x0] =	vst.idx.msk vm8, v28;
	vm8 =	vmmov vm11  }
.LBB2_12:
0x166: {  	v24 =	vld [tilespmem:s24+$0x30];
	s21 =	sadd.s32 $0x8, s21;
	[tilespmem:v3+s15+$0x0] =	vst.idx.msk vm0, v11;
	v3 =	vmov v22;
	vm0 =	vmmov vm10  }
0x167: {  	v11 =	vld [tilespmem:s24+$0xFFFFFFD0];
	p0 =	slt.u32 s21, $0x3F8;
	[tilespmem:v4+s15+$0x0] =	vst.idx.msk vm1, v12;
	v4 =	vmov v23;
	vm1 =	vmmov vm9  }
0x168: {  	v12 =	vld [tilespmem:s24+$0xFFFFFFE0];
	[tilespmem:v21+s15+$0x0] =	vst.idx.msk vm3, v13  }
0x169: {  	v13 =	vld [tilespmem:s24+$0xFFFFFFF0];
	[tilespmem:v15+s15+$0x0] =	vst.idx.msk vm4, v14  }
0x16a: {  	v14 =	vld [tilespmem:s24+$0x0];
	[tilespmem:v19+s15+$0x0] =	vst.idx.msk vm5, v18  }
0x16b: {  	v15 =	vld [tilespmem:s24+$0x10];
	v18 =	vadd.s32 $0xFFFEC780, v24;
	[tilespmem:v16+s15+$0x0] =	vst.idx.msk vm6, v20  }
0x16c: {  	v16 =	vadd.s32 $0xFFFEC780, v11;
	v19 =	vld [tilespmem:s24+$0x20];
	vm3 =	vlt.u32 v18, $0x4E20;
	[tilespmem:v2+s15+$0x0] =	vst.idx.msk vm2, v9;
	v2 =	vmovc v17;
	vm2 =	vmmov vm7  }
0x16d: {  	v17 =	vld [tilespmem:s24+$0xFFFFFFC0];
	vm4 =	vlt.u32 v16, $0x4E20;
	v20 =	vadd.s32 $0xFFFEC780, v12  }
0x16e: {  	vm5 =	vlt.u32 v20, $0x4E20;
	v23 =	vadd.s32 $0xFFFEC780, v13;
	v24 =	vld.idx.msk [tilespmem:v10+s1+$0x0], vm8  }
0x16f: {  	vm6 =	vlt.u32 v23, $0x4E20;
	v11 =	vld.idx.msk [tilespmem:v6+s1+$0x0], vm10;
	v6 =	vadd.s32 $0xFFFEC780, v14  }
0x170: {  	vm10 =	vlt.u32 v6, $0x4E20;
	v12 =	vld.idx.msk [tilespmem:v5+s1+$0x0], vm9;
	v5 =	vadd.s32 $0xFFFEC780, v15  }
.Ltmp5:
0x171: {  	s20 =	sadd.s32 $0x80, s20;
	vm9 =	vlt.u32 v5, $0x4E20;
	v9 =	vld.idx.msk [tilespmem:v7+s1+$0x0], vm7;
	v7 =	vadd.s32 $0xFFFEC780, v19;
	(pc) =	sbr.rel @p0 .LBB2_12-.Ltmp5, $4  }
0x172: {  	v25 =	vor.u32 s20, v0;
	s25 =	sadd.s32 $0x10, s20;
	s28 =	sadd.s32 $0x20, s20;
	s29 =	sadd.s32 $0x70, s20;
	v10 =	vadd.s32 $0xFFFEC780, v17;
	vm7 =	vlt.u32 v7, $0x4E20;
	v13 =	vld.idx.msk [tilespmem:v18+s1+$0x0], vm3  }
0x173: {  	s30 =	sadd.s32 $0x40, s20;
	s31 =	sadd.s32 $0x50, s20;
	v21 =	vor.u32 s29, v0;
	v15 =	vor.u32 s25, v0;
	s25 =	sadd.s32 $0x30, s20;
	vm11 =	vlt.u32 v10, $0x4E20;
	v14 =	vld.idx.msk [tilespmem:v16+s1+$0x0], vm4  }
0x174: {  	v22 =	vor.u32 s30, v0;
	v19 =	vor.u32 s28, v0;
	v16 =	vor.u32 s25, v0;
	s25 =	sadd.s32 $0x60, s20;
	v18 =	vld.idx.msk [tilespmem:v20+s1+$0x0], vm5  }
0x175: {  	s24 =	sadd.s32 $0x80, s24;
	v17 =	vor.u32 s25, v0;
	v20 =	vld.idx.msk [tilespmem:v23+s1+$0x0], vm6;
	v23 =	vor.u32 s31, v0;
	[tilespmem:v8+s15+$0x0] =	vst.idx.msk vm8, v24;
	v8 =	vmovc v25;
	vm8 =	vmmov vm11  }
0x176: {  	_ =	sdelay $0x1  }
0x177: {  	vm10 =	vmmov vm10  }
0x178: {  	vm9 =	vmmov vm9;
	_ =	sdelay $0x1  }
0x179: {  	[tilespmem:v3+s15+$0x0] =	vst.idx.msk vm0, v11  }
0x17a: {  	[tilespmem:v4+s15+$0x0] =	vst.idx.msk vm1, v12  }
0x17b: {  	v3 =	vld.idx.msk [tilespmem:v10+s1+$0x0], vm8;
	[tilespmem:v2+s15+$0x0] =	vst.idx.msk vm2, v9  }
0x17c: {  	[tilespmem:v21+s15+$0x0] =	vst.idx.msk vm3, v13;
	v4 =	vld.idx.msk [tilespmem:v6+s1+$0x0], vm10  }
0x17d: {  	[tilespmem:v15+s15+$0x0] =	vst.idx.msk vm4, v14;
	v5 =	vld.idx.msk [tilespmem:v5+s1+$0x0], vm9  }
0x17e: {  	[tilespmem:v19+s15+$0x0] =	vst.idx.msk vm5, v18;
	v6 =	vld.idx.msk [tilespmem:v7+s1+$0x0], vm7  }
0x17f: {  	[tilespmem:v16+s15+$0x0] =	vst.idx.msk vm6, v20  }
0x180: {  	[tilespmem:v8+s15+$0x0] =	vst.idx.msk vm8, v3  }
0x181: {  	[tilespmem:v22+s15+$0x0] =	vst.idx.msk vm10, v4  }
0x182: {  	[tilespmem:v23+s15+$0x0] =	vst.idx.msk vm9, v5  }
0x183: {  	[tilespmem:v17+s15+$0x0] =	vst.idx.msk vm7, v6  }
0x184: {  	_ =	swait.ge [sflag:s16], $0x4E20  }
0x185: {  	[sflag:s16] =	ssyncset.done $0x0  }
0x186: {  	s25 =	simm.s32 $0x15C80;
	s20 =	rddreg [dreg:$0xb];
	[sflag:s16] =	ssyncadd.s32 $0xFFFFB1E0  }
0x187: {  	[tilespmem:s1], [sflag:$0x1] =	stream.linear.gather [hbm4b:s20+s1], $0x4E20, $0x38;
	[tilespmem:$0x1DC40] =	vst v63  }
0x188: {  	v2 =	vld [tilespmem:s25+$0x30]  }
0x189: {  	v3 =	vld [tilespmem:s25+$0xFFFFFFC0]  }
0x18a: {  	v4 =	vld [tilespmem:s25+$0xFFFFFFD0]  }
0x18b: {  	v5 =	vld [tilespmem:s25+$0xFFFFFFE0]  }
0x18c: {  	v6 =	vld [tilespmem:s25+$0xFFFFFFF0]  }
0x18d: {  	v7 =	vld [tilespmem:s25+$0x0];
	vm12 =	vlt.u32 v2, $0x4E20  }
0x18e: {  	v9 =	vld [tilespmem:s25+$0x20]  }
0x18f: {  	s20 =	simm.s32 $0x9C80;
	v8 =	vld [tilespmem:s25+$0x10];
	vm13 =	vlt.u32 v3, $0x4E20  }
0x190: {  	v10 =	vld [tilespmem:s20+$0x30];
	vm14 =	vlt.u32 v4, $0x4E20  }
0x191: {  	v59 =	vld [tilespmem:s20+$0xFFFFFFF0];
	vm15 =	vlt.u32 v5, $0x4E20  }
0x192: {  	v61 =	vld [tilespmem:s20+$0x0];
	vm3 =	vlt.u32 v6, $0x4E20  }
0x193: {  	vm2 =	vlt.u32 v9, $0x4E20;
	v2 =	vld.idx.msk [tilespmem:v2+s14+$0x0], vm12  }
0x194: {  	s21 =	simm.s32 $0x70;
	v63 =	vld [tilespmem:s20+$0x10]  }
0x195: {  	v11 =	vor.u32 s21, v0;
	v3 =	vld.idx.msk [tilespmem:v3+s14+$0x0], vm13  }
0x196: {  	v4 =	vld.idx.msk [tilespmem:v4+s14+$0x0], vm14  }
0x197: {  	vm0 =	vmmov vm7;
	v57 =	vld.idx.msk [tilespmem:v5+s14+$0x0], vm15  }
0x198: {  	vm0 =	vlt.u32 v7, $0x4E20;
	v58 =	vld.idx.msk [tilespmem:v6+s14+$0x0], vm3;
	v2 =	vmul.f32 v10, v2  }
0x199: {  	vm1 =	vlt.u32 v8, $0x4E20;
	v5 =	vld.idx.msk [tilespmem:v9+s14+$0x0], vm2  }
0x19a: {  	[tilespmem:v11+s11+$0x0] =	vst.idx.add.f32.msk vm12, v2  }
0x19b: {  	v2 =	vld [tilespmem:s20+$0xFFFFFFC0]  }
0x19c: {  	s24 =	simm.s32 $0x0;
	v6 =	vld [tilespmem:s20+$0xFFFFFFD0]  }
0x19d: {  	s25 =	simm.s32 $0x10;
	v9 =	vor.u32 s24, v0;
	v10 =	vld [tilespmem:s20+$0xFFFFFFE0]  }
0x19e: {  	s28 =	simm.s32 $0x20;
	v7 =	vld.idx.msk [tilespmem:v7+s14+$0x0], vm0;
	v11 =	vor.u32 s25, v0  }
0x19f: {  	s29 =	simm.s32 $0x30;
	v60 =	vor.u32 s28, v0;
	v8 =	vld.idx.msk [tilespmem:v8+s14+$0x0], vm1  }
0x1a0: {  	v62 =	vor.u32 s29, v0;
	v2 =	vmul.f32 v2, v3  }
0x1a1: {  	v3 =	vmul.f32 v6, v4;
	v6 =	vld [tilespmem:s20+$0x20]  }
0x1a2: {  	[tilespmem:v9+s11+$0x0] =	vst.idx.add.f32.msk vm13, v2;
	v9 =	vmul.f32 v10, v57  }
0x1a3: {  	[tilespmem:v11+s11+$0x0] =	vst.idx.add.f32.msk vm14, v3;
	v10 =	vmul.f32 v59, v58  }
0x1a4: {  	s30 =	simm.s32 $0x40;
	s31 =	simm.s32 $0x50;
	s28 =	simm.s32 $0x60;
	v7 =	vmul.f32 v61, v7;
	v8 =	vmul.f32 v63, v8;
	[tilespmem:v60+s11+$0x0] =	vst.idx.add.f32.msk vm15, v9  }
0x1a5: {  	s24 =	simm.s32 $0x0;
	s25 =	simm.s32 $0x15D00;
	v4 =	vor.u32 s30, v0;
	v2 =	vor.u32 s31, v0;
	v3 =	vor.u32 s28, v0;
	[tilespmem:v62+s11+$0x0] =	vst.idx.add.f32.msk vm3, v10  }
.LBB2_14:
0x1a6: {  	v9 =	vld [tilespmem:s25+$0x30];
	s24 =	sadd.s32 $0x8, s24;
	v5 =	vmul.f32 v6, v5  }
0x1a7: {  	v6 =	vld [tilespmem:s25+$0xFFFFFFC0];
	p0 =	slt.u32 s24, $0x3F8  }
0x1a8: {  	v10 =	vld [tilespmem:s25+$0xFFFFFFD0]  }
0x1a9: {  	v11 =	vld [tilespmem:s25+$0xFFFFFFE0]  }
0x1aa: {  	v12 =	vld [tilespmem:s25+$0xFFFFFFF0]  }
0x1ab: {  	v13 =	vld [tilespmem:s25+$0x0];
	vm7 =	vlt.u32 v9, $0x4E20  }
0x1ac: {  	vm3 =	vlt.u32 v6, $0x4E20;
	v14 =	vld [tilespmem:s25+$0x10]  }
0x1ad: {  	vm4 =	vlt.u32 v10, $0x4E20;
	v15 =	vld [tilespmem:s25+$0x20]  }
0x1ae: {  	vm5 =	vlt.u32 v11, $0x4E20;
	[tilespmem:v4+s11+$0x0] =	vst.idx.add.f32.msk vm0, v7  }
0x1af: {  	vm6 =	vlt.u32 v12, $0x4E20;
	[tilespmem:v2+s11+$0x0] =	vst.idx.add.f32.msk vm1, v8  }
0x1b0: {  	vm0 =	vlt.u32 v13, $0x4E20;
	[tilespmem:v3+s11+$0x0] =	vst.idx.add.f32.msk vm2, v5  }
0x1b1: {  	s20 =	sadd.s32 $0x80, s20;
	vm1 =	vlt.u32 v14, $0x4E20;
	v5 =	vld.idx.msk [tilespmem:v9+s14+$0x0], vm7  }
0x1b2: {  	vm2 =	vlt.u32 v15, $0x4E20;
	v7 =	vld [tilespmem:s20+$0x30]  }
0x1b3: {  	s21 =	sadd.s32 $0x80, s21;
	v6 =	vld.idx.msk [tilespmem:v6+s14+$0x0], vm3  }
0x1b4: {  	s28 =	sadd.s32 $0xFFFFFFA0, s21;
	s29 =	sadd.s32 $0xFFFFFFB0, s21;
	s30 =	sadd.s32 $0xFFFFFFC0, s21;
	v9 =	vor.u32 s21, v0;
	v8 =	vld.idx.msk [tilespmem:v10+s14+$0x0], vm4  }
0x1b5: {  	v16 =	vor.u32 s29, v0;
	v17 =	vor.u32 s30, v0;
	s29 =	sadd.s32 $0xFFFFFFE0, s21;
	s30 =	sadd.s32 $0xFFFFFFF0, s21;
	v10 =	vor.u32 s28, v0;
	s28 =	sadd.s32 $0xFFFFFFD0, s21;
	v11 =	vld.idx.msk [tilespmem:v11+s14+$0x0], vm5  }
0x1b6: {  	s31 =	sadd.s32 $0xFFFFFF90, s21;
	v2 =	vor.u32 s29, v0;
	v3 =	vor.u32 s30, v0;
	v4 =	vor.u32 s28, v0;
	v12 =	vld.idx.msk [tilespmem:v12+s14+$0x0], vm6  }
0x1b7: {  	v18 =	vor.u32 s31, v0;
	v13 =	vld.idx.msk [tilespmem:v13+s14+$0x0], vm0;
	v5 =	vmul.f32 v7, v5  }
0x1b8: {  	v14 =	vld.idx.msk [tilespmem:v14+s14+$0x0], vm1  }
0x1b9: {  	[tilespmem:v9+s11+$0x0] =	vst.idx.add.f32.msk vm7, v5  }
0x1ba: {  	v5 =	vld.idx.msk [tilespmem:v15+s14+$0x0], vm2  }
0x1bb: {  	v7 =	vld [tilespmem:s20+$0xFFFFFFC0]  }
0x1bc: {  	v9 =	vld [tilespmem:s20+$0xFFFFFFD0]  }
0x1bd: {  	v15 =	vld [tilespmem:s20+$0xFFFFFFE0]  }
0x1be: {  	v19 =	vld [tilespmem:s20+$0xFFFFFFF0]  }
0x1bf: {  	v20 =	vld [tilespmem:s20+$0x0]  }
0x1c0: {  	v7 =	vmul.f32 v7, v6;
	v21 =	vld [tilespmem:s20+$0x10]  }
.Ltmp6:
0x1c1: {  	v8 =	vmul.f32 v9, v8;
	v6 =	vld [tilespmem:s20+$0x20];
	(pc) =	sbr.rel @p0 .LBB2_14-.Ltmp6, $4  }
0x1c2: {  	[tilespmem:v18+s11+$0x0] =	vst.idx.add.f32.msk vm3, v7;
	v7 =	vmul.f32 v15, v11  }
0x1c3: {  	[tilespmem:v10+s11+$0x0] =	vst.idx.add.f32.msk vm4, v8;
	v8 =	vmul.f32 v19, v12  }
0x1c4: {  	[tilespmem:v16+s11+$0x0] =	vst.idx.add.f32.msk vm5, v7;
	v7 =	vmul.f32 v20, v13  }
0x1c5: {  	s25 =	sadd.s32 $0x80, s25;
	[tilespmem:v17+s11+$0x0] =	vst.idx.add.f32.msk vm6, v8;
	v8 =	vmul.f32 v21, v14  }
0x1c6: {  	_ =	sdelay $0x4  }
0x1c7: {  	v5 =	vmul.f32 v6, v5;
	[tilespmem:v4+s11+$0x0] =	vst.idx.add.f32.msk vm0, v7  }
0x1c8: {  	[tilespmem:v2+s11+$0x0] =	vst.idx.add.f32.msk vm1, v8  }
0x1c9: {  	[tilespmem:v3+s11+$0x0] =	vst.idx.add.f32.msk vm2, v5  }
0x1ca: {  	_ =	swait.ge [sflag:s13], $0x4E20  }
0x1cb: {  	[sflag:s13] =	ssyncset.done $0x0  }
0x1cc: {  	s28 =	simm.s32 $0x15C80;
	s20 =	rddreg [dreg:$0xc];
	[sflag:s13] =	ssyncadd.s32 $0xFFFFB1E0  }
0x1cd: {  	[tilespmem:s14], [sflag:$0x2] =	stream.linear.gather [hbm4b:s20+s1], $0x4E20, $0x38;
	[tilespmem:$0x1DC40] =	vst v63  }
0x1ce: {  	v2 =	vld [tilespmem:s28+$0x30]  }
0x1cf: {  	v3 =	vld [tilespmem:s28+$0xFFFFFFC0]  }
0x1d0: {  	v4 =	vld [tilespmem:s28+$0xFFFFFFD0]  }
0x1d1: {  	v5 =	vld [tilespmem:s28+$0xFFFFFFE0]  }
0x1d2: {  	v6 =	vld [tilespmem:s28+$0xFFFFFFF0]  }
0x1d3: {  	v8 =	vld [tilespmem:s28+$0x10];
	v2 =	vadd.s32 $0xFFFFB1E0, v2  }
0x1d4: {  	v7 =	vld [tilespmem:s28+$0x0];
	v3 =	vadd.s32 $0xFFFFB1E0, v3;
	vm7 =	vlt.u32 v2, $0x4E20  }
0x1d5: {  	s20 =	simm.s32 $0x9C80;
	v9 =	vld [tilespmem:s28+$0x20];
	v4 =	vadd.s32 $0xFFFFB1E0, v4;
	vm6 =	vlt.u32 v3, $0x4E20  }
0x1d6: {  	v10 =	vld [tilespmem:s20+$0x30];
	v5 =	vadd.s32 $0xFFFFB1E0, v5;
	vm5 =	vlt.u32 v4, $0x4E20  }
0x1d7: {  	v14 =	vld [tilespmem:s20+$0xFFFFFFE0];
	v6 =	vadd.s32 $0xFFFFB1E0, v6;
	vm4 =	vlt.u32 v5, $0x4E20  }
0x1d8: {  	v16 =	vld [tilespmem:s20+$0xFFFFFFF0];
	v8 =	vadd.s32 $0xFFFFB1E0, v8;
	vm0 =	vlt.u32 v6, $0x4E20  }
0x1d9: {  	v18 =	vld [tilespmem:s20+$0x0];
	vm2 =	vlt.u32 v8, $0x4E20  }
0x1da: {  	v2 =	vld.idx.msk [tilespmem:v2+s1+$0x0], vm7  }
0x1db: {  	s21 =	simm.s32 $0x70;
	v3 =	vld.idx.msk [tilespmem:v3+s1+$0x0], vm6  }
0x1dc: {  	v11 =	vor.u32 s21, v0;
	v7 =	vadd.s32 $0xFFFFB1E0, v7;
	v4 =	vld.idx.msk [tilespmem:v4+s1+$0x0], vm5  }
0x1dd: {  	v9 =	vadd.s32 $0xFFFFB1E0, v9;
	vm1 =	vlt.u32 v7, $0x4E20;
	v5 =	vld.idx.msk [tilespmem:v5+s1+$0x0], vm4  }
0x1de: {  	vm3 =	vlt.u32 v9, $0x4E20;
	v12 =	vld.idx.msk [tilespmem:v6+s1+$0x0], vm0  }
0x1df: {  	v6 =	vld.idx.msk [tilespmem:v8+s1+$0x0], vm2;
	v2 =	vmul.f32 v10, v2  }
0x1e0: {  	v8 =	vld [tilespmem:s20+$0xFFFFFFD0]  }
0x1e1: {  	s25 =	simm.s32 $0x10;
	[tilespmem:v11+s11+$0x0] =	vst.idx.add.f32.msk vm7, v2  }
0x1e2: {  	s29 =	simm.s32 $0x20;
	v15 =	vor.u32 s25, v0;
	v2 =	vld [tilespmem:s20+$0xFFFFFFC0]  }
0x1e3: {  	s24 =	simm.s32 $0x0;
	v17 =	vor.u32 s29, v0;
	v13 =	vld.idx.msk [tilespmem:v7+s1+$0x0], vm1  }
0x1e4: {  	v7 =	vld.idx.msk [tilespmem:v9+s1+$0x0], vm3;
	v9 =	vor.u32 s24, v0  }
0x1e5: {  	v8 =	vmul.f32 v8, v4;
	v11 =	vld [tilespmem:s20+$0x10]  }
0x1e6: {  	v10 =	vld [tilespmem:s20+$0x20];
	v14 =	vmul.f32 v14, v5  }
0x1e7: {  	s31 =	simm.s32 $0x40;
	s28 =	simm.s32 $0x50;
	[tilespmem:v15+s11+$0x0] =	vst.idx.add.f32.msk vm5, v8;
	v2 =	vmul.f32 v2, v3  }
0x1e8: {  	s30 =	simm.s32 $0x30;
	s29 =	simm.s32 $0x60;
	v5 =	vor.u32 s31, v0;
	v4 =	vor.u32 s28, v0;
	[tilespmem:v17+s11+$0x0] =	vst.idx.add.f32.msk vm4, v14;
	v8 =	vmul.f32 v18, v13  }
0x1e9: {  	s25 =	simm.s32 $0x15D00;
	s24 =	simm.s32 $0x0;
	v3 =	vor.u32 s30, v0;
	[tilespmem:v9+s11+$0x0] =	vst.idx.add.f32.msk vm6, v2;
	v2 =	vor.u32 s29, v0;
	v9 =	vmul.f32 v16, v12  }
.LBB2_16:
0x1ea: {  	v12 =	vld [tilespmem:s25+$0x30];
	s24 =	sadd.s32 $0x8, s24;
	v6 =	vmul.f32 v11, v6  }
0x1eb: {  	v11 =	vld [tilespmem:s25+$0xFFFFFFC0];
	p0 =	slt.u32 s24, $0x3F8;
	v7 =	vmul.f32 v10, v7  }
0x1ec: {  	v10 =	vld [tilespmem:s25+$0xFFFFFFD0]  }
0x1ed: {  	v13 =	vld [tilespmem:s25+$0xFFFFFFE0]  }
0x1ee: {  	v14 =	vld [tilespmem:s25+$0xFFFFFFF0]  }
0x1ef: {  	v15 =	vld [tilespmem:s25+$0x0];
	v12 =	vadd.s32 $0xFFFFB1E0, v12  }
0x1f0: {  	v11 =	vadd.s32 $0xFFFFB1E0, v11;
	v16 =	vld [tilespmem:s25+$0x10];
	vm7 =	vlt.u32 v12, $0x4E20  }
0x1f1: {  	vm4 =	vlt.u32 v11, $0x4E20;
	v10 =	vadd.s32 $0xFFFFB1E0, v10;
	v17 =	vld [tilespmem:s25+$0x20]  }
0x1f2: {  	vm5 =	vlt.u32 v10, $0x4E20;
	v13 =	vadd.s32 $0xFFFFB1E0, v13;
	[tilespmem:v3+s11+$0x0] =	vst.idx.add.f32.msk vm0, v9  }
0x1f3: {  	vm6 =	vlt.u32 v13, $0x4E20;
	v9 =	vadd.s32 $0xFFFFB1E0, v14;
	[tilespmem:v5+s11+$0x0] =	vst.idx.add.f32.msk vm1, v8  }
0x1f4: {  	vm0 =	vlt.u32 v9, $0x4E20;
	v8 =	vadd.s32 $0xFFFFB1E0, v15;
	[tilespmem:v4+s11+$0x0] =	vst.idx.add.f32.msk vm2, v6  }
0x1f5: {  	vm1 =	vlt.u32 v8, $0x4E20;
	v6 =	vadd.s32 $0xFFFFB1E0, v16;
	[tilespmem:v2+s11+$0x0] =	vst.idx.add.f32.msk vm3, v7  }
0x1f6: {  	s20 =	sadd.s32 $0x80, s20;
	vm2 =	vlt.u32 v6, $0x4E20;
	v7 =	vadd.s32 $0xFFFFB1E0, v17;
	v12 =	vld.idx.msk [tilespmem:v12+s1+$0x0], vm7  }
0x1f7: {  	vm3 =	vlt.u32 v7, $0x4E20;
	v14 =	vld [tilespmem:s20+$0x30]  }
0x1f8: {  	s21 =	sadd.s32 $0x80, s21;
	v11 =	vld.idx.msk [tilespmem:v11+s1+$0x0], vm4  }
0x1f9: {  	s28 =	sadd.s32 $0xFFFFFFA0, s21;
	s29 =	sadd.s32 $0xFFFFFFB0, s21;
	s30 =	sadd.s32 $0xFFFFFFC0, s21;
	v15 =	vor.u32 s21, v0;
	v10 =	vld.idx.msk [tilespmem:v10+s1+$0x0], vm5  }
0x1fa: {  	v3 =	vor.u32 s30, v0;
	s30 =	sadd.s32 $0xFFFFFFF0, s21;
	v16 =	vor.u32 s28, v0;
	s28 =	sadd.s32 $0xFFFFFFD0, s21;
	v17 =	vor.u32 s29, v0;
	s29 =	sadd.s32 $0xFFFFFFE0, s21;
	v13 =	vld.idx.msk [tilespmem:v13+s1+$0x0], vm6  }
0x1fb: {  	s31 =	sadd.s32 $0xFFFFFF90, s21;
	v2 =	vor.u32 s30, v0;
	v5 =	vor.u32 s28, v0;
	v4 =	vor.u32 s29, v0;
	v9 =	vld.idx.msk [tilespmem:v9+s1+$0x0], vm0  }
0x1fc: {  	v18 =	vor.u32 s31, v0;
	v8 =	vld.idx.msk [tilespmem:v8+s1+$0x0], vm1;
	v12 =	vmul.f32 v14, v12  }
0x1fd: {  	v6 =	vld.idx.msk [tilespmem:v6+s1+$0x0], vm2  }
0x1fe: {  	[tilespmem:v15+s11+$0x0] =	vst.idx.add.f32.msk vm7, v12  }
0x1ff: {  	v7 =	vld.idx.msk [tilespmem:v7+s1+$0x0], vm3  }
0x200: {  	v12 =	vld [tilespmem:s20+$0xFFFFFFC0]  }
0x201: {  	v14 =	vld [tilespmem:s20+$0xFFFFFFD0]  }
0x202: {  	v15 =	vld [tilespmem:s20+$0xFFFFFFE0]  }
0x203: {  	v19 =	vld [tilespmem:s20+$0xFFFFFFF0]  }
0x204: {  	v20 =	vld [tilespmem:s20+$0x0]  }
.Ltmp7:
0x205: {  	v12 =	vmul.f32 v12, v11;
	v11 =	vld [tilespmem:s20+$0x10];
	(pc) =	sbr.rel @p0 .LBB2_16-.Ltmp7, $4  }
0x206: {  	v14 =	vmul.f32 v14, v10;
	v10 =	vld [tilespmem:s20+$0x20]  }
0x207: {  	[tilespmem:v18+s11+$0x0] =	vst.idx.add.f32.msk vm4, v12;
	v12 =	vmul.f32 v15, v13  }
0x208: {  	[tilespmem:v16+s11+$0x0] =	vst.idx.add.f32.msk vm5, v14;
	v9 =	vmul.f32 v19, v9  }
0x209: {  	s25 =	sadd.s32 $0x80, s25;
	[tilespmem:v17+s11+$0x0] =	vst.idx.add.f32.msk vm6, v12;
	v8 =	vmul.f32 v20, v8  }
0x20a: {  	_ =	sdelay $0x4  }
0x20b: {  	v6 =	vmul.f32 v11, v6;
	[tilespmem:v3+s11+$0x0] =	vst.idx.add.f32.msk vm0, v9  }
0x20c: {  	v3 =	vmul.f32 v10, v7;
	[tilespmem:v5+s11+$0x0] =	vst.idx.add.f32.msk vm1, v8  }
0x20d: {  	[tilespmem:v4+s11+$0x0] =	vst.idx.add.f32.msk vm2, v6  }
0x20e: {  	[tilespmem:v2+s11+$0x0] =	vst.idx.add.f32.msk vm3, v3  }
0x20f: {  	_ =	swait.ge [sflag:s16], $0x4E20  }
0x210: {  	[sflag:s16] =	ssyncset.done $0x0  }
0x211: {  	s28 =	simm.s32 $0x15C80;
	s20 =	rddreg [dreg:$0xd];
	[sflag:s16] =	ssyncadd.s32 $0xFFFFB1E0  }
0x212: {  	[tilespmem:s1], [sflag:$0x1] =	stream.linear.gather [hbm4b:s20+s1], $0x4E20, $0x38;
	[tilespmem:$0x1DC40] =	vst v63  }
0x213: {  	v2 =	vld [tilespmem:s28+$0x30]  }
0x214: {  	v3 =	vld [tilespmem:s28+$0xFFFFFFC0]  }
0x215: {  	v4 =	vld [tilespmem:s28+$0xFFFFFFD0]  }
0x216: {  	v5 =	vld [tilespmem:s28+$0xFFFFFFE0]  }
0x217: {  	v6 =	vld [tilespmem:s28+$0xFFFFFFF0]  }
0x218: {  	v8 =	vld [tilespmem:s28+$0x10];
	v2 =	vadd.s32 $0xFFFF63C0, v2  }
0x219: {  	v7 =	vld [tilespmem:s28+$0x0];
	v3 =	vadd.s32 $0xFFFF63C0, v3;
	vm7 =	vlt.u32 v2, $0x4E20  }
0x21a: {  	s20 =	simm.s32 $0x9C80;
	v9 =	vld [tilespmem:s28+$0x20];
	v4 =	vadd.s32 $0xFFFF63C0, v4;
	vm6 =	vlt.u32 v3, $0x4E20  }
0x21b: {  	v10 =	vld [tilespmem:s20+$0x30];
	v5 =	vadd.s32 $0xFFFF63C0, v5;
	vm5 =	vlt.u32 v4, $0x4E20  }
0x21c: {  	v14 =	vld [tilespmem:s20+$0xFFFFFFE0];
	v6 =	vadd.s32 $0xFFFF63C0, v6;
	vm4 =	vlt.u32 v5, $0x4E20  }
0x21d: {  	v16 =	vld [tilespmem:s20+$0xFFFFFFF0];
	v8 =	vadd.s32 $0xFFFF63C0, v8;
	vm0 =	vlt.u32 v6, $0x4E20  }
0x21e: {  	v18 =	vld [tilespmem:s20+$0x0];
	vm2 =	vlt.u32 v8, $0x4E20  }
0x21f: {  	v2 =	vld.idx.msk [tilespmem:v2+s14+$0x0], vm7  }
0x220: {  	s21 =	simm.s32 $0x70;
	v3 =	vld.idx.msk [tilespmem:v3+s14+$0x0], vm6  }
0x221: {  	v11 =	vor.u32 s21, v0;
	v7 =	vadd.s32 $0xFFFF63C0, v7;
	v4 =	vld.idx.msk [tilespmem:v4+s14+$0x0], vm5  }
0x222: {  	v9 =	vadd.s32 $0xFFFF63C0, v9;
	vm1 =	vlt.u32 v7, $0x4E20;
	v5 =	vld.idx.msk [tilespmem:v5+s14+$0x0], vm4  }
0x223: {  	vm3 =	vlt.u32 v9, $0x4E20;
	v12 =	vld.idx.msk [tilespmem:v6+s14+$0x0], vm0  }
0x224: {  	v6 =	vld.idx.msk [tilespmem:v8+s14+$0x0], vm2;
	v2 =	vmul.f32 v10, v2  }
0x225: {  	v8 =	vld [tilespmem:s20+$0xFFFFFFD0]  }
0x226: {  	s25 =	simm.s32 $0x10;
	[tilespmem:v11+s11+$0x0] =	vst.idx.add.f32.msk vm7, v2  }
0x227: {  	s29 =	simm.s32 $0x20;
	v15 =	vor.u32 s25, v0;
	v2 =	vld [tilespmem:s20+$0xFFFFFFC0]  }
0x228: {  	s24 =	simm.s32 $0x0;
	v17 =	vor.u32 s29, v0;
	v13 =	vld.idx.msk [tilespmem:v7+s14+$0x0], vm1  }
0x229: {  	v7 =	vld.idx.msk [tilespmem:v9+s14+$0x0], vm3;
	v9 =	vor.u32 s24, v0  }
0x22a: {  	v8 =	vmul.f32 v8, v4;
	v11 =	vld [tilespmem:s20+$0x10]  }
0x22b: {  	v10 =	vld [tilespmem:s20+$0x20];
	v14 =	vmul.f32 v14, v5  }
0x22c: {  	s31 =	simm.s32 $0x40;
	s28 =	simm.s32 $0x50;
	[tilespmem:v15+s11+$0x0] =	vst.idx.add.f32.msk vm5, v8;
	v2 =	vmul.f32 v2, v3  }
0x22d: {  	s30 =	simm.s32 $0x30;
	s29 =	simm.s32 $0x60;
	v5 =	vor.u32 s31, v0;
	v4 =	vor.u32 s28, v0;
	[tilespmem:v17+s11+$0x0] =	vst.idx.add.f32.msk vm4, v14;
	v8 =	vmul.f32 v18, v13  }
0x22e: {  	s25 =	simm.s32 $0x15D00;
	s24 =	simm.s32 $0x0;
	v3 =	vor.u32 s30, v0;
	[tilespmem:v9+s11+$0x0] =	vst.idx.add.f32.msk vm6, v2;
	v2 =	vor.u32 s29, v0;
	v9 =	vmul.f32 v16, v12  }
.LBB2_18:
0x22f: {  	v12 =	vld [tilespmem:s25+$0x30];
	s24 =	sadd.s32 $0x8, s24;
	v6 =	vmul.f32 v11, v6  }
0x230: {  	v11 =	vld [tilespmem:s25+$0xFFFFFFC0];
	p0 =	slt.u32 s24, $0x3F8;
	v7 =	vmul.f32 v10, v7  }
0x231: {  	v10 =	vld [tilespmem:s25+$0xFFFFFFD0]  }
0x232: {  	v13 =	vld [tilespmem:s25+$0xFFFFFFE0]  }
0x233: {  	v14 =	vld [tilespmem:s25+$0xFFFFFFF0]  }
0x234: {  	v15 =	vld [tilespmem:s25+$0x0];
	v12 =	vadd.s32 $0xFFFF63C0, v12  }
0x235: {  	v11 =	vadd.s32 $0xFFFF63C0, v11;
	v16 =	vld [tilespmem:s25+$0x10];
	vm7 =	vlt.u32 v12, $0x4E20  }
0x236: {  	vm4 =	vlt.u32 v11, $0x4E20;
	v10 =	vadd.s32 $0xFFFF63C0, v10;
	v17 =	vld [tilespmem:s25+$0x20]  }
0x237: {  	vm5 =	vlt.u32 v10, $0x4E20;
	v13 =	vadd.s32 $0xFFFF63C0, v13;
	[tilespmem:v3+s11+$0x0] =	vst.idx.add.f32.msk vm0, v9  }
0x238: {  	vm6 =	vlt.u32 v13, $0x4E20;
	v9 =	vadd.s32 $0xFFFF63C0, v14;
	[tilespmem:v5+s11+$0x0] =	vst.idx.add.f32.msk vm1, v8  }
0x239: {  	vm0 =	vlt.u32 v9, $0x4E20;
	v8 =	vadd.s32 $0xFFFF63C0, v15;
	[tilespmem:v4+s11+$0x0] =	vst.idx.add.f32.msk vm2, v6  }
0x23a: {  	vm1 =	vlt.u32 v8, $0x4E20;
	v6 =	vadd.s32 $0xFFFF63C0, v16;
	[tilespmem:v2+s11+$0x0] =	vst.idx.add.f32.msk vm3, v7  }
0x23b: {  	s20 =	sadd.s32 $0x80, s20;
	vm2 =	vlt.u32 v6, $0x4E20;
	v7 =	vadd.s32 $0xFFFF63C0, v17;
	v12 =	vld.idx.msk [tilespmem:v12+s14+$0x0], vm7  }
0x23c: {  	vm3 =	vlt.u32 v7, $0x4E20;
	v14 =	vld [tilespmem:s20+$0x30]  }
0x23d: {  	s21 =	sadd.s32 $0x80, s21;
	v11 =	vld.idx.msk [tilespmem:v11+s14+$0x0], vm4  }
0x23e: {  	s28 =	sadd.s32 $0xFFFFFFA0, s21;
	s29 =	sadd.s32 $0xFFFFFFB0, s21;
	s30 =	sadd.s32 $0xFFFFFFC0, s21;
	v15 =	vor.u32 s21, v0;
	v10 =	vld.idx.msk [tilespmem:v10+s14+$0x0], vm5  }
0x23f: {  	v3 =	vor.u32 s30, v0;
	s30 =	sadd.s32 $0xFFFFFFF0, s21;
	v16 =	vor.u32 s28, v0;
	s28 =	sadd.s32 $0xFFFFFFD0, s21;
	v17 =	vor.u32 s29, v0;
	s29 =	sadd.s32 $0xFFFFFFE0, s21;
	v13 =	vld.idx.msk [tilespmem:v13+s14+$0x0], vm6  }
0x240: {  	s31 =	sadd.s32 $0xFFFFFF90, s21;
	v2 =	vor.u32 s30, v0;
	v5 =	vor.u32 s28, v0;
	v4 =	vor.u32 s29, v0;
	v9 =	vld.idx.msk [tilespmem:v9+s14+$0x0], vm0  }
0x241: {  	v18 =	vor.u32 s31, v0;
	v8 =	vld.idx.msk [tilespmem:v8+s14+$0x0], vm1;
	v12 =	vmul.f32 v14, v12  }
0x242: {  	v6 =	vld.idx.msk [tilespmem:v6+s14+$0x0], vm2  }
0x243: {  	[tilespmem:v15+s11+$0x0] =	vst.idx.add.f32.msk vm7, v12  }
0x244: {  	v7 =	vld.idx.msk [tilespmem:v7+s14+$0x0], vm3  }
0x245: {  	v12 =	vld [tilespmem:s20+$0xFFFFFFC0]  }
0x246: {  	v14 =	vld [tilespmem:s20+$0xFFFFFFD0]  }
0x247: {  	v15 =	vld [tilespmem:s20+$0xFFFFFFE0]  }
0x248: {  	v19 =	vld [tilespmem:s20+$0xFFFFFFF0]  }
0x249: {  	v20 =	vld [tilespmem:s20+$0x0]  }
.Ltmp8:
0x24a: {  	v12 =	vmul.f32 v12, v11;
	v11 =	vld [tilespmem:s20+$0x10];
	(pc) =	sbr.rel @p0 .LBB2_18-.Ltmp8, $4  }
0x24b: {  	v14 =	vmul.f32 v14, v10;
	v10 =	vld [tilespmem:s20+$0x20]  }
0x24c: {  	[tilespmem:v18+s11+$0x0] =	vst.idx.add.f32.msk vm4, v12;
	v12 =	vmul.f32 v15, v13  }
0x24d: {  	[tilespmem:v16+s11+$0x0] =	vst.idx.add.f32.msk vm5, v14;
	v9 =	vmul.f32 v19, v9  }
0x24e: {  	s25 =	sadd.s32 $0x80, s25;
	[tilespmem:v17+s11+$0x0] =	vst.idx.add.f32.msk vm6, v12;
	v8 =	vmul.f32 v20, v8  }
0x24f: {  	_ =	sdelay $0x4  }
0x250: {  	v6 =	vmul.f32 v11, v6;
	[tilespmem:v3+s11+$0x0] =	vst.idx.add.f32.msk vm0, v9  }
0x251: {  	v3 =	vmul.f32 v10, v7;
	[tilespmem:v5+s11+$0x0] =	vst.idx.add.f32.msk vm1, v8  }
0x252: {  	[tilespmem:v4+s11+$0x0] =	vst.idx.add.f32.msk vm2, v6  }
0x253: {  	[tilespmem:v2+s11+$0x0] =	vst.idx.add.f32.msk vm3, v3  }
0x254: {  	_ =	swait.ge [sflag:s13], $0x4E20  }
0x255: {  	[sflag:s13] =	ssyncset.done $0x0  }
0x256: {  	s28 =	simm.s32 $0x15C80;
	s20 =	rddreg [dreg:$0xe];
	[sflag:s13] =	ssyncadd.s32 $0xFFFFB1E0  }
0x257: {  	[tilespmem:s14], [sflag:$0x2] =	stream.linear.gather [hbm4b:s20+s1], $0x4E20, $0x38;
	[tilespmem:$0x1DC40] =	vst v63  }
0x258: {  	v2 =	vld [tilespmem:s28+$0x30]  }
0x259: {  	v3 =	vld [tilespmem:s28+$0xFFFFFFC0]  }
0x25a: {  	v4 =	vld [tilespmem:s28+$0xFFFFFFD0]  }
0x25b: {  	v5 =	vld [tilespmem:s28+$0xFFFFFFE0]  }
0x25c: {  	v6 =	vld [tilespmem:s28+$0xFFFFFFF0]  }
0x25d: {  	v8 =	vld [tilespmem:s28+$0x10];
	v2 =	vadd.s32 $0xFFFF15A0, v2  }
0x25e: {  	v7 =	vld [tilespmem:s28+$0x0];
	v3 =	vadd.s32 $0xFFFF15A0, v3;
	vm7 =	vlt.u32 v2, $0x4E20  }
0x25f: {  	s20 =	simm.s32 $0x9C80;
	v9 =	vld [tilespmem:s28+$0x20];
	v4 =	vadd.s32 $0xFFFF15A0, v4;
	vm6 =	vlt.u32 v3, $0x4E20  }
0x260: {  	v10 =	vld [tilespmem:s20+$0x30];
	v5 =	vadd.s32 $0xFFFF15A0, v5;
	vm5 =	vlt.u32 v4, $0x4E20  }
0x261: {  	v14 =	vld [tilespmem:s20+$0xFFFFFFE0];
	v6 =	vadd.s32 $0xFFFF15A0, v6;
	vm4 =	vlt.u32 v5, $0x4E20  }
0x262: {  	v16 =	vld [tilespmem:s20+$0xFFFFFFF0];
	v8 =	vadd.s32 $0xFFFF15A0, v8;
	vm0 =	vlt.u32 v6, $0x4E20  }
0x263: {  	v18 =	vld [tilespmem:s20+$0x0];
	vm2 =	vlt.u32 v8, $0x4E20  }
0x264: {  	v2 =	vld.idx.msk [tilespmem:v2+s1+$0x0], vm7  }
0x265: {  	s21 =	simm.s32 $0x70;
	v3 =	vld.idx.msk [tilespmem:v3+s1+$0x0], vm6  }
0x266: {  	v11 =	vor.u32 s21, v0;
	v7 =	vadd.s32 $0xFFFF15A0, v7;
	v4 =	vld.idx.msk [tilespmem:v4+s1+$0x0], vm5  }
0x267: {  	v9 =	vadd.s32 $0xFFFF15A0, v9;
	vm1 =	vlt.u32 v7, $0x4E20;
	v5 =	vld.idx.msk [tilespmem:v5+s1+$0x0], vm4  }
0x268: {  	vm3 =	vlt.u32 v9, $0x4E20;
	v12 =	vld.idx.msk [tilespmem:v6+s1+$0x0], vm0  }
0x269: {  	v6 =	vld.idx.msk [tilespmem:v8+s1+$0x0], vm2;
	v2 =	vmul.f32 v10, v2  }
0x26a: {  	v8 =	vld [tilespmem:s20+$0xFFFFFFD0]  }
0x26b: {  	s25 =	simm.s32 $0x10;
	[tilespmem:v11+s11+$0x0] =	vst.idx.add.f32.msk vm7, v2  }
0x26c: {  	s29 =	simm.s32 $0x20;
	v15 =	vor.u32 s25, v0;
	v2 =	vld [tilespmem:s20+$0xFFFFFFC0]  }
0x26d: {  	s24 =	simm.s32 $0x0;
	v17 =	vor.u32 s29, v0;
	v13 =	vld.idx.msk [tilespmem:v7+s1+$0x0], vm1  }
0x26e: {  	v7 =	vld.idx.msk [tilespmem:v9+s1+$0x0], vm3;
	v9 =	vor.u32 s24, v0  }
0x26f: {  	v8 =	vmul.f32 v8, v4;
	v11 =	vld [tilespmem:s20+$0x10]  }
0x270: {  	v10 =	vld [tilespmem:s20+$0x20];
	v14 =	vmul.f32 v14, v5  }
0x271: {  	s31 =	simm.s32 $0x40;
	s28 =	simm.s32 $0x50;
	[tilespmem:v15+s11+$0x0] =	vst.idx.add.f32.msk vm5, v8;
	v2 =	vmul.f32 v2, v3  }
0x272: {  	s30 =	simm.s32 $0x30;
	s29 =	simm.s32 $0x60;
	v5 =	vor.u32 s31, v0;
	v4 =	vor.u32 s28, v0;
	[tilespmem:v17+s11+$0x0] =	vst.idx.add.f32.msk vm4, v14;
	v8 =	vmul.f32 v18, v13  }
0x273: {  	s25 =	simm.s32 $0x15D00;
	s24 =	simm.s32 $0x0;
	v3 =	vor.u32 s30, v0;
	[tilespmem:v9+s11+$0x0] =	vst.idx.add.f32.msk vm6, v2;
	v2 =	vor.u32 s29, v0;
	v9 =	vmul.f32 v16, v12  }
.LBB2_20:
0x274: {  	v12 =	vld [tilespmem:s25+$0x30];
	s24 =	sadd.s32 $0x8, s24;
	v6 =	vmul.f32 v11, v6  }
0x275: {  	v11 =	vld [tilespmem:s25+$0xFFFFFFC0];
	p0 =	slt.u32 s24, $0x3F8;
	v7 =	vmul.f32 v10, v7  }
0x276: {  	v10 =	vld [tilespmem:s25+$0xFFFFFFD0]  }
0x277: {  	v13 =	vld [tilespmem:s25+$0xFFFFFFE0]  }
0x278: {  	v14 =	vld [tilespmem:s25+$0xFFFFFFF0]  }
0x279: {  	v15 =	vld [tilespmem:s25+$0x0];
	v12 =	vadd.s32 $0xFFFF15A0, v12  }
0x27a: {  	v11 =	vadd.s32 $0xFFFF15A0, v11;
	v16 =	vld [tilespmem:s25+$0x10];
	vm7 =	vlt.u32 v12, $0x4E20  }
0x27b: {  	vm4 =	vlt.u32 v11, $0x4E20;
	v10 =	vadd.s32 $0xFFFF15A0, v10;
	v17 =	vld [tilespmem:s25+$0x20]  }
0x27c: {  	vm5 =	vlt.u32 v10, $0x4E20;
	v13 =	vadd.s32 $0xFFFF15A0, v13;
	[tilespmem:v3+s11+$0x0] =	vst.idx.add.f32.msk vm0, v9  }
0x27d: {  	vm6 =	vlt.u32 v13, $0x4E20;
	v9 =	vadd.s32 $0xFFFF15A0, v14;
	[tilespmem:v5+s11+$0x0] =	vst.idx.add.f32.msk vm1, v8  }
0x27e: {  	vm0 =	vlt.u32 v9, $0x4E20;
	v8 =	vadd.s32 $0xFFFF15A0, v15;
	[tilespmem:v4+s11+$0x0] =	vst.idx.add.f32.msk vm2, v6  }
0x27f: {  	vm1 =	vlt.u32 v8, $0x4E20;
	v6 =	vadd.s32 $0xFFFF15A0, v16;
	[tilespmem:v2+s11+$0x0] =	vst.idx.add.f32.msk vm3, v7  }
0x280: {  	s20 =	sadd.s32 $0x80, s20;
	vm2 =	vlt.u32 v6, $0x4E20;
	v7 =	vadd.s32 $0xFFFF15A0, v17;
	v12 =	vld.idx.msk [tilespmem:v12+s1+$0x0], vm7  }
0x281: {  	vm3 =	vlt.u32 v7, $0x4E20;
	v14 =	vld [tilespmem:s20+$0x30]  }
0x282: {  	s21 =	sadd.s32 $0x80, s21;
	v11 =	vld.idx.msk [tilespmem:v11+s1+$0x0], vm4  }
0x283: {  	s28 =	sadd.s32 $0xFFFFFFA0, s21;
	s29 =	sadd.s32 $0xFFFFFFB0, s21;
	s30 =	sadd.s32 $0xFFFFFFC0, s21;
	v15 =	vor.u32 s21, v0;
	v10 =	vld.idx.msk [tilespmem:v10+s1+$0x0], vm5  }
0x284: {  	v3 =	vor.u32 s30, v0;
	s30 =	sadd.s32 $0xFFFFFFF0, s21;
	v16 =	vor.u32 s28, v0;
	s28 =	sadd.s32 $0xFFFFFFD0, s21;
	v17 =	vor.u32 s29, v0;
	s29 =	sadd.s32 $0xFFFFFFE0, s21;
	v13 =	vld.idx.msk [tilespmem:v13+s1+$0x0], vm6  }
0x285: {  	s31 =	sadd.s32 $0xFFFFFF90, s21;
	v2 =	vor.u32 s30, v0;
	v5 =	vor.u32 s28, v0;
	v4 =	vor.u32 s29, v0;
	v9 =	vld.idx.msk [tilespmem:v9+s1+$0x0], vm0  }
0x286: {  	v18 =	vor.u32 s31, v0;
	v8 =	vld.idx.msk [tilespmem:v8+s1+$0x0], vm1;
	v12 =	vmul.f32 v14, v12  }
0x287: {  	v6 =	vld.idx.msk [tilespmem:v6+s1+$0x0], vm2  }
0x288: {  	[tilespmem:v15+s11+$0x0] =	vst.idx.add.f32.msk vm7, v12  }
0x289: {  	v7 =	vld.idx.msk [tilespmem:v7+s1+$0x0], vm3  }
0x28a: {  	v12 =	vld [tilespmem:s20+$0xFFFFFFC0]  }
0x28b: {  	v14 =	vld [tilespmem:s20+$0xFFFFFFD0]  }
0x28c: {  	v15 =	vld [tilespmem:s20+$0xFFFFFFE0]  }
0x28d: {  	v19 =	vld [tilespmem:s20+$0xFFFFFFF0]  }
0x28e: {  	v20 =	vld [tilespmem:s20+$0x0]  }
.Ltmp9:
0x28f: {  	v12 =	vmul.f32 v12, v11;
	v11 =	vld [tilespmem:s20+$0x10];
	(pc) =	sbr.rel @p0 .LBB2_20-.Ltmp9, $4  }
0x290: {  	v14 =	vmul.f32 v14, v10;
	v10 =	vld [tilespmem:s20+$0x20]  }
0x291: {  	[tilespmem:v18+s11+$0x0] =	vst.idx.add.f32.msk vm4, v12;
	v12 =	vmul.f32 v15, v13  }
0x292: {  	[tilespmem:v16+s11+$0x0] =	vst.idx.add.f32.msk vm5, v14;
	v9 =	vmul.f32 v19, v9  }
0x293: {  	s25 =	sadd.s32 $0x80, s25;
	[tilespmem:v17+s11+$0x0] =	vst.idx.add.f32.msk vm6, v12;
	v8 =	vmul.f32 v20, v8  }
0x294: {  	_ =	sdelay $0x4  }
0x295: {  	v6 =	vmul.f32 v11, v6;
	[tilespmem:v3+s11+$0x0] =	vst.idx.add.f32.msk vm0, v9  }
0x296: {  	v3 =	vmul.f32 v10, v7;
	[tilespmem:v5+s11+$0x0] =	vst.idx.add.f32.msk vm1, v8  }
0x297: {  	[tilespmem:v4+s11+$0x0] =	vst.idx.add.f32.msk vm2, v6  }
0x298: {  	[tilespmem:v2+s11+$0x0] =	vst.idx.add.f32.msk vm3, v3  }
0x299: {  	_ =	swait.ge [sflag:s16], $0x4E20  }
0x29a: {  	[sflag:s16] =	ssyncset.done $0x0  }
0x29b: {  	s28 =	simm.s32 $0x15C80;
	s20 =	rddreg [dreg:$0xf];
	[sflag:s16] =	ssyncadd.s32 $0xFFFFB1E0  }
0x29c: {  	[tilespmem:s1], [sflag:$0x1] =	stream.linear.gather [hbm4b:s20+s1], $0x4E20, $0x38;
	[tilespmem:$0x1DC40] =	vst v63  }
0x29d: {  	v2 =	vld [tilespmem:s28+$0x30]  }
0x29e: {  	v3 =	vld [tilespmem:s28+$0xFFFFFFC0]  }
0x29f: {  	v4 =	vld [tilespmem:s28+$0xFFFFFFD0]  }
0x2a0: {  	v5 =	vld [tilespmem:s28+$0xFFFFFFE0]  }
0x2a1: {  	v6 =	vld [tilespmem:s28+$0xFFFFFFF0]  }
0x2a2: {  	v8 =	vld [tilespmem:s28+$0x10];
	v2 =	vadd.s32 $0xFFFEC780, v2  }
0x2a3: {  	v7 =	vld [tilespmem:s28+$0x0];
	v3 =	vadd.s32 $0xFFFEC780, v3;
	vm7 =	vlt.u32 v2, $0x4E20  }
0x2a4: {  	s20 =	simm.s32 $0x9C80;
	v9 =	vld [tilespmem:s28+$0x20];
	v4 =	vadd.s32 $0xFFFEC780, v4;
	vm6 =	vlt.u32 v3, $0x4E20  }
0x2a5: {  	v10 =	vld [tilespmem:s20+$0x30];
	v5 =	vadd.s32 $0xFFFEC780, v5;
	vm5 =	vlt.u32 v4, $0x4E20  }
0x2a6: {  	v14 =	vld [tilespmem:s20+$0xFFFFFFE0];
	v6 =	vadd.s32 $0xFFFEC780, v6;
	vm4 =	vlt.u32 v5, $0x4E20  }
0x2a7: {  	v16 =	vld [tilespmem:s20+$0xFFFFFFF0];
	v8 =	vadd.s32 $0xFFFEC780, v8;
	vm0 =	vlt.u32 v6, $0x4E20  }
0x2a8: {  	v18 =	vld [tilespmem:s20+$0x0];
	vm2 =	vlt.u32 v8, $0x4E20  }
0x2a9: {  	v2 =	vld.idx.msk [tilespmem:v2+s14+$0x0], vm7  }
0x2aa: {  	s21 =	simm.s32 $0x70;
	v3 =	vld.idx.msk [tilespmem:v3+s14+$0x0], vm6  }
0x2ab: {  	v11 =	vor.u32 s21, v0;
	v7 =	vadd.s32 $0xFFFEC780, v7;
	v4 =	vld.idx.msk [tilespmem:v4+s14+$0x0], vm5  }
0x2ac: {  	v9 =	vadd.s32 $0xFFFEC780, v9;
	vm1 =	vlt.u32 v7, $0x4E20;
	v5 =	vld.idx.msk [tilespmem:v5+s14+$0x0], vm4  }
0x2ad: {  	vm3 =	vlt.u32 v9, $0x4E20;
	v12 =	vld.idx.msk [tilespmem:v6+s14+$0x0], vm0  }
0x2ae: {  	v6 =	vld.idx.msk [tilespmem:v8+s14+$0x0], vm2;
	v2 =	vmul.f32 v10, v2  }
0x2af: {  	v8 =	vld [tilespmem:s20+$0xFFFFFFD0]  }
0x2b0: {  	s25 =	simm.s32 $0x10;
	[tilespmem:v11+s11+$0x0] =	vst.idx.add.f32.msk vm7, v2  }
0x2b1: {  	s29 =	simm.s32 $0x20;
	v15 =	vor.u32 s25, v0;
	v2 =	vld [tilespmem:s20+$0xFFFFFFC0]  }
0x2b2: {  	s24 =	simm.s32 $0x0;
	v17 =	vor.u32 s29, v0;
	v13 =	vld.idx.msk [tilespmem:v7+s14+$0x0], vm1  }
0x2b3: {  	v7 =	vld.idx.msk [tilespmem:v9+s14+$0x0], vm3;
	v9 =	vor.u32 s24, v0  }
0x2b4: {  	v8 =	vmul.f32 v8, v4;
	v11 =	vld [tilespmem:s20+$0x10]  }
0x2b5: {  	v10 =	vld [tilespmem:s20+$0x20];
	v14 =	vmul.f32 v14, v5  }
0x2b6: {  	s31 =	simm.s32 $0x40;
	s28 =	simm.s32 $0x50;
	[tilespmem:v15+s11+$0x0] =	vst.idx.add.f32.msk vm5, v8;
	v2 =	vmul.f32 v2, v3  }
0x2b7: {  	s30 =	simm.s32 $0x30;
	s29 =	simm.s32 $0x60;
	v5 =	vor.u32 s31, v0;
	v4 =	vor.u32 s28, v0;
	[tilespmem:v17+s11+$0x0] =	vst.idx.add.f32.msk vm4, v14;
	v8 =	vmul.f32 v18, v13  }
0x2b8: {  	s25 =	simm.s32 $0x15D00;
	s24 =	simm.s32 $0x0;
	v3 =	vor.u32 s30, v0;
	[tilespmem:v9+s11+$0x0] =	vst.idx.add.f32.msk vm6, v2;
	v2 =	vor.u32 s29, v0;
	v9 =	vmul.f32 v16, v12  }
.LBB2_22:
0x2b9: {  	v12 =	vld [tilespmem:s25+$0x30];
	s24 =	sadd.s32 $0x8, s24;
	v6 =	vmul.f32 v11, v6  }
0x2ba: {  	v11 =	vld [tilespmem:s25+$0xFFFFFFC0];
	p0 =	slt.u32 s24, $0x3F8;
	v7 =	vmul.f32 v10, v7  }
0x2bb: {  	v10 =	vld [tilespmem:s25+$0xFFFFFFD0]  }
0x2bc: {  	v13 =	vld [tilespmem:s25+$0xFFFFFFE0]  }
0x2bd: {  	v14 =	vld [tilespmem:s25+$0xFFFFFFF0]  }
0x2be: {  	v15 =	vld [tilespmem:s25+$0x0];
	v12 =	vadd.s32 $0xFFFEC780, v12  }
0x2bf: {  	v11 =	vadd.s32 $0xFFFEC780, v11;
	v16 =	vld [tilespmem:s25+$0x10];
	vm7 =	vlt.u32 v12, $0x4E20  }
0x2c0: {  	vm4 =	vlt.u32 v11, $0x4E20;
	v10 =	vadd.s32 $0xFFFEC780, v10;
	v17 =	vld [tilespmem:s25+$0x20]  }
0x2c1: {  	vm5 =	vlt.u32 v10, $0x4E20;
	v13 =	vadd.s32 $0xFFFEC780, v13;
	[tilespmem:v3+s11+$0x0] =	vst.idx.add.f32.msk vm0, v9  }
0x2c2: {  	vm6 =	vlt.u32 v13, $0x4E20;
	v9 =	vadd.s32 $0xFFFEC780, v14;
	[tilespmem:v5+s11+$0x0] =	vst.idx.add.f32.msk vm1, v8  }
0x2c3: {  	vm0 =	vlt.u32 v9, $0x4E20;
	v8 =	vadd.s32 $0xFFFEC780, v15;
	[tilespmem:v4+s11+$0x0] =	vst.idx.add.f32.msk vm2, v6  }
0x2c4: {  	vm1 =	vlt.u32 v8, $0x4E20;
	v6 =	vadd.s32 $0xFFFEC780, v16;
	[tilespmem:v2+s11+$0x0] =	vst.idx.add.f32.msk vm3, v7  }
0x2c5: {  	s20 =	sadd.s32 $0x80, s20;
	vm2 =	vlt.u32 v6, $0x4E20;
	v7 =	vadd.s32 $0xFFFEC780, v17;
	v12 =	vld.idx.msk [tilespmem:v12+s14+$0x0], vm7  }
0x2c6: {  	vm3 =	vlt.u32 v7, $0x4E20;
	v14 =	vld [tilespmem:s20+$0x30]  }
0x2c7: {  	s21 =	sadd.s32 $0x80, s21;
	v11 =	vld.idx.msk [tilespmem:v11+s14+$0x0], vm4  }
0x2c8: {  	s28 =	sadd.s32 $0xFFFFFFA0, s21;
	s29 =	sadd.s32 $0xFFFFFFB0, s21;
	s30 =	sadd.s32 $0xFFFFFFC0, s21;
	v15 =	vor.u32 s21, v0;
	v10 =	vld.idx.msk [tilespmem:v10+s14+$0x0], vm5  }
0x2c9: {  	v3 =	vor.u32 s30, v0;
	s30 =	sadd.s32 $0xFFFFFFF0, s21;
	v16 =	vor.u32 s28, v0;
	s28 =	sadd.s32 $0xFFFFFFD0, s21;
	v17 =	vor.u32 s29, v0;
	s29 =	sadd.s32 $0xFFFFFFE0, s21;
	v13 =	vld.idx.msk [tilespmem:v13+s14+$0x0], vm6  }
0x2ca: {  	s31 =	sadd.s32 $0xFFFFFF90, s21;
	v2 =	vor.u32 s30, v0;
	v5 =	vor.u32 s28, v0;
	v4 =	vor.u32 s29, v0;
	v9 =	vld.idx.msk [tilespmem:v9+s14+$0x0], vm0  }
0x2cb: {  	v18 =	vor.u32 s31, v0;
	v8 =	vld.idx.msk [tilespmem:v8+s14+$0x0], vm1;
	v12 =	vmul.f32 v14, v12  }
0x2cc: {  	v6 =	vld.idx.msk [tilespmem:v6+s14+$0x0], vm2  }
0x2cd: {  	[tilespmem:v15+s11+$0x0] =	vst.idx.add.f32.msk vm7, v12  }
0x2ce: {  	v7 =	vld.idx.msk [tilespmem:v7+s14+$0x0], vm3  }
0x2cf: {  	v12 =	vld [tilespmem:s20+$0xFFFFFFC0]  }
0x2d0: {  	v14 =	vld [tilespmem:s20+$0xFFFFFFD0]  }
0x2d1: {  	v15 =	vld [tilespmem:s20+$0xFFFFFFE0]  }
0x2d2: {  	v19 =	vld [tilespmem:s20+$0xFFFFFFF0]  }
0x2d3: {  	v20 =	vld [tilespmem:s20+$0x0]  }
.Ltmp10:
0x2d4: {  	v12 =	vmul.f32 v12, v11;
	v11 =	vld [tilespmem:s20+$0x10];
	(pc) =	sbr.rel @p0 .LBB2_22-.Ltmp10, $4  }
0x2d5: {  	v14 =	vmul.f32 v14, v10;
	v10 =	vld [tilespmem:s20+$0x20]  }
0x2d6: {  	[tilespmem:v18+s11+$0x0] =	vst.idx.add.f32.msk vm4, v12;
	v12 =	vmul.f32 v15, v13  }
0x2d7: {  	[tilespmem:v16+s11+$0x0] =	vst.idx.add.f32.msk vm5, v14;
	v9 =	vmul.f32 v19, v9  }
0x2d8: {  	s25 =	sadd.s32 $0x80, s25;
	[tilespmem:v17+s11+$0x0] =	vst.idx.add.f32.msk vm6, v12;
	v8 =	vmul.f32 v20, v8  }
0x2d9: {  	_ =	sdelay $0x4  }
0x2da: {  	v6 =	vmul.f32 v11, v6;
	[tilespmem:v3+s11+$0x0] =	vst.idx.add.f32.msk vm0, v9  }
0x2db: {  	v3 =	vmul.f32 v10, v7;
	[tilespmem:v5+s11+$0x0] =	vst.idx.add.f32.msk vm1, v8  }
0x2dc: {  	[tilespmem:v4+s11+$0x0] =	vst.idx.add.f32.msk vm2, v6  }
0x2dd: {  	[tilespmem:v2+s11+$0x0] =	vst.idx.add.f32.msk vm3, v3  }
0x2de: {  	_ =	swait.ge [sflag:s13], $0x4E20  }
0x2df: {  	s20 =	simm.s32 $0x0;
	[sflag:s13] =	ssyncset.done $0x0  }
0x2e0: {  	s25 =	simm.s32 $0x11C80;
	s21 =	rddreg [dreg:$0x10];
	[sflag:s13] =	ssyncadd.s32 $0xFFFFB1E0  }
0x2e1: {  	[tilespmem:s14], [sflag:$0x2] =	stream.linear.gather [hbm4b:s21+s20], $0x4E20, $0x38;
	[tilespmem:$0x1DC40] =	vst v63  }
0x2e2: {  	v2 =	vld [tilespmem:s25+$0x30]  }
0x2e3: {  	v3 =	vld [tilespmem:s25+$0xFFFFFFD0]  }
0x2e4: {  	v4 =	vld [tilespmem:s25+$0xFFFFFFE0]  }
0x2e5: {  	v5 =	vld [tilespmem:s25+$0xFFFFFFF0]  }
0x2e6: {  	v6 =	vld [tilespmem:s25+$0x0]  }
0x2e7: {  	v7 =	vld [tilespmem:s25+$0x10]  }
0x2e8: {  	v8 =	vld [tilespmem:s25+$0x20]  }
0x2e9: {  	s28 =	simm.s32 $0x11D00;
	v9 =	vld [tilespmem:s25+$0xFFFFFFC0];
	vm3 =	vlt.u32 v2, $0x4E20  }
0x2ea: {  	v14 =	vld [tilespmem:s28+$0x30];
	vm5 =	vlt.u32 v3, $0x4E20  }
0x2eb: {  	v15 =	vld [tilespmem:s28+$0xFFFFFFD0];
	vm10 =	vlt.u32 v4, $0x4E20  }
0x2ec: {  	v17 =	vld [tilespmem:s28+$0xFFFFFFE0];
	vm9 =	vlt.u32 v5, $0x4E20  }
0x2ed: {  	v18 =	vld [tilespmem:s28+$0xFFFFFFF0];
	vm8 =	vlt.u32 v6, $0x4E20  }
0x2ee: {  	v20 =	vld [tilespmem:s28+$0x0]  }
0x2ef: {  	v10 =	vld.idx.msk [tilespmem:v2+s1+$0x0], vm3  }
0x2f0: {  	vm0 =	vlt.u32 v9, $0x4E20;
	v11 =	vld.idx.msk [tilespmem:v3+s1+$0x0], vm5  }
0x2f1: {  	s24 =	simm.s32 $0x70;
	vm1 =	vlt.u32 v7, $0x4E20;
	vm6 =	vmmov vm0;
	v4 =	vld.idx.msk [tilespmem:v4+s1+$0x0], vm10  }
0x2f2: {  	s25 =	simm.s32 $0x10;
	vm7 =	vmmov vm1;
	v12 =	vld.idx.msk [tilespmem:v5+s1+$0x0], vm9;
	v5 =	vor.u32 s24, v0  }
0x2f3: {  	s29 =	simm.s32 $0x20;
	v16 =	vor.u32 s25, v0;
	vm0 =	vlt.u32 v8, $0x4E20;
	vm1 =	vlt.u32 v14, $0x4E20;
	v13 =	vld.idx.msk [tilespmem:v6+s1+$0x0], vm8  }
0x2f4: {  	s30 =	simm.s32 $0x30;
	v19 =	vor.u32 s29, v0;
	vm0 =	vmmov vm0;
	v2 =	vld [tilespmem:s28+$0x10]  }
0x2f5: {  	s31 =	simm.s32 $0x40;
	v21 =	vor.u32 s30, v0;
	vm4 =	vlt.u32 v17, $0x4E20;
	v3 =	vld [tilespmem:s28+$0x20]  }
0x2f6: {  	v22 =	vor.u32 s31, v0;
	vm2 =	vlt.u32 v15, $0x4E20;
	v6 =	vld [tilespmem:s28+$0xFFFFFFC0]  }
0x2f7: {  	v23 =	vld.idx.msk [tilespmem:v9+s1+$0x0], vm6;
	[tilespmem:v5+s15+$0x0] =	vst.idx.msk vm3, v10;
	vm3 =	vlt.u32 v18, $0x4E20  }
0x2f8: {  	v24 =	vor.u32 s20, v0;
	s28 =	simm.s32 $0x50;
	v25 =	vld.idx.msk [tilespmem:v7+s1+$0x0], vm7;
	[tilespmem:v16+s15+$0x0] =	vst.idx.msk vm5, v11;
	vm5 =	vlt.u32 v20, $0x4E20  }
0x2f9: {  	s29 =	simm.s32 $0x60;
	v26 =	vor.u32 s28, v0;
	v9 =	vld.idx.msk [tilespmem:v14+s1+$0x0], vm1;
	[tilespmem:v19+s15+$0x0] =	vst.idx.msk vm10, v4  }
0x2fa: {  	s31 =	simm.s32 $0xF0;
	s20 =	simm.s32 $0x80;
	v8 =	vld.idx.msk [tilespmem:v8+s1+$0x0], vm0;
	v5 =	vor.u32 s29, v0;
	[tilespmem:v21+s15+$0x0] =	vst.idx.msk vm9, v12;
	vm9 =	vlt.u32 v2, $0x4E20  }
0x2fb: {  	s30 =	simm.s32 $0x90;
	s24 =	simm.s32 $0xA0;
	s28 =	simm.s32 $0xC0;
	v14 =	vld.idx.msk [tilespmem:v17+s1+$0x0], vm4;
	[tilespmem:v22+s15+$0x0] =	vst.idx.msk vm8, v13;
	v4 =	vor.u32 s20, v0;
	vm8 =	vlt.u32 v3, $0x4E20;
	v16 =	vor.u32 s31, v0  }
0x2fc: {  	v10 =	vld.idx.msk [tilespmem:v15+s1+$0x0], vm2;
	v11 =	vor.u32 s30, v0;
	s30 =	simm.s32 $0xB0;
	s29 =	simm.s32 $0xD0;
	v15 =	vor.u32 s24, v0;
	v12 =	vor.u32 s28, v0  }
0x2fd: {  	vm10 =	vlt.u32 v6, $0x4E20;
	s31 =	simm.s32 $0xE0;
	v13 =	vor.u32 s30, v0;
	v7 =	vor.u32 s29, v0;
	[tilespmem:v24+s15+$0x0] =	vst.idx.msk vm6, v23;
	v17 =	vld.idx.msk [tilespmem:v18+s1+$0x0], vm3  }
0x2fe: {  	s21 =	simm.s32 $0x8;
	s24 =	simm.s32 $0x11D80;
	v19 =	vor.u32 s31, v0;
	vm6 =	vmmov vm10;
	[tilespmem:v26+s15+$0x0] =	vst.idx.msk vm7, v25;
	vm7 =	vmmov vm9;
	v18 =	vld.idx.msk [tilespmem:v20+s1+$0x0], vm5  }
.LBB2_24:
0x2ff: {  	v20 =	vld [tilespmem:s24+$0x30];
	s21 =	sadd.s32 $0x8, s21;
	[tilespmem:v5+s15+$0x0] =	vst.idx.msk vm0, v8;
	v5 =	vmov v19;
	vm0 =	vmmov vm8  }
0x300: {  	v19 =	vld [tilespmem:s24+$0xFFFFFFD0];
	p0 =	slt.u32 s21, $0x3F8;
	[tilespmem:v16+s15+$0x0] =	vst.idx.msk vm1, v9  }
0x301: {  	v21 =	vld [tilespmem:s24+$0xFFFFFFE0];
	[tilespmem:v11+s15+$0x0] =	vst.idx.msk vm2, v10  }
0x302: {  	v22 =	vld [tilespmem:s24+$0xFFFFFFF0];
	[tilespmem:v15+s15+$0x0] =	vst.idx.msk vm4, v14  }
0x303: {  	v23 =	vld [tilespmem:s24+$0x0];
	[tilespmem:v13+s15+$0x0] =	vst.idx.msk vm3, v17  }
0x304: {  	v9 =	vld [tilespmem:s24+$0x10];
	vm1 =	vlt.u32 v20, $0x4E20;
	[tilespmem:v12+s15+$0x0] =	vst.idx.msk vm5, v18  }
0x305: {  	vm2 =	vlt.u32 v19, $0x4E20;
	v12 =	vld [tilespmem:s24+$0x20]  }
0x306: {  	v13 =	vld [tilespmem:s24+$0xFFFFFFC0];
	vm4 =	vlt.u32 v21, $0x4E20  }
0x307: {  	vm3 =	vlt.u32 v22, $0x4E20;
	v18 =	vld.idx.msk [tilespmem:v6+s1+$0x0], vm6  }
0x308: {  	s20 =	sadd.s32 $0x80, s20;
	vm5 =	vlt.u32 v23, $0x4E20;
	v24 =	vld.idx.msk [tilespmem:v2+s1+$0x0], vm7  }
0x309: {  	s25 =	sadd.s32 $0x10, s20;
	vm9 =	vlt.u32 v9, $0x4E20;
	v8 =	vld.idx.msk [tilespmem:v3+s1+$0x0], vm8;
	v2 =	vmov v9  }
.Ltmp11:
0x30a: {  	v25 =	vor.u32 s20, v0;
	s28 =	sadd.s32 $0x20, s20;
	s29 =	sadd.s32 $0x70, s20;
	vm8 =	vlt.u32 v12, $0x4E20;
	v9 =	vld.idx.msk [tilespmem:v20+s1+$0x0], vm1;
	(pc) =	sbr.rel @p0 .LBB2_24-.Ltmp11, $4  }
0x30b: {  	s30 =	sadd.s32 $0x40, s20;
	s31 =	sadd.s32 $0x50, s20;
	v11 =	vor.u32 s25, v0;
	s25 =	sadd.s32 $0x30, s20;
	v16 =	vor.u32 s29, v0;
	v3 =	vmovc v12;
	vm10 =	vlt.u32 v13, $0x4E20;
	v10 =	vld.idx.msk [tilespmem:v19+s1+$0x0], vm2;
	v6 =	vmovc v13  }
0x30c: {  	v15 =	vor.u32 s28, v0;
	v12 =	vor.u32 s30, v0;
	v13 =	vor.u32 s25, v0;
	s25 =	sadd.s32 $0x60, s20;
	v14 =	vld.idx.msk [tilespmem:v21+s1+$0x0], vm4  }
0x30d: {  	v20 =	vor.u32 s31, v0;
	v19 =	vor.u32 s25, v0;
	v17 =	vld.idx.msk [tilespmem:v22+s1+$0x0], vm3;
	[tilespmem:v4+s15+$0x0] =	vst.idx.msk vm6, v18;
	v4 =	vmovc v25;
	vm6 =	vmmov vm10  }
0x30e: {  	s24 =	sadd.s32 $0x80, s24;
	v18 =	vld.idx.msk [tilespmem:v23+s1+$0x0], vm5;
	[tilespmem:v7+s15+$0x0] =	vst.idx.msk vm7, v24;
	v7 =	vmov v20;
	vm7 =	vmmov vm9  }
0x30f: {  	_ =	sdelay $0x1  }
0x310: {  	vm8 =	vmmov vm8;
	_ =	sdelay $0x2  }
0x311: {  	[tilespmem:v5+s15+$0x0] =	vst.idx.msk vm0, v8  }
0x312: {  	[tilespmem:v16+s15+$0x0] =	vst.idx.msk vm1, v9;
	v5 =	vld.idx.msk [tilespmem:v6+s1+$0x0], vm6  }
0x313: {  	v2 =	vld.idx.msk [tilespmem:v2+s1+$0x0], vm7;
	[tilespmem:v11+s15+$0x0] =	vst.idx.msk vm2, v10  }
0x314: {  	[tilespmem:v15+s15+$0x0] =	vst.idx.msk vm4, v14;
	v3 =	vld.idx.msk [tilespmem:v3+s1+$0x0], vm8  }
0x315: {  	[tilespmem:v13+s15+$0x0] =	vst.idx.msk vm3, v17  }
0x316: {  	[tilespmem:v12+s15+$0x0] =	vst.idx.msk vm5, v18  }
0x317: {  	[tilespmem:v4+s15+$0x0] =	vst.idx.msk vm6, v5  }
0x318: {  	[tilespmem:v7+s15+$0x0] =	vst.idx.msk vm7, v2  }
0x319: {  	[tilespmem:v19+s15+$0x0] =	vst.idx.msk vm8, v3  }
0x31a: {  	_ =	swait.ge [sflag:s16], $0x4E20  }
0x31b: {  	s20 =	simm.s32 $0x0;
	[sflag:s16] =	ssyncset.done $0x0  }
0x31c: {  	s25 =	simm.s32 $0x11C80;
	s21 =	rddreg [dreg:$0x11];
	[sflag:s16] =	ssyncadd.s32 $0xFFFFB1E0  }
0x31d: {  	[tilespmem:s20], [sflag:$0x1] =	stream.linear.gather [hbm4b:s21+s20], $0x4E20, $0x38;
	[tilespmem:$0x1DC40] =	vst v63  }
0x31e: {  	v2 =	vld [tilespmem:s25+$0x30]  }
0x31f: {  	v3 =	vld [tilespmem:s25+$0xFFFFFFD0]  }
0x320: {  	v4 =	vld [tilespmem:s25+$0xFFFFFFE0]  }
0x321: {  	v5 =	vld [tilespmem:s25+$0xFFFFFFF0];
	_ =	sdelay $0x1  }
0x322: {  	v2 =	vadd.s32 $0xFFFFB1E0, v2  }
0x323: {  	v3 =	vadd.s32 $0xFFFFB1E0, v3;
	vm2 =	vlt.u32 v2, $0x4E20  }
0x324: {  	v4 =	vadd.s32 $0xFFFFB1E0, v4;
	vm9 =	vlt.u32 v3, $0x4E20  }
0x325: {  	v6 =	vld [tilespmem:s25+$0x0];
	v5 =	vadd.s32 $0xFFFFB1E0, v5;
	vm7 =	vlt.u32 v4, $0x4E20  }
0x326: {  	v7 =	vld [tilespmem:s25+$0x10];
	vm11 =	vlt.u32 v5, $0x4E20  }
0x327: {  	v8 =	vld [tilespmem:s25+$0x20]  }
0x328: {  	v9 =	vld [tilespmem:s25+$0xFFFFFFC0]  }
0x329: {  	v10 =	vld.idx.msk [tilespmem:v2+s14+$0x0], vm2  }
0x32a: {  	v13 =	vld.idx.msk [tilespmem:v3+s14+$0x0], vm9  }
0x32b: {  	v14 =	vld.idx.msk [tilespmem:v4+s14+$0x0], vm7  }
0x32c: {  	s28 =	simm.s32 $0x11D00;
	v15 =	vld.idx.msk [tilespmem:v5+s14+$0x0], vm11  }
0x32d: {  	v3 =	vld [tilespmem:s28+$0x30]  }
0x32e: {  	v24 =	vor.u32 s20, v0;
	v8 =	vadd.s32 $0xFFFFB1E0, v8;
	v2 =	vadd.s32 $0xFFFFB1E0, v9;
	v4 =	vld [tilespmem:s28+$0xFFFFFFD0]  }
0x32f: {  	vm12 =	vlt.u32 v8, $0x4E20;
	v5 =	vadd.s32 $0xFFFFB1E0, v6;
	v6 =	vld [tilespmem:s28+$0xFFFFFFE0];
	vm0 =	vlt.u32 v2, $0x4E20  }
0x330: {  	s24 =	simm.s32 $0x70;
	v7 =	vadd.s32 $0xFFFFB1E0, v7;
	v9 =	vld [tilespmem:s28+$0xFFFFFFF0];
	vm1 =	vlt.u32 v5, $0x4E20;
	vm8 =	vmmov vm0  }
0x331: {  	s29 =	simm.s32 $0x10;
	v17 =	vor.u32 s24, v0;
	v12 =	vld [tilespmem:s28+$0x0];
	vm3 =	vlt.u32 v7, $0x4E20;
	vm0 =	vmmov vm1  }
0x332: {  	s30 =	simm.s32 $0x30;
	v16 =	vor.u32 s29, v0;
	v25 =	vld [tilespmem:s28+$0xFFFFFFC0];
	vm1 =	vmmov vm3;
	v19 =	vadd.s32 $0xFFFFB1E0, v3  }
0x333: {  	v23 =	vor.u32 s30, v0;
	s25 =	simm.s32 $0x20;
	v18 =	vld [tilespmem:s28+$0x10];
	v21 =	vadd.s32 $0xFFFFB1E0, v4;
	vm3 =	vlt.u32 v19, $0x4E20  }
0x334: {  	s31 =	simm.s32 $0x40;
	v22 =	vld [tilespmem:s28+$0x20];
	v20 =	vor.u32 s25, v0;
	v26 =	vadd.s32 $0xFFFFB1E0, v6;
	vm4 =	vlt.u32 v21, $0x4E20  }
0x335: {  	s25 =	simm.s32 $0x50;
	v3 =	vor.u32 s31, v0;
	v27 =	vadd.s32 $0xFFFFB1E0, v9;
	v9 =	vld.idx.msk [tilespmem:v8+s14+$0x0], vm12;
	vm5 =	vlt.u32 v26, $0x4E20  }
0x336: {  	s20 =	simm.s32 $0x80;
	v4 =	vor.u32 s25, v0;
	[tilespmem:v17+s15+$0x0] =	vst.idx.msk vm2, v10;
	vm2 =	vmmov vm12;
	vm6 =	vlt.u32 v27, $0x4E20;
	v28 =	vld.idx.msk [tilespmem:v2+s14+$0x0], vm8  }
0x337: {  	s29 =	simm.s32 $0x90;
	v6 =	vadd.s32 $0xFFFFB1E0, v12;
	v10 =	vadd.s32 $0xFFFFB1E0, v25;
	v8 =	vor.u32 s20, v0;
	v11 =	vld.idx.msk [tilespmem:v5+s14+$0x0], vm0  }
0x338: {  	s28 =	simm.s32 $0x60;
	[tilespmem:v23+s15+$0x0] =	vst.idx.msk vm11, v15;
	v15 =	vor.u32 s29, v0;
	s29 =	simm.s32 $0xB0;
	vm10 =	vlt.u32 v6, $0x4E20;
	vm11 =	vlt.u32 v10, $0x4E20;
	v12 =	vld.idx.msk [tilespmem:v7+s14+$0x0], vm1  }
0x339: {  	s30 =	simm.s32 $0xF0;
	[tilespmem:v16+s15+$0x0] =	vst.idx.msk vm9, v13;
	v16 =	vor.u32 s29, v0;
	v2 =	vor.u32 s28, v0;
	v5 =	vadd.s32 $0xFFFFB1E0, v18;
	v13 =	vld.idx.msk [tilespmem:v19+s14+$0x0], vm3  }
0x33a: {  	[tilespmem:v20+s15+$0x0] =	vst.idx.msk vm7, v14;
	s31 =	simm.s32 $0xA0;
	v7 =	vadd.s32 $0xFFFFB1E0, v22;
	s28 =	simm.s32 $0xC0;
	vm9 =	vlt.u32 v5, $0x4E20;
	v14 =	vld.idx.msk [tilespmem:v21+s14+$0x0], vm4;
	v21 =	vor.u32 s30, v0  }
0x33b: {  	vm7 =	vlt.u32 v7, $0x4E20;
	v22 =	vor.u32 s28, v0;
	s30 =	simm.s32 $0xD0;
	v18 =	vld.idx.msk [tilespmem:v26+s14+$0x0], vm5;
	v19 =	vor.u32 s31, v0;
	s31 =	simm.s32 $0xE0  }
0x33c: {  	s24 =	simm.s32 $0x11D80;
	s21 =	simm.s32 $0x8;
	v20 =	vld.idx.msk [tilespmem:v27+s14+$0x0], vm6;
	v23 =	vor.u32 s30, v0;
	v17 =	vor.u32 s31, v0;
	[tilespmem:v24+s15+$0x0] =	vst.idx.msk vm8, v28;
	vm8 =	vmmov vm11  }
.LBB2_26:
0x33d: {  	v24 =	vld [tilespmem:s24+$0x30];
	s21 =	sadd.s32 $0x8, s21;
	[tilespmem:v3+s15+$0x0] =	vst.idx.msk vm0, v11;
	v3 =	vmov v22;
	vm0 =	vmmov vm10  }
0x33e: {  	v11 =	vld [tilespmem:s24+$0xFFFFFFD0];
	p0 =	slt.u32 s21, $0x3F8;
	[tilespmem:v4+s15+$0x0] =	vst.idx.msk vm1, v12;
	v4 =	vmov v23;
	vm1 =	vmmov vm9  }
0x33f: {  	v12 =	vld [tilespmem:s24+$0xFFFFFFE0];
	[tilespmem:v21+s15+$0x0] =	vst.idx.msk vm3, v13  }
0x340: {  	v13 =	vld [tilespmem:s24+$0xFFFFFFF0];
	[tilespmem:v15+s15+$0x0] =	vst.idx.msk vm4, v14  }
0x341: {  	v14 =	vld [tilespmem:s24+$0x0];
	[tilespmem:v19+s15+$0x0] =	vst.idx.msk vm5, v18  }
0x342: {  	v15 =	vld [tilespmem:s24+$0x10];
	v18 =	vadd.s32 $0xFFFFB1E0, v24;
	[tilespmem:v16+s15+$0x0] =	vst.idx.msk vm6, v20  }
0x343: {  	v16 =	vadd.s32 $0xFFFFB1E0, v11;
	v19 =	vld [tilespmem:s24+$0x20];
	vm3 =	vlt.u32 v18, $0x4E20;
	[tilespmem:v2+s15+$0x0] =	vst.idx.msk vm2, v9;
	v2 =	vmovc v17;
	vm2 =	vmmov vm7  }
0x344: {  	v17 =	vld [tilespmem:s24+$0xFFFFFFC0];
	vm4 =	vlt.u32 v16, $0x4E20;
	v20 =	vadd.s32 $0xFFFFB1E0, v12  }
0x345: {  	vm5 =	vlt.u32 v20, $0x4E20;
	v23 =	vadd.s32 $0xFFFFB1E0, v13;
	v24 =	vld.idx.msk [tilespmem:v10+s14+$0x0], vm8  }
0x346: {  	vm6 =	vlt.u32 v23, $0x4E20;
	v11 =	vld.idx.msk [tilespmem:v6+s14+$0x0], vm10;
	v6 =	vadd.s32 $0xFFFFB1E0, v14  }
0x347: {  	vm10 =	vlt.u32 v6, $0x4E20;
	v12 =	vld.idx.msk [tilespmem:v5+s14+$0x0], vm9;
	v5 =	vadd.s32 $0xFFFFB1E0, v15  }
.Ltmp12:
0x348: {  	s20 =	sadd.s32 $0x80, s20;
	vm9 =	vlt.u32 v5, $0x4E20;
	v9 =	vld.idx.msk [tilespmem:v7+s14+$0x0], vm7;
	v7 =	vadd.s32 $0xFFFFB1E0, v19;
	(pc) =	sbr.rel @p0 .LBB2_26-.Ltmp12, $4  }
0x349: {  	v25 =	vor.u32 s20, v0;
	s25 =	sadd.s32 $0x10, s20;
	s28 =	sadd.s32 $0x20, s20;
	s29 =	sadd.s32 $0x70, s20;
	v10 =	vadd.s32 $0xFFFFB1E0, v17;
	vm7 =	vlt.u32 v7, $0x4E20;
	v13 =	vld.idx.msk [tilespmem:v18+s14+$0x0], vm3  }
0x34a: {  	s30 =	sadd.s32 $0x40, s20;
	s31 =	sadd.s32 $0x50, s20;
	v21 =	vor.u32 s29, v0;
	v15 =	vor.u32 s25, v0;
	s25 =	sadd.s32 $0x30, s20;
	vm11 =	vlt.u32 v10, $0x4E20;
	v14 =	vld.idx.msk [tilespmem:v16+s14+$0x0], vm4  }
0x34b: {  	v22 =	vor.u32 s30, v0;
	v19 =	vor.u32 s28, v0;
	v16 =	vor.u32 s25, v0;
	s25 =	sadd.s32 $0x60, s20;
	v18 =	vld.idx.msk [tilespmem:v20+s14+$0x0], vm5  }
0x34c: {  	s24 =	sadd.s32 $0x80, s24;
	v17 =	vor.u32 s25, v0;
	v20 =	vld.idx.msk [tilespmem:v23+s14+$0x0], vm6;
	v23 =	vor.u32 s31, v0;
	[tilespmem:v8+s15+$0x0] =	vst.idx.msk vm8, v24;
	v8 =	vmovc v25;
	vm8 =	vmmov vm11  }
0x34d: {  	_ =	sdelay $0x1  }
0x34e: {  	vm10 =	vmmov vm10  }
0x34f: {  	vm9 =	vmmov vm9;
	_ =	sdelay $0x1  }
0x350: {  	[tilespmem:v3+s15+$0x0] =	vst.idx.msk vm0, v11  }
0x351: {  	[tilespmem:v4+s15+$0x0] =	vst.idx.msk vm1, v12  }
0x352: {  	v3 =	vld.idx.msk [tilespmem:v10+s14+$0x0], vm8;
	[tilespmem:v2+s15+$0x0] =	vst.idx.msk vm2, v9  }
0x353: {  	[tilespmem:v21+s15+$0x0] =	vst.idx.msk vm3, v13;
	v4 =	vld.idx.msk [tilespmem:v6+s14+$0x0], vm10  }
0x354: {  	[tilespmem:v15+s15+$0x0] =	vst.idx.msk vm4, v14;
	v5 =	vld.idx.msk [tilespmem:v5+s14+$0x0], vm9  }
0x355: {  	[tilespmem:v19+s15+$0x0] =	vst.idx.msk vm5, v18;
	v6 =	vld.idx.msk [tilespmem:v7+s14+$0x0], vm7  }
0x356: {  	[tilespmem:v16+s15+$0x0] =	vst.idx.msk vm6, v20  }
0x357: {  	[tilespmem:v8+s15+$0x0] =	vst.idx.msk vm8, v3  }
0x358: {  	[tilespmem:v22+s15+$0x0] =	vst.idx.msk vm10, v4  }
0x359: {  	[tilespmem:v23+s15+$0x0] =	vst.idx.msk vm9, v5  }
0x35a: {  	[tilespmem:v17+s15+$0x0] =	vst.idx.msk vm7, v6  }
0x35b: {  	_ =	swait.ge [sflag:s13], $0x4E20  }
0x35c: {  	s20 =	simm.s32 $0x0;
	[sflag:s13] =	ssyncset.done $0x0  }
0x35d: {  	s25 =	simm.s32 $0x11C80;
	s21 =	rddreg [dreg:$0x12];
	[sflag:s13] =	ssyncadd.s32 $0xFFFFB1E0  }
0x35e: {  	[tilespmem:s14], [sflag:$0x2] =	stream.linear.gather [hbm4b:s21+s20], $0x4E20, $0x38;
	[tilespmem:$0x1DC40] =	vst v63  }
0x35f: {  	v2 =	vld [tilespmem:s25+$0x30]  }
0x360: {  	v3 =	vld [tilespmem:s25+$0xFFFFFFD0]  }
0x361: {  	v4 =	vld [tilespmem:s25+$0xFFFFFFE0]  }
0x362: {  	v5 =	vld [tilespmem:s25+$0xFFFFFFF0];
	_ =	sdelay $0x1  }
0x363: {  	v2 =	vadd.s32 $0xFFFF63C0, v2  }
0x364: {  	v3 =	vadd.s32 $0xFFFF63C0, v3;
	vm2 =	vlt.u32 v2, $0x4E20  }
0x365: {  	v4 =	vadd.s32 $0xFFFF63C0, v4;
	vm9 =	vlt.u32 v3, $0x4E20  }
0x366: {  	vm0 =	vmmov vm7;
	v6 =	vld [tilespmem:s25+$0x0];
	v5 =	vadd.s32 $0xFFFF63C0, v5;
	vm7 =	vlt.u32 v4, $0x4E20  }
0x367: {  	v7 =	vld [tilespmem:s25+$0x10];
	vm11 =	vlt.u32 v5, $0x4E20  }
0x368: {  	v8 =	vld [tilespmem:s25+$0x20]  }
0x369: {  	v9 =	vld [tilespmem:s25+$0xFFFFFFC0]  }
0x36a: {  	v10 =	vld.idx.msk [tilespmem:v2+s1+$0x0], vm2  }
0x36b: {  	v13 =	vld.idx.msk [tilespmem:v3+s1+$0x0], vm9  }
0x36c: {  	v14 =	vld.idx.msk [tilespmem:v4+s1+$0x0], vm7  }
0x36d: {  	s28 =	simm.s32 $0x11D00;
	v15 =	vld.idx.msk [tilespmem:v5+s1+$0x0], vm11  }
0x36e: {  	v3 =	vld [tilespmem:s28+$0x30]  }
0x36f: {  	v24 =	vor.u32 s20, v0;
	v8 =	vadd.s32 $0xFFFF63C0, v8;
	v2 =	vadd.s32 $0xFFFF63C0, v9;
	v4 =	vld [tilespmem:s28+$0xFFFFFFD0]  }
0x370: {  	vm12 =	vlt.u32 v8, $0x4E20;
	v5 =	vadd.s32 $0xFFFF63C0, v6;
	v6 =	vld [tilespmem:s28+$0xFFFFFFE0];
	vm0 =	vlt.u32 v2, $0x4E20  }
0x371: {  	s24 =	simm.s32 $0x70;
	v7 =	vadd.s32 $0xFFFF63C0, v7;
	v9 =	vld [tilespmem:s28+$0xFFFFFFF0];
	vm1 =	vlt.u32 v5, $0x4E20;
	vm8 =	vmmov vm0  }
0x372: {  	s29 =	simm.s32 $0x10;
	v17 =	vor.u32 s24, v0;
	v12 =	vld [tilespmem:s28+$0x0];
	vm3 =	vlt.u32 v7, $0x4E20;
	vm0 =	vmmov vm1  }
0x373: {  	s30 =	simm.s32 $0x30;
	v16 =	vor.u32 s29, v0;
	v25 =	vld [tilespmem:s28+$0xFFFFFFC0];
	vm1 =	vmmov vm3;
	v19 =	vadd.s32 $0xFFFF63C0, v3  }
0x374: {  	v23 =	vor.u32 s30, v0;
	s25 =	simm.s32 $0x20;
	v18 =	vld [tilespmem:s28+$0x10];
	v21 =	vadd.s32 $0xFFFF63C0, v4;
	vm3 =	vlt.u32 v19, $0x4E20  }
0x375: {  	s31 =	simm.s32 $0x40;
	v22 =	vld [tilespmem:s28+$0x20];
	v20 =	vor.u32 s25, v0;
	v26 =	vadd.s32 $0xFFFF63C0, v6;
	vm4 =	vlt.u32 v21, $0x4E20  }
0x376: {  	s25 =	simm.s32 $0x50;
	v3 =	vor.u32 s31, v0;
	v27 =	vadd.s32 $0xFFFF63C0, v9;
	v9 =	vld.idx.msk [tilespmem:v8+s1+$0x0], vm12;
	vm5 =	vlt.u32 v26, $0x4E20  }
0x377: {  	s20 =	simm.s32 $0x80;
	v4 =	vor.u32 s25, v0;
	[tilespmem:v17+s15+$0x0] =	vst.idx.msk vm2, v10;
	vm2 =	vmmov vm12;
	vm6 =	vlt.u32 v27, $0x4E20;
	v28 =	vld.idx.msk [tilespmem:v2+s1+$0x0], vm8  }
0x378: {  	s29 =	simm.s32 $0x90;
	v6 =	vadd.s32 $0xFFFF63C0, v12;
	v10 =	vadd.s32 $0xFFFF63C0, v25;
	v8 =	vor.u32 s20, v0;
	v11 =	vld.idx.msk [tilespmem:v5+s1+$0x0], vm0  }
0x379: {  	s28 =	simm.s32 $0x60;
	[tilespmem:v23+s15+$0x0] =	vst.idx.msk vm11, v15;
	v15 =	vor.u32 s29, v0;
	s29 =	simm.s32 $0xB0;
	vm10 =	vlt.u32 v6, $0x4E20;
	vm11 =	vlt.u32 v10, $0x4E20;
	v12 =	vld.idx.msk [tilespmem:v7+s1+$0x0], vm1  }
0x37a: {  	s30 =	simm.s32 $0xF0;
	[tilespmem:v16+s15+$0x0] =	vst.idx.msk vm9, v13;
	v16 =	vor.u32 s29, v0;
	v2 =	vor.u32 s28, v0;
	v5 =	vadd.s32 $0xFFFF63C0, v18;
	v13 =	vld.idx.msk [tilespmem:v19+s1+$0x0], vm3  }
0x37b: {  	[tilespmem:v20+s15+$0x0] =	vst.idx.msk vm7, v14;
	s31 =	simm.s32 $0xA0;
	v7 =	vadd.s32 $0xFFFF63C0, v22;
	s28 =	simm.s32 $0xC0;
	vm9 =	vlt.u32 v5, $0x4E20;
	v14 =	vld.idx.msk [tilespmem:v21+s1+$0x0], vm4;
	v21 =	vor.u32 s30, v0  }
0x37c: {  	vm7 =	vlt.u32 v7, $0x4E20;
	v22 =	vor.u32 s28, v0;
	s30 =	simm.s32 $0xD0;
	v18 =	vld.idx.msk [tilespmem:v26+s1+$0x0], vm5;
	v19 =	vor.u32 s31, v0;
	s31 =	simm.s32 $0xE0  }
0x37d: {  	s24 =	simm.s32 $0x11D80;
	s21 =	simm.s32 $0x8;
	v20 =	vld.idx.msk [tilespmem:v27+s1+$0x0], vm6;
	v23 =	vor.u32 s30, v0;
	v17 =	vor.u32 s31, v0;
	[tilespmem:v24+s15+$0x0] =	vst.idx.msk vm8, v28;
	vm8 =	vmmov vm11  }
.LBB2_28:
0x37e: {  	v24 =	vld [tilespmem:s24+$0x30];
	s21 =	sadd.s32 $0x8, s21;
	[tilespmem:v3+s15+$0x0] =	vst.idx.msk vm0, v11;
	v3 =	vmov v22;
	vm0 =	vmmov vm10  }
0x37f: {  	v11 =	vld [tilespmem:s24+$0xFFFFFFD0];
	p0 =	slt.u32 s21, $0x3F8;
	[tilespmem:v4+s15+$0x0] =	vst.idx.msk vm1, v12;
	v4 =	vmov v23;
	vm1 =	vmmov vm9  }
0x380: {  	v12 =	vld [tilespmem:s24+$0xFFFFFFE0];
	[tilespmem:v21+s15+$0x0] =	vst.idx.msk vm3, v13  }
0x381: {  	v13 =	vld [tilespmem:s24+$0xFFFFFFF0];
	[tilespmem:v15+s15+$0x0] =	vst.idx.msk vm4, v14  }
0x382: {  	v14 =	vld [tilespmem:s24+$0x0];
	[tilespmem:v19+s15+$0x0] =	vst.idx.msk vm5, v18  }
0x383: {  	v15 =	vld [tilespmem:s24+$0x10];
	v18 =	vadd.s32 $0xFFFF63C0, v24;
	[tilespmem:v16+s15+$0x0] =	vst.idx.msk vm6, v20  }
0x384: {  	v16 =	vadd.s32 $0xFFFF63C0, v11;
	v19 =	vld [tilespmem:s24+$0x20];
	vm3 =	vlt.u32 v18, $0x4E20;
	[tilespmem:v2+s15+$0x0] =	vst.idx.msk vm2, v9;
	v2 =	vmovc v17;
	vm2 =	vmmov vm7  }
0x385: {  	v17 =	vld [tilespmem:s24+$0xFFFFFFC0];
	vm4 =	vlt.u32 v16, $0x4E20;
	v20 =	vadd.s32 $0xFFFF63C0, v12  }
0x386: {  	vm5 =	vlt.u32 v20, $0x4E20;
	v23 =	vadd.s32 $0xFFFF63C0, v13;
	v24 =	vld.idx.msk [tilespmem:v10+s1+$0x0], vm8  }
0x387: {  	vm6 =	vlt.u32 v23, $0x4E20;
	v11 =	vld.idx.msk [tilespmem:v6+s1+$0x0], vm10;
	v6 =	vadd.s32 $0xFFFF63C0, v14  }
0x388: {  	vm10 =	vlt.u32 v6, $0x4E20;
	v12 =	vld.idx.msk [tilespmem:v5+s1+$0x0], vm9;
	v5 =	vadd.s32 $0xFFFF63C0, v15  }
.Ltmp13:
0x389: {  	s20 =	sadd.s32 $0x80, s20;
	vm9 =	vlt.u32 v5, $0x4E20;
	v9 =	vld.idx.msk [tilespmem:v7+s1+$0x0], vm7;
	v7 =	vadd.s32 $0xFFFF63C0, v19;
	(pc) =	sbr.rel @p0 .LBB2_28-.Ltmp13, $4  }
0x38a: {  	v25 =	vor.u32 s20, v0;
	s25 =	sadd.s32 $0x10, s20;
	s28 =	sadd.s32 $0x20, s20;
	s29 =	sadd.s32 $0x70, s20;
	v10 =	vadd.s32 $0xFFFF63C0, v17;
	vm7 =	vlt.u32 v7, $0x4E20;
	v13 =	vld.idx.msk [tilespmem:v18+s1+$0x0], vm3  }
0x38b: {  	s30 =	sadd.s32 $0x40, s20;
	s31 =	sadd.s32 $0x50, s20;
	v21 =	vor.u32 s29, v0;
	v15 =	vor.u32 s25, v0;
	s25 =	sadd.s32 $0x30, s20;
	vm11 =	vlt.u32 v10, $0x4E20;
	v14 =	vld.idx.msk [tilespmem:v16+s1+$0x0], vm4  }
0x38c: {  	v22 =	vor.u32 s30, v0;
	v19 =	vor.u32 s28, v0;
	v16 =	vor.u32 s25, v0;
	s25 =	sadd.s32 $0x60, s20;
	v18 =	vld.idx.msk [tilespmem:v20+s1+$0x0], vm5  }
0x38d: {  	s24 =	sadd.s32 $0x80, s24;
	v17 =	vor.u32 s25, v0;
	v20 =	vld.idx.msk [tilespmem:v23+s1+$0x0], vm6;
	v23 =	vor.u32 s31, v0;
	[tilespmem:v8+s15+$0x0] =	vst.idx.msk vm8, v24;
	v8 =	vmovc v25;
	vm8 =	vmmov vm11  }
0x38e: {  	_ =	sdelay $0x1  }
0x38f: {  	vm10 =	vmmov vm10  }
0x390: {  	vm9 =	vmmov vm9;
	_ =	sdelay $0x1  }
0x391: {  	[tilespmem:v3+s15+$0x0] =	vst.idx.msk vm0, v11  }
0x392: {  	[tilespmem:v4+s15+$0x0] =	vst.idx.msk vm1, v12  }
0x393: {  	v3 =	vld.idx.msk [tilespmem:v10+s1+$0x0], vm8;
	[tilespmem:v2+s15+$0x0] =	vst.idx.msk vm2, v9  }
0x394: {  	[tilespmem:v21+s15+$0x0] =	vst.idx.msk vm3, v13;
	v4 =	vld.idx.msk [tilespmem:v6+s1+$0x0], vm10  }
0x395: {  	[tilespmem:v15+s15+$0x0] =	vst.idx.msk vm4, v14;
	v5 =	vld.idx.msk [tilespmem:v5+s1+$0x0], vm9  }
0x396: {  	[tilespmem:v19+s15+$0x0] =	vst.idx.msk vm5, v18;
	v6 =	vld.idx.msk [tilespmem:v7+s1+$0x0], vm7  }
0x397: {  	[tilespmem:v16+s15+$0x0] =	vst.idx.msk vm6, v20  }
0x398: {  	[tilespmem:v8+s15+$0x0] =	vst.idx.msk vm8, v3  }
0x399: {  	[tilespmem:v22+s15+$0x0] =	vst.idx.msk vm10, v4  }
0x39a: {  	[tilespmem:v23+s15+$0x0] =	vst.idx.msk vm9, v5  }
0x39b: {  	[tilespmem:v17+s15+$0x0] =	vst.idx.msk vm7, v6  }
0x39c: {  	_ =	swait.ge [sflag:s16], $0x4E20  }
0x39d: {  	s20 =	simm.s32 $0x0;
	[sflag:s16] =	ssyncset.done $0x0  }
0x39e: {  	s25 =	simm.s32 $0x11C80;
	s21 =	rddreg [dreg:$0x13];
	[sflag:s16] =	ssyncadd.s32 $0xFFFFB1E0  }
0x39f: {  	[tilespmem:s20], [sflag:$0x1] =	stream.linear.gather [hbm4b:s21+s20], $0x4E20, $0x38;
	[tilespmem:$0x1DC40] =	vst v63  }
0x3a0: {  	v2 =	vld [tilespmem:s25+$0x30]  }
0x3a1: {  	v3 =	vld [tilespmem:s25+$0xFFFFFFD0]  }
0x3a2: {  	v4 =	vld [tilespmem:s25+$0xFFFFFFE0]  }
0x3a3: {  	v5 =	vld [tilespmem:s25+$0xFFFFFFF0];
	_ =	sdelay $0x1  }
0x3a4: {  	v2 =	vadd.s32 $0xFFFF15A0, v2  }
0x3a5: {  	v3 =	vadd.s32 $0xFFFF15A0, v3;
	vm2 =	vlt.u32 v2, $0x4E20  }
0x3a6: {  	v4 =	vadd.s32 $0xFFFF15A0, v4;
	vm9 =	vlt.u32 v3, $0x4E20  }
0x3a7: {  	vm0 =	vmmov vm7;
	v6 =	vld [tilespmem:s25+$0x0];
	v5 =	vadd.s32 $0xFFFF15A0, v5;
	vm7 =	vlt.u32 v4, $0x4E20  }
0x3a8: {  	v7 =	vld [tilespmem:s25+$0x10];
	vm11 =	vlt.u32 v5, $0x4E20  }
0x3a9: {  	v8 =	vld [tilespmem:s25+$0x20]  }
0x3aa: {  	v9 =	vld [tilespmem:s25+$0xFFFFFFC0]  }
0x3ab: {  	v10 =	vld.idx.msk [tilespmem:v2+s14+$0x0], vm2  }
0x3ac: {  	v13 =	vld.idx.msk [tilespmem:v3+s14+$0x0], vm9  }
0x3ad: {  	v14 =	vld.idx.msk [tilespmem:v4+s14+$0x0], vm7  }
0x3ae: {  	s28 =	simm.s32 $0x11D00;
	v15 =	vld.idx.msk [tilespmem:v5+s14+$0x0], vm11  }
0x3af: {  	v3 =	vld [tilespmem:s28+$0x30]  }
0x3b0: {  	v24 =	vor.u32 s20, v0;
	v8 =	vadd.s32 $0xFFFF15A0, v8;
	v2 =	vadd.s32 $0xFFFF15A0, v9;
	v4 =	vld [tilespmem:s28+$0xFFFFFFD0]  }
0x3b1: {  	vm12 =	vlt.u32 v8, $0x4E20;
	v5 =	vadd.s32 $0xFFFF15A0, v6;
	v6 =	vld [tilespmem:s28+$0xFFFFFFE0];
	vm0 =	vlt.u32 v2, $0x4E20  }
0x3b2: {  	s24 =	simm.s32 $0x70;
	v7 =	vadd.s32 $0xFFFF15A0, v7;
	v9 =	vld [tilespmem:s28+$0xFFFFFFF0];
	vm1 =	vlt.u32 v5, $0x4E20;
	vm8 =	vmmov vm0  }
0x3b3: {  	s29 =	simm.s32 $0x10;
	v17 =	vor.u32 s24, v0;
	v12 =	vld [tilespmem:s28+$0x0];
	vm3 =	vlt.u32 v7, $0x4E20;
	vm0 =	vmmov vm1  }
0x3b4: {  	s30 =	simm.s32 $0x30;
	v16 =	vor.u32 s29, v0;
	v25 =	vld [tilespmem:s28+$0xFFFFFFC0];
	vm1 =	vmmov vm3;
	v19 =	vadd.s32 $0xFFFF15A0, v3  }
0x3b5: {  	v23 =	vor.u32 s30, v0;
	s25 =	simm.s32 $0x20;
	v18 =	vld [tilespmem:s28+$0x10];
	v21 =	vadd.s32 $0xFFFF15A0, v4;
	vm3 =	vlt.u32 v19, $0x4E20  }
0x3b6: {  	s31 =	simm.s32 $0x40;
	v22 =	vld [tilespmem:s28+$0x20];
	v20 =	vor.u32 s25, v0;
	v26 =	vadd.s32 $0xFFFF15A0, v6;
	vm4 =	vlt.u32 v21, $0x4E20  }
0x3b7: {  	s25 =	simm.s32 $0x50;
	v3 =	vor.u32 s31, v0;
	v27 =	vadd.s32 $0xFFFF15A0, v9;
	v9 =	vld.idx.msk [tilespmem:v8+s14+$0x0], vm12;
	vm5 =	vlt.u32 v26, $0x4E20  }
0x3b8: {  	s20 =	simm.s32 $0x80;
	v4 =	vor.u32 s25, v0;
	[tilespmem:v17+s15+$0x0] =	vst.idx.msk vm2, v10;
	vm2 =	vmmov vm12;
	vm6 =	vlt.u32 v27, $0x4E20;
	v28 =	vld.idx.msk [tilespmem:v2+s14+$0x0], vm8  }
0x3b9: {  	s29 =	simm.s32 $0x90;
	v6 =	vadd.s32 $0xFFFF15A0, v12;
	v10 =	vadd.s32 $0xFFFF15A0, v25;
	v8 =	vor.u32 s20, v0;
	v11 =	vld.idx.msk [tilespmem:v5+s14+$0x0], vm0  }
0x3ba: {  	s28 =	simm.s32 $0x60;
	[tilespmem:v23+s15+$0x0] =	vst.idx.msk vm11, v15;
	v15 =	vor.u32 s29, v0;
	s29 =	simm.s32 $0xB0;
	vm10 =	vlt.u32 v6, $0x4E20;
	vm11 =	vlt.u32 v10, $0x4E20;
	v12 =	vld.idx.msk [tilespmem:v7+s14+$0x0], vm1  }
0x3bb: {  	s30 =	simm.s32 $0xF0;
	[tilespmem:v16+s15+$0x0] =	vst.idx.msk vm9, v13;
	v16 =	vor.u32 s29, v0;
	v2 =	vor.u32 s28, v0;
	v5 =	vadd.s32 $0xFFFF15A0, v18;
	v13 =	vld.idx.msk [tilespmem:v19+s14+$0x0], vm3  }
0x3bc: {  	[tilespmem:v20+s15+$0x0] =	vst.idx.msk vm7, v14;
	s31 =	simm.s32 $0xA0;
	v7 =	vadd.s32 $0xFFFF15A0, v22;
	s28 =	simm.s32 $0xC0;
	vm9 =	vlt.u32 v5, $0x4E20;
	v14 =	vld.idx.msk [tilespmem:v21+s14+$0x0], vm4;
	v21 =	vor.u32 s30, v0  }
0x3bd: {  	vm7 =	vlt.u32 v7, $0x4E20;
	v22 =	vor.u32 s28, v0;
	s30 =	simm.s32 $0xD0;
	v18 =	vld.idx.msk [tilespmem:v26+s14+$0x0], vm5;
	v19 =	vor.u32 s31, v0;
	s31 =	simm.s32 $0xE0  }
0x3be: {  	s24 =	simm.s32 $0x11D80;
	s21 =	simm.s32 $0x8;
	v20 =	vld.idx.msk [tilespmem:v27+s14+$0x0], vm6;
	v23 =	vor.u32 s30, v0;
	v17 =	vor.u32 s31, v0;
	[tilespmem:v24+s15+$0x0] =	vst.idx.msk vm8, v28;
	vm8 =	vmmov vm11  }
.LBB2_30:
0x3bf: {  	v24 =	vld [tilespmem:s24+$0x30];
	s21 =	sadd.s32 $0x8, s21;
	[tilespmem:v3+s15+$0x0] =	vst.idx.msk vm0, v11;
	v3 =	vmov v22;
	vm0 =	vmmov vm10  }
0x3c0: {  	v11 =	vld [tilespmem:s24+$0xFFFFFFD0];
	p0 =	slt.u32 s21, $0x3F8;
	[tilespmem:v4+s15+$0x0] =	vst.idx.msk vm1, v12;
	v4 =	vmov v23;
	vm1 =	vmmov vm9  }
0x3c1: {  	v12 =	vld [tilespmem:s24+$0xFFFFFFE0];
	[tilespmem:v21+s15+$0x0] =	vst.idx.msk vm3, v13  }
0x3c2: {  	v13 =	vld [tilespmem:s24+$0xFFFFFFF0];
	[tilespmem:v15+s15+$0x0] =	vst.idx.msk vm4, v14  }
0x3c3: {  	v14 =	vld [tilespmem:s24+$0x0];
	[tilespmem:v19+s15+$0x0] =	vst.idx.msk vm5, v18  }
0x3c4: {  	v15 =	vld [tilespmem:s24+$0x10];
	v18 =	vadd.s32 $0xFFFF15A0, v24;
	[tilespmem:v16+s15+$0x0] =	vst.idx.msk vm6, v20  }
0x3c5: {  	v16 =	vadd.s32 $0xFFFF15A0, v11;
	v19 =	vld [tilespmem:s24+$0x20];
	vm3 =	vlt.u32 v18, $0x4E20;
	[tilespmem:v2+s15+$0x0] =	vst.idx.msk vm2, v9;
	v2 =	vmovc v17;
	vm2 =	vmmov vm7  }
0x3c6: {  	v17 =	vld [tilespmem:s24+$0xFFFFFFC0];
	vm4 =	vlt.u32 v16, $0x4E20;
	v20 =	vadd.s32 $0xFFFF15A0, v12  }
0x3c7: {  	vm5 =	vlt.u32 v20, $0x4E20;
	v23 =	vadd.s32 $0xFFFF15A0, v13;
	v24 =	vld.idx.msk [tilespmem:v10+s14+$0x0], vm8  }
0x3c8: {  	vm6 =	vlt.u32 v23, $0x4E20;
	v11 =	vld.idx.msk [tilespmem:v6+s14+$0x0], vm10;
	v6 =	vadd.s32 $0xFFFF15A0, v14  }
0x3c9: {  	vm10 =	vlt.u32 v6, $0x4E20;
	v12 =	vld.idx.msk [tilespmem:v5+s14+$0x0], vm9;
	v5 =	vadd.s32 $0xFFFF15A0, v15  }
.Ltmp14:
0x3ca: {  	s20 =	sadd.s32 $0x80, s20;
	vm9 =	vlt.u32 v5, $0x4E20;
	v9 =	vld.idx.msk [tilespmem:v7+s14+$0x0], vm7;
	v7 =	vadd.s32 $0xFFFF15A0, v19;
	(pc) =	sbr.rel @p0 .LBB2_30-.Ltmp14, $4  }
0x3cb: {  	v25 =	vor.u32 s20, v0;
	s25 =	sadd.s32 $0x10, s20;
	s28 =	sadd.s32 $0x20, s20;
	s29 =	sadd.s32 $0x70, s20;
	v10 =	vadd.s32 $0xFFFF15A0, v17;
	vm7 =	vlt.u32 v7, $0x4E20;
	v13 =	vld.idx.msk [tilespmem:v18+s14+$0x0], vm3  }
0x3cc: {  	s30 =	sadd.s32 $0x40, s20;
	s31 =	sadd.s32 $0x50, s20;
	v21 =	vor.u32 s29, v0;
	v15 =	vor.u32 s25, v0;
	s25 =	sadd.s32 $0x30, s20;
	vm11 =	vlt.u32 v10, $0x4E20;
	v14 =	vld.idx.msk [tilespmem:v16+s14+$0x0], vm4  }
0x3cd: {  	v22 =	vor.u32 s30, v0;
	v19 =	vor.u32 s28, v0;
	v16 =	vor.u32 s25, v0;
	s25 =	sadd.s32 $0x60, s20;
	v18 =	vld.idx.msk [tilespmem:v20+s14+$0x0], vm5  }
0x3ce: {  	s24 =	sadd.s32 $0x80, s24;
	v17 =	vor.u32 s25, v0;
	v20 =	vld.idx.msk [tilespmem:v23+s14+$0x0], vm6;
	v23 =	vor.u32 s31, v0;
	[tilespmem:v8+s15+$0x0] =	vst.idx.msk vm8, v24;
	v8 =	vmovc v25;
	vm8 =	vmmov vm11  }
0x3cf: {  	_ =	sdelay $0x1  }
0x3d0: {  	vm10 =	vmmov vm10  }
0x3d1: {  	vm9 =	vmmov vm9;
	_ =	sdelay $0x1  }
0x3d2: {  	[tilespmem:v3+s15+$0x0] =	vst.idx.msk vm0, v11  }
0x3d3: {  	[tilespmem:v4+s15+$0x0] =	vst.idx.msk vm1, v12  }
0x3d4: {  	v3 =	vld.idx.msk [tilespmem:v10+s14+$0x0], vm8;
	[tilespmem:v2+s15+$0x0] =	vst.idx.msk vm2, v9  }
0x3d5: {  	[tilespmem:v21+s15+$0x0] =	vst.idx.msk vm3, v13;
	v4 =	vld.idx.msk [tilespmem:v6+s14+$0x0], vm10  }
0x3d6: {  	[tilespmem:v15+s15+$0x0] =	vst.idx.msk vm4, v14;
	v5 =	vld.idx.msk [tilespmem:v5+s14+$0x0], vm9  }
0x3d7: {  	[tilespmem:v19+s15+$0x0] =	vst.idx.msk vm5, v18;
	v6 =	vld.idx.msk [tilespmem:v7+s14+$0x0], vm7  }
0x3d8: {  	[tilespmem:v16+s15+$0x0] =	vst.idx.msk vm6, v20  }
0x3d9: {  	[tilespmem:v8+s15+$0x0] =	vst.idx.msk vm8, v3  }
0x3da: {  	[tilespmem:v22+s15+$0x0] =	vst.idx.msk vm10, v4  }
0x3db: {  	[tilespmem:v23+s15+$0x0] =	vst.idx.msk vm9, v5  }
0x3dc: {  	[tilespmem:v17+s15+$0x0] =	vst.idx.msk vm7, v6  }
0x3dd: {  	_ =	swait.ge [sflag:s13], $0x4E20  }
0x3de: {  	s20 =	simm.s32 $0x0;
	[sflag:s13] =	ssyncset.done $0x0  }
0x3df: {  	s25 =	simm.s32 $0x11C80;
	s21 =	rddreg [dreg:$0x14];
	[sflag:s13] =	ssyncadd.s32 $0xFFFFB1E0  }
0x3e0: {  	[tilespmem:s14], [sflag:$0x2] =	stream.linear.gather [hbm4b:s21+s20], $0x4E20, $0x38;
	[tilespmem:$0x1DC40] =	vst v63  }
0x3e1: {  	v2 =	vld [tilespmem:s25+$0x30]  }
0x3e2: {  	v3 =	vld [tilespmem:s25+$0xFFFFFFD0]  }
0x3e3: {  	v4 =	vld [tilespmem:s25+$0xFFFFFFE0]  }
0x3e4: {  	v5 =	vld [tilespmem:s25+$0xFFFFFFF0];
	_ =	sdelay $0x1  }
0x3e5: {  	v2 =	vadd.s32 $0xFFFEC780, v2  }
0x3e6: {  	v3 =	vadd.s32 $0xFFFEC780, v3;
	vm2 =	vlt.u32 v2, $0x4E20  }
0x3e7: {  	v4 =	vadd.s32 $0xFFFEC780, v4;
	vm9 =	vlt.u32 v3, $0x4E20  }
0x3e8: {  	vm0 =	vmmov vm7;
	v6 =	vld [tilespmem:s25+$0x0];
	v5 =	vadd.s32 $0xFFFEC780, v5;
	vm7 =	vlt.u32 v4, $0x4E20  }
0x3e9: {  	v7 =	vld [tilespmem:s25+$0x10];
	vm11 =	vlt.u32 v5, $0x4E20  }
0x3ea: {  	v8 =	vld [tilespmem:s25+$0x20]  }
0x3eb: {  	v9 =	vld [tilespmem:s25+$0xFFFFFFC0]  }
0x3ec: {  	v10 =	vld.idx.msk [tilespmem:v2+s1+$0x0], vm2  }
0x3ed: {  	v13 =	vld.idx.msk [tilespmem:v3+s1+$0x0], vm9  }
0x3ee: {  	v14 =	vld.idx.msk [tilespmem:v4+s1+$0x0], vm7  }
0x3ef: {  	s28 =	simm.s32 $0x11D00;
	v15 =	vld.idx.msk [tilespmem:v5+s1+$0x0], vm11  }
0x3f0: {  	v3 =	vld [tilespmem:s28+$0x30]  }
0x3f1: {  	v24 =	vor.u32 s20, v0;
	v8 =	vadd.s32 $0xFFFEC780, v8;
	v2 =	vadd.s32 $0xFFFEC780, v9;
	v4 =	vld [tilespmem:s28+$0xFFFFFFD0]  }
0x3f2: {  	vm12 =	vlt.u32 v8, $0x4E20;
	v5 =	vadd.s32 $0xFFFEC780, v6;
	v6 =	vld [tilespmem:s28+$0xFFFFFFE0];
	vm0 =	vlt.u32 v2, $0x4E20  }
0x3f3: {  	s24 =	simm.s32 $0x70;
	v7 =	vadd.s32 $0xFFFEC780, v7;
	v9 =	vld [tilespmem:s28+$0xFFFFFFF0];
	vm1 =	vlt.u32 v5, $0x4E20;
	vm8 =	vmmov vm0  }
0x3f4: {  	s29 =	simm.s32 $0x10;
	v17 =	vor.u32 s24, v0;
	v12 =	vld [tilespmem:s28+$0x0];
	vm3 =	vlt.u32 v7, $0x4E20;
	vm0 =	vmmov vm1  }
0x3f5: {  	s30 =	simm.s32 $0x30;
	v16 =	vor.u32 s29, v0;
	v25 =	vld [tilespmem:s28+$0xFFFFFFC0];
	vm1 =	vmmov vm3;
	v19 =	vadd.s32 $0xFFFEC780, v3  }
0x3f6: {  	v23 =	vor.u32 s30, v0;
	s25 =	simm.s32 $0x20;
	v18 =	vld [tilespmem:s28+$0x10];
	v21 =	vadd.s32 $0xFFFEC780, v4;
	vm3 =	vlt.u32 v19, $0x4E20  }
0x3f7: {  	s31 =	simm.s32 $0x40;
	v22 =	vld [tilespmem:s28+$0x20];
	v20 =	vor.u32 s25, v0;
	v26 =	vadd.s32 $0xFFFEC780, v6;
	vm4 =	vlt.u32 v21, $0x4E20  }
0x3f8: {  	s25 =	simm.s32 $0x50;
	v3 =	vor.u32 s31, v0;
	v27 =	vadd.s32 $0xFFFEC780, v9;
	v9 =	vld.idx.msk [tilespmem:v8+s1+$0x0], vm12;
	vm5 =	vlt.u32 v26, $0x4E20  }
0x3f9: {  	s20 =	simm.s32 $0x80;
	v4 =	vor.u32 s25, v0;
	[tilespmem:v17+s15+$0x0] =	vst.idx.msk vm2, v10;
	vm2 =	vmmov vm12;
	vm6 =	vlt.u32 v27, $0x4E20;
	v28 =	vld.idx.msk [tilespmem:v2+s1+$0x0], vm8  }
0x3fa: {  	s29 =	simm.s32 $0x90;
	v6 =	vadd.s32 $0xFFFEC780, v12;
	v10 =	vadd.s32 $0xFFFEC780, v25;
	v8 =	vor.u32 s20, v0;
	v11 =	vld.idx.msk [tilespmem:v5+s1+$0x0], vm0  }
0x3fb: {  	s28 =	simm.s32 $0x60;
	[tilespmem:v23+s15+$0x0] =	vst.idx.msk vm11, v15;
	v15 =	vor.u32 s29, v0;
	s29 =	simm.s32 $0xB0;
	vm10 =	vlt.u32 v6, $0x4E20;
	vm11 =	vlt.u32 v10, $0x4E20;
	v12 =	vld.idx.msk [tilespmem:v7+s1+$0x0], vm1  }
0x3fc: {  	s30 =	simm.s32 $0xF0;
	[tilespmem:v16+s15+$0x0] =	vst.idx.msk vm9, v13;
	v16 =	vor.u32 s29, v0;
	v2 =	vor.u32 s28, v0;
	v5 =	vadd.s32 $0xFFFEC780, v18;
	v13 =	vld.idx.msk [tilespmem:v19+s1+$0x0], vm3  }
0x3fd: {  	[tilespmem:v20+s15+$0x0] =	vst.idx.msk vm7, v14;
	s31 =	simm.s32 $0xA0;
	v7 =	vadd.s32 $0xFFFEC780, v22;
	s28 =	simm.s32 $0xC0;
	vm9 =	vlt.u32 v5, $0x4E20;
	v14 =	vld.idx.msk [tilespmem:v21+s1+$0x0], vm4;
	v21 =	vor.u32 s30, v0  }
0x3fe: {  	vm7 =	vlt.u32 v7, $0x4E20;
	v22 =	vor.u32 s28, v0;
	s30 =	simm.s32 $0xD0;
	v18 =	vld.idx.msk [tilespmem:v26+s1+$0x0], vm5;
	v19 =	vor.u32 s31, v0;
	s31 =	simm.s32 $0xE0  }
0x3ff: {  	s24 =	simm.s32 $0x11D80;
	s21 =	simm.s32 $0x8;
	v20 =	vld.idx.msk [tilespmem:v27+s1+$0x0], vm6;
	v23 =	vor.u32 s30, v0;
	v17 =	vor.u32 s31, v0;
	[tilespmem:v24+s15+$0x0] =	vst.idx.msk vm8, v28;
	vm8 =	vmmov vm11  }
.LBB2_32:
0x400: {  	v24 =	vld [tilespmem:s24+$0x30];
	s21 =	sadd.s32 $0x8, s21;
	[tilespmem:v3+s15+$0x0] =	vst.idx.msk vm0, v11;
	v3 =	vmov v22;
	vm0 =	vmmov vm10  }
0x401: {  	v11 =	vld [tilespmem:s24+$0xFFFFFFD0];
	p0 =	slt.u32 s21, $0x3F8;
	[tilespmem:v4+s15+$0x0] =	vst.idx.msk vm1, v12;
	v4 =	vmov v23;
	vm1 =	vmmov vm9  }
0x402: {  	v12 =	vld [tilespmem:s24+$0xFFFFFFE0];
	[tilespmem:v21+s15+$0x0] =	vst.idx.msk vm3, v13  }
0x403: {  	v13 =	vld [tilespmem:s24+$0xFFFFFFF0];
	[tilespmem:v15+s15+$0x0] =	vst.idx.msk vm4, v14  }
0x404: {  	v14 =	vld [tilespmem:s24+$0x0];
	[tilespmem:v19+s15+$0x0] =	vst.idx.msk vm5, v18  }
0x405: {  	v15 =	vld [tilespmem:s24+$0x10];
	v18 =	vadd.s32 $0xFFFEC780, v24;
	[tilespmem:v16+s15+$0x0] =	vst.idx.msk vm6, v20  }
0x406: {  	v16 =	vadd.s32 $0xFFFEC780, v11;
	v19 =	vld [tilespmem:s24+$0x20];
	vm3 =	vlt.u32 v18, $0x4E20;
	[tilespmem:v2+s15+$0x0] =	vst.idx.msk vm2, v9;
	v2 =	vmovc v17;
	vm2 =	vmmov vm7  }
0x407: {  	v17 =	vld [tilespmem:s24+$0xFFFFFFC0];
	vm4 =	vlt.u32 v16, $0x4E20;
	v20 =	vadd.s32 $0xFFFEC780, v12  }
0x408: {  	vm5 =	vlt.u32 v20, $0x4E20;
	v23 =	vadd.s32 $0xFFFEC780, v13;
	v24 =	vld.idx.msk [tilespmem:v10+s1+$0x0], vm8  }
0x409: {  	vm6 =	vlt.u32 v23, $0x4E20;
	v11 =	vld.idx.msk [tilespmem:v6+s1+$0x0], vm10;
	v6 =	vadd.s32 $0xFFFEC780, v14  }
0x40a: {  	vm10 =	vlt.u32 v6, $0x4E20;
	v12 =	vld.idx.msk [tilespmem:v5+s1+$0x0], vm9;
	v5 =	vadd.s32 $0xFFFEC780, v15  }
.Ltmp15:
0x40b: {  	s20 =	sadd.s32 $0x80, s20;
	vm9 =	vlt.u32 v5, $0x4E20;
	v9 =	vld.idx.msk [tilespmem:v7+s1+$0x0], vm7;
	v7 =	vadd.s32 $0xFFFEC780, v19;
	(pc) =	sbr.rel @p0 .LBB2_32-.Ltmp15, $4  }
0x40c: {  	v25 =	vor.u32 s20, v0;
	s25 =	sadd.s32 $0x10, s20;
	s28 =	sadd.s32 $0x20, s20;
	s29 =	sadd.s32 $0x70, s20;
	v10 =	vadd.s32 $0xFFFEC780, v17;
	vm7 =	vlt.u32 v7, $0x4E20;
	v13 =	vld.idx.msk [tilespmem:v18+s1+$0x0], vm3  }
0x40d: {  	s30 =	sadd.s32 $0x40, s20;
	s31 =	sadd.s32 $0x50, s20;
	v21 =	vor.u32 s29, v0;
	v15 =	vor.u32 s25, v0;
	s25 =	sadd.s32 $0x30, s20;
	vm11 =	vlt.u32 v10, $0x4E20;
	v14 =	vld.idx.msk [tilespmem:v16+s1+$0x0], vm4  }
0x40e: {  	v22 =	vor.u32 s30, v0;
	v19 =	vor.u32 s28, v0;
	v16 =	vor.u32 s25, v0;
	s25 =	sadd.s32 $0x60, s20;
	v18 =	vld.idx.msk [tilespmem:v20+s1+$0x0], vm5  }
0x40f: {  	s24 =	sadd.s32 $0x80, s24;
	v17 =	vor.u32 s25, v0;
	v20 =	vld.idx.msk [tilespmem:v23+s1+$0x0], vm6;
	v23 =	vor.u32 s31, v0;
	[tilespmem:v8+s15+$0x0] =	vst.idx.msk vm8, v24;
	v8 =	vmovc v25;
	vm8 =	vmmov vm11  }
0x410: {  	_ =	sdelay $0x1  }
0x411: {  	vm10 =	vmmov vm10  }
0x412: {  	vm9 =	vmmov vm9;
	_ =	sdelay $0x1  }
0x413: {  	[tilespmem:v3+s15+$0x0] =	vst.idx.msk vm0, v11  }
0x414: {  	[tilespmem:v4+s15+$0x0] =	vst.idx.msk vm1, v12  }
0x415: {  	v3 =	vld.idx.msk [tilespmem:v10+s1+$0x0], vm8;
	[tilespmem:v2+s15+$0x0] =	vst.idx.msk vm2, v9  }
0x416: {  	[tilespmem:v21+s15+$0x0] =	vst.idx.msk vm3, v13;
	v4 =	vld.idx.msk [tilespmem:v6+s1+$0x0], vm10  }
0x417: {  	[tilespmem:v15+s15+$0x0] =	vst.idx.msk vm4, v14;
	v5 =	vld.idx.msk [tilespmem:v5+s1+$0x0], vm9  }
0x418: {  	[tilespmem:v19+s15+$0x0] =	vst.idx.msk vm5, v18;
	v6 =	vld.idx.msk [tilespmem:v7+s1+$0x0], vm7  }
0x419: {  	[tilespmem:v16+s15+$0x0] =	vst.idx.msk vm6, v20  }
0x41a: {  	[tilespmem:v8+s15+$0x0] =	vst.idx.msk vm8, v3  }
0x41b: {  	[tilespmem:v22+s15+$0x0] =	vst.idx.msk vm10, v4  }
0x41c: {  	[tilespmem:v23+s15+$0x0] =	vst.idx.msk vm9, v5  }
0x41d: {  	[tilespmem:v17+s15+$0x0] =	vst.idx.msk vm7, v6  }
0x41e: {  	_ =	swait.ge [sflag:s16], $0x4E20  }
0x41f: {  	[sflag:s16] =	ssyncset.done $0x0  }
0x420: {  	s25 =	simm.s32 $0x15C80;
	s20 =	rddreg [dreg:$0x15];
	[sflag:s16] =	ssyncadd.s32 $0xFFFFB1E0  }
0x421: {  	[tilespmem:s1], [sflag:$0x1] =	stream.linear.gather [hbm4b:s20+s1], $0x4E20, $0x38;
	[tilespmem:$0x1DC40] =	vst v63  }
0x422: {  	v2 =	vld [tilespmem:s25+$0x30]  }
0x423: {  	v3 =	vld [tilespmem:s25+$0xFFFFFFC0]  }
0x424: {  	v4 =	vld [tilespmem:s25+$0xFFFFFFD0]  }
0x425: {  	v5 =	vld [tilespmem:s25+$0xFFFFFFE0]  }
0x426: {  	v6 =	vld [tilespmem:s25+$0xFFFFFFF0]  }
0x427: {  	v7 =	vld [tilespmem:s25+$0x0];
	vm12 =	vlt.u32 v2, $0x4E20  }
0x428: {  	v9 =	vld [tilespmem:s25+$0x20]  }
0x429: {  	s20 =	simm.s32 $0x9C80;
	v8 =	vld [tilespmem:s25+$0x10];
	vm13 =	vlt.u32 v3, $0x4E20  }
0x42a: {  	v10 =	vld [tilespmem:s20+$0x30];
	vm14 =	vlt.u32 v4, $0x4E20  }
0x42b: {  	v59 =	vld [tilespmem:s20+$0xFFFFFFF0];
	vm15 =	vlt.u32 v5, $0x4E20  }
0x42c: {  	v61 =	vld [tilespmem:s20+$0x0];
	vm3 =	vlt.u32 v6, $0x4E20  }
0x42d: {  	vm2 =	vlt.u32 v9, $0x4E20;
	v2 =	vld.idx.msk [tilespmem:v2+s14+$0x0], vm12  }
0x42e: {  	s21 =	simm.s32 $0x70;
	v63 =	vld [tilespmem:s20+$0x10]  }
0x42f: {  	v11 =	vor.u32 s21, v0;
	v3 =	vld.idx.msk [tilespmem:v3+s14+$0x0], vm13  }
0x430: {  	v4 =	vld.idx.msk [tilespmem:v4+s14+$0x0], vm14  }
0x431: {  	vm0 =	vmmov vm7;
	v57 =	vld.idx.msk [tilespmem:v5+s14+$0x0], vm15  }
0x432: {  	vm0 =	vlt.u32 v7, $0x4E20;
	v58 =	vld.idx.msk [tilespmem:v6+s14+$0x0], vm3;
	v2 =	vmul.f32 v10, v2  }
0x433: {  	vm1 =	vlt.u32 v8, $0x4E20;
	v5 =	vld.idx.msk [tilespmem:v9+s14+$0x0], vm2  }
0x434: {  	[tilespmem:v11+s11+$0x0] =	vst.idx.add.f32.msk vm12, v2  }
0x435: {  	v2 =	vld [tilespmem:s20+$0xFFFFFFC0]  }
0x436: {  	s24 =	simm.s32 $0x0;
	v6 =	vld [tilespmem:s20+$0xFFFFFFD0]  }
0x437: {  	s25 =	simm.s32 $0x10;
	v9 =	vor.u32 s24, v0;
	v10 =	vld [tilespmem:s20+$0xFFFFFFE0]  }
0x438: {  	s28 =	simm.s32 $0x20;
	v7 =	vld.idx.msk [tilespmem:v7+s14+$0x0], vm0;
	v11 =	vor.u32 s25, v0  }
0x439: {  	s29 =	simm.s32 $0x30;
	v60 =	vor.u32 s28, v0;
	v8 =	vld.idx.msk [tilespmem:v8+s14+$0x0], vm1  }
0x43a: {  	v62 =	vor.u32 s29, v0;
	v2 =	vmul.f32 v2, v3  }
0x43b: {  	v3 =	vmul.f32 v6, v4;
	v6 =	vld [tilespmem:s20+$0x20]  }
0x43c: {  	[tilespmem:v9+s11+$0x0] =	vst.idx.add.f32.msk vm13, v2;
	v9 =	vmul.f32 v10, v57  }
0x43d: {  	[tilespmem:v11+s11+$0x0] =	vst.idx.add.f32.msk vm14, v3;
	v10 =	vmul.f32 v59, v58  }
0x43e: {  	s30 =	simm.s32 $0x40;
	s31 =	simm.s32 $0x50;
	s28 =	simm.s32 $0x60;
	v7 =	vmul.f32 v61, v7;
	v8 =	vmul.f32 v63, v8;
	[tilespmem:v60+s11+$0x0] =	vst.idx.add.f32.msk vm15, v9  }
0x43f: {  	s24 =	simm.s32 $0x0;
	s25 =	simm.s32 $0x15D00;
	v4 =	vor.u32 s30, v0;
	v2 =	vor.u32 s31, v0;
	v3 =	vor.u32 s28, v0;
	[tilespmem:v62+s11+$0x0] =	vst.idx.add.f32.msk vm3, v10  }
.LBB2_34:
0x440: {  	v9 =	vld [tilespmem:s25+$0x30];
	s24 =	sadd.s32 $0x8, s24;
	v5 =	vmul.f32 v6, v5  }
0x441: {  	v6 =	vld [tilespmem:s25+$0xFFFFFFC0];
	p0 =	slt.u32 s24, $0x3F8  }
0x442: {  	v10 =	vld [tilespmem:s25+$0xFFFFFFD0]  }
0x443: {  	v11 =	vld [tilespmem:s25+$0xFFFFFFE0]  }
0x444: {  	v12 =	vld [tilespmem:s25+$0xFFFFFFF0]  }
0x445: {  	v13 =	vld [tilespmem:s25+$0x0];
	vm7 =	vlt.u32 v9, $0x4E20  }
0x446: {  	vm3 =	vlt.u32 v6, $0x4E20;
	v14 =	vld [tilespmem:s25+$0x10]  }
0x447: {  	vm4 =	vlt.u32 v10, $0x4E20;
	v15 =	vld [tilespmem:s25+$0x20]  }
0x448: {  	vm5 =	vlt.u32 v11, $0x4E20;
	[tilespmem:v4+s11+$0x0] =	vst.idx.add.f32.msk vm0, v7  }
0x449: {  	vm6 =	vlt.u32 v12, $0x4E20;
	[tilespmem:v2+s11+$0x0] =	vst.idx.add.f32.msk vm1, v8  }
0x44a: {  	vm0 =	vlt.u32 v13, $0x4E20;
	[tilespmem:v3+s11+$0x0] =	vst.idx.add.f32.msk vm2, v5  }
0x44b: {  	s20 =	sadd.s32 $0x80, s20;
	vm1 =	vlt.u32 v14, $0x4E20;
	v5 =	vld.idx.msk [tilespmem:v9+s14+$0x0], vm7  }
0x44c: {  	vm2 =	vlt.u32 v15, $0x4E20;
	v7 =	vld [tilespmem:s20+$0x30]  }
0x44d: {  	s21 =	sadd.s32 $0x80, s21;
	v6 =	vld.idx.msk [tilespmem:v6+s14+$0x0], vm3  }
0x44e: {  	s28 =	sadd.s32 $0xFFFFFFA0, s21;
	s29 =	sadd.s32 $0xFFFFFFB0, s21;
	s30 =	sadd.s32 $0xFFFFFFC0, s21;
	v9 =	vor.u32 s21, v0;
	v8 =	vld.idx.msk [tilespmem:v10+s14+$0x0], vm4  }
0x44f: {  	v16 =	vor.u32 s29, v0;
	v17 =	vor.u32 s30, v0;
	s29 =	sadd.s32 $0xFFFFFFE0, s21;
	s30 =	sadd.s32 $0xFFFFFFF0, s21;
	v10 =	vor.u32 s28, v0;
	s28 =	sadd.s32 $0xFFFFFFD0, s21;
	v11 =	vld.idx.msk [tilespmem:v11+s14+$0x0], vm5  }
0x450: {  	s31 =	sadd.s32 $0xFFFFFF90, s21;
	v2 =	vor.u32 s29, v0;
	v3 =	vor.u32 s30, v0;
	v4 =	vor.u32 s28, v0;
	v12 =	vld.idx.msk [tilespmem:v12+s14+$0x0], vm6  }
0x451: {  	v18 =	vor.u32 s31, v0;
	v13 =	vld.idx.msk [tilespmem:v13+s14+$0x0], vm0;
	v5 =	vmul.f32 v7, v5  }
0x452: {  	v14 =	vld.idx.msk [tilespmem:v14+s14+$0x0], vm1  }
0x453: {  	[tilespmem:v9+s11+$0x0] =	vst.idx.add.f32.msk vm7, v5  }
0x454: {  	v5 =	vld.idx.msk [tilespmem:v15+s14+$0x0], vm2  }
0x455: {  	v7 =	vld [tilespmem:s20+$0xFFFFFFC0]  }
0x456: {  	v9 =	vld [tilespmem:s20+$0xFFFFFFD0]  }
0x457: {  	v15 =	vld [tilespmem:s20+$0xFFFFFFE0]  }
0x458: {  	v19 =	vld [tilespmem:s20+$0xFFFFFFF0]  }
0x459: {  	v20 =	vld [tilespmem:s20+$0x0]  }
0x45a: {  	v7 =	vmul.f32 v7, v6;
	v21 =	vld [tilespmem:s20+$0x10]  }
.Ltmp16:
0x45b: {  	v8 =	vmul.f32 v9, v8;
	v6 =	vld [tilespmem:s20+$0x20];
	(pc) =	sbr.rel @p0 .LBB2_34-.Ltmp16, $4  }
0x45c: {  	[tilespmem:v18+s11+$0x0] =	vst.idx.add.f32.msk vm3, v7;
	v7 =	vmul.f32 v15, v11  }
0x45d: {  	[tilespmem:v10+s11+$0x0] =	vst.idx.add.f32.msk vm4, v8;
	v8 =	vmul.f32 v19, v12  }
0x45e: {  	[tilespmem:v16+s11+$0x0] =	vst.idx.add.f32.msk vm5, v7;
	v7 =	vmul.f32 v20, v13  }
0x45f: {  	s25 =	sadd.s32 $0x80, s25;
	[tilespmem:v17+s11+$0x0] =	vst.idx.add.f32.msk vm6, v8;
	v8 =	vmul.f32 v21, v14  }
0x460: {  	_ =	sdelay $0x4  }
0x461: {  	v5 =	vmul.f32 v6, v5;
	[tilespmem:v4+s11+$0x0] =	vst.idx.add.f32.msk vm0, v7  }
0x462: {  	[tilespmem:v2+s11+$0x0] =	vst.idx.add.f32.msk vm1, v8  }
0x463: {  	[tilespmem:v3+s11+$0x0] =	vst.idx.add.f32.msk vm2, v5  }
0x464: {  	_ =	swait.ge [sflag:s13], $0x4E20  }
0x465: {  	[sflag:s13] =	ssyncset.done $0x0  }
0x466: {  	s28 =	simm.s32 $0x15C80;
	s20 =	rddreg [dreg:$0x16];
	[sflag:s13] =	ssyncadd.s32 $0xFFFFB1E0  }
0x467: {  	[tilespmem:s14], [sflag:$0x2] =	stream.linear.gather [hbm4b:s20+s1], $0x4E20, $0x38;
	[tilespmem:$0x1DC40] =	vst v63  }
0x468: {  	v2 =	vld [tilespmem:s28+$0x30]  }
0x469: {  	v3 =	vld [tilespmem:s28+$0xFFFFFFC0]  }
0x46a: {  	v4 =	vld [tilespmem:s28+$0xFFFFFFD0]  }
0x46b: {  	v5 =	vld [tilespmem:s28+$0xFFFFFFE0]  }
0x46c: {  	v6 =	vld [tilespmem:s28+$0xFFFFFFF0]  }
0x46d: {  	v8 =	vld [tilespmem:s28+$0x10];
	v2 =	vadd.s32 $0xFFFFB1E0, v2  }
0x46e: {  	v7 =	vld [tilespmem:s28+$0x0];
	v3 =	vadd.s32 $0xFFFFB1E0, v3;
	vm7 =	vlt.u32 v2, $0x4E20  }
0x46f: {  	s20 =	simm.s32 $0x9C80;
	v9 =	vld [tilespmem:s28+$0x20];
	v4 =	vadd.s32 $0xFFFFB1E0, v4;
	vm6 =	vlt.u32 v3, $0x4E20  }
0x470: {  	v10 =	vld [tilespmem:s20+$0x30];
	v5 =	vadd.s32 $0xFFFFB1E0, v5;
	vm5 =	vlt.u32 v4, $0x4E20  }
0x471: {  	v14 =	vld [tilespmem:s20+$0xFFFFFFE0];
	v6 =	vadd.s32 $0xFFFFB1E0, v6;
	vm4 =	vlt.u32 v5, $0x4E20  }
0x472: {  	v16 =	vld [tilespmem:s20+$0xFFFFFFF0];
	v8 =	vadd.s32 $0xFFFFB1E0, v8;
	vm0 =	vlt.u32 v6, $0x4E20  }
0x473: {  	v18 =	vld [tilespmem:s20+$0x0];
	vm2 =	vlt.u32 v8, $0x4E20  }
0x474: {  	v2 =	vld.idx.msk [tilespmem:v2+s1+$0x0], vm7  }
0x475: {  	s21 =	simm.s32 $0x70;
	v3 =	vld.idx.msk [tilespmem:v3+s1+$0x0], vm6  }
0x476: {  	v11 =	vor.u32 s21, v0;
	v7 =	vadd.s32 $0xFFFFB1E0, v7;
	v4 =	vld.idx.msk [tilespmem:v4+s1+$0x0], vm5  }
0x477: {  	v9 =	vadd.s32 $0xFFFFB1E0, v9;
	vm1 =	vlt.u32 v7, $0x4E20;
	v5 =	vld.idx.msk [tilespmem:v5+s1+$0x0], vm4  }
0x478: {  	vm3 =	vlt.u32 v9, $0x4E20;
	v12 =	vld.idx.msk [tilespmem:v6+s1+$0x0], vm0  }
0x479: {  	v6 =	vld.idx.msk [tilespmem:v8+s1+$0x0], vm2;
	v2 =	vmul.f32 v10, v2  }
0x47a: {  	v8 =	vld [tilespmem:s20+$0xFFFFFFD0]  }
0x47b: {  	s25 =	simm.s32 $0x10;
	[tilespmem:v11+s11+$0x0] =	vst.idx.add.f32.msk vm7, v2  }
0x47c: {  	s29 =	simm.s32 $0x20;
	v15 =	vor.u32 s25, v0;
	v2 =	vld [tilespmem:s20+$0xFFFFFFC0]  }
0x47d: {  	s24 =	simm.s32 $0x0;
	v17 =	vor.u32 s29, v0;
	v13 =	vld.idx.msk [tilespmem:v7+s1+$0x0], vm1  }
0x47e: {  	v7 =	vld.idx.msk [tilespmem:v9+s1+$0x0], vm3;
	v9 =	vor.u32 s24, v0  }
0x47f: {  	v8 =	vmul.f32 v8, v4;
	v11 =	vld [tilespmem:s20+$0x10]  }
0x480: {  	v10 =	vld [tilespmem:s20+$0x20];
	v14 =	vmul.f32 v14, v5  }
0x481: {  	s31 =	simm.s32 $0x40;
	s28 =	simm.s32 $0x50;
	[tilespmem:v15+s11+$0x0] =	vst.idx.add.f32.msk vm5, v8;
	v2 =	vmul.f32 v2, v3  }
0x482: {  	s30 =	simm.s32 $0x30;
	s29 =	simm.s32 $0x60;
	v5 =	vor.u32 s31, v0;
	v4 =	vor.u32 s28, v0;
	[tilespmem:v17+s11+$0x0] =	vst.idx.add.f32.msk vm4, v14;
	v8 =	vmul.f32 v18, v13  }
0x483: {  	s25 =	simm.s32 $0x15D00;
	s24 =	simm.s32 $0x0;
	v3 =	vor.u32 s30, v0;
	[tilespmem:v9+s11+$0x0] =	vst.idx.add.f32.msk vm6, v2;
	v2 =	vor.u32 s29, v0;
	v9 =	vmul.f32 v16, v12  }
.LBB2_36:
0x484: {  	v12 =	vld [tilespmem:s25+$0x30];
	s24 =	sadd.s32 $0x8, s24;
	v6 =	vmul.f32 v11, v6  }
0x485: {  	v11 =	vld [tilespmem:s25+$0xFFFFFFC0];
	p0 =	slt.u32 s24, $0x3F8;
	v7 =	vmul.f32 v10, v7  }
0x486: {  	v10 =	vld [tilespmem:s25+$0xFFFFFFD0]  }
0x487: {  	v13 =	vld [tilespmem:s25+$0xFFFFFFE0]  }
0x488: {  	v14 =	vld [tilespmem:s25+$0xFFFFFFF0]  }
0x489: {  	v15 =	vld [tilespmem:s25+$0x0];
	v12 =	vadd.s32 $0xFFFFB1E0, v12  }
0x48a: {  	v11 =	vadd.s32 $0xFFFFB1E0, v11;
	v16 =	vld [tilespmem:s25+$0x10];
	vm7 =	vlt.u32 v12, $0x4E20  }
0x48b: {  	vm4 =	vlt.u32 v11, $0x4E20;
	v10 =	vadd.s32 $0xFFFFB1E0, v10;
	v17 =	vld [tilespmem:s25+$0x20]  }
0x48c: {  	vm5 =	vlt.u32 v10, $0x4E20;
	v13 =	vadd.s32 $0xFFFFB1E0, v13;
	[tilespmem:v3+s11+$0x0] =	vst.idx.add.f32.msk vm0, v9  }
0x48d: {  	vm6 =	vlt.u32 v13, $0x4E20;
	v9 =	vadd.s32 $0xFFFFB1E0, v14;
	[tilespmem:v5+s11+$0x0] =	vst.idx.add.f32.msk vm1, v8  }
0x48e: {  	vm0 =	vlt.u32 v9, $0x4E20;
	v8 =	vadd.s32 $0xFFFFB1E0, v15;
	[tilespmem:v4+s11+$0x0] =	vst.idx.add.f32.msk vm2, v6  }
0x48f: {  	vm1 =	vlt.u32 v8, $0x4E20;
	v6 =	vadd.s32 $0xFFFFB1E0, v16;
	[tilespmem:v2+s11+$0x0] =	vst.idx.add.f32.msk vm3, v7  }
0x490: {  	s20 =	sadd.s32 $0x80, s20;
	vm2 =	vlt.u32 v6, $0x4E20;
	v7 =	vadd.s32 $0xFFFFB1E0, v17;
	v12 =	vld.idx.msk [tilespmem:v12+s1+$0x0], vm7  }
0x491: {  	vm3 =	vlt.u32 v7, $0x4E20;
	v14 =	vld [tilespmem:s20+$0x30]  }
0x492: {  	s21 =	sadd.s32 $0x80, s21;
	v11 =	vld.idx.msk [tilespmem:v11+s1+$0x0], vm4  }
0x493: {  	s28 =	sadd.s32 $0xFFFFFFA0, s21;
	s29 =	sadd.s32 $0xFFFFFFB0, s21;
	s30 =	sadd.s32 $0xFFFFFFC0, s21;
	v15 =	vor.u32 s21, v0;
	v10 =	vld.idx.msk [tilespmem:v10+s1+$0x0], vm5  }
0x494: {  	v3 =	vor.u32 s30, v0;
	s30 =	sadd.s32 $0xFFFFFFF0, s21;
	v16 =	vor.u32 s28, v0;
	s28 =	sadd.s32 $0xFFFFFFD0, s21;
	v17 =	vor.u32 s29, v0;
	s29 =	sadd.s32 $0xFFFFFFE0, s21;
	v13 =	vld.idx.msk [tilespmem:v13+s1+$0x0], vm6  }
0x495: {  	s31 =	sadd.s32 $0xFFFFFF90, s21;
	v2 =	vor.u32 s30, v0;
	v5 =	vor.u32 s28, v0;
	v4 =	vor.u32 s29, v0;
	v9 =	vld.idx.msk [tilespmem:v9+s1+$0x0], vm0  }
0x496: {  	v18 =	vor.u32 s31, v0;
	v8 =	vld.idx.msk [tilespmem:v8+s1+$0x0], vm1;
	v12 =	vmul.f32 v14, v12  }
0x497: {  	v6 =	vld.idx.msk [tilespmem:v6+s1+$0x0], vm2  }
0x498: {  	[tilespmem:v15+s11+$0x0] =	vst.idx.add.f32.msk vm7, v12  }
0x499: {  	v7 =	vld.idx.msk [tilespmem:v7+s1+$0x0], vm3  }
0x49a: {  	v12 =	vld [tilespmem:s20+$0xFFFFFFC0]  }
0x49b: {  	v14 =	vld [tilespmem:s20+$0xFFFFFFD0]  }
0x49c: {  	v15 =	vld [tilespmem:s20+$0xFFFFFFE0]  }
0x49d: {  	v19 =	vld [tilespmem:s20+$0xFFFFFFF0]  }
0x49e: {  	v20 =	vld [tilespmem:s20+$0x0]  }
.Ltmp17:
0x49f: {  	v12 =	vmul.f32 v12, v11;
	v11 =	vld [tilespmem:s20+$0x10];
	(pc) =	sbr.rel @p0 .LBB2_36-.Ltmp17, $4  }
0x4a0: {  	v14 =	vmul.f32 v14, v10;
	v10 =	vld [tilespmem:s20+$0x20]  }
0x4a1: {  	[tilespmem:v18+s11+$0x0] =	vst.idx.add.f32.msk vm4, v12;
	v12 =	vmul.f32 v15, v13  }
0x4a2: {  	[tilespmem:v16+s11+$0x0] =	vst.idx.add.f32.msk vm5, v14;
	v9 =	vmul.f32 v19, v9  }
0x4a3: {  	s25 =	sadd.s32 $0x80, s25;
	[tilespmem:v17+s11+$0x0] =	vst.idx.add.f32.msk vm6, v12;
	v8 =	vmul.f32 v20, v8  }
0x4a4: {  	_ =	sdelay $0x4  }
0x4a5: {  	v6 =	vmul.f32 v11, v6;
	[tilespmem:v3+s11+$0x0] =	vst.idx.add.f32.msk vm0, v9  }
0x4a6: {  	v3 =	vmul.f32 v10, v7;
	[tilespmem:v5+s11+$0x0] =	vst.idx.add.f32.msk vm1, v8  }
0x4a7: {  	[tilespmem:v4+s11+$0x0] =	vst.idx.add.f32.msk vm2, v6  }
0x4a8: {  	[tilespmem:v2+s11+$0x0] =	vst.idx.add.f32.msk vm3, v3  }
0x4a9: {  	_ =	swait.ge [sflag:s16], $0x4E20  }
0x4aa: {  	[sflag:s16] =	ssyncset.done $0x0  }
0x4ab: {  	s28 =	simm.s32 $0x15C80;
	s20 =	rddreg [dreg:$0x17];
	[sflag:s16] =	ssyncadd.s32 $0xFFFFB1E0  }
0x4ac: {  	[tilespmem:s1], [sflag:$0x1] =	stream.linear.gather [hbm4b:s20+s1], $0x4E20, $0x38;
	[tilespmem:$0x1DC40] =	vst v63  }
0x4ad: {  	v2 =	vld [tilespmem:s28+$0x30]  }
0x4ae: {  	v3 =	vld [tilespmem:s28+$0xFFFFFFC0]  }
0x4af: {  	v4 =	vld [tilespmem:s28+$0xFFFFFFD0]  }
0x4b0: {  	v5 =	vld [tilespmem:s28+$0xFFFFFFE0]  }
0x4b1: {  	v6 =	vld [tilespmem:s28+$0xFFFFFFF0]  }
0x4b2: {  	v8 =	vld [tilespmem:s28+$0x10];
	v2 =	vadd.s32 $0xFFFF63C0, v2  }
0x4b3: {  	v7 =	vld [tilespmem:s28+$0x0];
	v3 =	vadd.s32 $0xFFFF63C0, v3;
	vm7 =	vlt.u32 v2, $0x4E20  }
0x4b4: {  	s20 =	simm.s32 $0x9C80;
	v9 =	vld [tilespmem:s28+$0x20];
	v4 =	vadd.s32 $0xFFFF63C0, v4;
	vm6 =	vlt.u32 v3, $0x4E20  }
0x4b5: {  	v10 =	vld [tilespmem:s20+$0x30];
	v5 =	vadd.s32 $0xFFFF63C0, v5;
	vm5 =	vlt.u32 v4, $0x4E20  }
0x4b6: {  	v14 =	vld [tilespmem:s20+$0xFFFFFFE0];
	v6 =	vadd.s32 $0xFFFF63C0, v6;
	vm4 =	vlt.u32 v5, $0x4E20  }
0x4b7: {  	v16 =	vld [tilespmem:s20+$0xFFFFFFF0];
	v8 =	vadd.s32 $0xFFFF63C0, v8;
	vm0 =	vlt.u32 v6, $0x4E20  }
0x4b8: {  	v18 =	vld [tilespmem:s20+$0x0];
	vm2 =	vlt.u32 v8, $0x4E20  }
0x4b9: {  	v2 =	vld.idx.msk [tilespmem:v2+s14+$0x0], vm7  }
0x4ba: {  	s21 =	simm.s32 $0x70;
	v3 =	vld.idx.msk [tilespmem:v3+s14+$0x0], vm6  }
0x4bb: {  	v11 =	vor.u32 s21, v0;
	v7 =	vadd.s32 $0xFFFF63C0, v7;
	v4 =	vld.idx.msk [tilespmem:v4+s14+$0x0], vm5  }
0x4bc: {  	v9 =	vadd.s32 $0xFFFF63C0, v9;
	vm1 =	vlt.u32 v7, $0x4E20;
	v5 =	vld.idx.msk [tilespmem:v5+s14+$0x0], vm4  }
0x4bd: {  	vm3 =	vlt.u32 v9, $0x4E20;
	v12 =	vld.idx.msk [tilespmem:v6+s14+$0x0], vm0  }
0x4be: {  	v6 =	vld.idx.msk [tilespmem:v8+s14+$0x0], vm2;
	v2 =	vmul.f32 v10, v2  }
0x4bf: {  	v8 =	vld [tilespmem:s20+$0xFFFFFFD0]  }
0x4c0: {  	s25 =	simm.s32 $0x10;
	[tilespmem:v11+s11+$0x0] =	vst.idx.add.f32.msk vm7, v2  }
0x4c1: {  	s29 =	simm.s32 $0x20;
	v15 =	vor.u32 s25, v0;
	v2 =	vld [tilespmem:s20+$0xFFFFFFC0]  }
0x4c2: {  	s24 =	simm.s32 $0x0;
	v17 =	vor.u32 s29, v0;
	v13 =	vld.idx.msk [tilespmem:v7+s14+$0x0], vm1  }
0x4c3: {  	v7 =	vld.idx.msk [tilespmem:v9+s14+$0x0], vm3;
	v9 =	vor.u32 s24, v0  }
0x4c4: {  	v8 =	vmul.f32 v8, v4;
	v11 =	vld [tilespmem:s20+$0x10]  }
0x4c5: {  	v10 =	vld [tilespmem:s20+$0x20];
	v14 =	vmul.f32 v14, v5  }
0x4c6: {  	s31 =	simm.s32 $0x40;
	s28 =	simm.s32 $0x50;
	[tilespmem:v15+s11+$0x0] =	vst.idx.add.f32.msk vm5, v8;
	v2 =	vmul.f32 v2, v3  }
0x4c7: {  	s30 =	simm.s32 $0x30;
	s29 =	simm.s32 $0x60;
	v5 =	vor.u32 s31, v0;
	v4 =	vor.u32 s28, v0;
	[tilespmem:v17+s11+$0x0] =	vst.idx.add.f32.msk vm4, v14;
	v8 =	vmul.f32 v18, v13  }
0x4c8: {  	s25 =	simm.s32 $0x15D00;
	s24 =	simm.s32 $0x0;
	v3 =	vor.u32 s30, v0;
	[tilespmem:v9+s11+$0x0] =	vst.idx.add.f32.msk vm6, v2;
	v2 =	vor.u32 s29, v0;
	v9 =	vmul.f32 v16, v12  }
.LBB2_38:
0x4c9: {  	v12 =	vld [tilespmem:s25+$0x30];
	s24 =	sadd.s32 $0x8, s24;
	v6 =	vmul.f32 v11, v6  }
0x4ca: {  	v11 =	vld [tilespmem:s25+$0xFFFFFFC0];
	p0 =	slt.u32 s24, $0x3F8;
	v7 =	vmul.f32 v10, v7  }
0x4cb: {  	v10 =	vld [tilespmem:s25+$0xFFFFFFD0]  }
0x4cc: {  	v13 =	vld [tilespmem:s25+$0xFFFFFFE0]  }
0x4cd: {  	v14 =	vld [tilespmem:s25+$0xFFFFFFF0]  }
0x4ce: {  	v15 =	vld [tilespmem:s25+$0x0];
	v12 =	vadd.s32 $0xFFFF63C0, v12  }
0x4cf: {  	v11 =	vadd.s32 $0xFFFF63C0, v11;
	v16 =	vld [tilespmem:s25+$0x10];
	vm7 =	vlt.u32 v12, $0x4E20  }
0x4d0: {  	vm4 =	vlt.u32 v11, $0x4E20;
	v10 =	vadd.s32 $0xFFFF63C0, v10;
	v17 =	vld [tilespmem:s25+$0x20]  }
0x4d1: {  	vm5 =	vlt.u32 v10, $0x4E20;
	v13 =	vadd.s32 $0xFFFF63C0, v13;
	[tilespmem:v3+s11+$0x0] =	vst.idx.add.f32.msk vm0, v9  }
0x4d2: {  	vm6 =	vlt.u32 v13, $0x4E20;
	v9 =	vadd.s32 $0xFFFF63C0, v14;
	[tilespmem:v5+s11+$0x0] =	vst.idx.add.f32.msk vm1, v8  }
0x4d3: {  	vm0 =	vlt.u32 v9, $0x4E20;
	v8 =	vadd.s32 $0xFFFF63C0, v15;
	[tilespmem:v4+s11+$0x0] =	vst.idx.add.f32.msk vm2, v6  }
0x4d4: {  	vm1 =	vlt.u32 v8, $0x4E20;
	v6 =	vadd.s32 $0xFFFF63C0, v16;
	[tilespmem:v2+s11+$0x0] =	vst.idx.add.f32.msk vm3, v7  }
0x4d5: {  	s20 =	sadd.s32 $0x80, s20;
	vm2 =	vlt.u32 v6, $0x4E20;
	v7 =	vadd.s32 $0xFFFF63C0, v17;
	v12 =	vld.idx.msk [tilespmem:v12+s14+$0x0], vm7  }
0x4d6: {  	vm3 =	vlt.u32 v7, $0x4E20;
	v14 =	vld [tilespmem:s20+$0x30]  }
0x4d7: {  	s21 =	sadd.s32 $0x80, s21;
	v11 =	vld.idx.msk [tilespmem:v11+s14+$0x0], vm4  }
0x4d8: {  	s28 =	sadd.s32 $0xFFFFFFA0, s21;
	s29 =	sadd.s32 $0xFFFFFFB0, s21;
	s30 =	sadd.s32 $0xFFFFFFC0, s21;
	v15 =	vor.u32 s21, v0;
	v10 =	vld.idx.msk [tilespmem:v10+s14+$0x0], vm5  }
0x4d9: {  	v3 =	vor.u32 s30, v0;
	s30 =	sadd.s32 $0xFFFFFFF0, s21;
	v16 =	vor.u32 s28, v0;
	s28 =	sadd.s32 $0xFFFFFFD0, s21;
	v17 =	vor.u32 s29, v0;
	s29 =	sadd.s32 $0xFFFFFFE0, s21;
	v13 =	vld.idx.msk [tilespmem:v13+s14+$0x0], vm6  }
0x4da: {  	s31 =	sadd.s32 $0xFFFFFF90, s21;
	v2 =	vor.u32 s30, v0;
	v5 =	vor.u32 s28, v0;
	v4 =	vor.u32 s29, v0;
	v9 =	vld.idx.msk [tilespmem:v9+s14+$0x0], vm0  }
0x4db: {  	v18 =	vor.u32 s31, v0;
	v8 =	vld.idx.msk [tilespmem:v8+s14+$0x0], vm1;
	v12 =	vmul.f32 v14, v12  }
0x4dc: {  	v6 =	vld.idx.msk [tilespmem:v6+s14+$0x0], vm2  }
0x4dd: {  	[tilespmem:v15+s11+$0x0] =	vst.idx.add.f32.msk vm7, v12  }
0x4de: {  	v7 =	vld.idx.msk [tilespmem:v7+s14+$0x0], vm3  }
0x4df: {  	v12 =	vld [tilespmem:s20+$0xFFFFFFC0]  }
0x4e0: {  	v14 =	vld [tilespmem:s20+$0xFFFFFFD0]  }
0x4e1: {  	v15 =	vld [tilespmem:s20+$0xFFFFFFE0]  }
0x4e2: {  	v19 =	vld [tilespmem:s20+$0xFFFFFFF0]  }
0x4e3: {  	v20 =	vld [tilespmem:s20+$0x0]  }
.Ltmp18:
0x4e4: {  	v12 =	vmul.f32 v12, v11;
	v11 =	vld [tilespmem:s20+$0x10];
	(pc) =	sbr.rel @p0 .LBB2_38-.Ltmp18, $4  }
0x4e5: {  	v14 =	vmul.f32 v14, v10;
	v10 =	vld [tilespmem:s20+$0x20]  }
0x4e6: {  	[tilespmem:v18+s11+$0x0] =	vst.idx.add.f32.msk vm4, v12;
	v12 =	vmul.f32 v15, v13  }
0x4e7: {  	[tilespmem:v16+s11+$0x0] =	vst.idx.add.f32.msk vm5, v14;
	v9 =	vmul.f32 v19, v9  }
0x4e8: {  	s25 =	sadd.s32 $0x80, s25;
	[tilespmem:v17+s11+$0x0] =	vst.idx.add.f32.msk vm6, v12;
	v8 =	vmul.f32 v20, v8  }
0x4e9: {  	_ =	sdelay $0x4  }
0x4ea: {  	v6 =	vmul.f32 v11, v6;
	[tilespmem:v3+s11+$0x0] =	vst.idx.add.f32.msk vm0, v9  }
0x4eb: {  	v3 =	vmul.f32 v10, v7;
	[tilespmem:v5+s11+$0x0] =	vst.idx.add.f32.msk vm1, v8  }
0x4ec: {  	[tilespmem:v4+s11+$0x0] =	vst.idx.add.f32.msk vm2, v6  }
0x4ed: {  	[tilespmem:v2+s11+$0x0] =	vst.idx.add.f32.msk vm3, v3  }
0x4ee: {  	_ =	swait.ge [sflag:s13], $0x4E20  }
0x4ef: {  	[sflag:s13] =	ssyncset.done $0x0  }
0x4f0: {  	s28 =	simm.s32 $0x15C80;
	s20 =	rddreg [dreg:$0x18];
	[sflag:s13] =	ssyncadd.s32 $0xFFFFB1E0  }
0x4f1: {  	[tilespmem:s14], [sflag:$0x2] =	stream.linear.gather [hbm4b:s20+s1], $0x4E20, $0x38;
	[tilespmem:$0x1DC40] =	vst v63  }
0x4f2: {  	v2 =	vld [tilespmem:s28+$0x30]  }
0x4f3: {  	v3 =	vld [tilespmem:s28+$0xFFFFFFC0]  }
0x4f4: {  	v4 =	vld [tilespmem:s28+$0xFFFFFFD0]  }
0x4f5: {  	v5 =	vld [tilespmem:s28+$0xFFFFFFE0]  }
0x4f6: {  	v6 =	vld [tilespmem:s28+$0xFFFFFFF0]  }
0x4f7: {  	v8 =	vld [tilespmem:s28+$0x10];
	v2 =	vadd.s32 $0xFFFF15A0, v2  }
0x4f8: {  	v7 =	vld [tilespmem:s28+$0x0];
	v3 =	vadd.s32 $0xFFFF15A0, v3;
	vm7 =	vlt.u32 v2, $0x4E20  }
0x4f9: {  	s20 =	simm.s32 $0x9C80;
	v9 =	vld [tilespmem:s28+$0x20];
	v4 =	vadd.s32 $0xFFFF15A0, v4;
	vm6 =	vlt.u32 v3, $0x4E20  }
0x4fa: {  	v10 =	vld [tilespmem:s20+$0x30];
	v5 =	vadd.s32 $0xFFFF15A0, v5;
	vm5 =	vlt.u32 v4, $0x4E20  }
0x4fb: {  	v14 =	vld [tilespmem:s20+$0xFFFFFFE0];
	v6 =	vadd.s32 $0xFFFF15A0, v6;
	vm4 =	vlt.u32 v5, $0x4E20  }
0x4fc: {  	v16 =	vld [tilespmem:s20+$0xFFFFFFF0];
	v8 =	vadd.s32 $0xFFFF15A0, v8;
	vm0 =	vlt.u32 v6, $0x4E20  }
0x4fd: {  	v18 =	vld [tilespmem:s20+$0x0];
	vm2 =	vlt.u32 v8, $0x4E20  }
0x4fe: {  	v2 =	vld.idx.msk [tilespmem:v2+s1+$0x0], vm7  }
0x4ff: {  	s21 =	simm.s32 $0x70;
	v3 =	vld.idx.msk [tilespmem:v3+s1+$0x0], vm6  }
0x500: {  	v11 =	vor.u32 s21, v0;
	v7 =	vadd.s32 $0xFFFF15A0, v7;
	v4 =	vld.idx.msk [tilespmem:v4+s1+$0x0], vm5  }
0x501: {  	v9 =	vadd.s32 $0xFFFF15A0, v9;
	vm1 =	vlt.u32 v7, $0x4E20;
	v5 =	vld.idx.msk [tilespmem:v5+s1+$0x0], vm4  }
0x502: {  	vm3 =	vlt.u32 v9, $0x4E20;
	v12 =	vld.idx.msk [tilespmem:v6+s1+$0x0], vm0  }
0x503: {  	v6 =	vld.idx.msk [tilespmem:v8+s1+$0x0], vm2;
	v2 =	vmul.f32 v10, v2  }
0x504: {  	v8 =	vld [tilespmem:s20+$0xFFFFFFD0]  }
0x505: {  	s25 =	simm.s32 $0x10;
	[tilespmem:v11+s11+$0x0] =	vst.idx.add.f32.msk vm7, v2  }
0x506: {  	s29 =	simm.s32 $0x20;
	v15 =	vor.u32 s25, v0;
	v2 =	vld [tilespmem:s20+$0xFFFFFFC0]  }
0x507: {  	s24 =	simm.s32 $0x0;
	v17 =	vor.u32 s29, v0;
	v13 =	vld.idx.msk [tilespmem:v7+s1+$0x0], vm1  }
0x508: {  	v7 =	vld.idx.msk [tilespmem:v9+s1+$0x0], vm3;
	v9 =	vor.u32 s24, v0  }
0x509: {  	v8 =	vmul.f32 v8, v4;
	v11 =	vld [tilespmem:s20+$0x10]  }
0x50a: {  	v10 =	vld [tilespmem:s20+$0x20];
	v14 =	vmul.f32 v14, v5  }
0x50b: {  	s31 =	simm.s32 $0x40;
	s28 =	simm.s32 $0x50;
	[tilespmem:v15+s11+$0x0] =	vst.idx.add.f32.msk vm5, v8;
	v2 =	vmul.f32 v2, v3  }
0x50c: {  	s30 =	simm.s32 $0x30;
	s29 =	simm.s32 $0x60;
	v5 =	vor.u32 s31, v0;
	v4 =	vor.u32 s28, v0;
	[tilespmem:v17+s11+$0x0] =	vst.idx.add.f32.msk vm4, v14;
	v8 =	vmul.f32 v18, v13  }
0x50d: {  	s25 =	simm.s32 $0x15D00;
	s24 =	simm.s32 $0x0;
	v3 =	vor.u32 s30, v0;
	[tilespmem:v9+s11+$0x0] =	vst.idx.add.f32.msk vm6, v2;
	v2 =	vor.u32 s29, v0;
	v9 =	vmul.f32 v16, v12  }
.LBB2_40:
0x50e: {  	v12 =	vld [tilespmem:s25+$0x30];
	s24 =	sadd.s32 $0x8, s24;
	v6 =	vmul.f32 v11, v6  }
0x50f: {  	v11 =	vld [tilespmem:s25+$0xFFFFFFC0];
	p0 =	slt.u32 s24, $0x3F8;
	v7 =	vmul.f32 v10, v7  }
0x510: {  	v10 =	vld [tilespmem:s25+$0xFFFFFFD0]  }
0x511: {  	v13 =	vld [tilespmem:s25+$0xFFFFFFE0]  }
0x512: {  	v14 =	vld [tilespmem:s25+$0xFFFFFFF0]  }
0x513: {  	v15 =	vld [tilespmem:s25+$0x0];
	v12 =	vadd.s32 $0xFFFF15A0, v12  }
0x514: {  	v11 =	vadd.s32 $0xFFFF15A0, v11;
	v16 =	vld [tilespmem:s25+$0x10];
	vm7 =	vlt.u32 v12, $0x4E20  }
0x515: {  	vm4 =	vlt.u32 v11, $0x4E20;
	v10 =	vadd.s32 $0xFFFF15A0, v10;
	v17 =	vld [tilespmem:s25+$0x20]  }
0x516: {  	vm5 =	vlt.u32 v10, $0x4E20;
	v13 =	vadd.s32 $0xFFFF15A0, v13;
	[tilespmem:v3+s11+$0x0] =	vst.idx.add.f32.msk vm0, v9  }
0x517: {  	vm6 =	vlt.u32 v13, $0x4E20;
	v9 =	vadd.s32 $0xFFFF15A0, v14;
	[tilespmem:v5+s11+$0x0] =	vst.idx.add.f32.msk vm1, v8  }
0x518: {  	vm0 =	vlt.u32 v9, $0x4E20;
	v8 =	vadd.s32 $0xFFFF15A0, v15;
	[tilespmem:v4+s11+$0x0] =	vst.idx.add.f32.msk vm2, v6  }
0x519: {  	vm1 =	vlt.u32 v8, $0x4E20;
	v6 =	vadd.s32 $0xFFFF15A0, v16;
	[tilespmem:v2+s11+$0x0] =	vst.idx.add.f32.msk vm3, v7  }
0x51a: {  	s20 =	sadd.s32 $0x80, s20;
	vm2 =	vlt.u32 v6, $0x4E20;
	v7 =	vadd.s32 $0xFFFF15A0, v17;
	v12 =	vld.idx.msk [tilespmem:v12+s1+$0x0], vm7  }
0x51b: {  	vm3 =	vlt.u32 v7, $0x4E20;
	v14 =	vld [tilespmem:s20+$0x30]  }
0x51c: {  	s21 =	sadd.s32 $0x80, s21;
	v11 =	vld.idx.msk [tilespmem:v11+s1+$0x0], vm4  }
0x51d: {  	s28 =	sadd.s32 $0xFFFFFFA0, s21;
	s29 =	sadd.s32 $0xFFFFFFB0, s21;
	s30 =	sadd.s32 $0xFFFFFFC0, s21;
	v15 =	vor.u32 s21, v0;
	v10 =	vld.idx.msk [tilespmem:v10+s1+$0x0], vm5  }
0x51e: {  	v3 =	vor.u32 s30, v0;
	s30 =	sadd.s32 $0xFFFFFFF0, s21;
	v16 =	vor.u32 s28, v0;
	s28 =	sadd.s32 $0xFFFFFFD0, s21;
	v17 =	vor.u32 s29, v0;
	s29 =	sadd.s32 $0xFFFFFFE0, s21;
	v13 =	vld.idx.msk [tilespmem:v13+s1+$0x0], vm6  }
0x51f: {  	s31 =	sadd.s32 $0xFFFFFF90, s21;
	v2 =	vor.u32 s30, v0;
	v5 =	vor.u32 s28, v0;
	v4 =	vor.u32 s29, v0;
	v9 =	vld.idx.msk [tilespmem:v9+s1+$0x0], vm0  }
0x520: {  	v18 =	vor.u32 s31, v0;
	v8 =	vld.idx.msk [tilespmem:v8+s1+$0x0], vm1;
	v12 =	vmul.f32 v14, v12  }
0x521: {  	v6 =	vld.idx.msk [tilespmem:v6+s1+$0x0], vm2  }
0x522: {  	[tilespmem:v15+s11+$0x0] =	vst.idx.add.f32.msk vm7, v12  }
0x523: {  	v7 =	vld.idx.msk [tilespmem:v7+s1+$0x0], vm3  }
0x524: {  	v12 =	vld [tilespmem:s20+$0xFFFFFFC0]  }
0x525: {  	v14 =	vld [tilespmem:s20+$0xFFFFFFD0]  }
0x526: {  	v15 =	vld [tilespmem:s20+$0xFFFFFFE0]  }
0x527: {  	v19 =	vld [tilespmem:s20+$0xFFFFFFF0]  }
0x528: {  	v20 =	vld [tilespmem:s20+$0x0]  }
.Ltmp19:
0x529: {  	v12 =	vmul.f32 v12, v11;
	v11 =	vld [tilespmem:s20+$0x10];
	(pc) =	sbr.rel @p0 .LBB2_40-.Ltmp19, $4  }
0x52a: {  	v14 =	vmul.f32 v14, v10;
	v10 =	vld [tilespmem:s20+$0x20]  }
0x52b: {  	[tilespmem:v18+s11+$0x0] =	vst.idx.add.f32.msk vm4, v12;
	v12 =	vmul.f32 v15, v13  }
0x52c: {  	[tilespmem:v16+s11+$0x0] =	vst.idx.add.f32.msk vm5, v14;
	v9 =	vmul.f32 v19, v9  }
0x52d: {  	s25 =	sadd.s32 $0x80, s25;
	[tilespmem:v17+s11+$0x0] =	vst.idx.add.f32.msk vm6, v12;
	v8 =	vmul.f32 v20, v8  }
0x52e: {  	_ =	sdelay $0x4  }
0x52f: {  	v6 =	vmul.f32 v11, v6;
	[tilespmem:v3+s11+$0x0] =	vst.idx.add.f32.msk vm0, v9  }
0x530: {  	v3 =	vmul.f32 v10, v7;
	[tilespmem:v5+s11+$0x0] =	vst.idx.add.f32.msk vm1, v8  }
0x531: {  	[tilespmem:v4+s11+$0x0] =	vst.idx.add.f32.msk vm2, v6  }
0x532: {  	[tilespmem:v2+s11+$0x0] =	vst.idx.add.f32.msk vm3, v3  }
0x533: {  	_ =	swait.ge [sflag:s16], $0x4E20  }
0x534: {  	[sflag:s16] =	ssyncset.done $0x0  }
0x535: {  	s20 =	simm.s32 $0x15C80;
	[sflag:s16] =	ssyncadd.s32 $0xFFFFB1E0  }
0x536: {  	v2 =	vld [tilespmem:s20+$0x30]  }
0x537: {  	v3 =	vld [tilespmem:s20+$0xFFFFFFC0]  }
0x538: {  	v4 =	vld [tilespmem:s20+$0xFFFFFFD0]  }
0x539: {  	v5 =	vld [tilespmem:s20+$0xFFFFFFE0]  }
0x53a: {  	v6 =	vld [tilespmem:s20+$0xFFFFFFF0]  }
0x53b: {  	v8 =	vld [tilespmem:s20+$0x10];
	v2 =	vadd.s32 $0xFFFEC780, v2  }
0x53c: {  	v7 =	vld [tilespmem:s20+$0x0];
	v3 =	vadd.s32 $0xFFFEC780, v3;
	vm7 =	vlt.u32 v2, $0x4E20  }
0x53d: {  	v9 =	vld [tilespmem:s20+$0x20];
	s20 =	simm.s32 $0x9C80;
	v4 =	vadd.s32 $0xFFFEC780, v4;
	vm6 =	vlt.u32 v3, $0x4E20  }
0x53e: {  	v10 =	vld [tilespmem:s20+$0x30];
	v5 =	vadd.s32 $0xFFFEC780, v5;
	vm5 =	vlt.u32 v4, $0x4E20  }
0x53f: {  	v14 =	vld [tilespmem:s20+$0xFFFFFFE0];
	v6 =	vadd.s32 $0xFFFEC780, v6;
	vm4 =	vlt.u32 v5, $0x4E20  }
0x540: {  	v16 =	vld [tilespmem:s20+$0xFFFFFFF0];
	v8 =	vadd.s32 $0xFFFEC780, v8;
	vm0 =	vlt.u32 v6, $0x4E20  }
0x541: {  	v18 =	vld [tilespmem:s20+$0x0];
	vm2 =	vlt.u32 v8, $0x4E20  }
0x542: {  	v2 =	vld.idx.msk [tilespmem:v2+s14+$0x0], vm7  }
0x543: {  	s21 =	simm.s32 $0x70;
	v3 =	vld.idx.msk [tilespmem:v3+s14+$0x0], vm6  }
0x544: {  	v11 =	vor.u32 s21, v0;
	v7 =	vadd.s32 $0xFFFEC780, v7;
	v4 =	vld.idx.msk [tilespmem:v4+s14+$0x0], vm5  }
0x545: {  	v9 =	vadd.s32 $0xFFFEC780, v9;
	vm1 =	vlt.u32 v7, $0x4E20;
	v5 =	vld.idx.msk [tilespmem:v5+s14+$0x0], vm4  }
0x546: {  	vm3 =	vlt.u32 v9, $0x4E20;
	v12 =	vld.idx.msk [tilespmem:v6+s14+$0x0], vm0  }
0x547: {  	v6 =	vld.idx.msk [tilespmem:v8+s14+$0x0], vm2;
	v2 =	vmul.f32 v10, v2  }
0x548: {  	v8 =	vld [tilespmem:s20+$0xFFFFFFD0]  }
0x549: {  	s25 =	simm.s32 $0x10;
	[tilespmem:v11+s11+$0x0] =	vst.idx.add.f32.msk vm7, v2  }
0x54a: {  	s29 =	simm.s32 $0x20;
	v15 =	vor.u32 s25, v0;
	v2 =	vld [tilespmem:s20+$0xFFFFFFC0]  }
0x54b: {  	s24 =	simm.s32 $0x0;
	v17 =	vor.u32 s29, v0;
	v13 =	vld.idx.msk [tilespmem:v7+s14+$0x0], vm1  }
0x54c: {  	v7 =	vld.idx.msk [tilespmem:v9+s14+$0x0], vm3;
	v9 =	vor.u32 s24, v0  }
0x54d: {  	v8 =	vmul.f32 v8, v4;
	v11 =	vld [tilespmem:s20+$0x10]  }
0x54e: {  	v10 =	vld [tilespmem:s20+$0x20];
	v14 =	vmul.f32 v14, v5  }
0x54f: {  	s31 =	simm.s32 $0x40;
	s28 =	simm.s32 $0x50;
	[tilespmem:v15+s11+$0x0] =	vst.idx.add.f32.msk vm5, v8;
	v2 =	vmul.f32 v2, v3  }
0x550: {  	s30 =	simm.s32 $0x30;
	s29 =	simm.s32 $0x60;
	v5 =	vor.u32 s31, v0;
	v4 =	vor.u32 s28, v0;
	[tilespmem:v17+s11+$0x0] =	vst.idx.add.f32.msk vm4, v14;
	v8 =	vmul.f32 v18, v13  }
0x551: {  	s25 =	simm.s32 $0x15D00;
	s24 =	simm.s32 $0x0;
	v3 =	vor.u32 s30, v0;
	[tilespmem:v9+s11+$0x0] =	vst.idx.add.f32.msk vm6, v2;
	v2 =	vor.u32 s29, v0;
	v9 =	vmul.f32 v16, v12  }
.LBB2_42:
0x552: {  	v12 =	vld [tilespmem:s25+$0x30];
	s24 =	sadd.s32 $0x8, s24;
	v6 =	vmul.f32 v11, v6  }
0x553: {  	v11 =	vld [tilespmem:s25+$0xFFFFFFC0];
	p0 =	slt.u32 s24, $0x3F8;
	v7 =	vmul.f32 v10, v7  }
0x554: {  	v10 =	vld [tilespmem:s25+$0xFFFFFFD0]  }
0x555: {  	v13 =	vld [tilespmem:s25+$0xFFFFFFE0]  }
0x556: {  	v14 =	vld [tilespmem:s25+$0xFFFFFFF0]  }
0x557: {  	v15 =	vld [tilespmem:s25+$0x0];
	v12 =	vadd.s32 $0xFFFEC780, v12  }
0x558: {  	v11 =	vadd.s32 $0xFFFEC780, v11;
	v16 =	vld [tilespmem:s25+$0x10];
	vm7 =	vlt.u32 v12, $0x4E20  }
0x559: {  	vm4 =	vlt.u32 v11, $0x4E20;
	v10 =	vadd.s32 $0xFFFEC780, v10;
	v17 =	vld [tilespmem:s25+$0x20]  }
0x55a: {  	vm5 =	vlt.u32 v10, $0x4E20;
	v13 =	vadd.s32 $0xFFFEC780, v13;
	[tilespmem:v3+s11+$0x0] =	vst.idx.add.f32.msk vm0, v9  }
0x55b: {  	vm6 =	vlt.u32 v13, $0x4E20;
	v9 =	vadd.s32 $0xFFFEC780, v14;
	[tilespmem:v5+s11+$0x0] =	vst.idx.add.f32.msk vm1, v8  }
0x55c: {  	vm0 =	vlt.u32 v9, $0x4E20;
	v8 =	vadd.s32 $0xFFFEC780, v15;
	[tilespmem:v4+s11+$0x0] =	vst.idx.add.f32.msk vm2, v6  }
0x55d: {  	vm1 =	vlt.u32 v8, $0x4E20;
	v6 =	vadd.s32 $0xFFFEC780, v16;
	[tilespmem:v2+s11+$0x0] =	vst.idx.add.f32.msk vm3, v7  }
0x55e: {  	s20 =	sadd.s32 $0x80, s20;
	vm2 =	vlt.u32 v6, $0x4E20;
	v7 =	vadd.s32 $0xFFFEC780, v17;
	v12 =	vld.idx.msk [tilespmem:v12+s14+$0x0], vm7  }
0x55f: {  	vm3 =	vlt.u32 v7, $0x4E20;
	v14 =	vld [tilespmem:s20+$0x30]  }
0x560: {  	s21 =	sadd.s32 $0x80, s21;
	v11 =	vld.idx.msk [tilespmem:v11+s14+$0x0], vm4  }
0x561: {  	s28 =	sadd.s32 $0xFFFFFFA0, s21;
	s29 =	sadd.s32 $0xFFFFFFB0, s21;
	s30 =	sadd.s32 $0xFFFFFFC0, s21;
	v15 =	vor.u32 s21, v0;
	v10 =	vld.idx.msk [tilespmem:v10+s14+$0x0], vm5  }
0x562: {  	v3 =	vor.u32 s30, v0;
	s30 =	sadd.s32 $0xFFFFFFF0, s21;
	v16 =	vor.u32 s28, v0;
	s28 =	sadd.s32 $0xFFFFFFD0, s21;
	v17 =	vor.u32 s29, v0;
	s29 =	sadd.s32 $0xFFFFFFE0, s21;
	v13 =	vld.idx.msk [tilespmem:v13+s14+$0x0], vm6  }
0x563: {  	s31 =	sadd.s32 $0xFFFFFF90, s21;
	v2 =	vor.u32 s30, v0;
	v5 =	vor.u32 s28, v0;
	v4 =	vor.u32 s29, v0;
	v9 =	vld.idx.msk [tilespmem:v9+s14+$0x0], vm0  }
0x564: {  	v18 =	vor.u32 s31, v0;
	v8 =	vld.idx.msk [tilespmem:v8+s14+$0x0], vm1;
	v12 =	vmul.f32 v14, v12  }
0x565: {  	v6 =	vld.idx.msk [tilespmem:v6+s14+$0x0], vm2  }
0x566: {  	[tilespmem:v15+s11+$0x0] =	vst.idx.add.f32.msk vm7, v12  }
0x567: {  	v7 =	vld.idx.msk [tilespmem:v7+s14+$0x0], vm3  }
0x568: {  	v12 =	vld [tilespmem:s20+$0xFFFFFFC0]  }
0x569: {  	v14 =	vld [tilespmem:s20+$0xFFFFFFD0]  }
0x56a: {  	v15 =	vld [tilespmem:s20+$0xFFFFFFE0]  }
0x56b: {  	v19 =	vld [tilespmem:s20+$0xFFFFFFF0]  }
0x56c: {  	v20 =	vld [tilespmem:s20+$0x0]  }
.Ltmp20:
0x56d: {  	v12 =	vmul.f32 v12, v11;
	v11 =	vld [tilespmem:s20+$0x10];
	(pc) =	sbr.rel @p0 .LBB2_42-.Ltmp20, $4  }
0x56e: {  	v14 =	vmul.f32 v14, v10;
	v10 =	vld [tilespmem:s20+$0x20]  }
0x56f: {  	[tilespmem:v18+s11+$0x0] =	vst.idx.add.f32.msk vm4, v12;
	v12 =	vmul.f32 v15, v13  }
0x570: {  	[tilespmem:v16+s11+$0x0] =	vst.idx.add.f32.msk vm5, v14;
	v9 =	vmul.f32 v19, v9  }
0x571: {  	s25 =	sadd.s32 $0x80, s25;
	[tilespmem:v17+s11+$0x0] =	vst.idx.add.f32.msk vm6, v12;
	v8 =	vmul.f32 v20, v8  }
0x572: {  	_ =	sdelay $0x4  }
0x573: {  	v6 =	vmul.f32 v11, v6;
	[tilespmem:v3+s11+$0x0] =	vst.idx.add.f32.msk vm0, v9  }
0x574: {  	v3 =	vmul.f32 v10, v7;
	[tilespmem:v5+s11+$0x0] =	vst.idx.add.f32.msk vm1, v8  }
0x575: {  	[tilespmem:v4+s11+$0x0] =	vst.idx.add.f32.msk vm2, v6  }
0x576: {  	[tilespmem:v2+s11+$0x0] =	vst.idx.add.f32.msk vm3, v3  }
0x577: {  	s20 =	rddreg [dreg:$0x19]  }
0x578: {  	[spmem:s20] =	stream.linear.scatter [tilespmem:s11], [sflag:$0x4], $0x4000, $0x38;
	[tilespmem:$0x1DC40] =	vst v63  }
0x579: {  	_ =	swait.ge [sflag:s17], $0x4000  }
0x57a: {  	[sflag:s17] =	ssyncset.done $0x0  }
0x57b: {  	[sflag:s17] =	ssyncadd.s32 $0xFFFFC000  }
0x57c: {  	[bflag:$0x0] =	sbarrier.arrive $0xFFFF  }
0x57d: {  	[tilespmem:s15], [sflag:$0x4] =	stream.linear.gather [spmem:s26], $0x400, $0x38;
	[tilespmem:$0x1DC40] =	vst v63  }
0x57e: {  	_ =	swait.ge [sflag:s17], $0x400  }
0x57f: {  	[sflag:s17] =	ssyncset.done $0x0  }
0x580: {  	s21 =	simm.s32 $0xA040;
	s25 =	rddreg [dreg:$0x1c];
	[sflag:s17] =	ssyncadd.s32 $0xFFFFFC00  }
0x581: {  	[tilespmem:s21], [sflag:$0x4] =	stream.linear.gather [spmem:s25], $0x400, $0x38;
	[tilespmem:$0x1DC40] =	vst v63  }
0x582: {  	_ =	swait.ge [sflag:s17], $0x400  }
0x583: {  	[sflag:s17] =	ssyncset.done $0x0  }
0x584: {  	s29 =	simm.s32 $0xA440;
	s28 =	rddreg [dreg:$0x1d];
	[sflag:s17] =	ssyncadd.s32 $0xFFFFFC00  }
0x585: {  	[tilespmem:s29], [sflag:$0x4] =	stream.linear.gather [spmem:s28], $0x400, $0x38;
	[tilespmem:$0x1DC40] =	vst v63  }
0x586: {  	_ =	swait.ge [sflag:s17], $0x400  }
0x587: {  	[sflag:s17] =	ssyncset.done $0x0  }
0x588: {  	s30 =	simm.s32 $0xA840;
	[sflag:s17] =	ssyncadd.s32 $0xFFFFFC00  }
0x589: {  	[tilespmem:s30], [sflag:$0x4] =	stream.linear.gather [spmem:s22], $0x400, $0x38;
	[tilespmem:$0x1DC40] =	vst v63  }
0x58a: {  	_ =	swait.ge [sflag:s17], $0x400  }
0x58b: {  	[sflag:s17] =	ssyncset.done $0x0  }
0x58c: {  	s31 =	simm.s32 $0xAC40;
	[sflag:s17] =	ssyncadd.s32 $0xFFFFFC00  }
0x58d: {  	[tilespmem:s31], [sflag:$0x4] =	stream.linear.gather [spmem:s0], $0x400, $0x38;
	[tilespmem:$0x1DC40] =	vst v63  }
0x58e: {  	_ =	swait.ge [sflag:s17], $0x400  }
0x58f: {  	[sflag:s17] =	ssyncset.done $0x0  }
0x590: {  	s21 =	simm.s32 $0xB040;
	[sflag:s17] =	ssyncadd.s32 $0xFFFFFC00  }
0x591: {  	[tilespmem:s21], [sflag:$0x4] =	stream.linear.gather [spmem:s19], $0x400, $0x38;
	[tilespmem:$0x1DC40] =	vst v63  }
0x592: {  	_ =	swait.ge [sflag:s17], $0x400  }
0x593: {  	[sflag:s17] =	ssyncset.done $0x0  }
0x594: {  	s24 =	simm.s32 $0xB440;
	[sflag:s17] =	ssyncadd.s32 $0xFFFFFC00  }
0x595: {  	[tilespmem:s24], [sflag:$0x4] =	stream.linear.gather [spmem:s23], $0x400, $0x38;
	[tilespmem:$0x1DC40] =	vst v63  }
0x596: {  	_ =	swait.ge [sflag:s17], $0x400  }
0x597: {  	[sflag:s17] =	ssyncset.done $0x0  }
0x598: {  	s25 =	simm.s32 $0xB840;
	[sflag:s17] =	ssyncadd.s32 $0xFFFFFC00  }
0x599: {  	[tilespmem:s25], [sflag:$0x4] =	stream.linear.gather [spmem:s2], $0x400, $0x38;
	[tilespmem:$0x1DC40] =	vst v63  }
0x59a: {  	_ =	swait.ge [sflag:s17], $0x400  }
0x59b: {  	[sflag:s17] =	ssyncset.done $0x0  }
0x59c: {  	s24 =	simm.s32 $0xBC40;
	[sflag:s17] =	ssyncadd.s32 $0xFFFFFC00  }
0x59d: {  	[tilespmem:s24], [sflag:$0x4] =	stream.linear.gather [spmem:s3], $0x400, $0x38;
	[tilespmem:$0x1DC40] =	vst v63  }
0x59e: {  	_ =	swait.ge [sflag:s17], $0x400  }
0x59f: {  	[sflag:s17] =	ssyncset.done $0x0  }
0x5a0: {  	s28 =	simm.s32 $0xC040;
	[sflag:s17] =	ssyncadd.s32 $0xFFFFFC00  }
0x5a1: {  	[tilespmem:s28], [sflag:$0x4] =	stream.linear.gather [spmem:s4], $0x400, $0x38;
	[tilespmem:$0x1DC40] =	vst v63  }
0x5a2: {  	_ =	swait.ge [sflag:s17], $0x400  }
0x5a3: {  	[sflag:s17] =	ssyncset.done $0x0  }
0x5a4: {  	s29 =	simm.s32 $0xC440;
	[sflag:s17] =	ssyncadd.s32 $0xFFFFFC00  }
0x5a5: {  	[tilespmem:s29], [sflag:$0x4] =	stream.linear.gather [spmem:s5], $0x400, $0x38;
	[tilespmem:$0x1DC40] =	vst v63  }
0x5a6: {  	_ =	swait.ge [sflag:s17], $0x400  }
0x5a7: {  	[sflag:s17] =	ssyncset.done $0x0  }
0x5a8: {  	s30 =	simm.s32 $0xC840;
	[sflag:s17] =	ssyncadd.s32 $0xFFFFFC00  }
0x5a9: {  	[tilespmem:s30], [sflag:$0x4] =	stream.linear.gather [spmem:s6], $0x400, $0x38;
	[tilespmem:$0x1DC40] =	vst v63  }
0x5aa: {  	_ =	swait.ge [sflag:s17], $0x400  }
0x5ab: {  	[sflag:s17] =	ssyncset.done $0x0  }
0x5ac: {  	s31 =	simm.s32 $0xCC40;
	[sflag:s17] =	ssyncadd.s32 $0xFFFFFC00  }
0x5ad: {  	[tilespmem:s31], [sflag:$0x4] =	stream.linear.gather [spmem:s7], $0x400, $0x38;
	[tilespmem:$0x1DC40] =	vst v63  }
0x5ae: {  	_ =	swait.ge [sflag:s17], $0x400  }
0x5af: {  	[sflag:s17] =	ssyncset.done $0x0  }
0x5b0: {  	s21 =	simm.s32 $0xD040;
	[sflag:s17] =	ssyncadd.s32 $0xFFFFFC00  }
0x5b1: {  	[tilespmem:s21], [sflag:$0x4] =	stream.linear.gather [spmem:s8], $0x400, $0x38;
	[tilespmem:$0x1DC40] =	vst v63  }
0x5b2: {  	_ =	swait.ge [sflag:s17], $0x400  }
0x5b3: {  	[sflag:s17] =	ssyncset.done $0x0  }
0x5b4: {  	s25 =	simm.s32 $0xD440;
	[sflag:s17] =	ssyncadd.s32 $0xFFFFFC00  }
0x5b5: {  	[tilespmem:s25], [sflag:$0x4] =	stream.linear.gather [spmem:s9], $0x400, $0x38;
	[tilespmem:$0x1DC40] =	vst v63  }
0x5b6: {  	_ =	swait.ge [sflag:s17], $0x400  }
0x5b7: {  	[sflag:s17] =	ssyncset.done $0x0  }
0x5b8: {  	s28 =	simm.s32 $0xD840;
	[sflag:s17] =	ssyncadd.s32 $0xFFFFFC00  }
0x5b9: {  	[tilespmem:s28], [sflag:$0x4] =	stream.linear.gather [spmem:s10], $0x400, $0x38;
	[tilespmem:$0x1DC40] =	vst v63  }
0x5ba: {  	_ =	swait.ge [sflag:s17], $0x400  }
0x5bb: {  	[sflag:s17] =	ssyncset.done $0x0  }
0x5bc: {  	[sflag:s17] =	ssyncadd.s32 $0xFFFFFC00  }
0x5bd: {  	v2 =	vld [tilespmem:s24+$0xFFFFE030]  }
0x5be: {  	v3 =	vld [tilespmem:s24+$0xFFFFE430]  }
0x5bf: {  	v4 =	vld [tilespmem:s24+$0xFFFFE400]  }
0x5c0: {  	v5 =	vld [tilespmem:s24+$0xFFFFE830]  }
0x5c1: {  	v6 =	vld [tilespmem:s24+$0xFFFFE010]  }
0x5c2: {  	v7 =	vld [tilespmem:s24+$0xFFFFEC30]  }
0x5c3: {  	v8 =	vld [tilespmem:s24+$0xFFFFE410]  }
0x5c4: {  	v9 =	vld [tilespmem:s24+$0xFFFFF030]  }
0x5c5: {  	v10 =	vld [tilespmem:s24+$0xFFFFE020]  }
0x5c6: {  	v11 =	vld [tilespmem:s24+$0xFFFFF430]  }
0x5c7: {  	v12 =	vld [tilespmem:s24+$0xFFFFE420]  }
0x5c8: {  	v13 =	vld [tilespmem:s24+$0xFFFFF830]  }
0x5c9: {  	v14 =	vld [tilespmem:s24+$0xFFFFE000]  }
0x5ca: {  	v15 =	vld [tilespmem:s24+$0xFFFFFC30]  }
0x5cb: {  	v16 =	vld [tilespmem:s24+$0xFFFFE800]  }
0x5cc: {  	v17 =	vld [tilespmem:s24+$0x30]  }
0x5cd: {  	v18 =	vld [tilespmem:s24+$0xFFFFE810]  }
0x5ce: {  	v19 =	vld [tilespmem:s24+$0x430]  }
0x5cf: {  	v20 =	vld [tilespmem:s24+$0xFFFFE820]  }
0x5d0: {  	v21 =	vld [tilespmem:s24+$0x830]  }
0x5d1: {  	v22 =	vld [tilespmem:s24+$0xFFFFEC00]  }
0x5d2: {  	v23 =	vld [tilespmem:s24+$0xC30]  }
0x5d3: {  	v24 =	vld [tilespmem:s24+$0xFFFFEC10]  }
0x5d4: {  	v25 =	vld [tilespmem:s24+$0x1030]  }
0x5d5: {  	v26 =	vld [tilespmem:s24+$0xFFFFEC20]  }
0x5d6: {  	v27 =	vld [tilespmem:s24+$0x1430]  }
0x5d7: {  	v28 =	vld [tilespmem:s24+$0xFFFFF000]  }
0x5d8: {  	v29 =	vld [tilespmem:s24+$0x1830]  }
0x5d9: {  	v30 =	vld [tilespmem:s24+$0xFFFFF010]  }
0x5da: {  	v31 =	vld [tilespmem:s24+$0x1C30]  }
0x5db: {  	v32 =	vld [tilespmem:s24+$0xFFFFF020]  }
0x5dc: {  	v33 =	vld [tilespmem:s24+$0xFFFFF400]  }
0x5dd: {  	v34 =	vld [tilespmem:s24+$0xFFFFF420];
	v2 =	vadd.f32 v3, v2  }
0x5de: {  	v35 =	vld [tilespmem:s24+$0xFFFFF810]  }
0x5df: {  	v59 =	vld [tilespmem:s24+$0x400];
	v2 =	vadd.f32 v5, v2  }
0x5e0: {  	v60 =	vld [tilespmem:s24+$0x420]  }
0x5e1: {  	v61 =	vld [tilespmem:s24+$0x820];
	v2 =	vadd.f32 v7, v2  }
0x5e2: {  	v63 =	vld [tilespmem:s24+$0x1800];
	v4 =	vadd.f32 v4, v14  }
0x5e3: {  	v3 =	vld [tilespmem:s24+$0xFFFFF410];
	v6 =	vadd.f32 v8, v6;
	v2 =	vadd.f32 v9, v2  }
0x5e4: {  	v14 =	vld [tilespmem:s24+$0xFFFFFC00];
	v4 =	vadd.f32 v16, v4;
	v9 =	vadd.f32 v12, v10  }
0x5e5: {  	v8 =	vld [tilespmem:s24+$0xFFFFFC10];
	v6 =	vadd.f32 v18, v6;
	v2 =	vadd.f32 v11, v2  }
0x5e6: {  	v5 =	vld [tilespmem:s24+$0xFFFFF800];
	v4 =	vadd.f32 v22, v4;
	v9 =	vadd.f32 v20, v9  }
0x5e7: {  	v7 =	vld [tilespmem:s24+$0xFFFFF820];
	v6 =	vadd.f32 v24, v6;
	v2 =	vadd.f32 v13, v2  }
0x5e8: {  	v10 =	vld [tilespmem:s24+$0xFFFFFC20];
	v4 =	vadd.f32 v28, v4;
	v9 =	vadd.f32 v26, v9  }
0x5e9: {  	v12 =	vld [tilespmem:s24+$0x10];
	v6 =	vadd.f32 v30, v6;
	v2 =	vadd.f32 v15, v2  }
0x5ea: {  	v11 =	vld [tilespmem:s24+$0x0];
	v4 =	vadd.f32 v33, v4;
	v9 =	vadd.f32 v32, v9  }
0x5eb: {  	v3 =	vadd.f32 v3, v6;
	v6 =	vld [tilespmem:s24+$0x800];
	v2 =	vadd.f32 v17, v2  }
0x5ec: {  	v13 =	vld [tilespmem:s24+$0x20];
	v4 =	vadd.f32 v5, v4;
	v9 =	vadd.f32 v34, v9  }
0x5ed: {  	v5 =	vld [tilespmem:s24+$0x810];
	v3 =	vadd.f32 v35, v3;
	v2 =	vadd.f32 v19, v2  }
0x5ee: {  	v15 =	vld [tilespmem:s24+$0x410];
	v4 =	vadd.f32 v14, v4;
	v7 =	vadd.f32 v7, v9  }
0x5ef: {  	v3 =	vadd.f32 v8, v3;
	v8 =	vld [tilespmem:s24+$0xC10];
	v2 =	vadd.f32 v21, v2  }
0x5f0: {  	v14 =	vld [tilespmem:s24+$0x1400];
	v4 =	vadd.f32 v11, v4;
	v7 =	vadd.f32 v10, v7  }
0x5f1: {  	v3 =	vadd.f32 v12, v3;
	v9 =	vld [tilespmem:s24+$0xC00];
	v2 =	vadd.f32 v23, v2  }
0x5f2: {  	v11 =	vld [tilespmem:s24+$0x1000];
	v4 =	vadd.f32 v59, v4;
	v7 =	vadd.f32 v13, v7  }
0x5f3: {  	v3 =	vadd.f32 v15, v3;
	v10 =	vld [tilespmem:s24+$0xC20];
	v2 =	vadd.f32 v25, v2  }
0x5f4: {  	v12 =	vld [tilespmem:s24+$0x1010];
	v4 =	vadd.f32 v6, v4;
	v7 =	vadd.f32 v60, v7  }
0x5f5: {  	v3 =	vadd.f32 v5, v3;
	v13 =	vld [tilespmem:s24+$0x1020];
	v2 =	vadd.f32 v27, v2  }
0x5f6: {  	s29 =	simm.s32 $0x30;
	v15 =	vld [tilespmem:s24+$0x1410];
	v4 =	vadd.f32 v9, v4;
	v5 =	vadd.f32 v61, v7  }
0x5f7: {  	v62 =	vor.u32 s29, v0;
	v9 =	vld [tilespmem:s24+$0x1420];
	v3 =	vadd.f32 v8, v3;
	v2 =	vadd.f32 v29, v2  }
0x5f8: {  	v4 =	vadd.f32 v11, v4;
	v7 =	vadd.f32 v10, v5;
	v5 =	vld [tilespmem:s24+$0x1810]  }
0x5f9: {  	v6 =	vld [tilespmem:s24+$0x1820];
	v8 =	vadd.f32 v12, v3;
	v11 =	vadd.f32 v31, v2  }
0x5fa: {  	s30 =	simm.s32 $0x10;
	s31 =	simm.s32 $0x20;
	v12 =	vadd.f32 v13, v7;
	v13 =	vadd.f32 v14, v4;
	v7 =	vld [tilespmem:s24+$0x1C00]  }
0x5fb: {  	s20 =	simm.s32 $0x0;
	v3 =	vor.u32 s31, v0;
	v10 =	vadd.f32 v15, v8;
	v8 =	vld [tilespmem:s24+$0x1C10];
	v2 =	vor.u32 s30, v0  }
0x5fc: {  	s21 =	simm.s32 $0x0;
	v4 =	vor.u32 s20, v0;
	[tilespmem:v62+s11+$0x0] =	vst.idx.msk $0xffff, v11;
	v12 =	vadd.f32 v9, v12;
	v11 =	vadd.f32 v63, v13;
	v9 =	vld [tilespmem:s24+$0x1C20];
	s24 =	simm.s32 $0xBC80  }
.LBB2_44:
0x5fd: {  	v13 =	vld [tilespmem:s24+$0xFFFFE030];
	v5 =	vadd.f32 v5, v10  }
0x5fe: {  	s21 =	sadd.s32 $0x4, s21;
	v10 =	vld [tilespmem:s24+$0xFFFFE430];
	v6 =	vadd.f32 v6, v12  }
0x5ff: {  	p0 =	slt.u32 s21, $0x3C;
	v12 =	vld [tilespmem:s24+$0xFFFFE400];
	v7 =	vadd.f32 v7, v11  }
0x600: {  	v11 =	vld [tilespmem:s24+$0xFFFFE830];
	v5 =	vadd.f32 v8, v5  }
0x601: {  	v8 =	vld [tilespmem:s24+$0xFFFFE010];
	[tilespmem:v4+s11+$0x0] =	vst.idx.msk $0xffff, v7;
	v4 =	vadd.f32 v9, v6  }
0x602: {  	v6 =	vld [tilespmem:s24+$0xFFFFEC30];
	[tilespmem:v2+s11+$0x0] =	vst.idx.msk $0xffff, v5  }
0x603: {  	v2 =	vld [tilespmem:s24+$0xFFFFE410];
	v5 =	vadd.f32 v10, v13;
	[tilespmem:v3+s11+$0x0] =	vst.idx.msk $0xffff, v4  }
0x604: {  	v3 =	vld [tilespmem:s24+$0xFFFFF030]  }
0x605: {  	v4 =	vld [tilespmem:s24+$0xFFFFE020];
	v5 =	vadd.f32 v11, v5  }
0x606: {  	v7 =	vld [tilespmem:s24+$0xFFFFF430]  }
0x607: {  	v9 =	vld [tilespmem:s24+$0xFFFFE420];
	v5 =	vadd.f32 v6, v5  }
0x608: {  	v2 =	vadd.f32 v2, v8;
	v6 =	vld [tilespmem:s24+$0xFFFFF830]  }
0x609: {  	v8 =	vld [tilespmem:s24+$0xFFFFE000];
	v3 =	vadd.f32 v3, v5  }
0x60a: {  	v5 =	vld [tilespmem:s24+$0xFFFFFC30]  }
0x60b: {  	v10 =	vld [tilespmem:s24+$0xFFFFE800];
	v3 =	vadd.f32 v7, v3  }
0x60c: {  	v4 =	vadd.f32 v9, v4;
	v7 =	vld [tilespmem:s24+$0x30]  }
0x60d: {  	v9 =	vld [tilespmem:s24+$0xFFFFE810];
	v3 =	vadd.f32 v6, v3  }
0x60e: {  	v6 =	vadd.f32 v12, v8;
	v8 =	vld [tilespmem:s24+$0x430]  }
0x60f: {  	v11 =	vld [tilespmem:s24+$0xFFFFE820];
	v3 =	vadd.f32 v5, v3  }
0x610: {  	v5 =	vadd.f32 v10, v6;
	v6 =	vld [tilespmem:s24+$0x830]  }
0x611: {  	v10 =	vld [tilespmem:s24+$0xFFFFEC00];
	v3 =	vadd.f32 v7, v3  }
0x612: {  	v2 =	vadd.f32 v9, v2;
	v7 =	vld [tilespmem:s24+$0xC30]  }
0x613: {  	v9 =	vld [tilespmem:s24+$0xFFFFEC10];
	v3 =	vadd.f32 v8, v3  }
0x614: {  	v4 =	vadd.f32 v11, v4;
	v8 =	vld [tilespmem:s24+$0x1030]  }
0x615: {  	v11 =	vld [tilespmem:s24+$0xFFFFEC20];
	v3 =	vadd.f32 v6, v3  }
0x616: {  	v5 =	vadd.f32 v10, v5;
	v6 =	vld [tilespmem:s24+$0x1430]  }
0x617: {  	v10 =	vld [tilespmem:s24+$0xFFFFF000];
	v3 =	vadd.f32 v7, v3  }
0x618: {  	v7 =	vadd.f32 v9, v2;
	v9 =	vld [tilespmem:s24+$0x1830]  }
0x619: {  	v12 =	vld [tilespmem:s24+$0xFFFFF010];
	v2 =	vadd.f32 v8, v3  }
0x61a: {  	s20 =	sadd.s32 $0x40, s20;
	v8 =	vadd.f32 v11, v4;
	v11 =	vld [tilespmem:s24+$0x1C30]  }
0x61b: {  	s25 =	sadd.s32 $0x10, s20;
	s28 =	sadd.s32 $0x20, s20;
	s29 =	sadd.s32 $0x30, s20;
	v4 =	vor.u32 s20, v0;
	v13 =	vld [tilespmem:s24+$0xFFFFF020];
	v6 =	vadd.f32 v6, v2  }
0x61c: {  	v14 =	vor.u32 s29, v0;
	v2 =	vor.u32 s25, v0;
	v5 =	vadd.f32 v10, v5;
	v10 =	vld [tilespmem:s24+$0xFFFFF400]  }
0x61d: {  	v3 =	vor.u32 s28, v0;
	v15 =	vld [tilespmem:s24+$0xFFFFF410];
	v6 =	vadd.f32 v9, v6  }
0x61e: {  	v7 =	vadd.f32 v12, v7;
	v9 =	vld [tilespmem:s24+$0xFFFFF420]  }
0x61f: {  	v12 =	vld [tilespmem:s24+$0xFFFFF800];
	v6 =	vadd.f32 v11, v6  }
0x620: {  	v11 =	vld [tilespmem:s24+$0xFFFFF810];
	v8 =	vadd.f32 v13, v8  }
0x621: {  	v5 =	vadd.f32 v10, v5;
	v10 =	vld [tilespmem:s24+$0xFFFFF820];
	[tilespmem:v14+s11+$0x0] =	vst.idx.msk $0xffff, v6  }
0x622: {  	v6 =	vld [tilespmem:s24+$0xFFFFFC00];
	v7 =	vadd.f32 v15, v7  }
0x623: {  	v13 =	vld [tilespmem:s24+$0xFFFFFC10];
	v8 =	vadd.f32 v9, v8  }
0x624: {  	v5 =	vadd.f32 v12, v5;
	v9 =	vld [tilespmem:s24+$0xFFFFFC20]  }
0x625: {  	v12 =	vld [tilespmem:s24+$0x0];
	v7 =	vadd.f32 v11, v7  }
0x626: {  	v11 =	vld [tilespmem:s24+$0x10];
	v8 =	vadd.f32 v10, v8  }
0x627: {  	v5 =	vadd.f32 v6, v5;
	v6 =	vld [tilespmem:s24+$0x20]  }
0x628: {  	v10 =	vld [tilespmem:s24+$0x400];
	v7 =	vadd.f32 v13, v7  }
0x629: {  	v13 =	vld [tilespmem:s24+$0x410];
	v8 =	vadd.f32 v9, v8  }
0x62a: {  	v5 =	vadd.f32 v12, v5;
	v9 =	vld [tilespmem:s24+$0x420]  }
0x62b: {  	v12 =	vld [tilespmem:s24+$0x800];
	v7 =	vadd.f32 v11, v7  }
0x62c: {  	v11 =	vld [tilespmem:s24+$0x810];
	v6 =	vadd.f32 v6, v8  }
0x62d: {  	v5 =	vadd.f32 v10, v5;
	v8 =	vld [tilespmem:s24+$0x820]  }
0x62e: {  	v10 =	vld [tilespmem:s24+$0xC00];
	v7 =	vadd.f32 v13, v7  }
0x62f: {  	v13 =	vld [tilespmem:s24+$0xC10];
	v6 =	vadd.f32 v9, v6  }
0x630: {  	v5 =	vadd.f32 v12, v5;
	v9 =	vld [tilespmem:s24+$0xC20]  }
0x631: {  	v12 =	vld [tilespmem:s24+$0x1000];
	v7 =	vadd.f32 v11, v7  }
0x632: {  	v11 =	vld [tilespmem:s24+$0x1010];
	v6 =	vadd.f32 v8, v6  }
0x633: {  	v5 =	vadd.f32 v10, v5;
	v8 =	vld [tilespmem:s24+$0x1020]  }
0x634: {  	v10 =	vld [tilespmem:s24+$0x1400];
	v7 =	vadd.f32 v13, v7  }
0x635: {  	v13 =	vld [tilespmem:s24+$0x1410];
	v6 =	vadd.f32 v9, v6  }
0x636: {  	v9 =	vadd.f32 v12, v5;
	v12 =	vld [tilespmem:s24+$0x1420]  }
0x637: {  	v14 =	vld [tilespmem:s24+$0x1800];
	v11 =	vadd.f32 v11, v7  }
.Ltmp21:
0x638: {  	v5 =	vld [tilespmem:s24+$0x1810];
	v15 =	vadd.f32 v8, v6;
	(pc) =	sbr.rel @p0 .LBB2_44-.Ltmp21, $4  }
0x639: {  	v9 =	vadd.f32 v10, v9;
	v6 =	vld [tilespmem:s24+$0x1820]  }
0x63a: {  	v7 =	vld [tilespmem:s24+$0x1C00];
	v10 =	vadd.f32 v13, v11  }
0x63b: {  	v8 =	vld [tilespmem:s24+$0x1C10];
	v12 =	vadd.f32 v12, v15  }
0x63c: {  	v11 =	vadd.f32 v14, v9;
	v9 =	vld [tilespmem:s24+$0x1C20];
	s24 =	sadd.s32 $0x40, s24  }
0x63d: {  	_ = 	snop  }
0x63e: {  	v5 =	vadd.f32 v5, v10  }
0x63f: {  	v6 =	vadd.f32 v6, v12;
	v7 =	vadd.f32 v7, v11  }
0x640: {  	v5 =	vadd.f32 v8, v5  }
0x641: {  	[tilespmem:v4+s11+$0x0] =	vst.idx.msk $0xffff, v7;
	v63 =	vadd.f32 v9, v6  }
0x642: {  	[tilespmem:v2+s11+$0x0] =	vst.idx.msk $0xffff, v5  }
0x643: {  	[tilespmem:v3+s11+$0x0] =	vst.idx.msk $0xffff, v63  }
0x644: {  	s20 =	rddreg [dreg:$0x1a]  }
0x645: {  	[hbm4b:s20+s1] =	stream.linear.scatter [tilespmem:s11], [sflag:$0x4], $0x400, $0x38;
	[tilespmem:$0x1DC40] =	vst v63  }
0x646: {  	_ =	swait.ge [sflag:s17], $0x400  }
0x647: {  	s18 =	sadd.s32 $0x1, s18;
	s31 =	rddreg [dreg:$0x1b]  }
0x648: {  	p0 =	sne.s32 s18, s31  }
.Ltmp22:
0x649: {  	_ = 	snop;
	(pc) =	sbr.rel @p0 .LBB2_1-.Ltmp22, $3  }
0x64a: {  	_ =	sdelay $0x1  }
0x64b: {  	[sflag:s17] =	ssyncset.done $0x0  }
0x64c: {  	[sflag:s17] =	ssyncadd.s32 $0xFFFFFC00  }
0x64d: {  	_ =	sfence.sel $0x180000  }
0x64e: {  	[bflag:$0x0] =	sbarrier.arrive $0xFFFF  }
0x64f: {  	_ =	strace $0x90000047  }
0x650: {  	s0 =	stileid.u32;
	[bflag:$0x2] =	sbarrier.arrive $0xFFFF  }
0x651: {  	p0 =	sne.s32 s0, $0x0;
	s0 =	rddreg [dreg:$0x4]  }
0x652: {  	s0 =	sadd.s32 @!p0 $0x100000, s0  }
0x653: {  	[sflag:s0] =	ssyncadd.tile.s32 @!p0 $0x1;
	_ =	shalt  }
.Lfunc_end2:
_tile_overlayer_lowered:
.L_overlay_start_2:
0x654: {  	(tag) =	ssettag $0x2  }
0x655: {  	s0 =	rddreg [dreg:$0x0];
	s2 =	stileid.u32  }
0x656: {  	s1 =	rddreg [dreg:$0x1];
	p0 =	sne.s32 s2, $0x0  }
0x657: {  	s3 =	rddreg [dreg:$0x2];
	[bflag:$0x3] =	sbarrier.arrive $0xFFFF;
	s2 =	simm.s32 @!p0 $0x1C04  }
0x658: {  	[timem:s3], [sflag:s2] =	dma.local @!p0 [hbm:s0], s1  }
0x659: {  	s0 =	simm.s32 @!p0 $0x4  }
0x65a: {  	_ =	swait.ge @!p0 [sflag:s0], s1  }
0x65b: {  	s1 =	ssub.s32 @!p0 $0x0, s1;
	[sflag:s0] =	ssyncset.done @!p0 $0x0  }
0x65c: {  	[sflag:s0] =	ssyncadd.s32 @!p0 s1  }
0x65d: {  	[bflag:$0x3] =	sbarrier.arrive $0xFFFF  }
0x65e: {  	_ =	shalt  }

</sc_bundles>
